<compile_context>
chip_gen: v7x
topology: tpu7x:2x2x1
jax: 0.10.2.dev20260603
libtpu: 0.0.44.dev20260713+nightly
codegen_flags: <defaults>
</compile_context>

<pallas_src>
import functools

import jax
import jax.numpy as jnp
from jax import lax
from jax.experimental import pallas as pl
from jax.experimental.pallas import tpu as pltpu
from jax.experimental.pallas import tpu_sc as plsc

N = 10000
NP = 10240
E = 320000
CHUNK = 128
NCHUNK = 2560
EP = NCHUNK * CHUNK
CPT = NCHUNK // 16
HALF = NP // 2
ACC = 5248
RPA = ACC // 16
G = 64
DIN = 128
H = 64
BLK = 1280
WY = 128
DW = 16


def _sc_mesh():
    return plsc.VectorSubcoreMesh(core_axis_name="c", subcore_axis_name="s")


def _copy_row(src2d, i, dst1d):
    for j in range(CHUNK // 16):
        dst1d[pl.ds(j * 16, 16)] = src2d[i, pl.ds(j * 16, 16)]


def _scatter_add_chunk(rows, dstb, i, base, idxd, acc, sem):
    for g in range(CHUNK // 16):
        idx = dstb[i, pl.ds(g * 16, 16)] - base
        ok = jnp.logical_and(idx >= 0, idx < HALF)
        idxd[g, :] = jnp.where(ok, idx, HALF)
    descs = [
        pltpu.async_copy(rows.at[pl.ds(g * 16, 16)],
                         acc.at[idxd.at[g]], sem, add=True)
        for g in range(CHUNK // 16)
    ]
    for d in descs:
        d.wait()


def _scat_body(y_hbm, src_hbm, dst_hbm, zeros_hbm, out_hbm,
               srcb, dstb, idxs0, idxs1, idxd, rows0, rows1, zsh, semg, sems):
    c = lax.axis_index("c")
    s = lax.axis_index("s")
    base = c * HALF
    pltpu.sync_copy(zeros_hbm.at[pl.ds(s * RPA, RPA)], zsh.at[pl.ds(s * RPA, RPA)])
    pltpu.sync_copy(src_hbm.at[pl.ds(s * CPT, CPT)], srcb)
    pltpu.sync_copy(dst_hbm.at[pl.ds(s * CPT, CPT)], dstb)
    plsc.subcore_barrier()

    _copy_row(srcb, 0, idxs0)
    pltpu.async_copy(y_hbm.at[idxs0], rows0, semg)

    def body(t, carry):
        i0 = 2 * t
        pltpu.make_async_copy(y_hbm.at[idxs0], rows0, semg).wait()
        _copy_row(srcb, i0 + 1, idxs1)
        pltpu.async_copy(y_hbm.at[idxs1], rows1, semg)
        _scatter_add_chunk(rows0, dstb, i0, base, idxd, zsh, sems)
        pltpu.make_async_copy(y_hbm.at[idxs1], rows1, semg).wait()

        @pl.when(t + 1 < CPT // 2)
        def _():
            _copy_row(srcb, i0 + 2, idxs0)
            pltpu.async_copy(y_hbm.at[idxs0], rows0, semg)

        _scatter_add_chunk(rows1, dstb, i0 + 1, base, idxd, zsh, sems)
        return carry

    lax.fori_loop(0, CPT // 2, body, 0)
    plsc.subcore_barrier()
    pltpu.sync_copy(zsh.at[pl.ds(s * RPA, RPA)],
                    out_hbm.at[c, pl.ds(s * RPA, RPA)])


def _make_sc_scatter():
    return pl.kernel(
        _scat_body,
        out_type=jax.ShapeDtypeStruct((2, ACC, WY), jnp.float32),
        mesh=_sc_mesh(),
        scratch_types=[
            pltpu.VMEM((CPT, CHUNK), jnp.int32),
            pltpu.VMEM((CPT, CHUNK), jnp.int32),
            pltpu.VMEM((CHUNK,), jnp.int32),
            pltpu.VMEM((CHUNK,), jnp.int32),
            pltpu.VMEM((CHUNK // 16, 16), jnp.int32),
            pltpu.VMEM((CHUNK, WY), jnp.float32),
            pltpu.VMEM((CHUNK, WY), jnp.float32),
            pltpu.VMEM_SHARED((ACC, WY), jnp.float32),
            pltpu.SemaphoreType.DMA,
            pltpu.SemaphoreType.DMA,
        ],
    )


def _deg_body(dst_hbm, ones_hbm, zeros_hbm, out_hbm, dstb, idxd, ones_v, dsh, sem):
    c = lax.axis_index("c")
    s = lax.axis_index("s")
    base = c * HALF
    pltpu.sync_copy(zeros_hbm.at[pl.ds(s * RPA, RPA)], dsh.at[pl.ds(s * RPA, RPA)])
    pltpu.sync_copy(dst_hbm.at[pl.ds(s * CPT, CPT)], dstb)
    pltpu.sync_copy(ones_hbm, ones_v)
    plsc.subcore_barrier()

    def body(i, carry):
        _scatter_add_chunk(ones_v, dstb, i, base, idxd, dsh, sem)
        return carry

    lax.fori_loop(0, CPT, body, 0)
    plsc.subcore_barrier()
    pltpu.sync_copy(dsh.at[pl.ds(s * RPA, RPA)],
                    out_hbm.at[c, pl.ds(s * RPA, RPA)])


def _make_sc_degree():
    return pl.kernel(
        _deg_body,
        out_type=jax.ShapeDtypeStruct((2, ACC, WY), jnp.float32),
        mesh=_sc_mesh(),
        scratch_types=[
            pltpu.VMEM((CPT, CHUNK), jnp.int32),
            pltpu.VMEM((CHUNK // 16, 16), jnp.int32),
            pltpu.VMEM((CHUNK, WY), jnp.float32),
            pltpu.VMEM_SHARED((ACC, WY), jnp.float32),
            pltpu.SemaphoreType.DMA,
        ],
    )


def _first_body(x_ref, w_ref, dz_ref, y_ref, dis_ref):
    xw = jnp.dot(x_ref[...], w_ref[...], preferred_element_type=jnp.float32)
    deg = 1.0 + dz_ref[:, 0:1]
    dis = lax.rsqrt(deg)
    y_ref[...] = jnp.concatenate(
        [dis * xw, jnp.zeros((BLK, WY - H), jnp.float32)], axis=1)
    dis_ref[...] = jnp.broadcast_to(dis, (BLK, 16))


_tc_first = pl.pallas_call(
    _first_body,
    grid=(NP // BLK,),
    in_specs=[
        pl.BlockSpec((BLK, DIN), lambda i: (i, 0)),
        pl.BlockSpec((DIN, H), lambda i: (0, 0)),
        pl.BlockSpec((BLK, WY), lambda i: (i, 0)),
    ],
    out_specs=[
        pl.BlockSpec((BLK, WY), lambda i: (i, 0)),
        pl.BlockSpec((BLK, 16), lambda i: (i, 0)),
    ],
    out_shape=[
        jax.ShapeDtypeStruct((NP, WY), jnp.float32),
        jax.ShapeDtypeStruct((NP, 16), jnp.float32),
    ],
)


def _mid_body(y_ref, z_ref, dis_ref, b_ref, w_ref, o_ref):
    dis = dis_ref[:, 0:1]
    acc = y_ref[:, :H] + z_ref[:, :H]
    h = jnp.maximum(dis * acc + b_ref[...], 0.0)
    o_ref[...] = jnp.concatenate(
        [dis * jnp.dot(h, w_ref[...], preferred_element_type=jnp.float32),
         jnp.zeros((BLK, WY - H), jnp.float32)], axis=1)


_tc_mid = pl.pallas_call(
    _mid_body,
    grid=(NP // BLK,),
    in_specs=[
        pl.BlockSpec((BLK, WY), lambda i: (i, 0)),
        pl.BlockSpec((BLK, WY), lambda i: (i, 0)),
        pl.BlockSpec((BLK, 16), lambda i: (i, 0)),
        pl.BlockSpec((1, H), lambda i: (0, 0)),
        pl.BlockSpec((H, H), lambda i: (0, 0)),
    ],
    out_specs=pl.BlockSpec((BLK, WY), lambda i: (i, 0)),
    out_shape=jax.ShapeDtypeStruct((NP, WY), jnp.float32),
)


def _pool_body(y_ref, z_ref, dis_ref, b_ref, bat_ref, wl_ref, bl_ref,
               o_ref, psum, cnt):
    step = pl.program_id(0)

    @pl.when(step == 0)
    def _():
        psum[...] = jnp.zeros_like(psum)
        cnt[...] = jnp.zeros_like(cnt)

    dis = dis_ref[:, 0:1]
    acc = y_ref[:, :H] + z_ref[:, :H]
    h = jnp.maximum(dis * acc + b_ref[...], 0.0)
    gids = lax.broadcasted_iota(jnp.int32, (1, G), 1)
    onehot = (bat_ref[...] == gids).astype(jnp.float32)
    psum[...] += lax.dot_general(onehot, h, (((0,), (0,)), ((), ())),
                                 preferred_element_type=jnp.float32)
    cnt[...] += lax.dot_general(onehot, jnp.ones((BLK, 1), jnp.float32),
                                (((0,), (0,)), ((), ())),
                                preferred_element_type=jnp.float32)

    @pl.when(step == NP // BLK - 1)
    def _():
        pooled = psum[...] / jnp.maximum(cnt[...], 1.0)
        o_ref[...] = jnp.dot(pooled, wl_ref[...],
                             preferred_element_type=jnp.float32) + bl_ref[...]


_tc_pool = pl.pallas_call(
    _pool_body,
    grid=(NP // BLK,),
    in_specs=[
        pl.BlockSpec((BLK, WY), lambda i: (i, 0)),
        pl.BlockSpec((BLK, WY), lambda i: (i, 0)),
        pl.BlockSpec((BLK, 16), lambda i: (i, 0)),
        pl.BlockSpec((1, H), lambda i: (0, 0)),
        pl.BlockSpec((BLK, 1), lambda i: (i, 0)),
        pl.BlockSpec((H, 2), lambda i: (0, 0)),
        pl.BlockSpec((1, 2), lambda i: (0, 0)),
    ],
    out_specs=pl.BlockSpec((G, 2), lambda i: (0, 0)),
    out_shape=jax.ShapeDtypeStruct((G, 2), jnp.float32),
    scratch_shapes=[
        pltpu.VMEM((G, G), jnp.float32),
        pltpu.VMEM((G, 1), jnp.float32),
    ],
)


def kernel(x, edge_index, batch, W1, b1, W2, b2, Wl, bl):
    sc_scatter = _make_sc_scatter()

    src = edge_index[0].astype(jnp.int32)
    dst = edge_index[1].astype(jnp.int32)
    pad = EP - E
    src_p = jnp.concatenate([src, jnp.zeros((pad,), jnp.int32)]).reshape(NCHUNK, CHUNK)
    dst_p = jnp.concatenate([dst, jnp.full((pad,), N, jnp.int32)]).reshape(NCHUNK, CHUNK)
    x_p = jnp.pad(x, ((0, NP - N), (0, 0)))
    batch_p = jnp.pad(batch.astype(jnp.int32), (0, NP - N),
                      constant_values=G).reshape(NP, 1)
    zerosA = jnp.zeros((ACC, WY), jnp.float32)
    onesC = jnp.ones((CHUNK, WY), jnp.float32)

    def halves(zp):
        return jnp.concatenate([zp[0, :HALF], zp[1, :HALF]], axis=0)

    degz = halves(_make_sc_degree()(dst_p, onesC, zerosA))
    y1, dis16 = _tc_first(x_p, W1, degz)
    z1 = halves(sc_scatter(y1, src_p, dst_p, zerosA))
    y2 = _tc_mid(y1, z1, dis16, b1.reshape(1, H), W2)
    z2 = halves(sc_scatter(y2, src_p, dst_p, zerosA))
    out = _tc_pool(y2, z2, dis16, b2.reshape(1, H), batch_p,
                   Wl, bl.reshape(1, 2))
    return out

# --- scband reference (transcript-rebuilt; emitter-appended) ---
"""Pipeline reference for scband-gcn-17489106829800 (READ-ONLY COPY).

The authoritative reference and input builder live on the scoring server;
editing this copy changes nothing except your own understanding.
"""

import jax, jax.numpy as jnp
import numpy as np

N_NODES = 10000
N_EDGES = 320000
N_GRAPHS = 64
D_IN = 128
H1 = 64
H2 = 64
N_CLASSES = 2


def setup_inputs(seed: int = 0) -> dict:
    key = jax.random.key(seed)
    ks = jax.random.split(key, 10)
    x = jax.random.normal(ks[0], (N_NODES, D_IN), dtype=jnp.float32)
    edge_index = jax.random.randint(ks[1], (2, N_EDGES), 0, N_NODES, dtype=jnp.int64)
    batch = jnp.sort(jax.random.randint(ks[2], (N_NODES,), 0, N_GRAPHS, dtype=jnp.int64))
    # GCNConv weights (glorot-ish scaling)
    W1 = jax.random.normal(ks[3], (D_IN, H1), dtype=jnp.float32) * (1.0 / np.sqrt(D_IN))
    b1 = jnp.zeros((H1,), dtype=jnp.float32)
    W2 = jax.random.normal(ks[4], (H1, H2), dtype=jnp.float32) * (1.0 / np.sqrt(H1))
    b2 = jnp.zeros((H2,), dtype=jnp.float32)
    Wl = jax.random.normal(ks[5], (H2, N_CLASSES), dtype=jnp.float32) * (1.0 / np.sqrt(H2))
    bl = jnp.zeros((N_CLASSES,), dtype=jnp.float32)
    return {"x": x, "edge_index": edge_index, "batch": batch,
            "W1": W1, "b1": b1, "W2": W2, "b2": b2, "Wl": Wl, "bl": bl}


def gcn_conv(x, edge_index, W, b, num_nodes):
    # PyG GCNConv: add self-loops, symmetric normalization, linear transform,
    # gather-from-source / scatter-add-to-target, then bias.
    src = edge_index[0]
    dst = edge_index[1]
    loop = jnp.arange(num_nodes, dtype=src.dtype)
    src = jnp.concatenate([src, loop])
    dst = jnp.concatenate([dst, loop])
    ones = jnp.ones(src.shape[0], dtype=x.dtype)
    deg = jnp.zeros((num_nodes,), dtype=x.dtype).at[dst].add(ones)
    deg_inv_sqrt = jnp.where(deg > 0, jax.lax.rsqrt(jnp.maximum(deg, 1e-12)), 0.0)
    norm = deg_inv_sqrt[src] * deg_inv_sqrt[dst]
    xw = x @ W
    msgs = norm[:, None] * jnp.take(xw, src, axis=0)
    out = jnp.zeros((num_nodes, W.shape[1]), dtype=x.dtype).at[dst].add(msgs)
    return out + b


def global_mean_pool(h, batch, num_graphs):
    s = jnp.zeros((num_graphs, h.shape[1]), dtype=h.dtype).at[batch].add(h)
    cnt = jnp.zeros((num_graphs,), dtype=h.dtype).at[batch].add(1.0)
    return s / jnp.maximum(cnt, 1.0)[:, None]


def reference(x, edge_index, batch, W1, b1, W2, b2, Wl, bl):
    h = jax.nn.relu(gcn_conv(x, edge_index, W1, b1, N_NODES))
    h = jax.nn.relu(gcn_conv(h, edge_index, W2, b2, N_NODES))
    pooled = global_mean_pool(h, batch, N_GRAPHS)
    # F.dropout in eval mode (training=False) is identity
    out = pooled @ Wl + bl
    return out

if __name__ == "__main__":
    import jax
    _d = setup_inputs()
    print(jax.jit(kernel)(*tuple(_d.values())))

</pallas_src>

<mosaic_0001>
#map = affine_map<(d0, d1) -> (0, 0)>
#map1 = affine_map<(d0, d1) -> (0, 0, 0)>
module attributes {stable_mosaic.version = 14 : i64} {
  func.func @_deg_body(%arg0: i32, %arg1: i32, %arg2: memref<2560x128xi32, #tpu.memory_space<hbm>>, %arg3: memref<128x128xf32, #tpu.memory_space<hbm>>, %arg4: memref<5248x128xf32, #tpu.memory_space<hbm>>, %arg5: memref<2x5248x128xf32, #tpu.memory_space<hbm>>, %arg6: memref<160x128xi32, #tpu.memory_space<vmem>>, %arg7: memref<8x16xi32, #tpu.memory_space<vmem>>, %arg8: memref<128x128xf32, #tpu.memory_space<vmem>>, %arg9: memref<5248x128xf32, #tpu.memory_space<vmem_shared>>, %arg10: memref<!tpu.dma_semaphore, #tpu.memory_space<semaphore_mem>>) attributes {dimension_semantics = [#tpu.dimension_semantics<core_parallel>, #tpu.dimension_semantics<subcore_parallel>], iteration_bounds = array<i64: 2, 16>, scalar_prefetch = 0 : i64, scratch_operands = 5 : i64, tpu.core_type = #tpu.core_type<sc_vector_subcore>, window_params = [{transform_indices = #map}, {transform_indices = #map}, {transform_indices = #map}, {transform_indices = #map1}]} {
    %mul3A = arith.constant 5120 : i32
    %mul3A_0 = arith.muli %arg0, %mul3A : i32
    %mul3A_1 = arith.constant 328 : i32
    %mul3A_2 = arith.muli %arg1, %mul3A_1 : i32
    %mul3A_3 = arith.constant 328 : i32
    %mul3A_4 = arith.muli %arg1, %mul3A_3 : i32
    "tpu.region"() ({
      %run_scoped3A = tpu.sem_alloc : memref<!tpu.dma_semaphore, #tpu.memory_space<semaphore_mem>>
      %dma_start3A = arith.constant 0 : i32
      %dma_start3A_17 = tpu.memref_slice %arg9[%mul3A_4, %dma_start3A] : memref<5248x128xf32, #tpu.memory_space<vmem_shared>> -> memref<328x128xf32, #tpu.memory_space<vmem_shared>>
      %dma_start3A_18 = arith.constant 0 : i32
      %dma_start3A_19 = tpu.memref_slice %arg4[%mul3A_2, %dma_start3A_18] : memref<5248x128xf32, #tpu.memory_space<hbm>> -> memref<328x128xf32, #tpu.memory_space<hbm>>
      tpu.enqueue_dma source(%dma_start3A_19 : memref<328x128xf32, #tpu.memory_space<hbm>>) target(%dma_start3A_17 : memref<328x128xf32, #tpu.memory_space<vmem_shared>>) target_semaphore(%run_scoped3A : memref<!tpu.dma_semaphore, #tpu.memory_space<semaphore_mem>>)
      %dma_wait3A = arith.constant 0 : i32
      %dma_wait3A_20 = tpu.memref_slice %arg9[%mul3A_4, %dma_wait3A] : memref<5248x128xf32, #tpu.memory_space<vmem_shared>> -> memref<328x128xf32, #tpu.memory_space<vmem_shared>>
      %dma_wait3A_21 = arith.constant 0 : i32
      %dma_wait3A_22 = tpu.memref_slice %arg4[%mul3A_2, %dma_wait3A_21] : memref<5248x128xf32, #tpu.memory_space<hbm>> -> memref<328x128xf32, #tpu.memory_space<hbm>>
      tpu.wait_dma2 semaphore(%run_scoped3A : memref<!tpu.dma_semaphore, #tpu.memory_space<semaphore_mem>>) src(%dma_wait3A_22 : memref<328x128xf32, #tpu.memory_space<hbm>>) dst(%dma_wait3A_20 : memref<328x128xf32, #tpu.memory_space<vmem_shared>>)
      tpu.yield
    }) : () -> ()
    %mul3A_5 = arith.constant 160 : i32
    %mul3A_6 = arith.muli %arg1, %mul3A_5 : i32
    "tpu.region"() ({
      %run_scoped3A = tpu.sem_alloc : memref<!tpu.dma_semaphore, #tpu.memory_space<semaphore_mem>>
      %dma_start3A = arith.constant 0 : i32
      %dma_start3A_17 = tpu.memref_slice %arg2[%mul3A_6, %dma_start3A] : memref<2560x128xi32, #tpu.memory_space<hbm>> -> memref<160x128xi32, #tpu.memory_space<hbm>>
      %dma_start3A_18 = arith.constant 0 : i32
      %dma_start3A_19 = tpu.memref_slice %arg2[%mul3A_6, %dma_start3A_18] : memref<2560x128xi32, #tpu.memory_space<hbm>> -> memref<160x128xi32, #tpu.memory_space<hbm>>
      tpu.enqueue_dma source(%dma_start3A_19 : memref<160x128xi32, #tpu.memory_space<hbm>>) target(%arg6 : memref<160x128xi32, #tpu.memory_space<vmem>>) target_semaphore(%run_scoped3A : memref<!tpu.dma_semaphore, #tpu.memory_space<semaphore_mem>>)
      %dma_wait3A = arith.constant 0 : i32
      %dma_wait3A_20 = tpu.memref_slice %arg2[%mul3A_6, %dma_wait3A] : memref<2560x128xi32, #tpu.memory_space<hbm>> -> memref<160x128xi32, #tpu.memory_space<hbm>>
      %dma_wait3A_21 = arith.constant 0 : i32
      %dma_wait3A_22 = tpu.memref_slice %arg2[%mul3A_6, %dma_wait3A_21] : memref<2560x128xi32, #tpu.memory_space<hbm>> -> memref<160x128xi32, #tpu.memory_space<hbm>>
      tpu.wait_dma2 semaphore(%run_scoped3A : memref<!tpu.dma_semaphore, #tpu.memory_space<semaphore_mem>>) src(%dma_wait3A_22 : memref<160x128xi32, #tpu.memory_space<hbm>>) dst(%arg6 : memref<160x128xi32, #tpu.memory_space<vmem>>)
      tpu.yield
    }) : () -> ()
    "tpu.region"() ({
      %run_scoped3A = tpu.sem_alloc : memref<!tpu.dma_semaphore, #tpu.memory_space<semaphore_mem>>
      tpu.enqueue_dma source(%arg3 : memref<128x128xf32, #tpu.memory_space<hbm>>) target(%arg8 : memref<128x128xf32, #tpu.memory_space<vmem>>) target_semaphore(%run_scoped3A : memref<!tpu.dma_semaphore, #tpu.memory_space<semaphore_mem>>)
      tpu.wait_dma2 semaphore(%run_scoped3A : memref<!tpu.dma_semaphore, #tpu.memory_space<semaphore_mem>>) src(%arg3 : memref<128x128xf32, #tpu.memory_space<hbm>>) dst(%arg8 : memref<128x128xf32, #tpu.memory_space<vmem>>)
      tpu.yield
    }) : () -> ()
    %barrier3A = arith.constant 0 : index
    tpu.barrier barrier_id(%barrier3A)
    %scan3A = arith.constant 0 : i32
    %scan3A_7 = arith.constant 0 : i32
    %scan3A_8 = arith.constant 160 : i32
    %scan3A_9 = arith.addi %scan3A_7, %scan3A_8 : i32
    %scan3A_10 = arith.constant 1 : i32
    scf.for %scan3A_17 = %scan3A_7 to %scan3A_9 step %scan3A_10  : i32 {
      %get3A = arith.index_cast %scan3A_17 : i32 to index
      %get3A_18 = arith.constant 0 : index
      %get3A_19 = tpu.vector_load %arg6[%get3A, %get3A_18] {strides = array<i32>} : memref<160x128xi32, #tpu.memory_space<vmem>>, vector<1x16xi32>,
      %get3A_20 = vector.shape_cast %get3A_19 : vector<1x16xi32> to vector<16xi32>
      %sub3A = vector.broadcast %mul3A_0 : i32 to vector<16xi32>
      %sub3A_21 = arith.subi %get3A_20, %sub3A : vector<16xi32>
      %ge3A = arith.constant 0 : i32
      %ge3A_22 = vector.broadcast %ge3A : i32 to vector<16xi32>
      %ge3A_23 = arith.cmpi sge, %sub3A_21, %ge3A_22 : vector<16xi32>
      %lt3A = arith.constant 5120 : i32
      %lt3A_24 = vector.broadcast %lt3A : i32 to vector<16xi32>
      %lt3A_25 = arith.cmpi slt, %sub3A_21, %lt3A_24 : vector<16xi32>
      %and3A = arith.andi %ge3A_23, %lt3A_25 : vector<16xi1>
      %jit3A = arith.constant 5120 : i32
      %broadcast_in_dim3A = vector.broadcast %jit3A : i32 to vector<16xi32>
      %select_n3A = arith.select %and3A, %sub3A_21, %broadcast_in_dim3A : vector<16xi1>, vector<16xi32>
      %swap3A = arith.constant 0 : i32
      %swap3A_26 = arith.index_cast %swap3A : i32 to index
      %swap3A_27 = arith.constant 0 : index
      %swap3A_28 = tpu.vector_load %arg7[%swap3A_26, %swap3A_27] {strides = array<i32>} : memref<8x16xi32, #tpu.memory_space<vmem>>, vector<1x16xi32>,
      %swap3A_29 = vector.shape_cast %swap3A_28 : vector<1x16xi32> to vector<16xi32>
      %swap3A_30 = vector.shape_cast %select_n3A : vector<16xi32> to vector<1x16xi32>
      tpu.vector_store %arg7[%swap3A_26, %swap3A_27], %swap3A_30 {strides = array<i32>} : memref<8x16xi32, #tpu.memory_space<vmem>>, vector<1x16xi32>,
      %get3A_31 = arith.index_cast %scan3A_17 : i32 to index
      %get3A_32 = arith.constant 16 : index
      %get3A_33 = tpu.vector_load %arg6[%get3A_31, %get3A_32] {strides = array<i32>} : memref<160x128xi32, #tpu.memory_space<vmem>>, vector<1x16xi32>,
      %get3A_34 = vector.shape_cast %get3A_33 : vector<1x16xi32> to vector<16xi32>
      %sub3A_35 = vector.broadcast %mul3A_0 : i32 to vector<16xi32>
      %sub3A_36 = arith.subi %get3A_34, %sub3A_35 : vector<16xi32>
      %ge3A_37 = arith.constant 0 : i32
      %ge3A_38 = vector.broadcast %ge3A_37 : i32 to vector<16xi32>
      %ge3A_39 = arith.cmpi sge, %sub3A_36, %ge3A_38 : vector<16xi32>
      %lt3A_40 = arith.constant 5120 : i32
      %lt3A_41 = vector.broadcast %lt3A_40 : i32 to vector<16xi32>
      %lt3A_42 = arith.cmpi slt, %sub3A_36, %lt3A_41 : vector<16xi32>
      %and3A_43 = arith.andi %ge3A_39, %lt3A_42 : vector<16xi1>
      %jit3A_44 = arith.constant 5120 : i32
      %broadcast_in_dim3A_45 = vector.broadcast %jit3A_44 : i32 to vector<16xi32>
      %select_n3A_46 = arith.select %and3A_43, %sub3A_36, %broadcast_in_dim3A_45 : vector<16xi1>, vector<16xi32>
      %swap3A_47 = arith.constant 1 : i32
      %swap3A_48 = arith.index_cast %swap3A_47 : i32 to index
      %swap3A_49 = arith.constant 0 : index
      %swap3A_50 = tpu.vector_load %arg7[%swap3A_48, %swap3A_49] {strides = array<i32>} : memref<8x16xi32, #tpu.memory_space<vmem>>, vector<1x16xi32>,
      %swap3A_51 = vector.shape_cast %swap3A_50 : vector<1x16xi32> to vector<16xi32>
      %swap3A_52 = vector.shape_cast %select_n3A_46 : vector<16xi32> to vector<1x16xi32>
      tpu.vector_store %arg7[%swap3A_48, %swap3A_49], %swap3A_52 {strides = array<i32>} : memref<8x16xi32, #tpu.memory_space<vmem>>, vector<1x16xi32>,
      %get3A_53 = arith.index_cast %scan3A_17 : i32 to index
      %get3A_54 = arith.constant 32 : index
      %get3A_55 = tpu.vector_load %arg6[%get3A_53, %get3A_54] {strides = array<i32>} : memref<160x128xi32, #tpu.memory_space<vmem>>, vector<1x16xi32>,
      %get3A_56 = vector.shape_cast %get3A_55 : vector<1x16xi32> to vector<16xi32>
      %sub3A_57 = vector.broadcast %mul3A_0 : i32 to vector<16xi32>
      %sub3A_58 = arith.subi %get3A_56, %sub3A_57 : vector<16xi32>
      %ge3A_59 = arith.constant 0 : i32
      %ge3A_60 = vector.broadcast %ge3A_59 : i32 to vector<16xi32>
      %ge3A_61 = arith.cmpi sge, %sub3A_58, %ge3A_60 : vector<16xi32>
      %lt3A_62 = arith.constant 5120 : i32
      %lt3A_63 = vector.broadcast %lt3A_62 : i32 to vector<16xi32>
      %lt3A_64 = arith.cmpi slt, %sub3A_58, %lt3A_63 : vector<16xi32>
      %and3A_65 = arith.andi %ge3A_61, %lt3A_64 : vector<16xi1>
      %jit3A_66 = arith.constant 5120 : i32
      %broadcast_in_dim3A_67 = vector.broadcast %jit3A_66 : i32 to vector<16xi32>
      %select_n3A_68 = arith.select %and3A_65, %sub3A_58, %broadcast_in_dim3A_67 : vector<16xi1>, vector<16xi32>
      %swap3A_69 = arith.constant 2 : i32
      %swap3A_70 = arith.index_cast %swap3A_69 : i32 to index
      %swap3A_71 = arith.constant 0 : index
      %swap3A_72 = tpu.vector_load %arg7[%swap3A_70, %swap3A_71] {strides = array<i32>} : memref<8x16xi32, #tpu.memory_space<vmem>>, vector<1x16xi32>,
      %swap3A_73 = vector.shape_cast %swap3A_72 : vector<1x16xi32> to vector<16xi32>
      %swap3A_74 = vector.shape_cast %select_n3A_68 : vector<16xi32> to vector<1x16xi32>
      tpu.vector_store %arg7[%swap3A_70, %swap3A_71], %swap3A_74 {strides = array<i32>} : memref<8x16xi32, #tpu.memory_space<vmem>>, vector<1x16xi32>,
      %get3A_75 = arith.index_cast %scan3A_17 : i32 to index
      %get3A_76 = arith.constant 48 : index
      %get3A_77 = tpu.vector_load %arg6[%get3A_75, %get3A_76] {strides = array<i32>} : memref<160x128xi32, #tpu.memory_space<vmem>>, vector<1x16xi32>,
      %get3A_78 = vector.shape_cast %get3A_77 : vector<1x16xi32> to vector<16xi32>
      %sub3A_79 = vector.broadcast %mul3A_0 : i32 to vector<16xi32>
      %sub3A_80 = arith.subi %get3A_78, %sub3A_79 : vector<16xi32>
      %ge3A_81 = arith.constant 0 : i32
      %ge3A_82 = vector.broadcast %ge3A_81 : i32 to vector<16xi32>
      %ge3A_83 = arith.cmpi sge, %sub3A_80, %ge3A_82 : vector<16xi32>
      %lt3A_84 = arith.constant 5120 : i32
      %lt3A_85 = vector.broadcast %lt3A_84 : i32 to vector<16xi32>
      %lt3A_86 = arith.cmpi slt, %sub3A_80, %lt3A_85 : vector<16xi32>
      %and3A_87 = arith.andi %ge3A_83, %lt3A_86 : vector<16xi1>
      %jit3A_88 = arith.constant 5120 : i32
      %broadcast_in_dim3A_89 = vector.broadcast %jit3A_88 : i32 to vector<16xi32>
      %select_n3A_90 = arith.select %and3A_87, %sub3A_80, %broadcast_in_dim3A_89 : vector<16xi1>, vector<16xi32>
      %swap3A_91 = arith.constant 3 : i32
      %swap3A_92 = arith.index_cast %swap3A_91 : i32 to index
      %swap3A_93 = arith.constant 0 : index
      %swap3A_94 = tpu.vector_load %arg7[%swap3A_92, %swap3A_93] {strides = array<i32>} : memref<8x16xi32, #tpu.memory_space<vmem>>, vector<1x16xi32>,
      %swap3A_95 = vector.shape_cast %swap3A_94 : vector<1x16xi32> to vector<16xi32>
      %swap3A_96 = vector.shape_cast %select_n3A_90 : vector<16xi32> to vector<1x16xi32>
      tpu.vector_store %arg7[%swap3A_92, %swap3A_93], %swap3A_96 {strides = array<i32>} : memref<8x16xi32, #tpu.memory_space<vmem>>, vector<1x16xi32>,
      %get3A_97 = arith.index_cast %scan3A_17 : i32 to index
      %get3A_98 = arith.constant 64 : index
      %get3A_99 = tpu.vector_load %arg6[%get3A_97, %get3A_98] {strides = array<i32>} : memref<160x128xi32, #tpu.memory_space<vmem>>, vector<1x16xi32>,
      %get3A_100 = vector.shape_cast %get3A_99 : vector<1x16xi32> to vector<16xi32>
      %sub3A_101 = vector.broadcast %mul3A_0 : i32 to vector<16xi32>
      %sub3A_102 = arith.subi %get3A_100, %sub3A_101 : vector<16xi32>
      %ge3A_103 = arith.constant 0 : i32
      %ge3A_104 = vector.broadcast %ge3A_103 : i32 to vector<16xi32>
      %ge3A_105 = arith.cmpi sge, %sub3A_102, %ge3A_104 : vector<16xi32>
      %lt3A_106 = arith.constant 5120 : i32
      %lt3A_107 = vector.broadcast %lt3A_106 : i32 to vector<16xi32>
      %lt3A_108 = arith.cmpi slt, %sub3A_102, %lt3A_107 : vector<16xi32>
      %and3A_109 = arith.andi %ge3A_105, %lt3A_108 : vector<16xi1>
      %jit3A_110 = arith.constant 5120 : i32
      %broadcast_in_dim3A_111 = vector.broadcast %jit3A_110 : i32 to vector<16xi32>
      %select_n3A_112 = arith.select %and3A_109, %sub3A_102, %broadcast_in_dim3A_111 : vector<16xi1>, vector<16xi32>
      %swap3A_113 = arith.constant 4 : i32
      %swap3A_114 = arith.index_cast %swap3A_113 : i32 to index
      %swap3A_115 = arith.constant 0 : index
      %swap3A_116 = tpu.vector_load %arg7[%swap3A_114, %swap3A_115] {strides = array<i32>} : memref<8x16xi32, #tpu.memory_space<vmem>>, vector<1x16xi32>,
      %swap3A_117 = vector.shape_cast %swap3A_116 : vector<1x16xi32> to vector<16xi32>
      %swap3A_118 = vector.shape_cast %select_n3A_112 : vector<16xi32> to vector<1x16xi32>
      tpu.vector_store %arg7[%swap3A_114, %swap3A_115], %swap3A_118 {strides = array<i32>} : memref<8x16xi32, #tpu.memory_space<vmem>>, vector<1x16xi32>,
      %get3A_119 = arith.index_cast %scan3A_17 : i32 to index
      %get3A_120 = arith.constant 80 : index
      %get3A_121 = tpu.vector_load %arg6[%get3A_119, %get3A_120] {strides = array<i32>} : memref<160x128xi32, #tpu.memory_space<vmem>>, vector<1x16xi32>,
      %get3A_122 = vector.shape_cast %get3A_121 : vector<1x16xi32> to vector<16xi32>
      %sub3A_123 = vector.broadcast %mul3A_0 : i32 to vector<16xi32>
      %sub3A_124 = arith.subi %get3A_122, %sub3A_123 : vector<16xi32>
      %ge3A_125 = arith.constant 0 : i32
      %ge3A_126 = vector.broadcast %ge3A_125 : i32 to vector<16xi32>
      %ge3A_127 = arith.cmpi sge, %sub3A_124, %ge3A_126 : vector<16xi32>
      %lt3A_128 = arith.constant 5120 : i32
      %lt3A_129 = vector.broadcast %lt3A_128 : i32 to vector<16xi32>
      %lt3A_130 = arith.cmpi slt, %sub3A_124, %lt3A_129 : vector<16xi32>
      %and3A_131 = arith.andi %ge3A_127, %lt3A_130 : vector<16xi1>
      %jit3A_132 = arith.constant 5120 : i32
      %broadcast_in_dim3A_133 = vector.broadcast %jit3A_132 : i32 to vector<16xi32>
      %select_n3A_134 = arith.select %and3A_131, %sub3A_124, %broadcast_in_dim3A_133 : vector<16xi1>, vector<16xi32>
      %swap3A_135 = arith.constant 5 : i32
      %swap3A_136 = arith.index_cast %swap3A_135 : i32 to index
      %swap3A_137 = arith.constant 0 : index
      %swap3A_138 = tpu.vector_load %arg7[%swap3A_136, %swap3A_137] {strides = array<i32>} : memref<8x16xi32, #tpu.memory_space<vmem>>, vector<1x16xi32>,
      %swap3A_139 = vector.shape_cast %swap3A_138 : vector<1x16xi32> to vector<16xi32>
      %swap3A_140 = vector.shape_cast %select_n3A_134 : vector<16xi32> to vector<1x16xi32>
      tpu.vector_store %arg7[%swap3A_136, %swap3A_137], %swap3A_140 {strides = array<i32>} : memref<8x16xi32, #tpu.memory_space<vmem>>, vector<1x16xi32>,
      %get3A_141 = arith.index_cast %scan3A_17 : i32 to index
      %get3A_142 = arith.constant 96 : index
      %get3A_143 = tpu.vector_load %arg6[%get3A_141, %get3A_142] {strides = array<i32>} : memref<160x128xi32, #tpu.memory_space<vmem>>, vector<1x16xi32>,
      %get3A_144 = vector.shape_cast %get3A_143 : vector<1x16xi32> to vector<16xi32>
      %sub3A_145 = vector.broadcast %mul3A_0 : i32 to vector<16xi32>
      %sub3A_146 = arith.subi %get3A_144, %sub3A_145 : vector<16xi32>
      %ge3A_147 = arith.constant 0 : i32
      %ge3A_148 = vector.broadcast %ge3A_147 : i32 to vector<16xi32>
      %ge3A_149 = arith.cmpi sge, %sub3A_146, %ge3A_148 : vector<16xi32>
      %lt3A_150 = arith.constant 5120 : i32
      %lt3A_151 = vector.broadcast %lt3A_150 : i32 to vector<16xi32>
      %lt3A_152 = arith.cmpi slt, %sub3A_146, %lt3A_151 : vector<16xi32>
      %and3A_153 = arith.andi %ge3A_149, %lt3A_152 : vector<16xi1>
      %jit3A_154 = arith.constant 5120 : i32
      %broadcast_in_dim3A_155 = vector.broadcast %jit3A_154 : i32 to vector<16xi32>
      %select_n3A_156 = arith.select %and3A_153, %sub3A_146, %broadcast_in_dim3A_155 : vector<16xi1>, vector<16xi32>
      %swap3A_157 = arith.constant 6 : i32
      %swap3A_158 = arith.index_cast %swap3A_157 : i32 to index
      %swap3A_159 = arith.constant 0 : index
      %swap3A_160 = tpu.vector_load %arg7[%swap3A_158, %swap3A_159] {strides = array<i32>} : memref<8x16xi32, #tpu.memory_space<vmem>>, vector<1x16xi32>,
      %swap3A_161 = vector.shape_cast %swap3A_160 : vector<1x16xi32> to vector<16xi32>
      %swap3A_162 = vector.shape_cast %select_n3A_156 : vector<16xi32> to vector<1x16xi32>
      tpu.vector_store %arg7[%swap3A_158, %swap3A_159], %swap3A_162 {strides = array<i32>} : memref<8x16xi32, #tpu.memory_space<vmem>>, vector<1x16xi32>,
      %get3A_163 = arith.index_cast %scan3A_17 : i32 to index
      %get3A_164 = arith.constant 112 : index
      %get3A_165 = tpu.vector_load %arg6[%get3A_163, %get3A_164] {strides = array<i32>} : memref<160x128xi32, #tpu.memory_space<vmem>>, vector<1x16xi32>,
      %get3A_166 = vector.shape_cast %get3A_165 : vector<1x16xi32> to vector<16xi32>
      %sub3A_167 = vector.broadcast %mul3A_0 : i32 to vector<16xi32>
      %sub3A_168 = arith.subi %get3A_166, %sub3A_167 : vector<16xi32>
      %ge3A_169 = arith.constant 0 : i32
      %ge3A_170 = vector.broadcast %ge3A_169 : i32 to vector<16xi32>
      %ge3A_171 = arith.cmpi sge, %sub3A_168, %ge3A_170 : vector<16xi32>
      %lt3A_172 = arith.constant 5120 : i32
      %lt3A_173 = vector.broadcast %lt3A_172 : i32 to vector<16xi32>
      %lt3A_174 = arith.cmpi slt, %sub3A_168, %lt3A_173 : vector<16xi32>
      %and3A_175 = arith.andi %ge3A_171, %lt3A_174 : vector<16xi1>
      %jit3A_176 = arith.constant 5120 : i32
      %broadcast_in_dim3A_177 = vector.broadcast %jit3A_176 : i32 to vector<16xi32>
      %select_n3A_178 = arith.select %and3A_175, %sub3A_168, %broadcast_in_dim3A_177 : vector<16xi1>, vector<16xi32>
      %swap3A_179 = arith.constant 7 : i32
      %swap3A_180 = arith.index_cast %swap3A_179 : i32 to index
      %swap3A_181 = arith.constant 0 : index
      %swap3A_182 = tpu.vector_load %arg7[%swap3A_180, %swap3A_181] {strides = array<i32>} : memref<8x16xi32, #tpu.memory_space<vmem>>, vector<1x16xi32>,
      %swap3A_183 = vector.shape_cast %swap3A_182 : vector<1x16xi32> to vector<16xi32>
      %swap3A_184 = vector.shape_cast %select_n3A_178 : vector<16xi32> to vector<1x16xi32>
      tpu.vector_store %arg7[%swap3A_180, %swap3A_181], %swap3A_184 {strides = array<i32>} : memref<8x16xi32, #tpu.memory_space<vmem>>, vector<1x16xi32>,
      %dma_start3A = arith.constant 0 : i32
      %dma_start3A_185 = arith.constant 0 : i32
      %dma_start3A_186 = arith.constant 0 : i32
      %dma_start3A_187 = tpu.memref_slice %arg8[%dma_start3A_185, %dma_start3A_186] : memref<128x128xf32, #tpu.memory_space<vmem>> -> memref<16x128xf32, #tpu.memory_space<vmem>>
      %dma_start3A_188 = arith.constant 0 : i32
      %dma_start3A_189 = tpu.memref_slice %arg7[%dma_start3A, %dma_start3A_188] : memref<8x16xi32, #tpu.memory_space<vmem>> -> memref<1x16xi32, #tpu.memory_space<vmem>>
      %dma_start3A_190 = tpu.memref_squeeze %dma_start3A_189 : memref<1x16xi32, #tpu.memory_space<vmem>> -> memref<16xi32, #tpu.memory_space<vmem>>
      %dma_start3A_191 = arith.constant 0 : i32
      %dma_start3A_192 = arith.constant 0 : i32
      %dma_start3A_193 = tpu.memref_slice %arg9[%dma_start3A_191, %dma_start3A_192] : memref<5248x128xf32, #tpu.memory_space<vmem_shared>> -> memref<5248x128xf32, #tpu.memory_space<vmem_shared>>
      tpu.enqueue_indirect_dma source(%dma_start3A_187 : memref<16x128xf32, #tpu.memory_space<vmem>>) target(%dma_start3A_193 : memref<5248x128xf32, #tpu.memory_space<vmem_shared>>) offsets(%dma_start3A_190 : memref<16xi32, #tpu.memory_space<vmem>>) semaphore(%arg10 : memref<!tpu.dma_semaphore, #tpu.memory_space<semaphore_mem>>) {add = true}
      %dma_start3A_194 = arith.constant 1 : i32
      %dma_start3A_195 = arith.constant 16 : i32
      %dma_start3A_196 = arith.constant 0 : i32
      %dma_start3A_197 = tpu.memref_slice %arg8[%dma_start3A_195, %dma_start3A_196] : memref<128x128xf32, #tpu.memory_space<vmem>> -> memref<16x128xf32, #tpu.memory_space<vmem>>
      %dma_start3A_198 = arith.constant 0 : i32
      %dma_start3A_199 = tpu.memref_slice %arg7[%dma_start3A_194, %dma_start3A_198] : memref<8x16xi32, #tpu.memory_space<vmem>> -> memref<1x16xi32, #tpu.memory_space<vmem>>
      %dma_start3A_200 = tpu.memref_squeeze %dma_start3A_199 : memref<1x16xi32, #tpu.memory_space<vmem>> -> memref<16xi32, #tpu.memory_space<vmem>>
      %dma_start3A_201 = arith.constant 0 : i32
      %dma_start3A_202 = arith.constant 0 : i32
      %dma_start3A_203 = tpu.memref_slice %arg9[%dma_start3A_201, %dma_start3A_202] : memref<5248x128xf32, #tpu.memory_space<vmem_shared>> -> memref<5248x128xf32, #tpu.memory_space<vmem_shared>>
      tpu.enqueue_indirect_dma source(%dma_start3A_197 : memref<16x128xf32, #tpu.memory_space<vmem>>) target(%dma_start3A_203 : memref<5248x128xf32, #tpu.memory_space<vmem_shared>>) offsets(%dma_start3A_200 : memref<16xi32, #tpu.memory_space<vmem>>) semaphore(%arg10 : memref<!tpu.dma_semaphore, #tpu.memory_space<semaphore_mem>>) {add = true}
      %dma_start3A_204 = arith.constant 2 : i32
      %dma_start3A_205 = arith.constant 32 : i32
      %dma_start3A_206 = arith.constant 0 : i32
      %dma_start3A_207 = tpu.memref_slice %arg8[%dma_start3A_205, %dma_start3A_206] : memref<128x128xf32, #tpu.memory_space<vmem>> -> memref<16x128xf32, #tpu.memory_space<vmem>>
      %dma_start3A_208 = arith.constant 0 : i32
      %dma_start3A_209 = tpu.memref_slice %arg7[%dma_start3A_204, %dma_start3A_208] : memref<8x16xi32, #tpu.memory_space<vmem>> -> memref<1x16xi32, #tpu.memory_space<vmem>>
      %dma_start3A_210 = tpu.memref_squeeze %dma_start3A_209 : memref<1x16xi32, #tpu.memory_space<vmem>> -> memref<16xi32, #tpu.memory_space<vmem>>
      %dma_start3A_211 = arith.constant 0 : i32
      %dma_start3A_212 = arith.constant 0 : i32
      %dma_start3A_213 = tpu.memref_slice %arg9[%dma_start3A_211, %dma_start3A_212] : memref<5248x128xf32, #tpu.memory_space<vmem_shared>> -> memref<5248x128xf32, #tpu.memory_space<vmem_shared>>
      tpu.enqueue_indirect_dma source(%dma_start3A_207 : memref<16x128xf32, #tpu.memory_space<vmem>>) target(%dma_start3A_213 : memref<5248x128xf32, #tpu.memory_space<vmem_shared>>) offsets(%dma_start3A_210 : memref<16xi32, #tpu.memory_space<vmem>>) semaphore(%arg10 : memref<!tpu.dma_semaphore, #tpu.memory_space<semaphore_mem>>) {add = true}
      %dma_start3A_214 = arith.constant 3 : i32
      %dma_start3A_215 = arith.constant 48 : i32
      %dma_start3A_216 = arith.constant 0 : i32
      %dma_start3A_217 = tpu.memref_slice %arg8[%dma_start3A_215, %dma_start3A_216] : memref<128x128xf32, #tpu.memory_space<vmem>> -> memref<16x128xf32, #tpu.memory_space<vmem>>
      %dma_start3A_218 = arith.constant 0 : i32
      %dma_start3A_219 = tpu.memref_slice %arg7[%dma_start3A_214, %dma_start3A_218] : memref<8x16xi32, #tpu.memory_space<vmem>> -> memref<1x16xi32, #tpu.memory_space<vmem>>
      %dma_start3A_220 = tpu.memref_squeeze %dma_start3A_219 : memref<1x16xi32, #tpu.memory_space<vmem>> -> memref<16xi32, #tpu.memory_space<vmem>>
      %dma_start3A_221 = arith.constant 0 : i32
      %dma_start3A_222 = arith.constant 0 : i32
      %dma_start3A_223 = tpu.memref_slice %arg9[%dma_start3A_221, %dma_start3A_222] : memref<5248x128xf32, #tpu.memory_space<vmem_shared>> -> memref<5248x128xf32, #tpu.memory_space<vmem_shared>>
      tpu.enqueue_indirect_dma source(%dma_start3A_217 : memref<16x128xf32, #tpu.memory_space<vmem>>) target(%dma_start3A_223 : memref<5248x128xf32, #tpu.memory_space<vmem_shared>>) offsets(%dma_start3A_220 : memref<16xi32, #tpu.memory_space<vmem>>) semaphore(%arg10 : memref<!tpu.dma_semaphore, #tpu.memory_space<semaphore_mem>>) {add = true}
      %dma_start3A_224 = arith.constant 4 : i32
      %dma_start3A_225 = arith.constant 64 : i32
      %dma_start3A_226 = arith.constant 0 : i32
      %dma_start3A_227 = tpu.memref_slice %arg8[%dma_start3A_225, %dma_start3A_226] : memref<128x128xf32, #tpu.memory_space<vmem>> -> memref<16x128xf32, #tpu.memory_space<vmem>>
      %dma_start3A_228 = arith.constant 0 : i32
      %dma_start3A_229 = tpu.memref_slice %arg7[%dma_start3A_224, %dma_start3A_228] : memref<8x16xi32, #tpu.memory_space<vmem>> -> memref<1x16xi32, #tpu.memory_space<vmem>>
      %dma_start3A_230 = tpu.memref_squeeze %dma_start3A_229 : memref<1x16xi32, #tpu.memory_space<vmem>> -> memref<16xi32, #tpu.memory_space<vmem>>
      %dma_start3A_231 = arith.constant 0 : i32
      %dma_start3A_232 = arith.constant 0 : i32
      %dma_start3A_233 = tpu.memref_slice %arg9[%dma_start3A_231, %dma_start3A_232] : memref<5248x128xf32, #tpu.memory_space<vmem_shared>> -> memref<5248x128xf32, #tpu.memory_space<vmem_shared>>
      tpu.enqueue_indirect_dma source(%dma_start3A_227 : memref<16x128xf32, #tpu.memory_space<vmem>>) target(%dma_start3A_233 : memref<5248x128xf32, #tpu.memory_space<vmem_shared>>) offsets(%dma_start3A_230 : memref<16xi32, #tpu.memory_space<vmem>>) semaphore(%arg10 : memref<!tpu.dma_semaphore, #tpu.memory_space<semaphore_mem>>) {add = true}
      %dma_start3A_234 = arith.constant 5 : i32
      %dma_start3A_235 = arith.constant 80 : i32
      %dma_start3A_236 = arith.constant 0 : i32
      %dma_start3A_237 = tpu.memref_slice %arg8[%dma_start3A_235, %dma_start3A_236] : memref<128x128xf32, #tpu.memory_space<vmem>> -> memref<16x128xf32, #tpu.memory_space<vmem>>
      %dma_start3A_238 = arith.constant 0 : i32
      %dma_start3A_239 = tpu.memref_slice %arg7[%dma_start3A_234, %dma_start3A_238] : memref<8x16xi32, #tpu.memory_space<vmem>> -> memref<1x16xi32, #tpu.memory_space<vmem>>
      %dma_start3A_240 = tpu.memref_squeeze %dma_start3A_239 : memref<1x16xi32, #tpu.memory_space<vmem>> -> memref<16xi32, #tpu.memory_space<vmem>>
      %dma_start3A_241 = arith.constant 0 : i32
      %dma_start3A_242 = arith.constant 0 : i32
      %dma_start3A_243 = tpu.memref_slice %arg9[%dma_start3A_241, %dma_start3A_242] : memref<5248x128xf32, #tpu.memory_space<vmem_shared>> -> memref<5248x128xf32, #tpu.memory_space<vmem_shared>>
      tpu.enqueue_indirect_dma source(%dma_start3A_237 : memref<16x128xf32, #tpu.memory_space<vmem>>) target(%dma_start3A_243 : memref<5248x128xf32, #tpu.memory_space<vmem_shared>>) offsets(%dma_start3A_240 : memref<16xi32, #tpu.memory_space<vmem>>) semaphore(%arg10 : memref<!tpu.dma_semaphore, #tpu.memory_space<semaphore_mem>>) {add = true}
      %dma_start3A_244 = arith.constant 6 : i32
      %dma_start3A_245 = arith.constant 96 : i32
      %dma_start3A_246 = arith.constant 0 : i32
      %dma_start3A_247 = tpu.memref_slice %arg8[%dma_start3A_245, %dma_start3A_246] : memref<128x128xf32, #tpu.memory_space<vmem>> -> memref<16x128xf32, #tpu.memory_space<vmem>>
      %dma_start3A_248 = arith.constant 0 : i32
      %dma_start3A_249 = tpu.memref_slice %arg7[%dma_start3A_244, %dma_start3A_248] : memref<8x16xi32, #tpu.memory_space<vmem>> -> memref<1x16xi32, #tpu.memory_space<vmem>>
      %dma_start3A_250 = tpu.memref_squeeze %dma_start3A_249 : memref<1x16xi32, #tpu.memory_space<vmem>> -> memref<16xi32, #tpu.memory_space<vmem>>
      %dma_start3A_251 = arith.constant 0 : i32
      %dma_start3A_252 = arith.constant 0 : i32
      %dma_start3A_253 = tpu.memref_slice %arg9[%dma_start3A_251, %dma_start3A_252] : memref<5248x128xf32, #tpu.memory_space<vmem_shared>> -> memref<5248x128xf32, #tpu.memory_space<vmem_shared>>
      tpu.enqueue_indirect_dma source(%dma_start3A_247 : memref<16x128xf32, #tpu.memory_space<vmem>>) target(%dma_start3A_253 : memref<5248x128xf32, #tpu.memory_space<vmem_shared>>) offsets(%dma_start3A_250 : memref<16xi32, #tpu.memory_space<vmem>>) semaphore(%arg10 : memref<!tpu.dma_semaphore, #tpu.memory_space<semaphore_mem>>) {add = true}
      %dma_start3A_254 = arith.constant 7 : i32
      %dma_start3A_255 = arith.constant 112 : i32
      %dma_start3A_256 = arith.constant 0 : i32
      %dma_start3A_257 = tpu.memref_slice %arg8[%dma_start3A_255, %dma_start3A_256] : memref<128x128xf32, #tpu.memory_space<vmem>> -> memref<16x128xf32, #tpu.memory_space<vmem>>
      %dma_start3A_258 = arith.constant 0 : i32
      %dma_start3A_259 = tpu.memref_slice %arg7[%dma_start3A_254, %dma_start3A_258] : memref<8x16xi32, #tpu.memory_space<vmem>> -> memref<1x16xi32, #tpu.memory_space<vmem>>
      %dma_start3A_260 = tpu.memref_squeeze %dma_start3A_259 : memref<1x16xi32, #tpu.memory_space<vmem>> -> memref<16xi32, #tpu.memory_space<vmem>>
      %dma_start3A_261 = arith.constant 0 : i32
      %dma_start3A_262 = arith.constant 0 : i32
      %dma_start3A_263 = tpu.memref_slice %arg9[%dma_start3A_261, %dma_start3A_262] : memref<5248x128xf32, #tpu.memory_space<vmem_shared>> -> memref<5248x128xf32, #tpu.memory_space<vmem_shared>>
      tpu.enqueue_indirect_dma source(%dma_start3A_257 : memref<16x128xf32, #tpu.memory_space<vmem>>) target(%dma_start3A_263 : memref<5248x128xf32, #tpu.memory_space<vmem_shared>>) offsets(%dma_start3A_260 : memref<16xi32, #tpu.memory_space<vmem>>) semaphore(%arg10 : memref<!tpu.dma_semaphore, #tpu.memory_space<semaphore_mem>>) {add = true}
      %dma_wait3A = arith.constant 0 : i32
      %dma_wait3A_264 = arith.constant 0 : i32
      %dma_wait3A_265 = arith.constant 0 : i32
      %dma_wait3A_266 = tpu.memref_slice %arg8[%dma_wait3A_264, %dma_wait3A_265] : memref<128x128xf32, #tpu.memory_space<vmem>> -> memref<16x128xf32, #tpu.memory_space<vmem>>
      %dma_wait3A_267 = arith.constant 0 : i32
      %dma_wait3A_268 = tpu.memref_slice %arg7[%dma_wait3A, %dma_wait3A_267] : memref<8x16xi32, #tpu.memory_space<vmem>> -> memref<1x16xi32, #tpu.memory_space<vmem>>
      %dma_wait3A_269 = tpu.memref_squeeze %dma_wait3A_268 : memref<1x16xi32, #tpu.memory_space<vmem>> -> memref<16xi32, #tpu.memory_space<vmem>>
      %dma_wait3A_270 = arith.constant 0 : i32
      %dma_wait3A_271 = arith.constant 0 : i32
      %dma_wait3A_272 = tpu.memref_slice %arg9[%dma_wait3A_270, %dma_wait3A_271] : memref<5248x128xf32, #tpu.memory_space<vmem_shared>> -> memref<5248x128xf32, #tpu.memory_space<vmem_shared>>
      tpu.wait_indirect_dma semaphore(%arg10 : memref<!tpu.dma_semaphore, #tpu.memory_space<semaphore_mem>>) src(%dma_wait3A_266 : memref<16x128xf32, #tpu.memory_space<vmem>>) dst(%dma_wait3A_272 : memref<5248x128xf32, #tpu.memory_space<vmem_shared>>)
      %dma_wait3A_273 = arith.constant 1 : i32
      %dma_wait3A_274 = arith.constant 16 : i32
      %dma_wait3A_275 = arith.constant 0 : i32
      %dma_wait3A_276 = tpu.memref_slice %arg8[%dma_wait3A_274, %dma_wait3A_275] : memref<128x128xf32, #tpu.memory_space<vmem>> -> memref<16x128xf32, #tpu.memory_space<vmem>>
      %dma_wait3A_277 = arith.constant 0 : i32
      %dma_wait3A_278 = tpu.memref_slice %arg7[%dma_wait3A_273, %dma_wait3A_277] : memref<8x16xi32, #tpu.memory_space<vmem>> -> memref<1x16xi32, #tpu.memory_space<vmem>>
      %dma_wait3A_279 = tpu.memref_squeeze %dma_wait3A_278 : memref<1x16xi32, #tpu.memory_space<vmem>> -> memref<16xi32, #tpu.memory_space<vmem>>
      %dma_wait3A_280 = arith.constant 0 : i32
      %dma_wait3A_281 = arith.constant 0 : i32
      %dma_wait3A_282 = tpu.memref_slice %arg9[%dma_wait3A_280, %dma_wait3A_281] : memref<5248x128xf32, #tpu.memory_space<vmem_shared>> -> memref<5248x128xf32, #tpu.memory_space<vmem_shared>>
      tpu.wait_indirect_dma semaphore(%arg10 : memref<!tpu.dma_semaphore, #tpu.memory_space<semaphore_mem>>) src(%dma_wait3A_276 : memref<16x128xf32, #tpu.memory_space<vmem>>) dst(%dma_wait3A_282 : memref<5248x128xf32, #tpu.memory_space<vmem_shared>>)
      %dma_wait3A_283 = arith.constant 2 : i32
      %dma_wait3A_284 = arith.constant 32 : i32
      %dma_wait3A_285 = arith.constant 0 : i32
      %dma_wait3A_286 = tpu.memref_slice %arg8[%dma_wait3A_284, %dma_wait3A_285] : memref<128x128xf32, #tpu.memory_space<vmem>> -> memref<16x128xf32, #tpu.memory_space<vmem>>
      %dma_wait3A_287 = arith.constant 0 : i32
      %dma_wait3A_288 = tpu.memref_slice %arg7[%dma_wait3A_283, %dma_wait3A_287] : memref<8x16xi32, #tpu.memory_space<vmem>> -> memref<1x16xi32, #tpu.memory_space<vmem>>
      %dma_wait3A_289 = tpu.memref_squeeze %dma_wait3A_288 : memref<1x16xi32, #tpu.memory_space<vmem>> -> memref<16xi32, #tpu.memory_space<vmem>>
      %dma_wait3A_290 = arith.constant 0 : i32
      %dma_wait3A_291 = arith.constant 0 : i32
      %dma_wait3A_292 = tpu.memref_slice %arg9[%dma_wait3A_290, %dma_wait3A_291] : memref<5248x128xf32, #tpu.memory_space<vmem_shared>> -> memref<5248x128xf32, #tpu.memory_space<vmem_shared>>
      tpu.wait_indirect_dma semaphore(%arg10 : memref<!tpu.dma_semaphore, #tpu.memory_space<semaphore_mem>>) src(%dma_wait3A_286 : memref<16x128xf32, #tpu.memory_space<vmem>>) dst(%dma_wait3A_292 : memref<5248x128xf32, #tpu.memory_space<vmem_shared>>)
      %dma_wait3A_293 = arith.constant 3 : i32
      %dma_wait3A_294 = arith.constant 48 : i32
      %dma_wait3A_295 = arith.constant 0 : i32
      %dma_wait3A_296 = tpu.memref_slice %arg8[%dma_wait3A_294, %dma_wait3A_295] : memref<128x128xf32, #tpu.memory_space<vmem>> -> memref<16x128xf32, #tpu.memory_space<vmem>>
      %dma_wait3A_297 = arith.constant 0 : i32
      %dma_wait3A_298 = tpu.memref_slice %arg7[%dma_wait3A_293, %dma_wait3A_297] : memref<8x16xi32, #tpu.memory_space<vmem>> -> memref<1x16xi32, #tpu.memory_space<vmem>>
      %dma_wait3A_299 = tpu.memref_squeeze %dma_wait3A_298 : memref<1x16xi32, #tpu.memory_space<vmem>> -> memref<16xi32, #tpu.memory_space<vmem>>
      %dma_wait3A_300 = arith.constant 0 : i32
      %dma_wait3A_301 = arith.constant 0 : i32
      %dma_wait3A_302 = tpu.memref_slice %arg9[%dma_wait3A_300, %dma_wait3A_301] : memref<5248x128xf32, #tpu.memory_space<vmem_shared>> -> memref<5248x128xf32, #tpu.memory_space<vmem_shared>>
      tpu.wait_indirect_dma semaphore(%arg10 : memref<!tpu.dma_semaphore, #tpu.memory_space<semaphore_mem>>) src(%dma_wait3A_296 : memref<16x128xf32, #tpu.memory_space<vmem>>) dst(%dma_wait3A_302 : memref<5248x128xf32, #tpu.memory_space<vmem_shared>>)
      %dma_wait3A_303 = arith.constant 4 : i32
      %dma_wait3A_304 = arith.constant 64 : i32
      %dma_wait3A_305 = arith.constant 0 : i32
      %dma_wait3A_306 = tpu.memref_slice %arg8[%dma_wait3A_304, %dma_wait3A_305] : memref<128x128xf32, #tpu.memory_space<vmem>> -> memref<16x128xf32, #tpu.memory_space<vmem>>
      %dma_wait3A_307 = arith.constant 0 : i32
      %dma_wait3A_308 = tpu.memref_slice %arg7[%dma_wait3A_303, %dma_wait3A_307] : memref<8x16xi32, #tpu.memory_space<vmem>> -> memref<1x16xi32, #tpu.memory_space<vmem>>
      %dma_wait3A_309 = tpu.memref_squeeze %dma_wait3A_308 : memref<1x16xi32, #tpu.memory_space<vmem>> -> memref<16xi32, #tpu.memory_space<vmem>>
      %dma_wait3A_310 = arith.constant 0 : i32
      %dma_wait3A_311 = arith.constant 0 : i32
      %dma_wait3A_312 = tpu.memref_slice %arg9[%dma_wait3A_310, %dma_wait3A_311] : memref<5248x128xf32, #tpu.memory_space<vmem_shared>> -> memref<5248x128xf32, #tpu.memory_space<vmem_shared>>
      tpu.wait_indirect_dma semaphore(%arg10 : memref<!tpu.dma_semaphore, #tpu.memory_space<semaphore_mem>>) src(%dma_wait3A_306 : memref<16x128xf32, #tpu.memory_space<vmem>>) dst(%dma_wait3A_312 : memref<5248x128xf32, #tpu.memory_space<vmem_shared>>)
      %dma_wait3A_313 = arith.constant 5 : i32
      %dma_wait3A_314 = arith.constant 80 : i32
      %dma_wait3A_315 = arith.constant 0 : i32
      %dma_wait3A_316 = tpu.memref_slice %arg8[%dma_wait3A_314, %dma_wait3A_315] : memref<128x128xf32, #tpu.memory_space<vmem>> -> memref<16x128xf32, #tpu.memory_space<vmem>>
      %dma_wait3A_317 = arith.constant 0 : i32
      %dma_wait3A_318 = tpu.memref_slice %arg7[%dma_wait3A_313, %dma_wait3A_317] : memref<8x16xi32, #tpu.memory_space<vmem>> -> memref<1x16xi32, #tpu.memory_space<vmem>>
      %dma_wait3A_319 = tpu.memref_squeeze %dma_wait3A_318 : memref<1x16xi32, #tpu.memory_space<vmem>> -> memref<16xi32, #tpu.memory_space<vmem>>
      %dma_wait3A_320 = arith.constant 0 : i32
      %dma_wait3A_321 = arith.constant 0 : i32
      %dma_wait3A_322 = tpu.memref_slice %arg9[%dma_wait3A_320, %dma_wait3A_321] : memref<5248x128xf32, #tpu.memory_space<vmem_shared>> -> memref<5248x128xf32, #tpu.memory_space<vmem_shared>>
      tpu.wait_indirect_dma semaphore(%arg10 : memref<!tpu.dma_semaphore, #tpu.memory_space<semaphore_mem>>) src(%dma_wait3A_316 : memref<16x128xf32, #tpu.memory_space<vmem>>) dst(%dma_wait3A_322 : memref<5248x128xf32, #tpu.memory_space<vmem_shared>>)
      %dma_wait3A_323 = arith.constant 6 : i32
      %dma_wait3A_324 = arith.constant 96 : i32
      %dma_wait3A_325 = arith.constant 0 : i32
      %dma_wait3A_326 = tpu.memref_slice %arg8[%dma_wait3A_324, %dma_wait3A_325] : memref<128x128xf32, #tpu.memory_space<vmem>> -> memref<16x128xf32, #tpu.memory_space<vmem>>
      %dma_wait3A_327 = arith.constant 0 : i32
      %dma_wait3A_328 = tpu.memref_slice %arg7[%dma_wait3A_323, %dma_wait3A_327] : memref<8x16xi32, #tpu.memory_space<vmem>> -> memref<1x16xi32, #tpu.memory_space<vmem>>
      %dma_wait3A_329 = tpu.memref_squeeze %dma_wait3A_328 : memref<1x16xi32, #tpu.memory_space<vmem>> -> memref<16xi32, #tpu.memory_space<vmem>>
      %dma_wait3A_330 = arith.constant 0 : i32
      %dma_wait3A_331 = arith.constant 0 : i32
      %dma_wait3A_332 = tpu.memref_slice %arg9[%dma_wait3A_330, %dma_wait3A_331] : memref<5248x128xf32, #tpu.memory_space<vmem_shared>> -> memref<5248x128xf32, #tpu.memory_space<vmem_shared>>
      tpu.wait_indirect_dma semaphore(%arg10 : memref<!tpu.dma_semaphore, #tpu.memory_space<semaphore_mem>>) src(%dma_wait3A_326 : memref<16x128xf32, #tpu.memory_space<vmem>>) dst(%dma_wait3A_332 : memref<5248x128xf32, #tpu.memory_space<vmem_shared>>)
      %dma_wait3A_333 = arith.constant 7 : i32
      %dma_wait3A_334 = arith.constant 112 : i32
      %dma_wait3A_335 = arith.constant 0 : i32
      %dma_wait3A_336 = tpu.memref_slice %arg8[%dma_wait3A_334, %dma_wait3A_335] : memref<128x128xf32, #tpu.memory_space<vmem>> -> memref<16x128xf32, #tpu.memory_space<vmem>>
      %dma_wait3A_337 = arith.constant 0 : i32
      %dma_wait3A_338 = tpu.memref_slice %arg7[%dma_wait3A_333, %dma_wait3A_337] : memref<8x16xi32, #tpu.memory_space<vmem>> -> memref<1x16xi32, #tpu.memory_space<vmem>>
      %dma_wait3A_339 = tpu.memref_squeeze %dma_wait3A_338 : memref<1x16xi32, #tpu.memory_space<vmem>> -> memref<16xi32, #tpu.memory_space<vmem>>
      %dma_wait3A_340 = arith.constant 0 : i32
      %dma_wait3A_341 = arith.constant 0 : i32
      %dma_wait3A_342 = tpu.memref_slice %arg9[%dma_wait3A_340, %dma_wait3A_341] : memref<5248x128xf32, #tpu.memory_space<vmem_shared>> -> memref<5248x128xf32, #tpu.memory_space<vmem_shared>>
      tpu.wait_indirect_dma semaphore(%arg10 : memref<!tpu.dma_semaphore, #tpu.memory_space<semaphore_mem>>) src(%dma_wait3A_336 : memref<16x128xf32, #tpu.memory_space<vmem>>) dst(%dma_wait3A_342 : memref<5248x128xf32, #tpu.memory_space<vmem_shared>>)
    }
    %scan3A_11 = arith.constant 160 : i32
    %barrier3A_12 = arith.constant 0 : index
    tpu.barrier barrier_id(%barrier3A_12)
    %mul3A_13 = arith.constant 328 : i32
    %mul3A_14 = arith.muli %arg1, %mul3A_13 : i32
    %mul3A_15 = arith.constant 328 : i32
    %mul3A_16 = arith.muli %arg1, %mul3A_15 : i32
    "tpu.region"() ({
      %run_scoped3A = tpu.sem_alloc : memref<!tpu.dma_semaphore, #tpu.memory_space<semaphore_mem>>
      %dma_start3A = arith.constant 0 : i32
      %dma_start3A_17 = tpu.memref_slice %arg5[%arg0, %mul3A_16, %dma_start3A] : memref<2x5248x128xf32, #tpu.memory_space<hbm>> -> memref<1x328x128xf32, #tpu.memory_space<hbm>>
      %dma_start3A_18 = tpu.memref_squeeze %dma_start3A_17 : memref<1x328x128xf32, #tpu.memory_space<hbm>> -> memref<328x128xf32, #tpu.memory_space<hbm>>
      %dma_start3A_19 = arith.constant 0 : i32
      %dma_start3A_20 = tpu.memref_slice %arg9[%mul3A_14, %dma_start3A_19] : memref<5248x128xf32, #tpu.memory_space<vmem_shared>> -> memref<328x128xf32, #tpu.memory_space<vmem_shared>>
      tpu.enqueue_dma source(%dma_start3A_20 : memref<328x128xf32, #tpu.memory_space<vmem_shared>>) target(%dma_start3A_18 : memref<328x128xf32, #tpu.memory_space<hbm>>) target_semaphore(%run_scoped3A : memref<!tpu.dma_semaphore, #tpu.memory_space<semaphore_mem>>)
      %dma_wait3A = arith.constant 0 : i32
      %dma_wait3A_21 = tpu.memref_slice %arg5[%arg0, %mul3A_16, %dma_wait3A] : memref<2x5248x128xf32, #tpu.memory_space<hbm>> -> memref<1x328x128xf32, #tpu.memory_space<hbm>>
      %dma_wait3A_22 = tpu.memref_squeeze %dma_wait3A_21 : memref<1x328x128xf32, #tpu.memory_space<hbm>> -> memref<328x128xf32, #tpu.memory_space<hbm>>
      %dma_wait3A_23 = arith.constant 0 : i32
      %dma_wait3A_24 = tpu.memref_slice %arg9[%mul3A_14, %dma_wait3A_23] : memref<5248x128xf32, #tpu.memory_space<vmem_shared>> -> memref<328x128xf32, #tpu.memory_space<vmem_shared>>
      tpu.wait_dma2 semaphore(%run_scoped3A : memref<!tpu.dma_semaphore, #tpu.memory_space<semaphore_mem>>) src(%dma_wait3A_24 : memref<328x128xf32, #tpu.memory_space<vmem_shared>>) dst(%dma_wait3A_22 : memref<328x128xf32, #tpu.memory_space<hbm>>)
      tpu.yield
    }) : () -> ()
    return
  }
}

#map = affine_map<(d0, d1) -> (0, 0)>
#map1 = affine_map<(d0, d1) -> (0, 0, 0)>
module attributes {stable_mosaic.version = 14 : i64} {
  func.func @_scat_body(%arg0: i32, %arg1: i32, %arg2: memref<10240x128xf32, #tpu.memory_space<hbm>>, %arg3: memref<2560x128xi32, #tpu.memory_space<hbm>>, %arg4: memref<2560x128xi32, #tpu.memory_space<hbm>>, %arg5: memref<5248x128xf32, #tpu.memory_space<hbm>>, %arg6: memref<2x5248x128xf32, #tpu.memory_space<hbm>>, %arg7: memref<160x128xi32, #tpu.memory_space<vmem>>, %arg8: memref<160x128xi32, #tpu.memory_space<vmem>>, %arg9: memref<128xi32, #tpu.memory_space<vmem>>, %arg10: memref<128xi32, #tpu.memory_space<vmem>>, %arg11: memref<8x16xi32, #tpu.memory_space<vmem>>, %arg12: memref<128x128xf32, #tpu.memory_space<vmem>>, %arg13: memref<128x128xf32, #tpu.memory_space<vmem>>, %arg14: memref<5248x128xf32, #tpu.memory_space<vmem_shared>>, %arg15: memref<!tpu.dma_semaphore, #tpu.memory_space<semaphore_mem>>, %arg16: memref<!tpu.dma_semaphore, #tpu.memory_space<semaphore_mem>>) attributes {dimension_semantics = [#tpu.dimension_semantics<core_parallel>, #tpu.dimension_semantics<subcore_parallel>], iteration_bounds = array<i64: 2, 16>, scalar_prefetch = 0 : i64, scratch_operands = 10 : i64, tpu.core_type = #tpu.core_type<sc_vector_subcore>, window_params = [{transform_indices = #map}, {transform_indices = #map}, {transform_indices = #map}, {transform_indices = #map}, {transform_indices = #map1}]} {
    %mul3A = arith.constant 5120 : i32
    %mul3A_0 = arith.muli %arg0, %mul3A : i32
    %mul3A_1 = arith.constant 328 : i32
    %mul3A_2 = arith.muli %arg1, %mul3A_1 : i32
    %mul3A_3 = arith.constant 328 : i32
    %mul3A_4 = arith.muli %arg1, %mul3A_3 : i32
    "tpu.region"() ({
      %run_scoped3A = tpu.sem_alloc : memref<!tpu.dma_semaphore, #tpu.memory_space<semaphore_mem>>
      %dma_start3A_91 = arith.constant 0 : i32
      %dma_start3A_92 = tpu.memref_slice %arg14[%mul3A_4, %dma_start3A_91] : memref<5248x128xf32, #tpu.memory_space<vmem_shared>> -> memref<328x128xf32, #tpu.memory_space<vmem_shared>>
      %dma_start3A_93 = arith.constant 0 : i32
      %dma_start3A_94 = tpu.memref_slice %arg5[%mul3A_2, %dma_start3A_93] : memref<5248x128xf32, #tpu.memory_space<hbm>> -> memref<328x128xf32, #tpu.memory_space<hbm>>
      tpu.enqueue_dma source(%dma_start3A_94 : memref<328x128xf32, #tpu.memory_space<hbm>>) target(%dma_start3A_92 : memref<328x128xf32, #tpu.memory_space<vmem_shared>>) target_semaphore(%run_scoped3A : memref<!tpu.dma_semaphore, #tpu.memory_space<semaphore_mem>>)
      %dma_wait3A = arith.constant 0 : i32
      %dma_wait3A_95 = tpu.memref_slice %arg14[%mul3A_4, %dma_wait3A] : memref<5248x128xf32, #tpu.memory_space<vmem_shared>> -> memref<328x128xf32, #tpu.memory_space<vmem_shared>>
      %dma_wait3A_96 = arith.constant 0 : i32
      %dma_wait3A_97 = tpu.memref_slice %arg5[%mul3A_2, %dma_wait3A_96] : memref<5248x128xf32, #tpu.memory_space<hbm>> -> memref<328x128xf32, #tpu.memory_space<hbm>>
      tpu.wait_dma2 semaphore(%run_scoped3A : memref<!tpu.dma_semaphore, #tpu.memory_space<semaphore_mem>>) src(%dma_wait3A_97 : memref<328x128xf32, #tpu.memory_space<hbm>>) dst(%dma_wait3A_95 : memref<328x128xf32, #tpu.memory_space<vmem_shared>>)
      tpu.yield
    }) : () -> ()
    %mul3A_5 = arith.constant 160 : i32
    %mul3A_6 = arith.muli %arg1, %mul3A_5 : i32
    "tpu.region"() ({
      %run_scoped3A = tpu.sem_alloc : memref<!tpu.dma_semaphore, #tpu.memory_space<semaphore_mem>>
      %dma_start3A_91 = arith.constant 0 : i32
      %dma_start3A_92 = tpu.memref_slice %arg3[%mul3A_6, %dma_start3A_91] : memref<2560x128xi32, #tpu.memory_space<hbm>> -> memref<160x128xi32, #tpu.memory_space<hbm>>
      %dma_start3A_93 = arith.constant 0 : i32
      %dma_start3A_94 = tpu.memref_slice %arg3[%mul3A_6, %dma_start3A_93] : memref<2560x128xi32, #tpu.memory_space<hbm>> -> memref<160x128xi32, #tpu.memory_space<hbm>>
      tpu.enqueue_dma source(%dma_start3A_94 : memref<160x128xi32, #tpu.memory_space<hbm>>) target(%arg7 : memref<160x128xi32, #tpu.memory_space<vmem>>) target_semaphore(%run_scoped3A : memref<!tpu.dma_semaphore, #tpu.memory_space<semaphore_mem>>)
      %dma_wait3A = arith.constant 0 : i32
      %dma_wait3A_95 = tpu.memref_slice %arg3[%mul3A_6, %dma_wait3A] : memref<2560x128xi32, #tpu.memory_space<hbm>> -> memref<160x128xi32, #tpu.memory_space<hbm>>
      %dma_wait3A_96 = arith.constant 0 : i32
      %dma_wait3A_97 = tpu.memref_slice %arg3[%mul3A_6, %dma_wait3A_96] : memref<2560x128xi32, #tpu.memory_space<hbm>> -> memref<160x128xi32, #tpu.memory_space<hbm>>
      tpu.wait_dma2 semaphore(%run_scoped3A : memref<!tpu.dma_semaphore, #tpu.memory_space<semaphore_mem>>) src(%dma_wait3A_97 : memref<160x128xi32, #tpu.memory_space<hbm>>) dst(%arg7 : memref<160x128xi32, #tpu.memory_space<vmem>>)
      tpu.yield
    }) : () -> ()
    %mul3A_7 = arith.constant 160 : i32
    %mul3A_8 = arith.muli %arg1, %mul3A_7 : i32
    "tpu.region"() ({
      %run_scoped3A = tpu.sem_alloc : memref<!tpu.dma_semaphore, #tpu.memory_space<semaphore_mem>>
      %dma_start3A_91 = arith.constant 0 : i32
      %dma_start3A_92 = tpu.memref_slice %arg4[%mul3A_8, %dma_start3A_91] : memref<2560x128xi32, #tpu.memory_space<hbm>> -> memref<160x128xi32, #tpu.memory_space<hbm>>
      %dma_start3A_93 = arith.constant 0 : i32
      %dma_start3A_94 = tpu.memref_slice %arg4[%mul3A_8, %dma_start3A_93] : memref<2560x128xi32, #tpu.memory_space<hbm>> -> memref<160x128xi32, #tpu.memory_space<hbm>>
      tpu.enqueue_dma source(%dma_start3A_94 : memref<160x128xi32, #tpu.memory_space<hbm>>) target(%arg8 : memref<160x128xi32, #tpu.memory_space<vmem>>) target_semaphore(%run_scoped3A : memref<!tpu.dma_semaphore, #tpu.memory_space<semaphore_mem>>)
      %dma_wait3A = arith.constant 0 : i32
      %dma_wait3A_95 = tpu.memref_slice %arg4[%mul3A_8, %dma_wait3A] : memref<2560x128xi32, #tpu.memory_space<hbm>> -> memref<160x128xi32, #tpu.memory_space<hbm>>
      %dma_wait3A_96 = arith.constant 0 : i32
      %dma_wait3A_97 = tpu.memref_slice %arg4[%mul3A_8, %dma_wait3A_96] : memref<2560x128xi32, #tpu.memory_space<hbm>> -> memref<160x128xi32, #tpu.memory_space<hbm>>
      tpu.wait_dma2 semaphore(%run_scoped3A : memref<!tpu.dma_semaphore, #tpu.memory_space<semaphore_mem>>) src(%dma_wait3A_97 : memref<160x128xi32, #tpu.memory_space<hbm>>) dst(%arg8 : memref<160x128xi32, #tpu.memory_space<vmem>>)
      tpu.yield
    }) : () -> ()
    %barrier3A = arith.constant 0 : index
    tpu.barrier barrier_id(%barrier3A)
    %get3A = arith.constant 0 : i32
    %get3A_9 = arith.index_cast %get3A : i32 to index
    %get3A_10 = arith.constant 0 : index
    %get3A_11 = tpu.vector_load %arg7[%get3A_9, %get3A_10] {strides = array<i32>} : memref<160x128xi32, #tpu.memory_space<vmem>>, vector<1x16xi32>,
    %get3A_12 = vector.shape_cast %get3A_11 : vector<1x16xi32> to vector<16xi32>
    %swap3A = arith.constant 0 : index
    %swap3A_13 = tpu.vector_load %arg9[%swap3A] {strides = array<i32>} : memref<128xi32, #tpu.memory_space<vmem>>, vector<16xi32>,
    %swap3A_14 = vector.shape_cast %swap3A_13 : vector<16xi32> to vector<16xi32>
    %swap3A_15 = vector.shape_cast %get3A_12 : vector<16xi32> to vector<16xi32>
    tpu.vector_store %arg9[%swap3A], %swap3A_15 {strides = array<i32>} : memref<128xi32, #tpu.memory_space<vmem>>, vector<16xi32>,
    %get3A_16 = arith.constant 0 : i32
    %get3A_17 = arith.index_cast %get3A_16 : i32 to index
    %get3A_18 = arith.constant 16 : index
    %get3A_19 = tpu.vector_load %arg7[%get3A_17, %get3A_18] {strides = array<i32>} : memref<160x128xi32, #tpu.memory_space<vmem>>, vector<1x16xi32>,
    %get3A_20 = vector.shape_cast %get3A_19 : vector<1x16xi32> to vector<16xi32>
    %swap3A_21 = arith.constant 16 : index
    %swap3A_22 = tpu.vector_load %arg9[%swap3A_21] {strides = array<i32>} : memref<128xi32, #tpu.memory_space<vmem>>, vector<16xi32>,
    %swap3A_23 = vector.shape_cast %swap3A_22 : vector<16xi32> to vector<16xi32>
    %swap3A_24 = vector.shape_cast %get3A_20 : vector<16xi32> to vector<16xi32>
    tpu.vector_store %arg9[%swap3A_21], %swap3A_24 {strides = array<i32>} : memref<128xi32, #tpu.memory_space<vmem>>, vector<16xi32>,
    %get3A_25 = arith.constant 0 : i32
    %get3A_26 = arith.index_cast %get3A_25 : i32 to index
    %get3A_27 = arith.constant 32 : index
    %get3A_28 = tpu.vector_load %arg7[%get3A_26, %get3A_27] {strides = array<i32>} : memref<160x128xi32, #tpu.memory_space<vmem>>, vector<1x16xi32>,
    %get3A_29 = vector.shape_cast %get3A_28 : vector<1x16xi32> to vector<16xi32>
    %swap3A_30 = arith.constant 32 : index
    %swap3A_31 = tpu.vector_load %arg9[%swap3A_30] {strides = array<i32>} : memref<128xi32, #tpu.memory_space<vmem>>, vector<16xi32>,
    %swap3A_32 = vector.shape_cast %swap3A_31 : vector<16xi32> to vector<16xi32>
    %swap3A_33 = vector.shape_cast %get3A_29 : vector<16xi32> to vector<16xi32>
    tpu.vector_store %arg9[%swap3A_30], %swap3A_33 {strides = array<i32>} : memref<128xi32, #tpu.memory_space<vmem>>, vector<16xi32>,
    %get3A_34 = arith.constant 0 : i32
    %get3A_35 = arith.index_cast %get3A_34 : i32 to index
    %get3A_36 = arith.constant 48 : index
    %get3A_37 = tpu.vector_load %arg7[%get3A_35, %get3A_36] {strides = array<i32>} : memref<160x128xi32, #tpu.memory_space<vmem>>, vector<1x16xi32>,
    %get3A_38 = vector.shape_cast %get3A_37 : vector<1x16xi32> to vector<16xi32>
    %swap3A_39 = arith.constant 48 : index
    %swap3A_40 = tpu.vector_load %arg9[%swap3A_39] {strides = array<i32>} : memref<128xi32, #tpu.memory_space<vmem>>, vector<16xi32>,
    %swap3A_41 = vector.shape_cast %swap3A_40 : vector<16xi32> to vector<16xi32>
    %swap3A_42 = vector.shape_cast %get3A_38 : vector<16xi32> to vector<16xi32>
    tpu.vector_store %arg9[%swap3A_39], %swap3A_42 {strides = array<i32>} : memref<128xi32, #tpu.memory_space<vmem>>, vector<16xi32>,
    %get3A_43 = arith.constant 0 : i32
    %get3A_44 = arith.index_cast %get3A_43 : i32 to index
    %get3A_45 = arith.constant 64 : index
    %get3A_46 = tpu.vector_load %arg7[%get3A_44, %get3A_45] {strides = array<i32>} : memref<160x128xi32, #tpu.memory_space<vmem>>, vector<1x16xi32>,
    %get3A_47 = vector.shape_cast %get3A_46 : vector<1x16xi32> to vector<16xi32>
    %swap3A_48 = arith.constant 64 : index
    %swap3A_49 = tpu.vector_load %arg9[%swap3A_48] {strides = array<i32>} : memref<128xi32, #tpu.memory_space<vmem>>, vector<16xi32>,
    %swap3A_50 = vector.shape_cast %swap3A_49 : vector<16xi32> to vector<16xi32>
    %swap3A_51 = vector.shape_cast %get3A_47 : vector<16xi32> to vector<16xi32>
    tpu.vector_store %arg9[%swap3A_48], %swap3A_51 {strides = array<i32>} : memref<128xi32, #tpu.memory_space<vmem>>, vector<16xi32>,
    %get3A_52 = arith.constant 0 : i32
    %get3A_53 = arith.index_cast %get3A_52 : i32 to index
    %get3A_54 = arith.constant 80 : index
    %get3A_55 = tpu.vector_load %arg7[%get3A_53, %get3A_54] {strides = array<i32>} : memref<160x128xi32, #tpu.memory_space<vmem>>, vector<1x16xi32>,
    %get3A_56 = vector.shape_cast %get3A_55 : vector<1x16xi32> to vector<16xi32>
    %swap3A_57 = arith.constant 80 : index
    %swap3A_58 = tpu.vector_load %arg9[%swap3A_57] {strides = array<i32>} : memref<128xi32, #tpu.memory_space<vmem>>, vector<16xi32>,
    %swap3A_59 = vector.shape_cast %swap3A_58 : vector<16xi32> to vector<16xi32>
    %swap3A_60 = vector.shape_cast %get3A_56 : vector<16xi32> to vector<16xi32>
    tpu.vector_store %arg9[%swap3A_57], %swap3A_60 {strides = array<i32>} : memref<128xi32, #tpu.memory_space<vmem>>, vector<16xi32>,
    %get3A_61 = arith.constant 0 : i32
    %get3A_62 = arith.index_cast %get3A_61 : i32 to index
    %get3A_63 = arith.constant 96 : index
    %get3A_64 = tpu.vector_load %arg7[%get3A_62, %get3A_63] {strides = array<i32>} : memref<160x128xi32, #tpu.memory_space<vmem>>, vector<1x16xi32>,
    %get3A_65 = vector.shape_cast %get3A_64 : vector<1x16xi32> to vector<16xi32>
    %swap3A_66 = arith.constant 96 : index
    %swap3A_67 = tpu.vector_load %arg9[%swap3A_66] {strides = array<i32>} : memref<128xi32, #tpu.memory_space<vmem>>, vector<16xi32>,
    %swap3A_68 = vector.shape_cast %swap3A_67 : vector<16xi32> to vector<16xi32>
    %swap3A_69 = vector.shape_cast %get3A_65 : vector<16xi32> to vector<16xi32>
    tpu.vector_store %arg9[%swap3A_66], %swap3A_69 {strides = array<i32>} : memref<128xi32, #tpu.memory_space<vmem>>, vector<16xi32>,
    %get3A_70 = arith.constant 0 : i32
    %get3A_71 = arith.index_cast %get3A_70 : i32 to index
    %get3A_72 = arith.constant 112 : index
    %get3A_73 = tpu.vector_load %arg7[%get3A_71, %get3A_72] {strides = array<i32>} : memref<160x128xi32, #tpu.memory_space<vmem>>, vector<1x16xi32>,
    %get3A_74 = vector.shape_cast %get3A_73 : vector<1x16xi32> to vector<16xi32>
    %swap3A_75 = arith.constant 112 : index
    %swap3A_76 = tpu.vector_load %arg9[%swap3A_75] {strides = array<i32>} : memref<128xi32, #tpu.memory_space<vmem>>, vector<16xi32>,
    %swap3A_77 = vector.shape_cast %swap3A_76 : vector<16xi32> to vector<16xi32>
    %swap3A_78 = vector.shape_cast %get3A_74 : vector<16xi32> to vector<16xi32>
    tpu.vector_store %arg9[%swap3A_75], %swap3A_78 {strides = array<i32>} : memref<128xi32, #tpu.memory_space<vmem>>, vector<16xi32>,
    %dma_start3A = arith.constant 0 : i32
    %dma_start3A_79 = arith.constant 0 : i32
    %dma_start3A_80 = tpu.memref_slice %arg2[%dma_start3A, %dma_start3A_79] : memref<10240x128xf32, #tpu.memory_space<hbm>> -> memref<10240x128xf32, #tpu.memory_space<hbm>>
    tpu.enqueue_indirect_dma source(%dma_start3A_80 : memref<10240x128xf32, #tpu.memory_space<hbm>>) target(%arg12 : memref<128x128xf32, #tpu.memory_space<vmem>>) offsets(%arg9 : memref<128xi32, #tpu.memory_space<vmem>>) semaphore(%arg15 : memref<!tpu.dma_semaphore, #tpu.memory_space<semaphore_mem>>)
    %scan3A = arith.constant 0 : i32
    %scan3A_81 = arith.constant 0 : i32
    %scan3A_82 = arith.constant 80 : i32
    %scan3A_83 = arith.addi %scan3A_81, %scan3A_82 : i32
    %scan3A_84 = arith.constant 1 : i32
    scf.for %scan3A_91 = %scan3A_81 to %scan3A_83 step %scan3A_84  : i32 {
      %mul3A_92 = arith.constant 2 : i32
      %mul3A_93 = arith.muli %mul3A_92, %scan3A_91 : i32
      %dma_wait3A = arith.constant 0 : i32
      %dma_wait3A_94 = arith.constant 0 : i32
      %dma_wait3A_95 = tpu.memref_slice %arg2[%dma_wait3A, %dma_wait3A_94] : memref<10240x128xf32, #tpu.memory_space<hbm>> -> memref<10240x128xf32, #tpu.memory_space<hbm>>
      tpu.wait_indirect_dma semaphore(%arg15 : memref<!tpu.dma_semaphore, #tpu.memory_space<semaphore_mem>>) src(%dma_wait3A_95 : memref<10240x128xf32, #tpu.memory_space<hbm>>) dst(%arg12 : memref<128x128xf32, #tpu.memory_space<vmem>>)
      %add3A = arith.constant 1 : i32
      %add3A_96 = arith.addi %mul3A_93, %add3A : i32
      %get3A_97 = arith.index_cast %add3A_96 : i32 to index
      %get3A_98 = arith.constant 0 : index
      %get3A_99 = tpu.vector_load %arg7[%get3A_97, %get3A_98] {strides = array<i32>} : memref<160x128xi32, #tpu.memory_space<vmem>>, vector<1x16xi32>,
      %get3A_100 = vector.shape_cast %get3A_99 : vector<1x16xi32> to vector<16xi32>
      %swap3A_101 = arith.constant 0 : index
      %swap3A_102 = tpu.vector_load %arg10[%swap3A_101] {strides = array<i32>} : memref<128xi32, #tpu.memory_space<vmem>>, vector<16xi32>,
      %swap3A_103 = vector.shape_cast %swap3A_102 : vector<16xi32> to vector<16xi32>
      %swap3A_104 = vector.shape_cast %get3A_100 : vector<16xi32> to vector<16xi32>
      tpu.vector_store %arg10[%swap3A_101], %swap3A_104 {strides = array<i32>} : memref<128xi32, #tpu.memory_space<vmem>>, vector<16xi32>,
      %get3A_105 = arith.index_cast %add3A_96 : i32 to index
      %get3A_106 = arith.constant 16 : index
      %get3A_107 = tpu.vector_load %arg7[%get3A_105, %get3A_106] {strides = array<i32>} : memref<160x128xi32, #tpu.memory_space<vmem>>, vector<1x16xi32>,
      %get3A_108 = vector.shape_cast %get3A_107 : vector<1x16xi32> to vector<16xi32>
      %swap3A_109 = arith.constant 16 : index
      %swap3A_110 = tpu.vector_load %arg10[%swap3A_109] {strides = array<i32>} : memref<128xi32, #tpu.memory_space<vmem>>, vector<16xi32>,
      %swap3A_111 = vector.shape_cast %swap3A_110 : vector<16xi32> to vector<16xi32>
      %swap3A_112 = vector.shape_cast %get3A_108 : vector<16xi32> to vector<16xi32>
      tpu.vector_store %arg10[%swap3A_109], %swap3A_112 {strides = array<i32>} : memref<128xi32, #tpu.memory_space<vmem>>, vector<16xi32>,
      %get3A_113 = arith.index_cast %add3A_96 : i32 to index
      %get3A_114 = arith.constant 32 : index
      %get3A_115 = tpu.vector_load %arg7[%get3A_113, %get3A_114] {strides = array<i32>} : memref<160x128xi32, #tpu.memory_space<vmem>>, vector<1x16xi32>,
      %get3A_116 = vector.shape_cast %get3A_115 : vector<1x16xi32> to vector<16xi32>
      %swap3A_117 = arith.constant 32 : index
      %swap3A_118 = tpu.vector_load %arg10[%swap3A_117] {strides = array<i32>} : memref<128xi32, #tpu.memory_space<vmem>>, vector<16xi32>,
      %swap3A_119 = vector.shape_cast %swap3A_118 : vector<16xi32> to vector<16xi32>
      %swap3A_120 = vector.shape_cast %get3A_116 : vector<16xi32> to vector<16xi32>
      tpu.vector_store %arg10[%swap3A_117], %swap3A_120 {strides = array<i32>} : memref<128xi32, #tpu.memory_space<vmem>>, vector<16xi32>,
      %get3A_121 = arith.index_cast %add3A_96 : i32 to index
      %get3A_122 = arith.constant 48 : index
      %get3A_123 = tpu.vector_load %arg7[%get3A_121, %get3A_122] {strides = array<i32>} : memref<160x128xi32, #tpu.memory_space<vmem>>, vector<1x16xi32>,
      %get3A_124 = vector.shape_cast %get3A_123 : vector<1x16xi32> to vector<16xi32>
      %swap3A_125 = arith.constant 48 : index
      %swap3A_126 = tpu.vector_load %arg10[%swap3A_125] {strides = array<i32>} : memref<128xi32, #tpu.memory_space<vmem>>, vector<16xi32>,
      %swap3A_127 = vector.shape_cast %swap3A_126 : vector<16xi32> to vector<16xi32>
      %swap3A_128 = vector.shape_cast %get3A_124 : vector<16xi32> to vector<16xi32>
      tpu.vector_store %arg10[%swap3A_125], %swap3A_128 {strides = array<i32>} : memref<128xi32, #tpu.memory_space<vmem>>, vector<16xi32>,
      %get3A_129 = arith.index_cast %add3A_96 : i32 to index
      %get3A_130 = arith.constant 64 : index
      %get3A_131 = tpu.vector_load %arg7[%get3A_129, %get3A_130] {strides = array<i32>} : memref<160x128xi32, #tpu.memory_space<vmem>>, vector<1x16xi32>,
      %get3A_132 = vector.shape_cast %get3A_131 : vector<1x16xi32> to vector<16xi32>
      %swap3A_133 = arith.constant 64 : index
      %swap3A_134 = tpu.vector_load %arg10[%swap3A_133] {strides = array<i32>} : memref<128xi32, #tpu.memory_space<vmem>>, vector<16xi32>,
      %swap3A_135 = vector.shape_cast %swap3A_134 : vector<16xi32> to vector<16xi32>
      %swap3A_136 = vector.shape_cast %get3A_132 : vector<16xi32> to vector<16xi32>
      tpu.vector_store %arg10[%swap3A_133], %swap3A_136 {strides = array<i32>} : memref<128xi32, #tpu.memory_space<vmem>>, vector<16xi32>,
      %get3A_137 = arith.index_cast %add3A_96 : i32 to index
      %get3A_138 = arith.constant 80 : index
      %get3A_139 = tpu.vector_load %arg7[%get3A_137, %get3A_138] {strides = array<i32>} : memref<160x128xi32, #tpu.memory_space<vmem>>, vector<1x16xi32>,
      %get3A_140 = vector.shape_cast %get3A_139 : vector<1x16xi32> to vector<16xi32>
      %swap3A_141 = arith.constant 80 : index
      %swap3A_142 = tpu.vector_load %arg10[%swap3A_141] {strides = array<i32>} : memref<128xi32, #tpu.memory_space<vmem>>, vector<16xi32>,
      %swap3A_143 = vector.shape_cast %swap3A_142 : vector<16xi32> to vector<16xi32>
      %swap3A_144 = vector.shape_cast %get3A_140 : vector<16xi32> to vector<16xi32>
      tpu.vector_store %arg10[%swap3A_141], %swap3A_144 {strides = array<i32>} : memref<128xi32, #tpu.memory_space<vmem>>, vector<16xi32>,
      %get3A_145 = arith.index_cast %add3A_96 : i32 to index
      %get3A_146 = arith.constant 96 : index
      %get3A_147 = tpu.vector_load %arg7[%get3A_145, %get3A_146] {strides = array<i32>} : memref<160x128xi32, #tpu.memory_space<vmem>>, vector<1x16xi32>,
      %get3A_148 = vector.shape_cast %get3A_147 : vector<1x16xi32> to vector<16xi32>
      %swap3A_149 = arith.constant 96 : index
      %swap3A_150 = tpu.vector_load %arg10[%swap3A_149] {strides = array<i32>} : memref<128xi32, #tpu.memory_space<vmem>>, vector<16xi32>,
      %swap3A_151 = vector.shape_cast %swap3A_150 : vector<16xi32> to vector<16xi32>
      %swap3A_152 = vector.shape_cast %get3A_148 : vector<16xi32> to vector<16xi32>
      tpu.vector_store %arg10[%swap3A_149], %swap3A_152 {strides = array<i32>} : memref<128xi32, #tpu.memory_space<vmem>>, vector<16xi32>,
      %get3A_153 = arith.index_cast %add3A_96 : i32 to index
      %get3A_154 = arith.constant 112 : index
      %get3A_155 = tpu.vector_load %arg7[%get3A_153, %get3A_154] {strides = array<i32>} : memref<160x128xi32, #tpu.memory_space<vmem>>, vector<1x16xi32>,
      %get3A_156 = vector.shape_cast %get3A_155 : vector<1x16xi32> to vector<16xi32>
      %swap3A_157 = arith.constant 112 : index
      %swap3A_158 = tpu.vector_load %arg10[%swap3A_157] {strides = array<i32>} : memref<128xi32, #tpu.memory_space<vmem>>, vector<16xi32>,
      %swap3A_159 = vector.shape_cast %swap3A_158 : vector<16xi32> to vector<16xi32>
      %swap3A_160 = vector.shape_cast %get3A_156 : vector<16xi32> to vector<16xi32>
      tpu.vector_store %arg10[%swap3A_157], %swap3A_160 {strides = array<i32>} : memref<128xi32, #tpu.memory_space<vmem>>, vector<16xi32>,
      %dma_start3A_161 = arith.constant 0 : i32
      %dma_start3A_162 = arith.constant 0 : i32
      %dma_start3A_163 = tpu.memref_slice %arg2[%dma_start3A_161, %dma_start3A_162] : memref<10240x128xf32, #tpu.memory_space<hbm>> -> memref<10240x128xf32, #tpu.memory_space<hbm>>
      tpu.enqueue_indirect_dma source(%dma_start3A_163 : memref<10240x128xf32, #tpu.memory_space<hbm>>) target(%arg13 : memref<128x128xf32, #tpu.memory_space<vmem>>) offsets(%arg10 : memref<128xi32, #tpu.memory_space<vmem>>) semaphore(%arg15 : memref<!tpu.dma_semaphore, #tpu.memory_space<semaphore_mem>>)
      %get3A_164 = arith.index_cast %mul3A_93 : i32 to index
      %get3A_165 = arith.constant 0 : index
      %get3A_166 = tpu.vector_load %arg8[%get3A_164, %get3A_165] {strides = array<i32>} : memref<160x128xi32, #tpu.memory_space<vmem>>, vector<1x16xi32>,
      %get3A_167 = vector.shape_cast %get3A_166 : vector<1x16xi32> to vector<16xi32>
      %sub3A = vector.broadcast %mul3A_0 : i32 to vector<16xi32>
      %sub3A_168 = arith.subi %get3A_167, %sub3A : vector<16xi32>
      %ge3A = arith.constant 0 : i32
      %ge3A_169 = vector.broadcast %ge3A : i32 to vector<16xi32>
      %ge3A_170 = arith.cmpi sge, %sub3A_168, %ge3A_169 : vector<16xi32>
      %lt3A = arith.constant 5120 : i32
      %lt3A_171 = vector.broadcast %lt3A : i32 to vector<16xi32>
      %lt3A_172 = arith.cmpi slt, %sub3A_168, %lt3A_171 : vector<16xi32>
      %and3A = arith.andi %ge3A_170, %lt3A_172 : vector<16xi1>
      %jit3A = arith.constant 5120 : i32
      %broadcast_in_dim3A = vector.broadcast %jit3A : i32 to vector<16xi32>
      %select_n3A = arith.select %and3A, %sub3A_168, %broadcast_in_dim3A : vector<16xi1>, vector<16xi32>
      %swap3A_173 = arith.constant 0 : i32
      %swap3A_174 = arith.index_cast %swap3A_173 : i32 to index
      %swap3A_175 = arith.constant 0 : index
      %swap3A_176 = tpu.vector_load %arg11[%swap3A_174, %swap3A_175] {strides = array<i32>} : memref<8x16xi32, #tpu.memory_space<vmem>>, vector<1x16xi32>,
      %swap3A_177 = vector.shape_cast %swap3A_176 : vector<1x16xi32> to vector<16xi32>
      %swap3A_178 = vector.shape_cast %select_n3A : vector<16xi32> to vector<1x16xi32>
      tpu.vector_store %arg11[%swap3A_174, %swap3A_175], %swap3A_178 {strides = array<i32>} : memref<8x16xi32, #tpu.memory_space<vmem>>, vector<1x16xi32>,
      %get3A_179 = arith.index_cast %mul3A_93 : i32 to index
      %get3A_180 = arith.constant 16 : index
      %get3A_181 = tpu.vector_load %arg8[%get3A_179, %get3A_180] {strides = array<i32>} : memref<160x128xi32, #tpu.memory_space<vmem>>, vector<1x16xi32>,
      %get3A_182 = vector.shape_cast %get3A_181 : vector<1x16xi32> to vector<16xi32>
      %sub3A_183 = vector.broadcast %mul3A_0 : i32 to vector<16xi32>
      %sub3A_184 = arith.subi %get3A_182, %sub3A_183 : vector<16xi32>
      %ge3A_185 = arith.constant 0 : i32
      %ge3A_186 = vector.broadcast %ge3A_185 : i32 to vector<16xi32>
      %ge3A_187 = arith.cmpi sge, %sub3A_184, %ge3A_186 : vector<16xi32>
      %lt3A_188 = arith.constant 5120 : i32
      %lt3A_189 = vector.broadcast %lt3A_188 : i32 to vector<16xi32>
      %lt3A_190 = arith.cmpi slt, %sub3A_184, %lt3A_189 : vector<16xi32>
      %and3A_191 = arith.andi %ge3A_187, %lt3A_190 : vector<16xi1>
      %jit3A_192 = arith.constant 5120 : i32
      %broadcast_in_dim3A_193 = vector.broadcast %jit3A_192 : i32 to vector<16xi32>
      %select_n3A_194 = arith.select %and3A_191, %sub3A_184, %broadcast_in_dim3A_193 : vector<16xi1>, vector<16xi32>
      %swap3A_195 = arith.constant 1 : i32
      %swap3A_196 = arith.index_cast %swap3A_195 : i32 to index
      %swap3A_197 = arith.constant 0 : index
      %swap3A_198 = tpu.vector_load %arg11[%swap3A_196, %swap3A_197] {strides = array<i32>} : memref<8x16xi32, #tpu.memory_space<vmem>>, vector<1x16xi32>,
      %swap3A_199 = vector.shape_cast %swap3A_198 : vector<1x16xi32> to vector<16xi32>
      %swap3A_200 = vector.shape_cast %select_n3A_194 : vector<16xi32> to vector<1x16xi32>
      tpu.vector_store %arg11[%swap3A_196, %swap3A_197], %swap3A_200 {strides = array<i32>} : memref<8x16xi32, #tpu.memory_space<vmem>>, vector<1x16xi32>,
      %get3A_201 = arith.index_cast %mul3A_93 : i32 to index
      %get3A_202 = arith.constant 32 : index
      %get3A_203 = tpu.vector_load %arg8[%get3A_201, %get3A_202] {strides = array<i32>} : memref<160x128xi32, #tpu.memory_space<vmem>>, vector<1x16xi32>,
      %get3A_204 = vector.shape_cast %get3A_203 : vector<1x16xi32> to vector<16xi32>
      %sub3A_205 = vector.broadcast %mul3A_0 : i32 to vector<16xi32>
      %sub3A_206 = arith.subi %get3A_204, %sub3A_205 : vector<16xi32>
      %ge3A_207 = arith.constant 0 : i32
      %ge3A_208 = vector.broadcast %ge3A_207 : i32 to vector<16xi32>
      %ge3A_209 = arith.cmpi sge, %sub3A_206, %ge3A_208 : vector<16xi32>
      %lt3A_210 = arith.constant 5120 : i32
      %lt3A_211 = vector.broadcast %lt3A_210 : i32 to vector<16xi32>
      %lt3A_212 = arith.cmpi slt, %sub3A_206, %lt3A_211 : vector<16xi32>
      %and3A_213 = arith.andi %ge3A_209, %lt3A_212 : vector<16xi1>
      %jit3A_214 = arith.constant 5120 : i32
      %broadcast_in_dim3A_215 = vector.broadcast %jit3A_214 : i32 to vector<16xi32>
      %select_n3A_216 = arith.select %and3A_213, %sub3A_206, %broadcast_in_dim3A_215 : vector<16xi1>, vector<16xi32>
      %swap3A_217 = arith.constant 2 : i32
      %swap3A_218 = arith.index_cast %swap3A_217 : i32 to index
      %swap3A_219 = arith.constant 0 : index
      %swap3A_220 = tpu.vector_load %arg11[%swap3A_218, %swap3A_219] {strides = array<i32>} : memref<8x16xi32, #tpu.memory_space<vmem>>, vector<1x16xi32>,
      %swap3A_221 = vector.shape_cast %swap3A_220 : vector<1x16xi32> to vector<16xi32>
      %swap3A_222 = vector.shape_cast %select_n3A_216 : vector<16xi32> to vector<1x16xi32>
      tpu.vector_store %arg11[%swap3A_218, %swap3A_219], %swap3A_222 {strides = array<i32>} : memref<8x16xi32, #tpu.memory_space<vmem>>, vector<1x16xi32>,
      %get3A_223 = arith.index_cast %mul3A_93 : i32 to index
      %get3A_224 = arith.constant 48 : index
      %get3A_225 = tpu.vector_load %arg8[%get3A_223, %get3A_224] {strides = array<i32>} : memref<160x128xi32, #tpu.memory_space<vmem>>, vector<1x16xi32>,
      %get3A_226 = vector.shape_cast %get3A_225 : vector<1x16xi32> to vector<16xi32>
      %sub3A_227 = vector.broadcast %mul3A_0 : i32 to vector<16xi32>
      %sub3A_228 = arith.subi %get3A_226, %sub3A_227 : vector<16xi32>
      %ge3A_229 = arith.constant 0 : i32
      %ge3A_230 = vector.broadcast %ge3A_229 : i32 to vector<16xi32>
      %ge3A_231 = arith.cmpi sge, %sub3A_228, %ge3A_230 : vector<16xi32>
      %lt3A_232 = arith.constant 5120 : i32
      %lt3A_233 = vector.broadcast %lt3A_232 : i32 to vector<16xi32>
      %lt3A_234 = arith.cmpi slt, %sub3A_228, %lt3A_233 : vector<16xi32>
      %and3A_235 = arith.andi %ge3A_231, %lt3A_234 : vector<16xi1>
      %jit3A_236 = arith.constant 5120 : i32
      %broadcast_in_dim3A_237 = vector.broadcast %jit3A_236 : i32 to vector<16xi32>
      %select_n3A_238 = arith.select %and3A_235, %sub3A_228, %broadcast_in_dim3A_237 : vector<16xi1>, vector<16xi32>
      %swap3A_239 = arith.constant 3 : i32
      %swap3A_240 = arith.index_cast %swap3A_239 : i32 to index
      %swap3A_241 = arith.constant 0 : index
      %swap3A_242 = tpu.vector_load %arg11[%swap3A_240, %swap3A_241] {strides = array<i32>} : memref<8x16xi32, #tpu.memory_space<vmem>>, vector<1x16xi32>,
      %swap3A_243 = vector.shape_cast %swap3A_242 : vector<1x16xi32> to vector<16xi32>
      %swap3A_244 = vector.shape_cast %select_n3A_238 : vector<16xi32> to vector<1x16xi32>
      tpu.vector_store %arg11[%swap3A_240, %swap3A_241], %swap3A_244 {strides = array<i32>} : memref<8x16xi32, #tpu.memory_space<vmem>>, vector<1x16xi32>,
      %get3A_245 = arith.index_cast %mul3A_93 : i32 to index
      %get3A_246 = arith.constant 64 : index
      %get3A_247 = tpu.vector_load %arg8[%get3A_245, %get3A_246] {strides = array<i32>} : memref<160x128xi32, #tpu.memory_space<vmem>>, vector<1x16xi32>,
      %get3A_248 = vector.shape_cast %get3A_247 : vector<1x16xi32> to vector<16xi32>
      %sub3A_249 = vector.broadcast %mul3A_0 : i32 to vector<16xi32>
      %sub3A_250 = arith.subi %get3A_248, %sub3A_249 : vector<16xi32>
      %ge3A_251 = arith.constant 0 : i32
      %ge3A_252 = vector.broadcast %ge3A_251 : i32 to vector<16xi32>
      %ge3A_253 = arith.cmpi sge, %sub3A_250, %ge3A_252 : vector<16xi32>
      %lt3A_254 = arith.constant 5120 : i32
      %lt3A_255 = vector.broadcast %lt3A_254 : i32 to vector<16xi32>
      %lt3A_256 = arith.cmpi slt, %sub3A_250, %lt3A_255 : vector<16xi32>
      %and3A_257 = arith.andi %ge3A_253, %lt3A_256 : vector<16xi1>
      %jit3A_258 = arith.constant 5120 : i32
      %broadcast_in_dim3A_259 = vector.broadcast %jit3A_258 : i32 to vector<16xi32>
      %select_n3A_260 = arith.select %and3A_257, %sub3A_250, %broadcast_in_dim3A_259 : vector<16xi1>, vector<16xi32>
      %swap3A_261 = arith.constant 4 : i32
      %swap3A_262 = arith.index_cast %swap3A_261 : i32 to index
      %swap3A_263 = arith.constant 0 : index
      %swap3A_264 = tpu.vector_load %arg11[%swap3A_262, %swap3A_263] {strides = array<i32>} : memref<8x16xi32, #tpu.memory_space<vmem>>, vector<1x16xi32>,
      %swap3A_265 = vector.shape_cast %swap3A_264 : vector<1x16xi32> to vector<16xi32>
      %swap3A_266 = vector.shape_cast %select_n3A_260 : vector<16xi32> to vector<1x16xi32>
      tpu.vector_store %arg11[%swap3A_262, %swap3A_263], %swap3A_266 {strides = array<i32>} : memref<8x16xi32, #tpu.memory_space<vmem>>, vector<1x16xi32>,
      %get3A_267 = arith.index_cast %mul3A_93 : i32 to index
      %get3A_268 = arith.constant 80 : index
      %get3A_269 = tpu.vector_load %arg8[%get3A_267, %get3A_268] {strides = array<i32>} : memref<160x128xi32, #tpu.memory_space<vmem>>, vector<1x16xi32>,
      %get3A_270 = vector.shape_cast %get3A_269 : vector<1x16xi32> to vector<16xi32>
      %sub3A_271 = vector.broadcast %mul3A_0 : i32 to vector<16xi32>
      %sub3A_272 = arith.subi %get3A_270, %sub3A_271 : vector<16xi32>
      %ge3A_273 = arith.constant 0 : i32
      %ge3A_274 = vector.broadcast %ge3A_273 : i32 to vector<16xi32>
      %ge3A_275 = arith.cmpi sge, %sub3A_272, %ge3A_274 : vector<16xi32>
      %lt3A_276 = arith.constant 5120 : i32
      %lt3A_277 = vector.broadcast %lt3A_276 : i32 to vector<16xi32>
      %lt3A_278 = arith.cmpi slt, %sub3A_272, %lt3A_277 : vector<16xi32>
      %and3A_279 = arith.andi %ge3A_275, %lt3A_278 : vector<16xi1>
      %jit3A_280 = arith.constant 5120 : i32
      %broadcast_in_dim3A_281 = vector.broadcast %jit3A_280 : i32 to vector<16xi32>
      %select_n3A_282 = arith.select %and3A_279, %sub3A_272, %broadcast_in_dim3A_281 : vector<16xi1>, vector<16xi32>
      %swap3A_283 = arith.constant 5 : i32
      %swap3A_284 = arith.index_cast %swap3A_283 : i32 to index
      %swap3A_285 = arith.constant 0 : index
      %swap3A_286 = tpu.vector_load %arg11[%swap3A_284, %swap3A_285] {strides = array<i32>} : memref<8x16xi32, #tpu.memory_space<vmem>>, vector<1x16xi32>,
      %swap3A_287 = vector.shape_cast %swap3A_286 : vector<1x16xi32> to vector<16xi32>
      %swap3A_288 = vector.shape_cast %select_n3A_282 : vector<16xi32> to vector<1x16xi32>
      tpu.vector_store %arg11[%swap3A_284, %swap3A_285], %swap3A_288 {strides = array<i32>} : memref<8x16xi32, #tpu.memory_space<vmem>>, vector<1x16xi32>,
      %get3A_289 = arith.index_cast %mul3A_93 : i32 to index
      %get3A_290 = arith.constant 96 : index
      %get3A_291 = tpu.vector_load %arg8[%get3A_289, %get3A_290] {strides = array<i32>} : memref<160x128xi32, #tpu.memory_space<vmem>>, vector<1x16xi32>,
      %get3A_292 = vector.shape_cast %get3A_291 : vector<1x16xi32> to vector<16xi32>
      %sub3A_293 = vector.broadcast %mul3A_0 : i32 to vector<16xi32>
      %sub3A_294 = arith.subi %get3A_292, %sub3A_293 : vector<16xi32>
      %ge3A_295 = arith.constant 0 : i32
      %ge3A_296 = vector.broadcast %ge3A_295 : i32 to vector<16xi32>
      %ge3A_297 = arith.cmpi sge, %sub3A_294, %ge3A_296 : vector<16xi32>
      %lt3A_298 = arith.constant 5120 : i32
      %lt3A_299 = vector.broadcast %lt3A_298 : i32 to vector<16xi32>
      %lt3A_300 = arith.cmpi slt, %sub3A_294, %lt3A_299 : vector<16xi32>
      %and3A_301 = arith.andi %ge3A_297, %lt3A_300 : vector<16xi1>
      %jit3A_302 = arith.constant 5120 : i32
      %broadcast_in_dim3A_303 = vector.broadcast %jit3A_302 : i32 to vector<16xi32>
      %select_n3A_304 = arith.select %and3A_301, %sub3A_294, %broadcast_in_dim3A_303 : vector<16xi1>, vector<16xi32>
      %swap3A_305 = arith.constant 6 : i32
      %swap3A_306 = arith.index_cast %swap3A_305 : i32 to index
      %swap3A_307 = arith.constant 0 : index
      %swap3A_308 = tpu.vector_load %arg11[%swap3A_306, %swap3A_307] {strides = array<i32>} : memref<8x16xi32, #tpu.memory_space<vmem>>, vector<1x16xi32>,
      %swap3A_309 = vector.shape_cast %swap3A_308 : vector<1x16xi32> to vector<16xi32>
      %swap3A_310 = vector.shape_cast %select_n3A_304 : vector<16xi32> to vector<1x16xi32>
      tpu.vector_store %arg11[%swap3A_306, %swap3A_307], %swap3A_310 {strides = array<i32>} : memref<8x16xi32, #tpu.memory_space<vmem>>, vector<1x16xi32>,
      %get3A_311 = arith.index_cast %mul3A_93 : i32 to index
      %get3A_312 = arith.constant 112 : index
      %get3A_313 = tpu.vector_load %arg8[%get3A_311, %get3A_312] {strides = array<i32>} : memref<160x128xi32, #tpu.memory_space<vmem>>, vector<1x16xi32>,
      %get3A_314 = vector.shape_cast %get3A_313 : vector<1x16xi32> to vector<16xi32>
      %sub3A_315 = vector.broadcast %mul3A_0 : i32 to vector<16xi32>
      %sub3A_316 = arith.subi %get3A_314, %sub3A_315 : vector<16xi32>
      %ge3A_317 = arith.constant 0 : i32
      %ge3A_318 = vector.broadcast %ge3A_317 : i32 to vector<16xi32>
      %ge3A_319 = arith.cmpi sge, %sub3A_316, %ge3A_318 : vector<16xi32>
      %lt3A_320 = arith.constant 5120 : i32
      %lt3A_321 = vector.broadcast %lt3A_320 : i32 to vector<16xi32>
      %lt3A_322 = arith.cmpi slt, %sub3A_316, %lt3A_321 : vector<16xi32>
      %and3A_323 = arith.andi %ge3A_319, %lt3A_322 : vector<16xi1>
      %jit3A_324 = arith.constant 5120 : i32
      %broadcast_in_dim3A_325 = vector.broadcast %jit3A_324 : i32 to vector<16xi32>
      %select_n3A_326 = arith.select %and3A_323, %sub3A_316, %broadcast_in_dim3A_325 : vector<16xi1>, vector<16xi32>
      %swap3A_327 = arith.constant 7 : i32
      %swap3A_328 = arith.index_cast %swap3A_327 : i32 to index
      %swap3A_329 = arith.constant 0 : index
      %swap3A_330 = tpu.vector_load %arg11[%swap3A_328, %swap3A_329] {strides = array<i32>} : memref<8x16xi32, #tpu.memory_space<vmem>>, vector<1x16xi32>,
      %swap3A_331 = vector.shape_cast %swap3A_330 : vector<1x16xi32> to vector<16xi32>
      %swap3A_332 = vector.shape_cast %select_n3A_326 : vector<16xi32> to vector<1x16xi32>
      tpu.vector_store %arg11[%swap3A_328, %swap3A_329], %swap3A_332 {strides = array<i32>} : memref<8x16xi32, #tpu.memory_space<vmem>>, vector<1x16xi32>,
      %dma_start3A_333 = arith.constant 0 : i32
      %dma_start3A_334 = arith.constant 0 : i32
      %dma_start3A_335 = arith.constant 0 : i32
      %dma_start3A_336 = tpu.memref_slice %arg12[%dma_start3A_334, %dma_start3A_335] : memref<128x128xf32, #tpu.memory_space<vmem>> -> memref<16x128xf32, #tpu.memory_space<vmem>>
      %dma_start3A_337 = arith.constant 0 : i32
      %dma_start3A_338 = tpu.memref_slice %arg11[%dma_start3A_333, %dma_start3A_337] : memref<8x16xi32, #tpu.memory_space<vmem>> -> memref<1x16xi32, #tpu.memory_space<vmem>>
      %dma_start3A_339 = tpu.memref_squeeze %dma_start3A_338 : memref<1x16xi32, #tpu.memory_space<vmem>> -> memref<16xi32, #tpu.memory_space<vmem>>
      %dma_start3A_340 = arith.constant 0 : i32
      %dma_start3A_341 = arith.constant 0 : i32
      %dma_start3A_342 = tpu.memref_slice %arg14[%dma_start3A_340, %dma_start3A_341] : memref<5248x128xf32, #tpu.memory_space<vmem_shared>> -> memref<5248x128xf32, #tpu.memory_space<vmem_shared>>
      tpu.enqueue_indirect_dma source(%dma_start3A_336 : memref<16x128xf32, #tpu.memory_space<vmem>>) target(%dma_start3A_342 : memref<5248x128xf32, #tpu.memory_space<vmem_shared>>) offsets(%dma_start3A_339 : memref<16xi32, #tpu.memory_space<vmem>>) semaphore(%arg16 : memref<!tpu.dma_semaphore, #tpu.memory_space<semaphore_mem>>) {add = true}
      %dma_start3A_343 = arith.constant 1 : i32
      %dma_start3A_344 = arith.constant 16 : i32
      %dma_start3A_345 = arith.constant 0 : i32
      %dma_start3A_346 = tpu.memref_slice %arg12[%dma_start3A_344, %dma_start3A_345] : memref<128x128xf32, #tpu.memory_space<vmem>> -> memref<16x128xf32, #tpu.memory_space<vmem>>
      %dma_start3A_347 = arith.constant 0 : i32
      %dma_start3A_348 = tpu.memref_slice %arg11[%dma_start3A_343, %dma_start3A_347] : memref<8x16xi32, #tpu.memory_space<vmem>> -> memref<1x16xi32, #tpu.memory_space<vmem>>
      %dma_start3A_349 = tpu.memref_squeeze %dma_start3A_348 : memref<1x16xi32, #tpu.memory_space<vmem>> -> memref<16xi32, #tpu.memory_space<vmem>>
      %dma_start3A_350 = arith.constant 0 : i32
      %dma_start3A_351 = arith.constant 0 : i32
      %dma_start3A_352 = tpu.memref_slice %arg14[%dma_start3A_350, %dma_start3A_351] : memref<5248x128xf32, #tpu.memory_space<vmem_shared>> -> memref<5248x128xf32, #tpu.memory_space<vmem_shared>>
      tpu.enqueue_indirect_dma source(%dma_start3A_346 : memref<16x128xf32, #tpu.memory_space<vmem>>) target(%dma_start3A_352 : memref<5248x128xf32, #tpu.memory_space<vmem_shared>>) offsets(%dma_start3A_349 : memref<16xi32, #tpu.memory_space<vmem>>) semaphore(%arg16 : memref<!tpu.dma_semaphore, #tpu.memory_space<semaphore_mem>>) {add = true}
      %dma_start3A_353 = arith.constant 2 : i32
      %dma_start3A_354 = arith.constant 32 : i32
      %dma_start3A_355 = arith.constant 0 : i32
      %dma_start3A_356 = tpu.memref_slice %arg12[%dma_start3A_354, %dma_start3A_355] : memref<128x128xf32, #tpu.memory_space<vmem>> -> memref<16x128xf32, #tpu.memory_space<vmem>>
      %dma_start3A_357 = arith.constant 0 : i32
      %dma_start3A_358 = tpu.memref_slice %arg11[%dma_start3A_353, %dma_start3A_357] : memref<8x16xi32, #tpu.memory_space<vmem>> -> memref<1x16xi32, #tpu.memory_space<vmem>>
      %dma_start3A_359 = tpu.memref_squeeze %dma_start3A_358 : memref<1x16xi32, #tpu.memory_space<vmem>> -> memref<16xi32, #tpu.memory_space<vmem>>
      %dma_start3A_360 = arith.constant 0 : i32
      %dma_start3A_361 = arith.constant 0 : i32
      %dma_start3A_362 = tpu.memref_slice %arg14[%dma_start3A_360, %dma_start3A_361] : memref<5248x128xf32, #tpu.memory_space<vmem_shared>> -> memref<5248x128xf32, #tpu.memory_space<vmem_shared>>
      tpu.enqueue_indirect_dma source(%dma_start3A_356 : memref<16x128xf32, #tpu.memory_space<vmem>>) target(%dma_start3A_362 : memref<5248x128xf32, #tpu.memory_space<vmem_shared>>) offsets(%dma_start3A_359 : memref<16xi32, #tpu.memory_space<vmem>>) semaphore(%arg16 : memref<!tpu.dma_semaphore, #tpu.memory_space<semaphore_mem>>) {add = true}
      %dma_start3A_363 = arith.constant 3 : i32
      %dma_start3A_364 = arith.constant 48 : i32
      %dma_start3A_365 = arith.constant 0 : i32
      %dma_start3A_366 = tpu.memref_slice %arg12[%dma_start3A_364, %dma_start3A_365] : memref<128x128xf32, #tpu.memory_space<vmem>> -> memref<16x128xf32, #tpu.memory_space<vmem>>
      %dma_start3A_367 = arith.constant 0 : i32
      %dma_start3A_368 = tpu.memref_slice %arg11[%dma_start3A_363, %dma_start3A_367] : memref<8x16xi32, #tpu.memory_space<vmem>> -> memref<1x16xi32, #tpu.memory_space<vmem>>
      %dma_start3A_369 = tpu.memref_squeeze %dma_start3A_368 : memref<1x16xi32, #tpu.memory_space<vmem>> -> memref<16xi32, #tpu.memory_space<vmem>>
      %dma_start3A_370 = arith.constant 0 : i32
      %dma_start3A_371 = arith.constant 0 : i32
      %dma_start3A_372 = tpu.memref_slice %arg14[%dma_start3A_370, %dma_start3A_371] : memref<5248x128xf32, #tpu.memory_space<vmem_shared>> -> memref<5248x128xf32, #tpu.memory_space<vmem_shared>>
      tpu.enqueue_indirect_dma source(%dma_start3A_366 : memref<16x128xf32, #tpu.memory_space<vmem>>) target(%dma_start3A_372 : memref<5248x128xf32, #tpu.memory_space<vmem_shared>>) offsets(%dma_start3A_369 : memref<16xi32, #tpu.memory_space<vmem>>) semaphore(%arg16 : memref<!tpu.dma_semaphore, #tpu.memory_space<semaphore_mem>>) {add = true}
      %dma_start3A_373 = arith.constant 4 : i32
      %dma_start3A_374 = arith.constant 64 : i32
      %dma_start3A_375 = arith.constant 0 : i32
      %dma_start3A_376 = tpu.memref_slice %arg12[%dma_start3A_374, %dma_start3A_375] : memref<128x128xf32, #tpu.memory_space<vmem>> -> memref<16x128xf32, #tpu.memory_space<vmem>>
      %dma_start3A_377 = arith.constant 0 : i32
      %dma_start3A_378 = tpu.memref_slice %arg11[%dma_start3A_373, %dma_start3A_377] : memref<8x16xi32, #tpu.memory_space<vmem>> -> memref<1x16xi32, #tpu.memory_space<vmem>>
      %dma_start3A_379 = tpu.memref_squeeze %dma_start3A_378 : memref<1x16xi32, #tpu.memory_space<vmem>> -> memref<16xi32, #tpu.memory_space<vmem>>
      %dma_start3A_380 = arith.constant 0 : i32
      %dma_start3A_381 = arith.constant 0 : i32
      %dma_start3A_382 = tpu.memref_slice %arg14[%dma_start3A_380, %dma_start3A_381] : memref<5248x128xf32, #tpu.memory_space<vmem_shared>> -> memref<5248x128xf32, #tpu.memory_space<vmem_shared>>
      tpu.enqueue_indirect_dma source(%dma_start3A_376 : memref<16x128xf32, #tpu.memory_space<vmem>>) target(%dma_start3A_382 : memref<5248x128xf32, #tpu.memory_space<vmem_shared>>) offsets(%dma_start3A_379 : memref<16xi32, #tpu.memory_space<vmem>>) semaphore(%arg16 : memref<!tpu.dma_semaphore, #tpu.memory_space<semaphore_mem>>) {add = true}
      %dma_start3A_383 = arith.constant 5 : i32
      %dma_start3A_384 = arith.constant 80 : i32
      %dma_start3A_385 = arith.constant 0 : i32
      %dma_start3A_386 = tpu.memref_slice %arg12[%dma_start3A_384, %dma_start3A_385] : memref<128x128xf32, #tpu.memory_space<vmem>> -> memref<16x128xf32, #tpu.memory_space<vmem>>
      %dma_start3A_387 = arith.constant 0 : i32
      %dma_start3A_388 = tpu.memref_slice %arg11[%dma_start3A_383, %dma_start3A_387] : memref<8x16xi32, #tpu.memory_space<vmem>> -> memref<1x16xi32, #tpu.memory_space<vmem>>
      %dma_start3A_389 = tpu.memref_squeeze %dma_start3A_388 : memref<1x16xi32, #tpu.memory_space<vmem>> -> memref<16xi32, #tpu.memory_space<vmem>>
      %dma_start3A_390 = arith.constant 0 : i32
      %dma_start3A_391 = arith.constant 0 : i32
      %dma_start3A_392 = tpu.memref_slice %arg14[%dma_start3A_390, %dma_start3A_391] : memref<5248x128xf32, #tpu.memory_space<vmem_shared>> -> memref<5248x128xf32, #tpu.memory_space<vmem_shared>>
      tpu.enqueue_indirect_dma source(%dma_start3A_386 : memref<16x128xf32, #tpu.memory_space<vmem>>) target(%dma_start3A_392 : memref<5248x128xf32, #tpu.memory_space<vmem_shared>>) offsets(%dma_start3A_389 : memref<16xi32, #tpu.memory_space<vmem>>) semaphore(%arg16 : memref<!tpu.dma_semaphore, #tpu.memory_space<semaphore_mem>>) {add = true}
      %dma_start3A_393 = arith.constant 6 : i32
      %dma_start3A_394 = arith.constant 96 : i32
      %dma_start3A_395 = arith.constant 0 : i32
      %dma_start3A_396 = tpu.memref_slice %arg12[%dma_start3A_394, %dma_start3A_395] : memref<128x128xf32, #tpu.memory_space<vmem>> -> memref<16x128xf32, #tpu.memory_space<vmem>>
      %dma_start3A_397 = arith.constant 0 : i32
      %dma_start3A_398 = tpu.memref_slice %arg11[%dma_start3A_393, %dma_start3A_397] : memref<8x16xi32, #tpu.memory_space<vmem>> -> memref<1x16xi32, #tpu.memory_space<vmem>>
      %dma_start3A_399 = tpu.memref_squeeze %dma_start3A_398 : memref<1x16xi32, #tpu.memory_space<vmem>> -> memref<16xi32, #tpu.memory_space<vmem>>
      %dma_start3A_400 = arith.constant 0 : i32
      %dma_start3A_401 = arith.constant 0 : i32
      %dma_start3A_402 = tpu.memref_slice %arg14[%dma_start3A_400, %dma_start3A_401] : memref<5248x128xf32, #tpu.memory_space<vmem_shared>> -> memref<5248x128xf32, #tpu.memory_space<vmem_shared>>
      tpu.enqueue_indirect_dma source(%dma_start3A_396 : memref<16x128xf32, #tpu.memory_space<vmem>>) target(%dma_start3A_402 : memref<5248x128xf32, #tpu.memory_space<vmem_shared>>) offsets(%dma_start3A_399 : memref<16xi32, #tpu.memory_space<vmem>>) semaphore(%arg16 : memref<!tpu.dma_semaphore, #tpu.memory_space<semaphore_mem>>) {add = true}
      %dma_start3A_403 = arith.constant 7 : i32
      %dma_start3A_404 = arith.constant 112 : i32
      %dma_start3A_405 = arith.constant 0 : i32
      %dma_start3A_406 = tpu.memref_slice %arg12[%dma_start3A_404, %dma_start3A_405] : memref<128x128xf32, #tpu.memory_space<vmem>> -> memref<16x128xf32, #tpu.memory_space<vmem>>
      %dma_start3A_407 = arith.constant 0 : i32
      %dma_start3A_408 = tpu.memref_slice %arg11[%dma_start3A_403, %dma_start3A_407] : memref<8x16xi32, #tpu.memory_space<vmem>> -> memref<1x16xi32, #tpu.memory_space<vmem>>
      %dma_start3A_409 = tpu.memref_squeeze %dma_start3A_408 : memref<1x16xi32, #tpu.memory_space<vmem>> -> memref<16xi32, #tpu.memory_space<vmem>>
      %dma_start3A_410 = arith.constant 0 : i32
      %dma_start3A_411 = arith.constant 0 : i32
      %dma_start3A_412 = tpu.memref_slice %arg14[%dma_start3A_410, %dma_start3A_411] : memref<5248x128xf32, #tpu.memory_space<vmem_shared>> -> memref<5248x128xf32, #tpu.memory_space<vmem_shared>>
      tpu.enqueue_indirect_dma source(%dma_start3A_406 : memref<16x128xf32, #tpu.memory_space<vmem>>) target(%dma_start3A_412 : memref<5248x128xf32, #tpu.memory_space<vmem_shared>>) offsets(%dma_start3A_409 : memref<16xi32, #tpu.memory_space<vmem>>) semaphore(%arg16 : memref<!tpu.dma_semaphore, #tpu.memory_space<semaphore_mem>>) {add = true}
      %dma_wait3A_413 = arith.constant 0 : i32
      %dma_wait3A_414 = arith.constant 0 : i32
      %dma_wait3A_415 = arith.constant 0 : i32
      %dma_wait3A_416 = tpu.memref_slice %arg12[%dma_wait3A_414, %dma_wait3A_415] : memref<128x128xf32, #tpu.memory_space<vmem>> -> memref<16x128xf32, #tpu.memory_space<vmem>>
      %dma_wait3A_417 = arith.constant 0 : i32
      %dma_wait3A_418 = tpu.memref_slice %arg11[%dma_wait3A_413, %dma_wait3A_417] : memref<8x16xi32, #tpu.memory_space<vmem>> -> memref<1x16xi32, #tpu.memory_space<vmem>>
      %dma_wait3A_419 = tpu.memref_squeeze %dma_wait3A_418 : memref<1x16xi32, #tpu.memory_space<vmem>> -> memref<16xi32, #tpu.memory_space<vmem>>
      %dma_wait3A_420 = arith.constant 0 : i32
      %dma_wait3A_421 = arith.constant 0 : i32
      %dma_wait3A_422 = tpu.memref_slice %arg14[%dma_wait3A_420, %dma_wait3A_421] : memref<5248x128xf32, #tpu.memory_space<vmem_shared>> -> memref<5248x128xf32, #tpu.memory_space<vmem_shared>>
      tpu.wait_indirect_dma semaphore(%arg16 : memref<!tpu.dma_semaphore, #tpu.memory_space<semaphore_mem>>) src(%dma_wait3A_416 : memref<16x128xf32, #tpu.memory_space<vmem>>) dst(%dma_wait3A_422 : memref<5248x128xf32, #tpu.memory_space<vmem_shared>>)
      %dma_wait3A_423 = arith.constant 1 : i32
      %dma_wait3A_424 = arith.constant 16 : i32
      %dma_wait3A_425 = arith.constant 0 : i32
      %dma_wait3A_426 = tpu.memref_slice %arg12[%dma_wait3A_424, %dma_wait3A_425] : memref<128x128xf32, #tpu.memory_space<vmem>> -> memref<16x128xf32, #tpu.memory_space<vmem>>
      %dma_wait3A_427 = arith.constant 0 : i32
      %dma_wait3A_428 = tpu.memref_slice %arg11[%dma_wait3A_423, %dma_wait3A_427] : memref<8x16xi32, #tpu.memory_space<vmem>> -> memref<1x16xi32, #tpu.memory_space<vmem>>
      %dma_wait3A_429 = tpu.memref_squeeze %dma_wait3A_428 : memref<1x16xi32, #tpu.memory_space<vmem>> -> memref<16xi32, #tpu.memory_space<vmem>>
      %dma_wait3A_430 = arith.constant 0 : i32
      %dma_wait3A_431 = arith.constant 0 : i32
      %dma_wait3A_432 = tpu.memref_slice %arg14[%dma_wait3A_430, %dma_wait3A_431] : memref<5248x128xf32, #tpu.memory_space<vmem_shared>> -> memref<5248x128xf32, #tpu.memory_space<vmem_shared>>
      tpu.wait_indirect_dma semaphore(%arg16 : memref<!tpu.dma_semaphore, #tpu.memory_space<semaphore_mem>>) src(%dma_wait3A_426 : memref<16x128xf32, #tpu.memory_space<vmem>>) dst(%dma_wait3A_432 : memref<5248x128xf32, #tpu.memory_space<vmem_shared>>)
      %dma_wait3A_433 = arith.constant 2 : i32
      %dma_wait3A_434 = arith.constant 32 : i32
      %dma_wait3A_435 = arith.constant 0 : i32
      %dma_wait3A_436 = tpu.memref_slice %arg12[%dma_wait3A_434, %dma_wait3A_435] : memref<128x128xf32, #tpu.memory_space<vmem>> -> memref<16x128xf32, #tpu.memory_space<vmem>>
      %dma_wait3A_437 = arith.constant 0 : i32
      %dma_wait3A_438 = tpu.memref_slice %arg11[%dma_wait3A_433, %dma_wait3A_437] : memref<8x16xi32, #tpu.memory_space<vmem>> -> memref<1x16xi32, #tpu.memory_space<vmem>>
      %dma_wait3A_439 = tpu.memref_squeeze %dma_wait3A_438 : memref<1x16xi32, #tpu.memory_space<vmem>> -> memref<16xi32, #tpu.memory_space<vmem>>
      %dma_wait3A_440 = arith.constant 0 : i32
      %dma_wait3A_441 = arith.constant 0 : i32
      %dma_wait3A_442 = tpu.memref_slice %arg14[%dma_wait3A_440, %dma_wait3A_441] : memref<5248x128xf32, #tpu.memory_space<vmem_shared>> -> memref<5248x128xf32, #tpu.memory_space<vmem_shared>>
      tpu.wait_indirect_dma semaphore(%arg16 : memref<!tpu.dma_semaphore, #tpu.memory_space<semaphore_mem>>) src(%dma_wait3A_436 : memref<16x128xf32, #tpu.memory_space<vmem>>) dst(%dma_wait3A_442 : memref<5248x128xf32, #tpu.memory_space<vmem_shared>>)
      %dma_wait3A_443 = arith.constant 3 : i32
      %dma_wait3A_444 = arith.constant 48 : i32
      %dma_wait3A_445 = arith.constant 0 : i32
      %dma_wait3A_446 = tpu.memref_slice %arg12[%dma_wait3A_444, %dma_wait3A_445] : memref<128x128xf32, #tpu.memory_space<vmem>> -> memref<16x128xf32, #tpu.memory_space<vmem>>
      %dma_wait3A_447 = arith.constant 0 : i32
      %dma_wait3A_448 = tpu.memref_slice %arg11[%dma_wait3A_443, %dma_wait3A_447] : memref<8x16xi32, #tpu.memory_space<vmem>> -> memref<1x16xi32, #tpu.memory_space<vmem>>
      %dma_wait3A_449 = tpu.memref_squeeze %dma_wait3A_448 : memref<1x16xi32, #tpu.memory_space<vmem>> -> memref<16xi32, #tpu.memory_space<vmem>>
      %dma_wait3A_450 = arith.constant 0 : i32
      %dma_wait3A_451 = arith.constant 0 : i32
      %dma_wait3A_452 = tpu.memref_slice %arg14[%dma_wait3A_450, %dma_wait3A_451] : memref<5248x128xf32, #tpu.memory_space<vmem_shared>> -> memref<5248x128xf32, #tpu.memory_space<vmem_shared>>
      tpu.wait_indirect_dma semaphore(%arg16 : memref<!tpu.dma_semaphore, #tpu.memory_space<semaphore_mem>>) src(%dma_wait3A_446 : memref<16x128xf32, #tpu.memory_space<vmem>>) dst(%dma_wait3A_452 : memref<5248x128xf32, #tpu.memory_space<vmem_shared>>)
      %dma_wait3A_453 = arith.constant 4 : i32
      %dma_wait3A_454 = arith.constant 64 : i32
      %dma_wait3A_455 = arith.constant 0 : i32
      %dma_wait3A_456 = tpu.memref_slice %arg12[%dma_wait3A_454, %dma_wait3A_455] : memref<128x128xf32, #tpu.memory_space<vmem>> -> memref<16x128xf32, #tpu.memory_space<vmem>>
      %dma_wait3A_457 = arith.constant 0 : i32
      %dma_wait3A_458 = tpu.memref_slice %arg11[%dma_wait3A_453, %dma_wait3A_457] : memref<8x16xi32, #tpu.memory_space<vmem>> -> memref<1x16xi32, #tpu.memory_space<vmem>>
      %dma_wait3A_459 = tpu.memref_squeeze %dma_wait3A_458 : memref<1x16xi32, #tpu.memory_space<vmem>> -> memref<16xi32, #tpu.memory_space<vmem>>
      %dma_wait3A_460 = arith.constant 0 : i32
      %dma_wait3A_461 = arith.constant 0 : i32
      %dma_wait3A_462 = tpu.memref_slice %arg14[%dma_wait3A_460, %dma_wait3A_461] : memref<5248x128xf32, #tpu.memory_space<vmem_shared>> -> memref<5248x128xf32, #tpu.memory_space<vmem_shared>>
      tpu.wait_indirect_dma semaphore(%arg16 : memref<!tpu.dma_semaphore, #tpu.memory_space<semaphore_mem>>) src(%dma_wait3A_456 : memref<16x128xf32, #tpu.memory_space<vmem>>) dst(%dma_wait3A_462 : memref<5248x128xf32, #tpu.memory_space<vmem_shared>>)
      %dma_wait3A_463 = arith.constant 5 : i32
      %dma_wait3A_464 = arith.constant 80 : i32
      %dma_wait3A_465 = arith.constant 0 : i32
      %dma_wait3A_466 = tpu.memref_slice %arg12[%dma_wait3A_464, %dma_wait3A_465] : memref<128x128xf32, #tpu.memory_space<vmem>> -> memref<16x128xf32, #tpu.memory_space<vmem>>
      %dma_wait3A_467 = arith.constant 0 : i32
      %dma_wait3A_468 = tpu.memref_slice %arg11[%dma_wait3A_463, %dma_wait3A_467] : memref<8x16xi32, #tpu.memory_space<vmem>> -> memref<1x16xi32, #tpu.memory_space<vmem>>
      %dma_wait3A_469 = tpu.memref_squeeze %dma_wait3A_468 : memref<1x16xi32, #tpu.memory_space<vmem>> -> memref<16xi32, #tpu.memory_space<vmem>>
      %dma_wait3A_470 = arith.constant 0 : i32
      %dma_wait3A_471 = arith.constant 0 : i32
      %dma_wait3A_472 = tpu.memref_slice %arg14[%dma_wait3A_470, %dma_wait3A_471] : memref<5248x128xf32, #tpu.memory_space<vmem_shared>> -> memref<5248x128xf32, #tpu.memory_space<vmem_shared>>
      tpu.wait_indirect_dma semaphore(%arg16 : memref<!tpu.dma_semaphore, #tpu.memory_space<semaphore_mem>>) src(%dma_wait3A_466 : memref<16x128xf32, #tpu.memory_space<vmem>>) dst(%dma_wait3A_472 : memref<5248x128xf32, #tpu.memory_space<vmem_shared>>)
      %dma_wait3A_473 = arith.constant 6 : i32
      %dma_wait3A_474 = arith.constant 96 : i32
      %dma_wait3A_475 = arith.constant 0 : i32
      %dma_wait3A_476 = tpu.memref_slice %arg12[%dma_wait3A_474, %dma_wait3A_475] : memref<128x128xf32, #tpu.memory_space<vmem>> -> memref<16x128xf32, #tpu.memory_space<vmem>>
      %dma_wait3A_477 = arith.constant 0 : i32
      %dma_wait3A_478 = tpu.memref_slice %arg11[%dma_wait3A_473, %dma_wait3A_477] : memref<8x16xi32, #tpu.memory_space<vmem>> -> memref<1x16xi32, #tpu.memory_space<vmem>>
      %dma_wait3A_479 = tpu.memref_squeeze %dma_wait3A_478 : memref<1x16xi32, #tpu.memory_space<vmem>> -> memref<16xi32, #tpu.memory_space<vmem>>
      %dma_wait3A_480 = arith.constant 0 : i32
      %dma_wait3A_481 = arith.constant 0 : i32
      %dma_wait3A_482 = tpu.memref_slice %arg14[%dma_wait3A_480, %dma_wait3A_481] : memref<5248x128xf32, #tpu.memory_space<vmem_shared>> -> memref<5248x128xf32, #tpu.memory_space<vmem_shared>>
      tpu.wait_indirect_dma semaphore(%arg16 : memref<!tpu.dma_semaphore, #tpu.memory_space<semaphore_mem>>) src(%dma_wait3A_476 : memref<16x128xf32, #tpu.memory_space<vmem>>) dst(%dma_wait3A_482 : memref<5248x128xf32, #tpu.memory_space<vmem_shared>>)
      %dma_wait3A_483 = arith.constant 7 : i32
      %dma_wait3A_484 = arith.constant 112 : i32
      %dma_wait3A_485 = arith.constant 0 : i32
      %dma_wait3A_486 = tpu.memref_slice %arg12[%dma_wait3A_484, %dma_wait3A_485] : memref<128x128xf32, #tpu.memory_space<vmem>> -> memref<16x128xf32, #tpu.memory_space<vmem>>
      %dma_wait3A_487 = arith.constant 0 : i32
      %dma_wait3A_488 = tpu.memref_slice %arg11[%dma_wait3A_483, %dma_wait3A_487] : memref<8x16xi32, #tpu.memory_space<vmem>> -> memref<1x16xi32, #tpu.memory_space<vmem>>
      %dma_wait3A_489 = tpu.memref_squeeze %dma_wait3A_488 : memref<1x16xi32, #tpu.memory_space<vmem>> -> memref<16xi32, #tpu.memory_space<vmem>>
      %dma_wait3A_490 = arith.constant 0 : i32
      %dma_wait3A_491 = arith.constant 0 : i32
      %dma_wait3A_492 = tpu.memref_slice %arg14[%dma_wait3A_490, %dma_wait3A_491] : memref<5248x128xf32, #tpu.memory_space<vmem_shared>> -> memref<5248x128xf32, #tpu.memory_space<vmem_shared>>
      tpu.wait_indirect_dma semaphore(%arg16 : memref<!tpu.dma_semaphore, #tpu.memory_space<semaphore_mem>>) src(%dma_wait3A_486 : memref<16x128xf32, #tpu.memory_space<vmem>>) dst(%dma_wait3A_492 : memref<5248x128xf32, #tpu.memory_space<vmem_shared>>)
      %dma_wait3A_493 = arith.constant 0 : i32
      %dma_wait3A_494 = arith.constant 0 : i32
      %dma_wait3A_495 = tpu.memref_slice %arg2[%dma_wait3A_493, %dma_wait3A_494] : memref<10240x128xf32, #tpu.memory_space<hbm>> -> memref<10240x128xf32, #tpu.memory_space<hbm>>
      tpu.wait_indirect_dma semaphore(%arg15 : memref<!tpu.dma_semaphore, #tpu.memory_space<semaphore_mem>>) src(%dma_wait3A_495 : memref<10240x128xf32, #tpu.memory_space<hbm>>) dst(%arg13 : memref<128x128xf32, #tpu.memory_space<vmem>>)
      %add3A_496 = arith.constant 1 : i32
      %add3A_497 = arith.addi %scan3A_91, %add3A_496 : i32
      %lt3A_498 = arith.constant 80 : i32
      %lt3A_499 = arith.cmpi slt, %add3A_497, %lt3A_498 : i32
      %convert_element_type3A = arith.extui %lt3A_499 : i1 to i32
      %cond3A = arith.constant 0 : i32
      %cond3A_500 = arith.cmpi ne, %convert_element_type3A, %cond3A : i32
      scf.if %cond3A_500 {
        %add3A_839 = arith.constant 2 : i32
        %add3A_840 = arith.addi %mul3A_93, %add3A_839 : i32
        %get3A_841 = arith.index_cast %add3A_840 : i32 to index
        %get3A_842 = arith.constant 0 : index
        %get3A_843 = tpu.vector_load %arg7[%get3A_841, %get3A_842] {strides = array<i32>} : memref<160x128xi32, #tpu.memory_space<vmem>>, vector<1x16xi32>,
        %get3A_844 = vector.shape_cast %get3A_843 : vector<1x16xi32> to vector<16xi32>
        %swap3A_845 = arith.constant 0 : index
        %swap3A_846 = tpu.vector_load %arg9[%swap3A_845] {strides = array<i32>} : memref<128xi32, #tpu.memory_space<vmem>>, vector<16xi32>,
        %swap3A_847 = vector.shape_cast %swap3A_846 : vector<16xi32> to vector<16xi32>
        %swap3A_848 = vector.shape_cast %get3A_844 : vector<16xi32> to vector<16xi32>
        tpu.vector_store %arg9[%swap3A_845], %swap3A_848 {strides = array<i32>} : memref<128xi32, #tpu.memory_space<vmem>>, vector<16xi32>,
        %get3A_849 = arith.index_cast %add3A_840 : i32 to index
        %get3A_850 = arith.constant 16 : index
        %get3A_851 = tpu.vector_load %arg7[%get3A_849, %get3A_850] {strides = array<i32>} : memref<160x128xi32, #tpu.memory_space<vmem>>, vector<1x16xi32>,
        %get3A_852 = vector.shape_cast %get3A_851 : vector<1x16xi32> to vector<16xi32>
        %swap3A_853 = arith.constant 16 : index
        %swap3A_854 = tpu.vector_load %arg9[%swap3A_853] {strides = array<i32>} : memref<128xi32, #tpu.memory_space<vmem>>, vector<16xi32>,
        %swap3A_855 = vector.shape_cast %swap3A_854 : vector<16xi32> to vector<16xi32>
        %swap3A_856 = vector.shape_cast %get3A_852 : vector<16xi32> to vector<16xi32>
        tpu.vector_store %arg9[%swap3A_853], %swap3A_856 {strides = array<i32>} : memref<128xi32, #tpu.memory_space<vmem>>, vector<16xi32>,
        %get3A_857 = arith.index_cast %add3A_840 : i32 to index
        %get3A_858 = arith.constant 32 : index
        %get3A_859 = tpu.vector_load %arg7[%get3A_857, %get3A_858] {strides = array<i32>} : memref<160x128xi32, #tpu.memory_space<vmem>>, vector<1x16xi32>,
        %get3A_860 = vector.shape_cast %get3A_859 : vector<1x16xi32> to vector<16xi32>
        %swap3A_861 = arith.constant 32 : index
        %swap3A_862 = tpu.vector_load %arg9[%swap3A_861] {strides = array<i32>} : memref<128xi32, #tpu.memory_space<vmem>>, vector<16xi32>,
        %swap3A_863 = vector.shape_cast %swap3A_862 : vector<16xi32> to vector<16xi32>
        %swap3A_864 = vector.shape_cast %get3A_860 : vector<16xi32> to vector<16xi32>
        tpu.vector_store %arg9[%swap3A_861], %swap3A_864 {strides = array<i32>} : memref<128xi32, #tpu.memory_space<vmem>>, vector<16xi32>,
        %get3A_865 = arith.index_cast %add3A_840 : i32 to index
        %get3A_866 = arith.constant 48 : index
        %get3A_867 = tpu.vector_load %arg7[%get3A_865, %get3A_866] {strides = array<i32>} : memref<160x128xi32, #tpu.memory_space<vmem>>, vector<1x16xi32>,
        %get3A_868 = vector.shape_cast %get3A_867 : vector<1x16xi32> to vector<16xi32>
        %swap3A_869 = arith.constant 48 : index
        %swap3A_870 = tpu.vector_load %arg9[%swap3A_869] {strides = array<i32>} : memref<128xi32, #tpu.memory_space<vmem>>, vector<16xi32>,
        %swap3A_871 = vector.shape_cast %swap3A_870 : vector<16xi32> to vector<16xi32>
        %swap3A_872 = vector.shape_cast %get3A_868 : vector<16xi32> to vector<16xi32>
        tpu.vector_store %arg9[%swap3A_869], %swap3A_872 {strides = array<i32>} : memref<128xi32, #tpu.memory_space<vmem>>, vector<16xi32>,
        %get3A_873 = arith.index_cast %add3A_840 : i32 to index
        %get3A_874 = arith.constant 64 : index
        %get3A_875 = tpu.vector_load %arg7[%get3A_873, %get3A_874] {strides = array<i32>} : memref<160x128xi32, #tpu.memory_space<vmem>>, vector<1x16xi32>,
        %get3A_876 = vector.shape_cast %get3A_875 : vector<1x16xi32> to vector<16xi32>
        %swap3A_877 = arith.constant 64 : index
        %swap3A_878 = tpu.vector_load %arg9[%swap3A_877] {strides = array<i32>} : memref<128xi32, #tpu.memory_space<vmem>>, vector<16xi32>,
        %swap3A_879 = vector.shape_cast %swap3A_878 : vector<16xi32> to vector<16xi32>
        %swap3A_880 = vector.shape_cast %get3A_876 : vector<16xi32> to vector<16xi32>
        tpu.vector_store %arg9[%swap3A_877], %swap3A_880 {strides = array<i32>} : memref<128xi32, #tpu.memory_space<vmem>>, vector<16xi32>,
        %get3A_881 = arith.index_cast %add3A_840 : i32 to index
        %get3A_882 = arith.constant 80 : index
        %get3A_883 = tpu.vector_load %arg7[%get3A_881, %get3A_882] {strides = array<i32>} : memref<160x128xi32, #tpu.memory_space<vmem>>, vector<1x16xi32>,
        %get3A_884 = vector.shape_cast %get3A_883 : vector<1x16xi32> to vector<16xi32>
        %swap3A_885 = arith.constant 80 : index
        %swap3A_886 = tpu.vector_load %arg9[%swap3A_885] {strides = array<i32>} : memref<128xi32, #tpu.memory_space<vmem>>, vector<16xi32>,
        %swap3A_887 = vector.shape_cast %swap3A_886 : vector<16xi32> to vector<16xi32>
        %swap3A_888 = vector.shape_cast %get3A_884 : vector<16xi32> to vector<16xi32>
        tpu.vector_store %arg9[%swap3A_885], %swap3A_888 {strides = array<i32>} : memref<128xi32, #tpu.memory_space<vmem>>, vector<16xi32>,
        %get3A_889 = arith.index_cast %add3A_840 : i32 to index
        %get3A_890 = arith.constant 96 : index
        %get3A_891 = tpu.vector_load %arg7[%get3A_889, %get3A_890] {strides = array<i32>} : memref<160x128xi32, #tpu.memory_space<vmem>>, vector<1x16xi32>,
        %get3A_892 = vector.shape_cast %get3A_891 : vector<1x16xi32> to vector<16xi32>
        %swap3A_893 = arith.constant 96 : index
        %swap3A_894 = tpu.vector_load %arg9[%swap3A_893] {strides = array<i32>} : memref<128xi32, #tpu.memory_space<vmem>>, vector<16xi32>,
        %swap3A_895 = vector.shape_cast %swap3A_894 : vector<16xi32> to vector<16xi32>
        %swap3A_896 = vector.shape_cast %get3A_892 : vector<16xi32> to vector<16xi32>
        tpu.vector_store %arg9[%swap3A_893], %swap3A_896 {strides = array<i32>} : memref<128xi32, #tpu.memory_space<vmem>>, vector<16xi32>,
        %get3A_897 = arith.index_cast %add3A_840 : i32 to index
        %get3A_898 = arith.constant 112 : index
        %get3A_899 = tpu.vector_load %arg7[%get3A_897, %get3A_898] {strides = array<i32>} : memref<160x128xi32, #tpu.memory_space<vmem>>, vector<1x16xi32>,
        %get3A_900 = vector.shape_cast %get3A_899 : vector<1x16xi32> to vector<16xi32>
        %swap3A_901 = arith.constant 112 : index
        %swap3A_902 = tpu.vector_load %arg9[%swap3A_901] {strides = array<i32>} : memref<128xi32, #tpu.memory_space<vmem>>, vector<16xi32>,
        %swap3A_903 = vector.shape_cast %swap3A_902 : vector<16xi32> to vector<16xi32>
        %swap3A_904 = vector.shape_cast %get3A_900 : vector<16xi32> to vector<16xi32>
        tpu.vector_store %arg9[%swap3A_901], %swap3A_904 {strides = array<i32>} : memref<128xi32, #tpu.memory_space<vmem>>, vector<16xi32>,
        %dma_start3A_905 = arith.constant 0 : i32
        %dma_start3A_906 = arith.constant 0 : i32
        %dma_start3A_907 = tpu.memref_slice %arg2[%dma_start3A_905, %dma_start3A_906] : memref<10240x128xf32, #tpu.memory_space<hbm>> -> memref<10240x128xf32, #tpu.memory_space<hbm>>
        tpu.enqueue_indirect_dma source(%dma_start3A_907 : memref<10240x128xf32, #tpu.memory_space<hbm>>) target(%arg12 : memref<128x128xf32, #tpu.memory_space<vmem>>) offsets(%arg9 : memref<128xi32, #tpu.memory_space<vmem>>) semaphore(%arg15 : memref<!tpu.dma_semaphore, #tpu.memory_space<semaphore_mem>>)
      } else {
      }
      %add3A_501 = arith.constant 1 : i32
      %add3A_502 = arith.addi %mul3A_93, %add3A_501 : i32
      %get3A_503 = arith.index_cast %add3A_502 : i32 to index
      %get3A_504 = arith.constant 0 : index
      %get3A_505 = tpu.vector_load %arg8[%get3A_503, %get3A_504] {strides = array<i32>} : memref<160x128xi32, #tpu.memory_space<vmem>>, vector<1x16xi32>,
      %get3A_506 = vector.shape_cast %get3A_505 : vector<1x16xi32> to vector<16xi32>
      %sub3A_507 = vector.broadcast %mul3A_0 : i32 to vector<16xi32>
      %sub3A_508 = arith.subi %get3A_506, %sub3A_507 : vector<16xi32>
      %ge3A_509 = arith.constant 0 : i32
      %ge3A_510 = vector.broadcast %ge3A_509 : i32 to vector<16xi32>
      %ge3A_511 = arith.cmpi sge, %sub3A_508, %ge3A_510 : vector<16xi32>
      %lt3A_512 = arith.constant 5120 : i32
      %lt3A_513 = vector.broadcast %lt3A_512 : i32 to vector<16xi32>
      %lt3A_514 = arith.cmpi slt, %sub3A_508, %lt3A_513 : vector<16xi32>
      %and3A_515 = arith.andi %ge3A_511, %lt3A_514 : vector<16xi1>
      %jit3A_516 = arith.constant 5120 : i32
      %broadcast_in_dim3A_517 = vector.broadcast %jit3A_516 : i32 to vector<16xi32>
      %select_n3A_518 = arith.select %and3A_515, %sub3A_508, %broadcast_in_dim3A_517 : vector<16xi1>, vector<16xi32>
      %swap3A_519 = arith.constant 0 : i32
      %swap3A_520 = arith.index_cast %swap3A_519 : i32 to index
      %swap3A_521 = arith.constant 0 : index
      %swap3A_522 = tpu.vector_load %arg11[%swap3A_520, %swap3A_521] {strides = array<i32>} : memref<8x16xi32, #tpu.memory_space<vmem>>, vector<1x16xi32>,
      %swap3A_523 = vector.shape_cast %swap3A_522 : vector<1x16xi32> to vector<16xi32>
      %swap3A_524 = vector.shape_cast %select_n3A_518 : vector<16xi32> to vector<1x16xi32>
      tpu.vector_store %arg11[%swap3A_520, %swap3A_521], %swap3A_524 {strides = array<i32>} : memref<8x16xi32, #tpu.memory_space<vmem>>, vector<1x16xi32>,
      %get3A_525 = arith.index_cast %add3A_502 : i32 to index
      %get3A_526 = arith.constant 16 : index
      %get3A_527 = tpu.vector_load %arg8[%get3A_525, %get3A_526] {strides = array<i32>} : memref<160x128xi32, #tpu.memory_space<vmem>>, vector<1x16xi32>,
      %get3A_528 = vector.shape_cast %get3A_527 : vector<1x16xi32> to vector<16xi32>
      %sub3A_529 = vector.broadcast %mul3A_0 : i32 to vector<16xi32>
      %sub3A_530 = arith.subi %get3A_528, %sub3A_529 : vector<16xi32>
      %ge3A_531 = arith.constant 0 : i32
      %ge3A_532 = vector.broadcast %ge3A_531 : i32 to vector<16xi32>
      %ge3A_533 = arith.cmpi sge, %sub3A_530, %ge3A_532 : vector<16xi32>
      %lt3A_534 = arith.constant 5120 : i32
      %lt3A_535 = vector.broadcast %lt3A_534 : i32 to vector<16xi32>
      %lt3A_536 = arith.cmpi slt, %sub3A_530, %lt3A_535 : vector<16xi32>
      %and3A_537 = arith.andi %ge3A_533, %lt3A_536 : vector<16xi1>
      %jit3A_538 = arith.constant 5120 : i32
      %broadcast_in_dim3A_539 = vector.broadcast %jit3A_538 : i32 to vector<16xi32>
      %select_n3A_540 = arith.select %and3A_537, %sub3A_530, %broadcast_in_dim3A_539 : vector<16xi1>, vector<16xi32>
      %swap3A_541 = arith.constant 1 : i32
      %swap3A_542 = arith.index_cast %swap3A_541 : i32 to index
      %swap3A_543 = arith.constant 0 : index
      %swap3A_544 = tpu.vector_load %arg11[%swap3A_542, %swap3A_543] {strides = array<i32>} : memref<8x16xi32, #tpu.memory_space<vmem>>, vector<1x16xi32>,
      %swap3A_545 = vector.shape_cast %swap3A_544 : vector<1x16xi32> to vector<16xi32>
      %swap3A_546 = vector.shape_cast %select_n3A_540 : vector<16xi32> to vector<1x16xi32>
      tpu.vector_store %arg11[%swap3A_542, %swap3A_543], %swap3A_546 {strides = array<i32>} : memref<8x16xi32, #tpu.memory_space<vmem>>, vector<1x16xi32>,
      %get3A_547 = arith.index_cast %add3A_502 : i32 to index
      %get3A_548 = arith.constant 32 : index
      %get3A_549 = tpu.vector_load %arg8[%get3A_547, %get3A_548] {strides = array<i32>} : memref<160x128xi32, #tpu.memory_space<vmem>>, vector<1x16xi32>,
      %get3A_550 = vector.shape_cast %get3A_549 : vector<1x16xi32> to vector<16xi32>
      %sub3A_551 = vector.broadcast %mul3A_0 : i32 to vector<16xi32>
      %sub3A_552 = arith.subi %get3A_550, %sub3A_551 : vector<16xi32>
      %ge3A_553 = arith.constant 0 : i32
      %ge3A_554 = vector.broadcast %ge3A_553 : i32 to vector<16xi32>
      %ge3A_555 = arith.cmpi sge, %sub3A_552, %ge3A_554 : vector<16xi32>
      %lt3A_556 = arith.constant 5120 : i32
      %lt3A_557 = vector.broadcast %lt3A_556 : i32 to vector<16xi32>
      %lt3A_558 = arith.cmpi slt, %sub3A_552, %lt3A_557 : vector<16xi32>
      %and3A_559 = arith.andi %ge3A_555, %lt3A_558 : vector<16xi1>
      %jit3A_560 = arith.constant 5120 : i32
      %broadcast_in_dim3A_561 = vector.broadcast %jit3A_560 : i32 to vector<16xi32>
      %select_n3A_562 = arith.select %and3A_559, %sub3A_552, %broadcast_in_dim3A_561 : vector<16xi1>, vector<16xi32>
      %swap3A_563 = arith.constant 2 : i32
      %swap3A_564 = arith.index_cast %swap3A_563 : i32 to index
      %swap3A_565 = arith.constant 0 : index
      %swap3A_566 = tpu.vector_load %arg11[%swap3A_564, %swap3A_565] {strides = array<i32>} : memref<8x16xi32, #tpu.memory_space<vmem>>, vector<1x16xi32>,
      %swap3A_567 = vector.shape_cast %swap3A_566 : vector<1x16xi32> to vector<16xi32>
      %swap3A_568 = vector.shape_cast %select_n3A_562 : vector<16xi32> to vector<1x16xi32>
      tpu.vector_store %arg11[%swap3A_564, %swap3A_565], %swap3A_568 {strides = array<i32>} : memref<8x16xi32, #tpu.memory_space<vmem>>, vector<1x16xi32>,
      %get3A_569 = arith.index_cast %add3A_502 : i32 to index
      %get3A_570 = arith.constant 48 : index
      %get3A_571 = tpu.vector_load %arg8[%get3A_569, %get3A_570] {strides = array<i32>} : memref<160x128xi32, #tpu.memory_space<vmem>>, vector<1x16xi32>,
      %get3A_572 = vector.shape_cast %get3A_571 : vector<1x16xi32> to vector<16xi32>
      %sub3A_573 = vector.broadcast %mul3A_0 : i32 to vector<16xi32>
      %sub3A_574 = arith.subi %get3A_572, %sub3A_573 : vector<16xi32>
      %ge3A_575 = arith.constant 0 : i32
      %ge3A_576 = vector.broadcast %ge3A_575 : i32 to vector<16xi32>
      %ge3A_577 = arith.cmpi sge, %sub3A_574, %ge3A_576 : vector<16xi32>
      %lt3A_578 = arith.constant 5120 : i32
      %lt3A_579 = vector.broadcast %lt3A_578 : i32 to vector<16xi32>
      %lt3A_580 = arith.cmpi slt, %sub3A_574, %lt3A_579 : vector<16xi32>
      %and3A_581 = arith.andi %ge3A_577, %lt3A_580 : vector<16xi1>
      %jit3A_582 = arith.constant 5120 : i32
      %broadcast_in_dim3A_583 = vector.broadcast %jit3A_582 : i32 to vector<16xi32>
      %select_n3A_584 = arith.select %and3A_581, %sub3A_574, %broadcast_in_dim3A_583 : vector<16xi1>, vector<16xi32>
      %swap3A_585 = arith.constant 3 : i32
      %swap3A_586 = arith.index_cast %swap3A_585 : i32 to index
      %swap3A_587 = arith.constant 0 : index
      %swap3A_588 = tpu.vector_load %arg11[%swap3A_586, %swap3A_587] {strides = array<i32>} : memref<8x16xi32, #tpu.memory_space<vmem>>, vector<1x16xi32>,
      %swap3A_589 = vector.shape_cast %swap3A_588 : vector<1x16xi32> to vector<16xi32>
      %swap3A_590 = vector.shape_cast %select_n3A_584 : vector<16xi32> to vector<1x16xi32>
      tpu.vector_store %arg11[%swap3A_586, %swap3A_587], %swap3A_590 {strides = array<i32>} : memref<8x16xi32, #tpu.memory_space<vmem>>, vector<1x16xi32>,
      %get3A_591 = arith.index_cast %add3A_502 : i32 to index
      %get3A_592 = arith.constant 64 : index
      %get3A_593 = tpu.vector_load %arg8[%get3A_591, %get3A_592] {strides = array<i32>} : memref<160x128xi32, #tpu.memory_space<vmem>>, vector<1x16xi32>,
      %get3A_594 = vector.shape_cast %get3A_593 : vector<1x16xi32> to vector<16xi32>
      %sub3A_595 = vector.broadcast %mul3A_0 : i32 to vector<16xi32>
      %sub3A_596 = arith.subi %get3A_594, %sub3A_595 : vector<16xi32>
      %ge3A_597 = arith.constant 0 : i32
      %ge3A_598 = vector.broadcast %ge3A_597 : i32 to vector<16xi32>
      %ge3A_599 = arith.cmpi sge, %sub3A_596, %ge3A_598 : vector<16xi32>
      %lt3A_600 = arith.constant 5120 : i32
      %lt3A_601 = vector.broadcast %lt3A_600 : i32 to vector<16xi32>
      %lt3A_602 = arith.cmpi slt, %sub3A_596, %lt3A_601 : vector<16xi32>
      %and3A_603 = arith.andi %ge3A_599, %lt3A_602 : vector<16xi1>
      %jit3A_604 = arith.constant 5120 : i32
      %broadcast_in_dim3A_605 = vector.broadcast %jit3A_604 : i32 to vector<16xi32>
      %select_n3A_606 = arith.select %and3A_603, %sub3A_596, %broadcast_in_dim3A_605 : vector<16xi1>, vector<16xi32>
      %swap3A_607 = arith.constant 4 : i32
      %swap3A_608 = arith.index_cast %swap3A_607 : i32 to index
      %swap3A_609 = arith.constant 0 : index
      %swap3A_610 = tpu.vector_load %arg11[%swap3A_608, %swap3A_609] {strides = array<i32>} : memref<8x16xi32, #tpu.memory_space<vmem>>, vector<1x16xi32>,
      %swap3A_611 = vector.shape_cast %swap3A_610 : vector<1x16xi32> to vector<16xi32>
      %swap3A_612 = vector.shape_cast %select_n3A_606 : vector<16xi32> to vector<1x16xi32>
      tpu.vector_store %arg11[%swap3A_608, %swap3A_609], %swap3A_612 {strides = array<i32>} : memref<8x16xi32, #tpu.memory_space<vmem>>, vector<1x16xi32>,
      %get3A_613 = arith.index_cast %add3A_502 : i32 to index
      %get3A_614 = arith.constant 80 : index
      %get3A_615 = tpu.vector_load %arg8[%get3A_613, %get3A_614] {strides = array<i32>} : memref<160x128xi32, #tpu.memory_space<vmem>>, vector<1x16xi32>,
      %get3A_616 = vector.shape_cast %get3A_615 : vector<1x16xi32> to vector<16xi32>
      %sub3A_617 = vector.broadcast %mul3A_0 : i32 to vector<16xi32>
      %sub3A_618 = arith.subi %get3A_616, %sub3A_617 : vector<16xi32>
      %ge3A_619 = arith.constant 0 : i32
      %ge3A_620 = vector.broadcast %ge3A_619 : i32 to vector<16xi32>
      %ge3A_621 = arith.cmpi sge, %sub3A_618, %ge3A_620 : vector<16xi32>
      %lt3A_622 = arith.constant 5120 : i32
      %lt3A_623 = vector.broadcast %lt3A_622 : i32 to vector<16xi32>
      %lt3A_624 = arith.cmpi slt, %sub3A_618, %lt3A_623 : vector<16xi32>
      %and3A_625 = arith.andi %ge3A_621, %lt3A_624 : vector<16xi1>
      %jit3A_626 = arith.constant 5120 : i32
      %broadcast_in_dim3A_627 = vector.broadcast %jit3A_626 : i32 to vector<16xi32>
      %select_n3A_628 = arith.select %and3A_625, %sub3A_618, %broadcast_in_dim3A_627 : vector<16xi1>, vector<16xi32>
      %swap3A_629 = arith.constant 5 : i32
      %swap3A_630 = arith.index_cast %swap3A_629 : i32 to index
      %swap3A_631 = arith.constant 0 : index
      %swap3A_632 = tpu.vector_load %arg11[%swap3A_630, %swap3A_631] {strides = array<i32>} : memref<8x16xi32, #tpu.memory_space<vmem>>, vector<1x16xi32>,
      %swap3A_633 = vector.shape_cast %swap3A_632 : vector<1x16xi32> to vector<16xi32>
      %swap3A_634 = vector.shape_cast %select_n3A_628 : vector<16xi32> to vector<1x16xi32>
      tpu.vector_store %arg11[%swap3A_630, %swap3A_631], %swap3A_634 {strides = array<i32>} : memref<8x16xi32, #tpu.memory_space<vmem>>, vector<1x16xi32>,
      %get3A_635 = arith.index_cast %add3A_502 : i32 to index
      %get3A_636 = arith.constant 96 : index
      %get3A_637 = tpu.vector_load %arg8[%get3A_635, %get3A_636] {strides = array<i32>} : memref<160x128xi32, #tpu.memory_space<vmem>>, vector<1x16xi32>,
      %get3A_638 = vector.shape_cast %get3A_637 : vector<1x16xi32> to vector<16xi32>
      %sub3A_639 = vector.broadcast %mul3A_0 : i32 to vector<16xi32>
      %sub3A_640 = arith.subi %get3A_638, %sub3A_639 : vector<16xi32>
      %ge3A_641 = arith.constant 0 : i32
      %ge3A_642 = vector.broadcast %ge3A_641 : i32 to vector<16xi32>
      %ge3A_643 = arith.cmpi sge, %sub3A_640, %ge3A_642 : vector<16xi32>
      %lt3A_644 = arith.constant 5120 : i32
      %lt3A_645 = vector.broadcast %lt3A_644 : i32 to vector<16xi32>
      %lt3A_646 = arith.cmpi slt, %sub3A_640, %lt3A_645 : vector<16xi32>
      %and3A_647 = arith.andi %ge3A_643, %lt3A_646 : vector<16xi1>
      %jit3A_648 = arith.constant 5120 : i32
      %broadcast_in_dim3A_649 = vector.broadcast %jit3A_648 : i32 to vector<16xi32>
      %select_n3A_650 = arith.select %and3A_647, %sub3A_640, %broadcast_in_dim3A_649 : vector<16xi1>, vector<16xi32>
      %swap3A_651 = arith.constant 6 : i32
      %swap3A_652 = arith.index_cast %swap3A_651 : i32 to index
      %swap3A_653 = arith.constant 0 : index
      %swap3A_654 = tpu.vector_load %arg11[%swap3A_652, %swap3A_653] {strides = array<i32>} : memref<8x16xi32, #tpu.memory_space<vmem>>, vector<1x16xi32>,
      %swap3A_655 = vector.shape_cast %swap3A_654 : vector<1x16xi32> to vector<16xi32>
      %swap3A_656 = vector.shape_cast %select_n3A_650 : vector<16xi32> to vector<1x16xi32>
      tpu.vector_store %arg11[%swap3A_652, %swap3A_653], %swap3A_656 {strides = array<i32>} : memref<8x16xi32, #tpu.memory_space<vmem>>, vector<1x16xi32>,
      %get3A_657 = arith.index_cast %add3A_502 : i32 to index
      %get3A_658 = arith.constant 112 : index
      %get3A_659 = tpu.vector_load %arg8[%get3A_657, %get3A_658] {strides = array<i32>} : memref<160x128xi32, #tpu.memory_space<vmem>>, vector<1x16xi32>,
      %get3A_660 = vector.shape_cast %get3A_659 : vector<1x16xi32> to vector<16xi32>
      %sub3A_661 = vector.broadcast %mul3A_0 : i32 to vector<16xi32>
      %sub3A_662 = arith.subi %get3A_660, %sub3A_661 : vector<16xi32>
      %ge3A_663 = arith.constant 0 : i32
      %ge3A_664 = vector.broadcast %ge3A_663 : i32 to vector<16xi32>
      %ge3A_665 = arith.cmpi sge, %sub3A_662, %ge3A_664 : vector<16xi32>
      %lt3A_666 = arith.constant 5120 : i32
      %lt3A_667 = vector.broadcast %lt3A_666 : i32 to vector<16xi32>
      %lt3A_668 = arith.cmpi slt, %sub3A_662, %lt3A_667 : vector<16xi32>
      %and3A_669 = arith.andi %ge3A_665, %lt3A_668 : vector<16xi1>
      %jit3A_670 = arith.constant 5120 : i32
      %broadcast_in_dim3A_671 = vector.broadcast %jit3A_670 : i32 to vector<16xi32>
      %select_n3A_672 = arith.select %and3A_669, %sub3A_662, %broadcast_in_dim3A_671 : vector<16xi1>, vector<16xi32>
      %swap3A_673 = arith.constant 7 : i32
      %swap3A_674 = arith.index_cast %swap3A_673 : i32 to index
      %swap3A_675 = arith.constant 0 : index
      %swap3A_676 = tpu.vector_load %arg11[%swap3A_674, %swap3A_675] {strides = array<i32>} : memref<8x16xi32, #tpu.memory_space<vmem>>, vector<1x16xi32>,
      %swap3A_677 = vector.shape_cast %swap3A_676 : vector<1x16xi32> to vector<16xi32>
      %swap3A_678 = vector.shape_cast %select_n3A_672 : vector<16xi32> to vector<1x16xi32>
      tpu.vector_store %arg11[%swap3A_674, %swap3A_675], %swap3A_678 {strides = array<i32>} : memref<8x16xi32, #tpu.memory_space<vmem>>, vector<1x16xi32>,
      %dma_start3A_679 = arith.constant 0 : i32
      %dma_start3A_680 = arith.constant 0 : i32
      %dma_start3A_681 = arith.constant 0 : i32
      %dma_start3A_682 = tpu.memref_slice %arg13[%dma_start3A_680, %dma_start3A_681] : memref<128x128xf32, #tpu.memory_space<vmem>> -> memref<16x128xf32, #tpu.memory_space<vmem>>
      %dma_start3A_683 = arith.constant 0 : i32
      %dma_start3A_684 = tpu.memref_slice %arg11[%dma_start3A_679, %dma_start3A_683] : memref<8x16xi32, #tpu.memory_space<vmem>> -> memref<1x16xi32, #tpu.memory_space<vmem>>
      %dma_start3A_685 = tpu.memref_squeeze %dma_start3A_684 : memref<1x16xi32, #tpu.memory_space<vmem>> -> memref<16xi32, #tpu.memory_space<vmem>>
      %dma_start3A_686 = arith.constant 0 : i32
      %dma_start3A_687 = arith.constant 0 : i32
      %dma_start3A_688 = tpu.memref_slice %arg14[%dma_start3A_686, %dma_start3A_687] : memref<5248x128xf32, #tpu.memory_space<vmem_shared>> -> memref<5248x128xf32, #tpu.memory_space<vmem_shared>>
      tpu.enqueue_indirect_dma source(%dma_start3A_682 : memref<16x128xf32, #tpu.memory_space<vmem>>) target(%dma_start3A_688 : memref<5248x128xf32, #tpu.memory_space<vmem_shared>>) offsets(%dma_start3A_685 : memref<16xi32, #tpu.memory_space<vmem>>) semaphore(%arg16 : memref<!tpu.dma_semaphore, #tpu.memory_space<semaphore_mem>>) {add = true}
      %dma_start3A_689 = arith.constant 1 : i32
      %dma_start3A_690 = arith.constant 16 : i32
      %dma_start3A_691 = arith.constant 0 : i32
      %dma_start3A_692 = tpu.memref_slice %arg13[%dma_start3A_690, %dma_start3A_691] : memref<128x128xf32, #tpu.memory_space<vmem>> -> memref<16x128xf32, #tpu.memory_space<vmem>>
      %dma_start3A_693 = arith.constant 0 : i32
      %dma_start3A_694 = tpu.memref_slice %arg11[%dma_start3A_689, %dma_start3A_693] : memref<8x16xi32, #tpu.memory_space<vmem>> -> memref<1x16xi32, #tpu.memory_space<vmem>>
      %dma_start3A_695 = tpu.memref_squeeze %dma_start3A_694 : memref<1x16xi32, #tpu.memory_space<vmem>> -> memref<16xi32, #tpu.memory_space<vmem>>
      %dma_start3A_696 = arith.constant 0 : i32
      %dma_start3A_697 = arith.constant 0 : i32
      %dma_start3A_698 = tpu.memref_slice %arg14[%dma_start3A_696, %dma_start3A_697] : memref<5248x128xf32, #tpu.memory_space<vmem_shared>> -> memref<5248x128xf32, #tpu.memory_space<vmem_shared>>
      tpu.enqueue_indirect_dma source(%dma_start3A_692 : memref<16x128xf32, #tpu.memory_space<vmem>>) target(%dma_start3A_698 : memref<5248x128xf32, #tpu.memory_space<vmem_shared>>) offsets(%dma_start3A_695 : memref<16xi32, #tpu.memory_space<vmem>>) semaphore(%arg16 : memref<!tpu.dma_semaphore, #tpu.memory_space<semaphore_mem>>) {add = true}
      %dma_start3A_699 = arith.constant 2 : i32
      %dma_start3A_700 = arith.constant 32 : i32
      %dma_start3A_701 = arith.constant 0 : i32
      %dma_start3A_702 = tpu.memref_slice %arg13[%dma_start3A_700, %dma_start3A_701] : memref<128x128xf32, #tpu.memory_space<vmem>> -> memref<16x128xf32, #tpu.memory_space<vmem>>
      %dma_start3A_703 = arith.constant 0 : i32
      %dma_start3A_704 = tpu.memref_slice %arg11[%dma_start3A_699, %dma_start3A_703] : memref<8x16xi32, #tpu.memory_space<vmem>> -> memref<1x16xi32, #tpu.memory_space<vmem>>
      %dma_start3A_705 = tpu.memref_squeeze %dma_start3A_704 : memref<1x16xi32, #tpu.memory_space<vmem>> -> memref<16xi32, #tpu.memory_space<vmem>>
      %dma_start3A_706 = arith.constant 0 : i32
      %dma_start3A_707 = arith.constant 0 : i32
      %dma_start3A_708 = tpu.memref_slice %arg14[%dma_start3A_706, %dma_start3A_707] : memref<5248x128xf32, #tpu.memory_space<vmem_shared>> -> memref<5248x128xf32, #tpu.memory_space<vmem_shared>>
      tpu.enqueue_indirect_dma source(%dma_start3A_702 : memref<16x128xf32, #tpu.memory_space<vmem>>) target(%dma_start3A_708 : memref<5248x128xf32, #tpu.memory_space<vmem_shared>>) offsets(%dma_start3A_705 : memref<16xi32, #tpu.memory_space<vmem>>) semaphore(%arg16 : memref<!tpu.dma_semaphore, #tpu.memory_space<semaphore_mem>>) {add = true}
      %dma_start3A_709 = arith.constant 3 : i32
      %dma_start3A_710 = arith.constant 48 : i32
      %dma_start3A_711 = arith.constant 0 : i32
      %dma_start3A_712 = tpu.memref_slice %arg13[%dma_start3A_710, %dma_start3A_711] : memref<128x128xf32, #tpu.memory_space<vmem>> -> memref<16x128xf32, #tpu.memory_space<vmem>>
      %dma_start3A_713 = arith.constant 0 : i32
      %dma_start3A_714 = tpu.memref_slice %arg11[%dma_start3A_709, %dma_start3A_713] : memref<8x16xi32, #tpu.memory_space<vmem>> -> memref<1x16xi32, #tpu.memory_space<vmem>>
      %dma_start3A_715 = tpu.memref_squeeze %dma_start3A_714 : memref<1x16xi32, #tpu.memory_space<vmem>> -> memref<16xi32, #tpu.memory_space<vmem>>
      %dma_start3A_716 = arith.constant 0 : i32
      %dma_start3A_717 = arith.constant 0 : i32
      %dma_start3A_718 = tpu.memref_slice %arg14[%dma_start3A_716, %dma_start3A_717] : memref<5248x128xf32, #tpu.memory_space<vmem_shared>> -> memref<5248x128xf32, #tpu.memory_space<vmem_shared>>
      tpu.enqueue_indirect_dma source(%dma_start3A_712 : memref<16x128xf32, #tpu.memory_space<vmem>>) target(%dma_start3A_718 : memref<5248x128xf32, #tpu.memory_space<vmem_shared>>) offsets(%dma_start3A_715 : memref<16xi32, #tpu.memory_space<vmem>>) semaphore(%arg16 : memref<!tpu.dma_semaphore, #tpu.memory_space<semaphore_mem>>) {add = true}
      %dma_start3A_719 = arith.constant 4 : i32
      %dma_start3A_720 = arith.constant 64 : i32
      %dma_start3A_721 = arith.constant 0 : i32
      %dma_start3A_722 = tpu.memref_slice %arg13[%dma_start3A_720, %dma_start3A_721] : memref<128x128xf32, #tpu.memory_space<vmem>> -> memref<16x128xf32, #tpu.memory_space<vmem>>
      %dma_start3A_723 = arith.constant 0 : i32
      %dma_start3A_724 = tpu.memref_slice %arg11[%dma_start3A_719, %dma_start3A_723] : memref<8x16xi32, #tpu.memory_space<vmem>> -> memref<1x16xi32, #tpu.memory_space<vmem>>
      %dma_start3A_725 = tpu.memref_squeeze %dma_start3A_724 : memref<1x16xi32, #tpu.memory_space<vmem>> -> memref<16xi32, #tpu.memory_space<vmem>>
      %dma_start3A_726 = arith.constant 0 : i32
      %dma_start3A_727 = arith.constant 0 : i32
      %dma_start3A_728 = tpu.memref_slice %arg14[%dma_start3A_726, %dma_start3A_727] : memref<5248x128xf32, #tpu.memory_space<vmem_shared>> -> memref<5248x128xf32, #tpu.memory_space<vmem_shared>>
      tpu.enqueue_indirect_dma source(%dma_start3A_722 : memref<16x128xf32, #tpu.memory_space<vmem>>) target(%dma_start3A_728 : memref<5248x128xf32, #tpu.memory_space<vmem_shared>>) offsets(%dma_start3A_725 : memref<16xi32, #tpu.memory_space<vmem>>) semaphore(%arg16 : memref<!tpu.dma_semaphore, #tpu.memory_space<semaphore_mem>>) {add = true}
      %dma_start3A_729 = arith.constant 5 : i32
      %dma_start3A_730 = arith.constant 80 : i32
      %dma_start3A_731 = arith.constant 0 : i32
      %dma_start3A_732 = tpu.memref_slice %arg13[%dma_start3A_730, %dma_start3A_731] : memref<128x128xf32, #tpu.memory_space<vmem>> -> memref<16x128xf32, #tpu.memory_space<vmem>>
      %dma_start3A_733 = arith.constant 0 : i32
      %dma_start3A_734 = tpu.memref_slice %arg11[%dma_start3A_729, %dma_start3A_733] : memref<8x16xi32, #tpu.memory_space<vmem>> -> memref<1x16xi32, #tpu.memory_space<vmem>>
      %dma_start3A_735 = tpu.memref_squeeze %dma_start3A_734 : memref<1x16xi32, #tpu.memory_space<vmem>> -> memref<16xi32, #tpu.memory_space<vmem>>
      %dma_start3A_736 = arith.constant 0 : i32
      %dma_start3A_737 = arith.constant 0 : i32
      %dma_start3A_738 = tpu.memref_slice %arg14[%dma_start3A_736, %dma_start3A_737] : memref<5248x128xf32, #tpu.memory_space<vmem_shared>> -> memref<5248x128xf32, #tpu.memory_space<vmem_shared>>
      tpu.enqueue_indirect_dma source(%dma_start3A_732 : memref<16x128xf32, #tpu.memory_space<vmem>>) target(%dma_start3A_738 : memref<5248x128xf32, #tpu.memory_space<vmem_shared>>) offsets(%dma_start3A_735 : memref<16xi32, #tpu.memory_space<vmem>>) semaphore(%arg16 : memref<!tpu.dma_semaphore, #tpu.memory_space<semaphore_mem>>) {add = true}
      %dma_start3A_739 = arith.constant 6 : i32
      %dma_start3A_740 = arith.constant 96 : i32
      %dma_start3A_741 = arith.constant 0 : i32
      %dma_start3A_742 = tpu.memref_slice %arg13[%dma_start3A_740, %dma_start3A_741] : memref<128x128xf32, #tpu.memory_space<vmem>> -> memref<16x128xf32, #tpu.memory_space<vmem>>
      %dma_start3A_743 = arith.constant 0 : i32
      %dma_start3A_744 = tpu.memref_slice %arg11[%dma_start3A_739, %dma_start3A_743] : memref<8x16xi32, #tpu.memory_space<vmem>> -> memref<1x16xi32, #tpu.memory_space<vmem>>
      %dma_start3A_745 = tpu.memref_squeeze %dma_start3A_744 : memref<1x16xi32, #tpu.memory_space<vmem>> -> memref<16xi32, #tpu.memory_space<vmem>>
      %dma_start3A_746 = arith.constant 0 : i32
      %dma_start3A_747 = arith.constant 0 : i32
      %dma_start3A_748 = tpu.memref_slice %arg14[%dma_start3A_746, %dma_start3A_747] : memref<5248x128xf32, #tpu.memory_space<vmem_shared>> -> memref<5248x128xf32, #tpu.memory_space<vmem_shared>>
      tpu.enqueue_indirect_dma source(%dma_start3A_742 : memref<16x128xf32, #tpu.memory_space<vmem>>) target(%dma_start3A_748 : memref<5248x128xf32, #tpu.memory_space<vmem_shared>>) offsets(%dma_start3A_745 : memref<16xi32, #tpu.memory_space<vmem>>) semaphore(%arg16 : memref<!tpu.dma_semaphore, #tpu.memory_space<semaphore_mem>>) {add = true}
      %dma_start3A_749 = arith.constant 7 : i32
      %dma_start3A_750 = arith.constant 112 : i32
      %dma_start3A_751 = arith.constant 0 : i32
      %dma_start3A_752 = tpu.memref_slice %arg13[%dma_start3A_750, %dma_start3A_751] : memref<128x128xf32, #tpu.memory_space<vmem>> -> memref<16x128xf32, #tpu.memory_space<vmem>>
      %dma_start3A_753 = arith.constant 0 : i32
      %dma_start3A_754 = tpu.memref_slice %arg11[%dma_start3A_749, %dma_start3A_753] : memref<8x16xi32, #tpu.memory_space<vmem>> -> memref<1x16xi32, #tpu.memory_space<vmem>>
      %dma_start3A_755 = tpu.memref_squeeze %dma_start3A_754 : memref<1x16xi32, #tpu.memory_space<vmem>> -> memref<16xi32, #tpu.memory_space<vmem>>
      %dma_start3A_756 = arith.constant 0 : i32
      %dma_start3A_757 = arith.constant 0 : i32
      %dma_start3A_758 = tpu.memref_slice %arg14[%dma_start3A_756, %dma_start3A_757] : memref<5248x128xf32, #tpu.memory_space<vmem_shared>> -> memref<5248x128xf32, #tpu.memory_space<vmem_shared>>
      tpu.enqueue_indirect_dma source(%dma_start3A_752 : memref<16x128xf32, #tpu.memory_space<vmem>>) target(%dma_start3A_758 : memref<5248x128xf32, #tpu.memory_space<vmem_shared>>) offsets(%dma_start3A_755 : memref<16xi32, #tpu.memory_space<vmem>>) semaphore(%arg16 : memref<!tpu.dma_semaphore, #tpu.memory_space<semaphore_mem>>) {add = true}
      %dma_wait3A_759 = arith.constant 0 : i32
      %dma_wait3A_760 = arith.constant 0 : i32
      %dma_wait3A_761 = arith.constant 0 : i32
      %dma_wait3A_762 = tpu.memref_slice %arg13[%dma_wait3A_760, %dma_wait3A_761] : memref<128x128xf32, #tpu.memory_space<vmem>> -> memref<16x128xf32, #tpu.memory_space<vmem>>
      %dma_wait3A_763 = arith.constant 0 : i32
      %dma_wait3A_764 = tpu.memref_slice %arg11[%dma_wait3A_759, %dma_wait3A_763] : memref<8x16xi32, #tpu.memory_space<vmem>> -> memref<1x16xi32, #tpu.memory_space<vmem>>
      %dma_wait3A_765 = tpu.memref_squeeze %dma_wait3A_764 : memref<1x16xi32, #tpu.memory_space<vmem>> -> memref<16xi32, #tpu.memory_space<vmem>>
      %dma_wait3A_766 = arith.constant 0 : i32
      %dma_wait3A_767 = arith.constant 0 : i32
      %dma_wait3A_768 = tpu.memref_slice %arg14[%dma_wait3A_766, %dma_wait3A_767] : memref<5248x128xf32, #tpu.memory_space<vmem_shared>> -> memref<5248x128xf32, #tpu.memory_space<vmem_shared>>
      tpu.wait_indirect_dma semaphore(%arg16 : memref<!tpu.dma_semaphore, #tpu.memory_space<semaphore_mem>>) src(%dma_wait3A_762 : memref<16x128xf32, #tpu.memory_space<vmem>>) dst(%dma_wait3A_768 : memref<5248x128xf32, #tpu.memory_space<vmem_shared>>)
      %dma_wait3A_769 = arith.constant 1 : i32
      %dma_wait3A_770 = arith.constant 16 : i32
      %dma_wait3A_771 = arith.constant 0 : i32
      %dma_wait3A_772 = tpu.memref_slice %arg13[%dma_wait3A_770, %dma_wait3A_771] : memref<128x128xf32, #tpu.memory_space<vmem>> -> memref<16x128xf32, #tpu.memory_space<vmem>>
      %dma_wait3A_773 = arith.constant 0 : i32
      %dma_wait3A_774 = tpu.memref_slice %arg11[%dma_wait3A_769, %dma_wait3A_773] : memref<8x16xi32, #tpu.memory_space<vmem>> -> memref<1x16xi32, #tpu.memory_space<vmem>>
      %dma_wait3A_775 = tpu.memref_squeeze %dma_wait3A_774 : memref<1x16xi32, #tpu.memory_space<vmem>> -> memref<16xi32, #tpu.memory_space<vmem>>
      %dma_wait3A_776 = arith.constant 0 : i32
      %dma_wait3A_777 = arith.constant 0 : i32
      %dma_wait3A_778 = tpu.memref_slice %arg14[%dma_wait3A_776, %dma_wait3A_777] : memref<5248x128xf32, #tpu.memory_space<vmem_shared>> -> memref<5248x128xf32, #tpu.memory_space<vmem_shared>>
      tpu.wait_indirect_dma semaphore(%arg16 : memref<!tpu.dma_semaphore, #tpu.memory_space<semaphore_mem>>) src(%dma_wait3A_772 : memref<16x128xf32, #tpu.memory_space<vmem>>) dst(%dma_wait3A_778 : memref<5248x128xf32, #tpu.memory_space<vmem_shared>>)
      %dma_wait3A_779 = arith.constant 2 : i32
      %dma_wait3A_780 = arith.constant 32 : i32
      %dma_wait3A_781 = arith.constant 0 : i32
      %dma_wait3A_782 = tpu.memref_slice %arg13[%dma_wait3A_780, %dma_wait3A_781] : memref<128x128xf32, #tpu.memory_space<vmem>> -> memref<16x128xf32, #tpu.memory_space<vmem>>
      %dma_wait3A_783 = arith.constant 0 : i32
      %dma_wait3A_784 = tpu.memref_slice %arg11[%dma_wait3A_779, %dma_wait3A_783] : memref<8x16xi32, #tpu.memory_space<vmem>> -> memref<1x16xi32, #tpu.memory_space<vmem>>
      %dma_wait3A_785 = tpu.memref_squeeze %dma_wait3A_784 : memref<1x16xi32, #tpu.memory_space<vmem>> -> memref<16xi32, #tpu.memory_space<vmem>>
      %dma_wait3A_786 = arith.constant 0 : i32
      %dma_wait3A_787 = arith.constant 0 : i32
      %dma_wait3A_788 = tpu.memref_slice %arg14[%dma_wait3A_786, %dma_wait3A_787] : memref<5248x128xf32, #tpu.memory_space<vmem_shared>> -> memref<5248x128xf32, #tpu.memory_space<vmem_shared>>
      tpu.wait_indirect_dma semaphore(%arg16 : memref<!tpu.dma_semaphore, #tpu.memory_space<semaphore_mem>>) src(%dma_wait3A_782 : memref<16x128xf32, #tpu.memory_space<vmem>>) dst(%dma_wait3A_788 : memref<5248x128xf32, #tpu.memory_space<vmem_shared>>)
      %dma_wait3A_789 = arith.constant 3 : i32
      %dma_wait3A_790 = arith.constant 48 : i32
      %dma_wait3A_791 = arith.constant 0 : i32
      %dma_wait3A_792 = tpu.memref_slice %arg13[%dma_wait3A_790, %dma_wait3A_791] : memref<128x128xf32, #tpu.memory_space<vmem>> -> memref<16x128xf32, #tpu.memory_space<vmem>>
      %dma_wait3A_793 = arith.constant 0 : i32
      %dma_wait3A_794 = tpu.memref_slice %arg11[%dma_wait3A_789, %dma_wait3A_793] : memref<8x16xi32, #tpu.memory_space<vmem>> -> memref<1x16xi32, #tpu.memory_space<vmem>>
      %dma_wait3A_795 = tpu.memref_squeeze %dma_wait3A_794 : memref<1x16xi32, #tpu.memory_space<vmem>> -> memref<16xi32, #tpu.memory_space<vmem>>
      %dma_wait3A_796 = arith.constant 0 : i32
      %dma_wait3A_797 = arith.constant 0 : i32
      %dma_wait3A_798 = tpu.memref_slice %arg14[%dma_wait3A_796, %dma_wait3A_797] : memref<5248x128xf32, #tpu.memory_space<vmem_shared>> -> memref<5248x128xf32, #tpu.memory_space<vmem_shared>>
      tpu.wait_indirect_dma semaphore(%arg16 : memref<!tpu.dma_semaphore, #tpu.memory_space<semaphore_mem>>) src(%dma_wait3A_792 : memref<16x128xf32, #tpu.memory_space<vmem>>) dst(%dma_wait3A_798 : memref<5248x128xf32, #tpu.memory_space<vmem_shared>>)
      %dma_wait3A_799 = arith.constant 4 : i32
      %dma_wait3A_800 = arith.constant 64 : i32
      %dma_wait3A_801 = arith.constant 0 : i32
      %dma_wait3A_802 = tpu.memref_slice %arg13[%dma_wait3A_800, %dma_wait3A_801] : memref<128x128xf32, #tpu.memory_space<vmem>> -> memref<16x128xf32, #tpu.memory_space<vmem>>
      %dma_wait3A_803 = arith.constant 0 : i32
      %dma_wait3A_804 = tpu.memref_slice %arg11[%dma_wait3A_799, %dma_wait3A_803] : memref<8x16xi32, #tpu.memory_space<vmem>> -> memref<1x16xi32, #tpu.memory_space<vmem>>
      %dma_wait3A_805 = tpu.memref_squeeze %dma_wait3A_804 : memref<1x16xi32, #tpu.memory_space<vmem>> -> memref<16xi32, #tpu.memory_space<vmem>>
      %dma_wait3A_806 = arith.constant 0 : i32
      %dma_wait3A_807 = arith.constant 0 : i32
      %dma_wait3A_808 = tpu.memref_slice %arg14[%dma_wait3A_806, %dma_wait3A_807] : memref<5248x128xf32, #tpu.memory_space<vmem_shared>> -> memref<5248x128xf32, #tpu.memory_space<vmem_shared>>
      tpu.wait_indirect_dma semaphore(%arg16 : memref<!tpu.dma_semaphore, #tpu.memory_space<semaphore_mem>>) src(%dma_wait3A_802 : memref<16x128xf32, #tpu.memory_space<vmem>>) dst(%dma_wait3A_808 : memref<5248x128xf32, #tpu.memory_space<vmem_shared>>)
      %dma_wait3A_809 = arith.constant 5 : i32
      %dma_wait3A_810 = arith.constant 80 : i32
      %dma_wait3A_811 = arith.constant 0 : i32
      %dma_wait3A_812 = tpu.memref_slice %arg13[%dma_wait3A_810, %dma_wait3A_811] : memref<128x128xf32, #tpu.memory_space<vmem>> -> memref<16x128xf32, #tpu.memory_space<vmem>>
      %dma_wait3A_813 = arith.constant 0 : i32
      %dma_wait3A_814 = tpu.memref_slice %arg11[%dma_wait3A_809, %dma_wait3A_813] : memref<8x16xi32, #tpu.memory_space<vmem>> -> memref<1x16xi32, #tpu.memory_space<vmem>>
      %dma_wait3A_815 = tpu.memref_squeeze %dma_wait3A_814 : memref<1x16xi32, #tpu.memory_space<vmem>> -> memref<16xi32, #tpu.memory_space<vmem>>
      %dma_wait3A_816 = arith.constant 0 : i32
      %dma_wait3A_817 = arith.constant 0 : i32
      %dma_wait3A_818 = tpu.memref_slice %arg14[%dma_wait3A_816, %dma_wait3A_817] : memref<5248x128xf32, #tpu.memory_space<vmem_shared>> -> memref<5248x128xf32, #tpu.memory_space<vmem_shared>>
      tpu.wait_indirect_dma semaphore(%arg16 : memref<!tpu.dma_semaphore, #tpu.memory_space<semaphore_mem>>) src(%dma_wait3A_812 : memref<16x128xf32, #tpu.memory_space<vmem>>) dst(%dma_wait3A_818 : memref<5248x128xf32, #tpu.memory_space<vmem_shared>>)
      %dma_wait3A_819 = arith.constant 6 : i32
      %dma_wait3A_820 = arith.constant 96 : i32
      %dma_wait3A_821 = arith.constant 0 : i32
      %dma_wait3A_822 = tpu.memref_slice %arg13[%dma_wait3A_820, %dma_wait3A_821] : memref<128x128xf32, #tpu.memory_space<vmem>> -> memref<16x128xf32, #tpu.memory_space<vmem>>
      %dma_wait3A_823 = arith.constant 0 : i32
      %dma_wait3A_824 = tpu.memref_slice %arg11[%dma_wait3A_819, %dma_wait3A_823] : memref<8x16xi32, #tpu.memory_space<vmem>> -> memref<1x16xi32, #tpu.memory_space<vmem>>
      %dma_wait3A_825 = tpu.memref_squeeze %dma_wait3A_824 : memref<1x16xi32, #tpu.memory_space<vmem>> -> memref<16xi32, #tpu.memory_space<vmem>>
      %dma_wait3A_826 = arith.constant 0 : i32
      %dma_wait3A_827 = arith.constant 0 : i32
      %dma_wait3A_828 = tpu.memref_slice %arg14[%dma_wait3A_826, %dma_wait3A_827] : memref<5248x128xf32, #tpu.memory_space<vmem_shared>> -> memref<5248x128xf32, #tpu.memory_space<vmem_shared>>
      tpu.wait_indirect_dma semaphore(%arg16 : memref<!tpu.dma_semaphore, #tpu.memory_space<semaphore_mem>>) src(%dma_wait3A_822 : memref<16x128xf32, #tpu.memory_space<vmem>>) dst(%dma_wait3A_828 : memref<5248x128xf32, #tpu.memory_space<vmem_shared>>)
      %dma_wait3A_829 = arith.constant 7 : i32
      %dma_wait3A_830 = arith.constant 112 : i32
      %dma_wait3A_831 = arith.constant 0 : i32
      %dma_wait3A_832 = tpu.memref_slice %arg13[%dma_wait3A_830, %dma_wait3A_831] : memref<128x128xf32, #tpu.memory_space<vmem>> -> memref<16x128xf32, #tpu.memory_space<vmem>>
      %dma_wait3A_833 = arith.constant 0 : i32
      %dma_wait3A_834 = tpu.memref_slice %arg11[%dma_wait3A_829, %dma_wait3A_833] : memref<8x16xi32, #tpu.memory_space<vmem>> -> memref<1x16xi32, #tpu.memory_space<vmem>>
      %dma_wait3A_835 = tpu.memref_squeeze %dma_wait3A_834 : memref<1x16xi32, #tpu.memory_space<vmem>> -> memref<16xi32, #tpu.memory_space<vmem>>
      %dma_wait3A_836 = arith.constant 0 : i32
      %dma_wait3A_837 = arith.constant 0 : i32
      %dma_wait3A_838 = tpu.memref_slice %arg14[%dma_wait3A_836, %dma_wait3A_837] : memref<5248x128xf32, #tpu.memory_space<vmem_shared>> -> memref<5248x128xf32, #tpu.memory_space<vmem_shared>>
      tpu.wait_indirect_dma semaphore(%arg16 : memref<!tpu.dma_semaphore, #tpu.memory_space<semaphore_mem>>) src(%dma_wait3A_832 : memref<16x128xf32, #tpu.memory_space<vmem>>) dst(%dma_wait3A_838 : memref<5248x128xf32, #tpu.memory_space<vmem_shared>>)
    }
    %scan3A_85 = arith.constant 80 : i32
    %barrier3A_86 = arith.constant 0 : index
    tpu.barrier barrier_id(%barrier3A_86)
    %mul3A_87 = arith.constant 328 : i32
    %mul3A_88 = arith.muli %arg1, %mul3A_87 : i32
    %mul3A_89 = arith.constant 328 : i32
    %mul3A_90 = arith.muli %arg1, %mul3A_89 : i32
    "tpu.region"() ({
      %run_scoped3A = tpu.sem_alloc : memref<!tpu.dma_semaphore, #tpu.memory_space<semaphore_mem>>
      %dma_start3A_91 = arith.constant 0 : i32
      %dma_start3A_92 = tpu.memref_slice %arg6[%arg0, %mul3A_90, %dma_start3A_91] : memref<2x5248x128xf32, #tpu.memory_space<hbm>> -> memref<1x328x128xf32, #tpu.memory_space<hbm>>
      %dma_start3A_93 = tpu.memref_squeeze %dma_start3A_92 : memref<1x328x128xf32, #tpu.memory_space<hbm>> -> memref<328x128xf32, #tpu.memory_space<hbm>>
      %dma_start3A_94 = arith.constant 0 : i32
      %dma_start3A_95 = tpu.memref_slice %arg14[%mul3A_88, %dma_start3A_94] : memref<5248x128xf32, #tpu.memory_space<vmem_shared>> -> memref<328x128xf32, #tpu.memory_space<vmem_shared>>
      tpu.enqueue_dma source(%dma_start3A_95 : memref<328x128xf32, #tpu.memory_space<vmem_shared>>) target(%dma_start3A_93 : memref<328x128xf32, #tpu.memory_space<hbm>>) target_semaphore(%run_scoped3A : memref<!tpu.dma_semaphore, #tpu.memory_space<semaphore_mem>>)
      %dma_wait3A = arith.constant 0 : i32
      %dma_wait3A_96 = tpu.memref_slice %arg6[%arg0, %mul3A_90, %dma_wait3A] : memref<2x5248x128xf32, #tpu.memory_space<hbm>> -> memref<1x328x128xf32, #tpu.memory_space<hbm>>
      %dma_wait3A_97 = tpu.memref_squeeze %dma_wait3A_96 : memref<1x328x128xf32, #tpu.memory_space<hbm>> -> memref<328x128xf32, #tpu.memory_space<hbm>>
      %dma_wait3A_98 = arith.constant 0 : i32
      %dma_wait3A_99 = tpu.memref_slice %arg14[%mul3A_88, %dma_wait3A_98] : memref<5248x128xf32, #tpu.memory_space<vmem_shared>> -> memref<328x128xf32, #tpu.memory_space<vmem_shared>>
      tpu.wait_dma2 semaphore(%run_scoped3A : memref<!tpu.dma_semaphore, #tpu.memory_space<semaphore_mem>>) src(%dma_wait3A_99 : memref<328x128xf32, #tpu.memory_space<vmem_shared>>) dst(%dma_wait3A_97 : memref<328x128xf32, #tpu.memory_space<hbm>>)
      tpu.yield
    }) : () -> ()
    return
  }
}

#map = affine_map<(d0, d1) -> (0, 0)>
#map1 = affine_map<(d0, d1) -> (0, 0, 0)>
module attributes {stable_mosaic.version = 14 : i64} {
  func.func @_scat_body(%arg0: i32, %arg1: i32, %arg2: memref<10240x128xf32, #tpu.memory_space<hbm>>, %arg3: memref<2560x128xi32, #tpu.memory_space<hbm>>, %arg4: memref<2560x128xi32, #tpu.memory_space<hbm>>, %arg5: memref<5248x128xf32, #tpu.memory_space<hbm>>, %arg6: memref<2x5248x128xf32, #tpu.memory_space<hbm>>, %arg7: memref<160x128xi32, #tpu.memory_space<vmem>>, %arg8: memref<160x128xi32, #tpu.memory_space<vmem>>, %arg9: memref<128xi32, #tpu.memory_space<vmem>>, %arg10: memref<128xi32, #tpu.memory_space<vmem>>, %arg11: memref<8x16xi32, #tpu.memory_space<vmem>>, %arg12: memref<128x128xf32, #tpu.memory_space<vmem>>, %arg13: memref<128x128xf32, #tpu.memory_space<vmem>>, %arg14: memref<5248x128xf32, #tpu.memory_space<vmem_shared>>, %arg15: memref<!tpu.dma_semaphore, #tpu.memory_space<semaphore_mem>>, %arg16: memref<!tpu.dma_semaphore, #tpu.memory_space<semaphore_mem>>) attributes {dimension_semantics = [#tpu.dimension_semantics<core_parallel>, #tpu.dimension_semantics<subcore_parallel>], iteration_bounds = array<i64: 2, 16>, scalar_prefetch = 0 : i64, scratch_operands = 10 : i64, tpu.core_type = #tpu.core_type<sc_vector_subcore>, window_params = [{transform_indices = #map}, {transform_indices = #map}, {transform_indices = #map}, {transform_indices = #map}, {transform_indices = #map1}]} {
    %mul3A = arith.constant 5120 : i32
    %mul3A_0 = arith.muli %arg0, %mul3A : i32
    %mul3A_1 = arith.constant 328 : i32
    %mul3A_2 = arith.muli %arg1, %mul3A_1 : i32
    %mul3A_3 = arith.constant 328 : i32
    %mul3A_4 = arith.muli %arg1, %mul3A_3 : i32
    "tpu.region"() ({
      %run_scoped3A = tpu.sem_alloc : memref<!tpu.dma_semaphore, #tpu.memory_space<semaphore_mem>>
      %dma_start3A_91 = arith.constant 0 : i32
      %dma_start3A_92 = tpu.memref_slice %arg14[%mul3A_4, %dma_start3A_91] : memref<5248x128xf32, #tpu.memory_space<vmem_shared>> -> memref<328x128xf32, #tpu.memory_space<vmem_shared>>
      %dma_start3A_93 = arith.constant 0 : i32
      %dma_start3A_94 = tpu.memref_slice %arg5[%mul3A_2, %dma_start3A_93] : memref<5248x128xf32, #tpu.memory_space<hbm>> -> memref<328x128xf32, #tpu.memory_space<hbm>>
      tpu.enqueue_dma source(%dma_start3A_94 : memref<328x128xf32, #tpu.memory_space<hbm>>) target(%dma_start3A_92 : memref<328x128xf32, #tpu.memory_space<vmem_shared>>) target_semaphore(%run_scoped3A : memref<!tpu.dma_semaphore, #tpu.memory_space<semaphore_mem>>)
      %dma_wait3A = arith.constant 0 : i32
      %dma_wait3A_95 = tpu.memref_slice %arg14[%mul3A_4, %dma_wait3A] : memref<5248x128xf32, #tpu.memory_space<vmem_shared>> -> memref<328x128xf32, #tpu.memory_space<vmem_shared>>
      %dma_wait3A_96 = arith.constant 0 : i32
      %dma_wait3A_97 = tpu.memref_slice %arg5[%mul3A_2, %dma_wait3A_96] : memref<5248x128xf32, #tpu.memory_space<hbm>> -> memref<328x128xf32, #tpu.memory_space<hbm>>
      tpu.wait_dma2 semaphore(%run_scoped3A : memref<!tpu.dma_semaphore, #tpu.memory_space<semaphore_mem>>) src(%dma_wait3A_97 : memref<328x128xf32, #tpu.memory_space<hbm>>) dst(%dma_wait3A_95 : memref<328x128xf32, #tpu.memory_space<vmem_shared>>)
      tpu.yield
    }) : () -> ()
    %mul3A_5 = arith.constant 160 : i32
    %mul3A_6 = arith.muli %arg1, %mul3A_5 : i32
    "tpu.region"() ({
      %run_scoped3A = tpu.sem_alloc : memref<!tpu.dma_semaphore, #tpu.memory_space<semaphore_mem>>
      %dma_start3A_91 = arith.constant 0 : i32
      %dma_start3A_92 = tpu.memref_slice %arg3[%mul3A_6, %dma_start3A_91] : memref<2560x128xi32, #tpu.memory_space<hbm>> -> memref<160x128xi32, #tpu.memory_space<hbm>>
      %dma_start3A_93 = arith.constant 0 : i32
      %dma_start3A_94 = tpu.memref_slice %arg3[%mul3A_6, %dma_start3A_93] : memref<2560x128xi32, #tpu.memory_space<hbm>> -> memref<160x128xi32, #tpu.memory_space<hbm>>
      tpu.enqueue_dma source(%dma_start3A_94 : memref<160x128xi32, #tpu.memory_space<hbm>>) target(%arg7 : memref<160x128xi32, #tpu.memory_space<vmem>>) target_semaphore(%run_scoped3A : memref<!tpu.dma_semaphore, #tpu.memory_space<semaphore_mem>>)
      %dma_wait3A = arith.constant 0 : i32
      %dma_wait3A_95 = tpu.memref_slice %arg3[%mul3A_6, %dma_wait3A] : memref<2560x128xi32, #tpu.memory_space<hbm>> -> memref<160x128xi32, #tpu.memory_space<hbm>>
      %dma_wait3A_96 = arith.constant 0 : i32
      %dma_wait3A_97 = tpu.memref_slice %arg3[%mul3A_6, %dma_wait3A_96] : memref<2560x128xi32, #tpu.memory_space<hbm>> -> memref<160x128xi32, #tpu.memory_space<hbm>>
      tpu.wait_dma2 semaphore(%run_scoped3A : memref<!tpu.dma_semaphore, #tpu.memory_space<semaphore_mem>>) src(%dma_wait3A_97 : memref<160x128xi32, #tpu.memory_space<hbm>>) dst(%arg7 : memref<160x128xi32, #tpu.memory_space<vmem>>)
      tpu.yield
    }) : () -> ()
    %mul3A_7 = arith.constant 160 : i32
    %mul3A_8 = arith.muli %arg1, %mul3A_7 : i32
    "tpu.region"() ({
      %run_scoped3A = tpu.sem_alloc : memref<!tpu.dma_semaphore, #tpu.memory_space<semaphore_mem>>
      %dma_start3A_91 = arith.constant 0 : i32
      %dma_start3A_92 = tpu.memref_slice %arg4[%mul3A_8, %dma_start3A_91] : memref<2560x128xi32, #tpu.memory_space<hbm>> -> memref<160x128xi32, #tpu.memory_space<hbm>>
      %dma_start3A_93 = arith.constant 0 : i32
      %dma_start3A_94 = tpu.memref_slice %arg4[%mul3A_8, %dma_start3A_93] : memref<2560x128xi32, #tpu.memory_space<hbm>> -> memref<160x128xi32, #tpu.memory_space<hbm>>
      tpu.enqueue_dma source(%dma_start3A_94 : memref<160x128xi32, #tpu.memory_space<hbm>>) target(%arg8 : memref<160x128xi32, #tpu.memory_space<vmem>>) target_semaphore(%run_scoped3A : memref<!tpu.dma_semaphore, #tpu.memory_space<semaphore_mem>>)
      %dma_wait3A = arith.constant 0 : i32
      %dma_wait3A_95 = tpu.memref_slice %arg4[%mul3A_8, %dma_wait3A] : memref<2560x128xi32, #tpu.memory_space<hbm>> -> memref<160x128xi32, #tpu.memory_space<hbm>>
      %dma_wait3A_96 = arith.constant 0 : i32
      %dma_wait3A_97 = tpu.memref_slice %arg4[%mul3A_8, %dma_wait3A_96] : memref<2560x128xi32, #tpu.memory_space<hbm>> -> memref<160x128xi32, #tpu.memory_space<hbm>>
      tpu.wait_dma2 semaphore(%run_scoped3A : memref<!tpu.dma_semaphore, #tpu.memory_space<semaphore_mem>>) src(%dma_wait3A_97 : memref<160x128xi32, #tpu.memory_space<hbm>>) dst(%arg8 : memref<160x128xi32, #tpu.memory_space<vmem>>)
      tpu.yield
    }) : () -> ()
    %barrier3A = arith.constant 0 : index
    tpu.barrier barrier_id(%barrier3A)
    %get3A = arith.constant 0 : i32
    %get3A_9 = arith.index_cast %get3A : i32 to index
    %get3A_10 = arith.constant 0 : index
    %get3A_11 = tpu.vector_load %arg7[%get3A_9, %get3A_10] {strides = array<i32>} : memref<160x128xi32, #tpu.memory_space<vmem>>, vector<1x16xi32>,
    %get3A_12 = vector.shape_cast %get3A_11 : vector<1x16xi32> to vector<16xi32>
    %swap3A = arith.constant 0 : index
    %swap3A_13 = tpu.vector_load %arg9[%swap3A] {strides = array<i32>} : memref<128xi32, #tpu.memory_space<vmem>>, vector<16xi32>,
    %swap3A_14 = vector.shape_cast %swap3A_13 : vector<16xi32> to vector<16xi32>
    %swap3A_15 = vector.shape_cast %get3A_12 : vector<16xi32> to vector<16xi32>
    tpu.vector_store %arg9[%swap3A], %swap3A_15 {strides = array<i32>} : memref<128xi32, #tpu.memory_space<vmem>>, vector<16xi32>,
    %get3A_16 = arith.constant 0 : i32
    %get3A_17 = arith.index_cast %get3A_16 : i32 to index
    %get3A_18 = arith.constant 16 : index
    %get3A_19 = tpu.vector_load %arg7[%get3A_17, %get3A_18] {strides = array<i32>} : memref<160x128xi32, #tpu.memory_space<vmem>>, vector<1x16xi32>,
    %get3A_20 = vector.shape_cast %get3A_19 : vector<1x16xi32> to vector<16xi32>
    %swap3A_21 = arith.constant 16 : index
    %swap3A_22 = tpu.vector_load %arg9[%swap3A_21] {strides = array<i32>} : memref<128xi32, #tpu.memory_space<vmem>>, vector<16xi32>,
    %swap3A_23 = vector.shape_cast %swap3A_22 : vector<16xi32> to vector<16xi32>
    %swap3A_24 = vector.shape_cast %get3A_20 : vector<16xi32> to vector<16xi32>
    tpu.vector_store %arg9[%swap3A_21], %swap3A_24 {strides = array<i32>} : memref<128xi32, #tpu.memory_space<vmem>>, vector<16xi32>,
    %get3A_25 = arith.constant 0 : i32
    %get3A_26 = arith.index_cast %get3A_25 : i32 to index
    %get3A_27 = arith.constant 32 : index
    %get3A_28 = tpu.vector_load %arg7[%get3A_26, %get3A_27] {strides = array<i32>} : memref<160x128xi32, #tpu.memory_space<vmem>>, vector<1x16xi32>,
    %get3A_29 = vector.shape_cast %get3A_28 : vector<1x16xi32> to vector<16xi32>
    %swap3A_30 = arith.constant 32 : index
    %swap3A_31 = tpu.vector_load %arg9[%swap3A_30] {strides = array<i32>} : memref<128xi32, #tpu.memory_space<vmem>>, vector<16xi32>,
    %swap3A_32 = vector.shape_cast %swap3A_31 : vector<16xi32> to vector<16xi32>
    %swap3A_33 = vector.shape_cast %get3A_29 : vector<16xi32> to vector<16xi32>
    tpu.vector_store %arg9[%swap3A_30], %swap3A_33 {strides = array<i32>} : memref<128xi32, #tpu.memory_space<vmem>>, vector<16xi32>,
    %get3A_34 = arith.constant 0 : i32
    %get3A_35 = arith.index_cast %get3A_34 : i32 to index
    %get3A_36 = arith.constant 48 : index
    %get3A_37 = tpu.vector_load %arg7[%get3A_35, %get3A_36] {strides = array<i32>} : memref<160x128xi32, #tpu.memory_space<vmem>>, vector<1x16xi32>,
    %get3A_38 = vector.shape_cast %get3A_37 : vector<1x16xi32> to vector<16xi32>
    %swap3A_39 = arith.constant 48 : index
    %swap3A_40 = tpu.vector_load %arg9[%swap3A_39] {strides = array<i32>} : memref<128xi32, #tpu.memory_space<vmem>>, vector<16xi32>,
    %swap3A_41 = vector.shape_cast %swap3A_40 : vector<16xi32> to vector<16xi32>
    %swap3A_42 = vector.shape_cast %get3A_38 : vector<16xi32> to vector<16xi32>
    tpu.vector_store %arg9[%swap3A_39], %swap3A_42 {strides = array<i32>} : memref<128xi32, #tpu.memory_space<vmem>>, vector<16xi32>,
    %get3A_43 = arith.constant 0 : i32
    %get3A_44 = arith.index_cast %get3A_43 : i32 to index
    %get3A_45 = arith.constant 64 : index
    %get3A_46 = tpu.vector_load %arg7[%get3A_44, %get3A_45] {strides = array<i32>} : memref<160x128xi32, #tpu.memory_space<vmem>>, vector<1x16xi32>,
    %get3A_47 = vector.shape_cast %get3A_46 : vector<1x16xi32> to vector<16xi32>
    %swap3A_48 = arith.constant 64 : index
    %swap3A_49 = tpu.vector_load %arg9[%swap3A_48] {strides = array<i32>} : memref<128xi32, #tpu.memory_space<vmem>>, vector<16xi32>,
    %swap3A_50 = vector.shape_cast %swap3A_49 : vector<16xi32> to vector<16xi32>
    %swap3A_51 = vector.shape_cast %get3A_47 : vector<16xi32> to vector<16xi32>
    tpu.vector_store %arg9[%swap3A_48], %swap3A_51 {strides = array<i32>} : memref<128xi32, #tpu.memory_space<vmem>>, vector<16xi32>,
    %get3A_52 = arith.constant 0 : i32
    %get3A_53 = arith.index_cast %get3A_52 : i32 to index
    %get3A_54 = arith.constant 80 : index
    %get3A_55 = tpu.vector_load %arg7[%get3A_53, %get3A_54] {strides = array<i32>} : memref<160x128xi32, #tpu.memory_space<vmem>>, vector<1x16xi32>,
    %get3A_56 = vector.shape_cast %get3A_55 : vector<1x16xi32> to vector<16xi32>
    %swap3A_57 = arith.constant 80 : index
    %swap3A_58 = tpu.vector_load %arg9[%swap3A_57] {strides = array<i32>} : memref<128xi32, #tpu.memory_space<vmem>>, vector<16xi32>,
    %swap3A_59 = vector.shape_cast %swap3A_58 : vector<16xi32> to vector<16xi32>
    %swap3A_60 = vector.shape_cast %get3A_56 : vector<16xi32> to vector<16xi32>
    tpu.vector_store %arg9[%swap3A_57], %swap3A_60 {strides = array<i32>} : memref<128xi32, #tpu.memory_space<vmem>>, vector<16xi32>,
    %get3A_61 = arith.constant 0 : i32
    %get3A_62 = arith.index_cast %get3A_61 : i32 to index
    %get3A_63 = arith.constant 96 : index
    %get3A_64 = tpu.vector_load %arg7[%get3A_62, %get3A_63] {strides = array<i32>} : memref<160x128xi32, #tpu.memory_space<vmem>>, vector<1x16xi32>,
    %get3A_65 = vector.shape_cast %get3A_64 : vector<1x16xi32> to vector<16xi32>
    %swap3A_66 = arith.constant 96 : index
    %swap3A_67 = tpu.vector_load %arg9[%swap3A_66] {strides = array<i32>} : memref<128xi32, #tpu.memory_space<vmem>>, vector<16xi32>,
    %swap3A_68 = vector.shape_cast %swap3A_67 : vector<16xi32> to vector<16xi32>
    %swap3A_69 = vector.shape_cast %get3A_65 : vector<16xi32> to vector<16xi32>
    tpu.vector_store %arg9[%swap3A_66], %swap3A_69 {strides = array<i32>} : memref<128xi32, #tpu.memory_space<vmem>>, vector<16xi32>,
    %get3A_70 = arith.constant 0 : i32
    %get3A_71 = arith.index_cast %get3A_70 : i32 to index
    %get3A_72 = arith.constant 112 : index
    %get3A_73 = tpu.vector_load %arg7[%get3A_71, %get3A_72] {strides = array<i32>} : memref<160x128xi32, #tpu.memory_space<vmem>>, vector<1x16xi32>,
    %get3A_74 = vector.shape_cast %get3A_73 : vector<1x16xi32> to vector<16xi32>
    %swap3A_75 = arith.constant 112 : index
    %swap3A_76 = tpu.vector_load %arg9[%swap3A_75] {strides = array<i32>} : memref<128xi32, #tpu.memory_space<vmem>>, vector<16xi32>,
    %swap3A_77 = vector.shape_cast %swap3A_76 : vector<16xi32> to vector<16xi32>
    %swap3A_78 = vector.shape_cast %get3A_74 : vector<16xi32> to vector<16xi32>
    tpu.vector_store %arg9[%swap3A_75], %swap3A_78 {strides = array<i32>} : memref<128xi32, #tpu.memory_space<vmem>>, vector<16xi32>,
    %dma_start3A = arith.constant 0 : i32
    %dma_start3A_79 = arith.constant 0 : i32
    %dma_start3A_80 = tpu.memref_slice %arg2[%dma_start3A, %dma_start3A_79] : memref<10240x128xf32, #tpu.memory_space<hbm>> -> memref<10240x128xf32, #tpu.memory_space<hbm>>
    tpu.enqueue_indirect_dma source(%dma_start3A_80 : memref<10240x128xf32, #tpu.memory_space<hbm>>) target(%arg12 : memref<128x128xf32, #tpu.memory_space<vmem>>) offsets(%arg9 : memref<128xi32, #tpu.memory_space<vmem>>) semaphore(%arg15 : memref<!tpu.dma_semaphore, #tpu.memory_space<semaphore_mem>>)
    %scan3A = arith.constant 0 : i32
    %scan3A_81 = arith.constant 0 : i32
    %scan3A_82 = arith.constant 80 : i32
    %scan3A_83 = arith.addi %scan3A_81, %scan3A_82 : i32
    %scan3A_84 = arith.constant 1 : i32
    scf.for %scan3A_91 = %scan3A_81 to %scan3A_83 step %scan3A_84  : i32 {
      %mul3A_92 = arith.constant 2 : i32
      %mul3A_93 = arith.muli %mul3A_92, %scan3A_91 : i32
      %dma_wait3A = arith.constant 0 : i32
      %dma_wait3A_94 = arith.constant 0 : i32
      %dma_wait3A_95 = tpu.memref_slice %arg2[%dma_wait3A, %dma_wait3A_94] : memref<10240x128xf32, #tpu.memory_space<hbm>> -> memref<10240x128xf32, #tpu.memory_space<hbm>>
      tpu.wait_indirect_dma semaphore(%arg15 : memref<!tpu.dma_semaphore, #tpu.memory_space<semaphore_mem>>) src(%dma_wait3A_95 : memref<10240x128xf32, #tpu.memory_space<hbm>>) dst(%arg12 : memref<128x128xf32, #tpu.memory_space<vmem>>)
      %add3A = arith.constant 1 : i32
      %add3A_96 = arith.addi %mul3A_93, %add3A : i32
      %get3A_97 = arith.index_cast %add3A_96 : i32 to index
      %get3A_98 = arith.constant 0 : index
      %get3A_99 = tpu.vector_load %arg7[%get3A_97, %get3A_98] {strides = array<i32>} : memref<160x128xi32, #tpu.memory_space<vmem>>, vector<1x16xi32>,
      %get3A_100 = vector.shape_cast %get3A_99 : vector<1x16xi32> to vector<16xi32>
      %swap3A_101 = arith.constant 0 : index
      %swap3A_102 = tpu.vector_load %arg10[%swap3A_101] {strides = array<i32>} : memref<128xi32, #tpu.memory_space<vmem>>, vector<16xi32>,
      %swap3A_103 = vector.shape_cast %swap3A_102 : vector<16xi32> to vector<16xi32>
      %swap3A_104 = vector.shape_cast %get3A_100 : vector<16xi32> to vector<16xi32>
      tpu.vector_store %arg10[%swap3A_101], %swap3A_104 {strides = array<i32>} : memref<128xi32, #tpu.memory_space<vmem>>, vector<16xi32>,
      %get3A_105 = arith.index_cast %add3A_96 : i32 to index
      %get3A_106 = arith.constant 16 : index
      %get3A_107 = tpu.vector_load %arg7[%get3A_105, %get3A_106] {strides = array<i32>} : memref<160x128xi32, #tpu.memory_space<vmem>>, vector<1x16xi32>,
      %get3A_108 = vector.shape_cast %get3A_107 : vector<1x16xi32> to vector<16xi32>
      %swap3A_109 = arith.constant 16 : index
      %swap3A_110 = tpu.vector_load %arg10[%swap3A_109] {strides = array<i32>} : memref<128xi32, #tpu.memory_space<vmem>>, vector<16xi32>,
      %swap3A_111 = vector.shape_cast %swap3A_110 : vector<16xi32> to vector<16xi32>
      %swap3A_112 = vector.shape_cast %get3A_108 : vector<16xi32> to vector<16xi32>
      tpu.vector_store %arg10[%swap3A_109], %swap3A_112 {strides = array<i32>} : memref<128xi32, #tpu.memory_space<vmem>>, vector<16xi32>,
      %get3A_113 = arith.index_cast %add3A_96 : i32 to index
      %get3A_114 = arith.constant 32 : index
      %get3A_115 = tpu.vector_load %arg7[%get3A_113, %get3A_114] {strides = array<i32>} : memref<160x128xi32, #tpu.memory_space<vmem>>, vector<1x16xi32>,
      %get3A_116 = vector.shape_cast %get3A_115 : vector<1x16xi32> to vector<16xi32>
      %swap3A_117 = arith.constant 32 : index
      %swap3A_118 = tpu.vector_load %arg10[%swap3A_117] {strides = array<i32>} : memref<128xi32, #tpu.memory_space<vmem>>, vector<16xi32>,
      %swap3A_119 = vector.shape_cast %swap3A_118 : vector<16xi32> to vector<16xi32>
      %swap3A_120 = vector.shape_cast %get3A_116 : vector<16xi32> to vector<16xi32>
      tpu.vector_store %arg10[%swap3A_117], %swap3A_120 {strides = array<i32>} : memref<128xi32, #tpu.memory_space<vmem>>, vector<16xi32>,
      %get3A_121 = arith.index_cast %add3A_96 : i32 to index
      %get3A_122 = arith.constant 48 : index
      %get3A_123 = tpu.vector_load %arg7[%get3A_121, %get3A_122] {strides = array<i32>} : memref<160x128xi32, #tpu.memory_space<vmem>>, vector<1x16xi32>,
      %get3A_124 = vector.shape_cast %get3A_123 : vector<1x16xi32> to vector<16xi32>
      %swap3A_125 = arith.constant 48 : index
      %swap3A_126 = tpu.vector_load %arg10[%swap3A_125] {strides = array<i32>} : memref<128xi32, #tpu.memory_space<vmem>>, vector<16xi32>,
      %swap3A_127 = vector.shape_cast %swap3A_126 : vector<16xi32> to vector<16xi32>
      %swap3A_128 = vector.shape_cast %get3A_124 : vector<16xi32> to vector<16xi32>
      tpu.vector_store %arg10[%swap3A_125], %swap3A_128 {strides = array<i32>} : memref<128xi32, #tpu.memory_space<vmem>>, vector<16xi32>,
      %get3A_129 = arith.index_cast %add3A_96 : i32 to index
      %get3A_130 = arith.constant 64 : index
      %get3A_131 = tpu.vector_load %arg7[%get3A_129, %get3A_130] {strides = array<i32>} : memref<160x128xi32, #tpu.memory_space<vmem>>, vector<1x16xi32>,
      %get3A_132 = vector.shape_cast %get3A_131 : vector<1x16xi32> to vector<16xi32>
      %swap3A_133 = arith.constant 64 : index
      %swap3A_134 = tpu.vector_load %arg10[%swap3A_133] {strides = array<i32>} : memref<128xi32, #tpu.memory_space<vmem>>, vector<16xi32>,
      %swap3A_135 = vector.shape_cast %swap3A_134 : vector<16xi32> to vector<16xi32>
      %swap3A_136 = vector.shape_cast %get3A_132 : vector<16xi32> to vector<16xi32>
      tpu.vector_store %arg10[%swap3A_133], %swap3A_136 {strides = array<i32>} : memref<128xi32, #tpu.memory_space<vmem>>, vector<16xi32>,
      %get3A_137 = arith.index_cast %add3A_96 : i32 to index
      %get3A_138 = arith.constant 80 : index
      %get3A_139 = tpu.vector_load %arg7[%get3A_137, %get3A_138] {strides = array<i32>} : memref<160x128xi32, #tpu.memory_space<vmem>>, vector<1x16xi32>,
      %get3A_140 = vector.shape_cast %get3A_139 : vector<1x16xi32> to vector<16xi32>
      %swap3A_141 = arith.constant 80 : index
      %swap3A_142 = tpu.vector_load %arg10[%swap3A_141] {strides = array<i32>} : memref<128xi32, #tpu.memory_space<vmem>>, vector<16xi32>,
      %swap3A_143 = vector.shape_cast %swap3A_142 : vector<16xi32> to vector<16xi32>
      %swap3A_144 = vector.shape_cast %get3A_140 : vector<16xi32> to vector<16xi32>
      tpu.vector_store %arg10[%swap3A_141], %swap3A_144 {strides = array<i32>} : memref<128xi32, #tpu.memory_space<vmem>>, vector<16xi32>,
      %get3A_145 = arith.index_cast %add3A_96 : i32 to index
      %get3A_146 = arith.constant 96 : index
      %get3A_147 = tpu.vector_load %arg7[%get3A_145, %get3A_146] {strides = array<i32>} : memref<160x128xi32, #tpu.memory_space<vmem>>, vector<1x16xi32>,
      %get3A_148 = vector.shape_cast %get3A_147 : vector<1x16xi32> to vector<16xi32>
      %swap3A_149 = arith.constant 96 : index
      %swap3A_150 = tpu.vector_load %arg10[%swap3A_149] {strides = array<i32>} : memref<128xi32, #tpu.memory_space<vmem>>, vector<16xi32>,
      %swap3A_151 = vector.shape_cast %swap3A_150 : vector<16xi32> to vector<16xi32>
      %swap3A_152 = vector.shape_cast %get3A_148 : vector<16xi32> to vector<16xi32>
      tpu.vector_store %arg10[%swap3A_149], %swap3A_152 {strides = array<i32>} : memref<128xi32, #tpu.memory_space<vmem>>, vector<16xi32>,
      %get3A_153 = arith.index_cast %add3A_96 : i32 to index
      %get3A_154 = arith.constant 112 : index
      %get3A_155 = tpu.vector_load %arg7[%get3A_153, %get3A_154] {strides = array<i32>} : memref<160x128xi32, #tpu.memory_space<vmem>>, vector<1x16xi32>,
      %get3A_156 = vector.shape_cast %get3A_155 : vector<1x16xi32> to vector<16xi32>
      %swap3A_157 = arith.constant 112 : index
      %swap3A_158 = tpu.vector_load %arg10[%swap3A_157] {strides = array<i32>} : memref<128xi32, #tpu.memory_space<vmem>>, vector<16xi32>,
      %swap3A_159 = vector.shape_cast %swap3A_158 : vector<16xi32> to vector<16xi32>
      %swap3A_160 = vector.shape_cast %get3A_156 : vector<16xi32> to vector<16xi32>
      tpu.vector_store %arg10[%swap3A_157], %swap3A_160 {strides = array<i32>} : memref<128xi32, #tpu.memory_space<vmem>>, vector<16xi32>,
      %dma_start3A_161 = arith.constant 0 : i32
      %dma_start3A_162 = arith.constant 0 : i32
      %dma_start3A_163 = tpu.memref_slice %arg2[%dma_start3A_161, %dma_start3A_162] : memref<10240x128xf32, #tpu.memory_space<hbm>> -> memref<10240x128xf32, #tpu.memory_space<hbm>>
      tpu.enqueue_indirect_dma source(%dma_start3A_163 : memref<10240x128xf32, #tpu.memory_space<hbm>>) target(%arg13 : memref<128x128xf32, #tpu.memory_space<vmem>>) offsets(%arg10 : memref<128xi32, #tpu.memory_space<vmem>>) semaphore(%arg15 : memref<!tpu.dma_semaphore, #tpu.memory_space<semaphore_mem>>)
      %get3A_164 = arith.index_cast %mul3A_93 : i32 to index
      %get3A_165 = arith.constant 0 : index
      %get3A_166 = tpu.vector_load %arg8[%get3A_164, %get3A_165] {strides = array<i32>} : memref<160x128xi32, #tpu.memory_space<vmem>>, vector<1x16xi32>,
      %get3A_167 = vector.shape_cast %get3A_166 : vector<1x16xi32> to vector<16xi32>
      %sub3A = vector.broadcast %mul3A_0 : i32 to vector<16xi32>
      %sub3A_168 = arith.subi %get3A_167, %sub3A : vector<16xi32>
      %ge3A = arith.constant 0 : i32
      %ge3A_169 = vector.broadcast %ge3A : i32 to vector<16xi32>
      %ge3A_170 = arith.cmpi sge, %sub3A_168, %ge3A_169 : vector<16xi32>
      %lt3A = arith.constant 5120 : i32
      %lt3A_171 = vector.broadcast %lt3A : i32 to vector<16xi32>
      %lt3A_172 = arith.cmpi slt, %sub3A_168, %lt3A_171 : vector<16xi32>
      %and3A = arith.andi %ge3A_170, %lt3A_172 : vector<16xi1>
      %jit3A = arith.constant 5120 : i32
      %broadcast_in_dim3A = vector.broadcast %jit3A : i32 to vector<16xi32>
      %select_n3A = arith.select %and3A, %sub3A_168, %broadcast_in_dim3A : vector<16xi1>, vector<16xi32>
      %swap3A_173 = arith.constant 0 : i32
      %swap3A_174 = arith.index_cast %swap3A_173 : i32 to index
      %swap3A_175 = arith.constant 0 : index
      %swap3A_176 = tpu.vector_load %arg11[%swap3A_174, %swap3A_175] {strides = array<i32>} : memref<8x16xi32, #tpu.memory_space<vmem>>, vector<1x16xi32>,
      %swap3A_177 = vector.shape_cast %swap3A_176 : vector<1x16xi32> to vector<16xi32>
      %swap3A_178 = vector.shape_cast %select_n3A : vector<16xi32> to vector<1x16xi32>
      tpu.vector_store %arg11[%swap3A_174, %swap3A_175], %swap3A_178 {strides = array<i32>} : memref<8x16xi32, #tpu.memory_space<vmem>>, vector<1x16xi32>,
      %get3A_179 = arith.index_cast %mul3A_93 : i32 to index
      %get3A_180 = arith.constant 16 : index
      %get3A_181 = tpu.vector_load %arg8[%get3A_179, %get3A_180] {strides = array<i32>} : memref<160x128xi32, #tpu.memory_space<vmem>>, vector<1x16xi32>,
      %get3A_182 = vector.shape_cast %get3A_181 : vector<1x16xi32> to vector<16xi32>
      %sub3A_183 = vector.broadcast %mul3A_0 : i32 to vector<16xi32>
      %sub3A_184 = arith.subi %get3A_182, %sub3A_183 : vector<16xi32>
      %ge3A_185 = arith.constant 0 : i32
      %ge3A_186 = vector.broadcast %ge3A_185 : i32 to vector<16xi32>
      %ge3A_187 = arith.cmpi sge, %sub3A_184, %ge3A_186 : vector<16xi32>
      %lt3A_188 = arith.constant 5120 : i32
      %lt3A_189 = vector.broadcast %lt3A_188 : i32 to vector<16xi32>
      %lt3A_190 = arith.cmpi slt, %sub3A_184, %lt3A_189 : vector<16xi32>
      %and3A_191 = arith.andi %ge3A_187, %lt3A_190 : vector<16xi1>
      %jit3A_192 = arith.constant 5120 : i32
      %broadcast_in_dim3A_193 = vector.broadcast %jit3A_192 : i32 to vector<16xi32>
      %select_n3A_194 = arith.select %and3A_191, %sub3A_184, %broadcast_in_dim3A_193 : vector<16xi1>, vector<16xi32>
      %swap3A_195 = arith.constant 1 : i32
      %swap3A_196 = arith.index_cast %swap3A_195 : i32 to index
      %swap3A_197 = arith.constant 0 : index
      %swap3A_198 = tpu.vector_load %arg11[%swap3A_196, %swap3A_197] {strides = array<i32>} : memref<8x16xi32, #tpu.memory_space<vmem>>, vector<1x16xi32>,
      %swap3A_199 = vector.shape_cast %swap3A_198 : vector<1x16xi32> to vector<16xi32>
      %swap3A_200 = vector.shape_cast %select_n3A_194 : vector<16xi32> to vector<1x16xi32>
      tpu.vector_store %arg11[%swap3A_196, %swap3A_197], %swap3A_200 {strides = array<i32>} : memref<8x16xi32, #tpu.memory_space<vmem>>, vector<1x16xi32>,
      %get3A_201 = arith.index_cast %mul3A_93 : i32 to index
      %get3A_202 = arith.constant 32 : index
      %get3A_203 = tpu.vector_load %arg8[%get3A_201, %get3A_202] {strides = array<i32>} : memref<160x128xi32, #tpu.memory_space<vmem>>, vector<1x16xi32>,
      %get3A_204 = vector.shape_cast %get3A_203 : vector<1x16xi32> to vector<16xi32>
      %sub3A_205 = vector.broadcast %mul3A_0 : i32 to vector<16xi32>
      %sub3A_206 = arith.subi %get3A_204, %sub3A_205 : vector<16xi32>
      %ge3A_207 = arith.constant 0 : i32
      %ge3A_208 = vector.broadcast %ge3A_207 : i32 to vector<16xi32>
      %ge3A_209 = arith.cmpi sge, %sub3A_206, %ge3A_208 : vector<16xi32>
      %lt3A_210 = arith.constant 5120 : i32
      %lt3A_211 = vector.broadcast %lt3A_210 : i32 to vector<16xi32>
      %lt3A_212 = arith.cmpi slt, %sub3A_206, %lt3A_211 : vector<16xi32>
      %and3A_213 = arith.andi %ge3A_209, %lt3A_212 : vector<16xi1>
      %jit3A_214 = arith.constant 5120 : i32
      %broadcast_in_dim3A_215 = vector.broadcast %jit3A_214 : i32 to vector<16xi32>
      %select_n3A_216 = arith.select %and3A_213, %sub3A_206, %broadcast_in_dim3A_215 : vector<16xi1>, vector<16xi32>
      %swap3A_217 = arith.constant 2 : i32
      %swap3A_218 = arith.index_cast %swap3A_217 : i32 to index
      %swap3A_219 = arith.constant 0 : index
      %swap3A_220 = tpu.vector_load %arg11[%swap3A_218, %swap3A_219] {strides = array<i32>} : memref<8x16xi32, #tpu.memory_space<vmem>>, vector<1x16xi32>,
      %swap3A_221 = vector.shape_cast %swap3A_220 : vector<1x16xi32> to vector<16xi32>
      %swap3A_222 = vector.shape_cast %select_n3A_216 : vector<16xi32> to vector<1x16xi32>
      tpu.vector_store %arg11[%swap3A_218, %swap3A_219], %swap3A_222 {strides = array<i32>} : memref<8x16xi32, #tpu.memory_space<vmem>>, vector<1x16xi32>,
      %get3A_223 = arith.index_cast %mul3A_93 : i32 to index
      %get3A_224 = arith.constant 48 : index
      %get3A_225 = tpu.vector_load %arg8[%get3A_223, %get3A_224] {strides = array<i32>} : memref<160x128xi32, #tpu.memory_space<vmem>>, vector<1x16xi32>,
      %get3A_226 = vector.shape_cast %get3A_225 : vector<1x16xi32> to vector<16xi32>
      %sub3A_227 = vector.broadcast %mul3A_0 : i32 to vector<16xi32>
      %sub3A_228 = arith.subi %get3A_226, %sub3A_227 : vector<16xi32>
      %ge3A_229 = arith.constant 0 : i32
      %ge3A_230 = vector.broadcast %ge3A_229 : i32 to vector<16xi32>
      %ge3A_231 = arith.cmpi sge, %sub3A_228, %ge3A_230 : vector<16xi32>
      %lt3A_232 = arith.constant 5120 : i32
      %lt3A_233 = vector.broadcast %lt3A_232 : i32 to vector<16xi32>
      %lt3A_234 = arith.cmpi slt, %sub3A_228, %lt3A_233 : vector<16xi32>
      %and3A_235 = arith.andi %ge3A_231, %lt3A_234 : vector<16xi1>
      %jit3A_236 = arith.constant 5120 : i32
      %broadcast_in_dim3A_237 = vector.broadcast %jit3A_236 : i32 to vector<16xi32>
      %select_n3A_238 = arith.select %and3A_235, %sub3A_228, %broadcast_in_dim3A_237 : vector<16xi1>, vector<16xi32>
      %swap3A_239 = arith.constant 3 : i32
      %swap3A_240 = arith.index_cast %swap3A_239 : i32 to index
      %swap3A_241 = arith.constant 0 : index
      %swap3A_242 = tpu.vector_load %arg11[%swap3A_240, %swap3A_241] {strides = array<i32>} : memref<8x16xi32, #tpu.memory_space<vmem>>, vector<1x16xi32>,
      %swap3A_243 = vector.shape_cast %swap3A_242 : vector<1x16xi32> to vector<16xi32>
      %swap3A_244 = vector.shape_cast %select_n3A_238 : vector<16xi32> to vector<1x16xi32>
      tpu.vector_store %arg11[%swap3A_240, %swap3A_241], %swap3A_244 {strides = array<i32>} : memref<8x16xi32, #tpu.memory_space<vmem>>, vector<1x16xi32>,
      %get3A_245 = arith.index_cast %mul3A_93 : i32 to index
      %get3A_246 = arith.constant 64 : index
      %get3A_247 = tpu.vector_load %arg8[%get3A_245, %get3A_246] {strides = array<i32>} : memref<160x128xi32, #tpu.memory_space<vmem>>, vector<1x16xi32>,
      %get3A_248 = vector.shape_cast %get3A_247 : vector<1x16xi32> to vector<16xi32>
      %sub3A_249 = vector.broadcast %mul3A_0 : i32 to vector<16xi32>
      %sub3A_250 = arith.subi %get3A_248, %sub3A_249 : vector<16xi32>
      %ge3A_251 = arith.constant 0 : i32
      %ge3A_252 = vector.broadcast %ge3A_251 : i32 to vector<16xi32>
      %ge3A_253 = arith.cmpi sge, %sub3A_250, %ge3A_252 : vector<16xi32>
      %lt3A_254 = arith.constant 5120 : i32
      %lt3A_255 = vector.broadcast %lt3A_254 : i32 to vector<16xi32>
      %lt3A_256 = arith.cmpi slt, %sub3A_250, %lt3A_255 : vector<16xi32>
      %and3A_257 = arith.andi %ge3A_253, %lt3A_256 : vector<16xi1>
      %jit3A_258 = arith.constant 5120 : i32
      %broadcast_in_dim3A_259 = vector.broadcast %jit3A_258 : i32 to vector<16xi32>
      %select_n3A_260 = arith.select %and3A_257, %sub3A_250, %broadcast_in_dim3A_259 : vector<16xi1>, vector<16xi32>
      %swap3A_261 = arith.constant 4 : i32
      %swap3A_262 = arith.index_cast %swap3A_261 : i32 to index
      %swap3A_263 = arith.constant 0 : index
      %swap3A_264 = tpu.vector_load %arg11[%swap3A_262, %swap3A_263] {strides = array<i32>} : memref<8x16xi32, #tpu.memory_space<vmem>>, vector<1x16xi32>,
      %swap3A_265 = vector.shape_cast %swap3A_264 : vector<1x16xi32> to vector<16xi32>
      %swap3A_266 = vector.shape_cast %select_n3A_260 : vector<16xi32> to vector<1x16xi32>
      tpu.vector_store %arg11[%swap3A_262, %swap3A_263], %swap3A_266 {strides = array<i32>} : memref<8x16xi32, #tpu.memory_space<vmem>>, vector<1x16xi32>,
      %get3A_267 = arith.index_cast %mul3A_93 : i32 to index
      %get3A_268 = arith.constant 80 : index
      %get3A_269 = tpu.vector_load %arg8[%get3A_267, %get3A_268] {strides = array<i32>} : memref<160x128xi32, #tpu.memory_space<vmem>>, vector<1x16xi32>,
      %get3A_270 = vector.shape_cast %get3A_269 : vector<1x16xi32> to vector<16xi32>
      %sub3A_271 = vector.broadcast %mul3A_0 : i32 to vector<16xi32>
      %sub3A_272 = arith.subi %get3A_270, %sub3A_271 : vector<16xi32>
      %ge3A_273 = arith.constant 0 : i32
      %ge3A_274 = vector.broadcast %ge3A_273 : i32 to vector<16xi32>
      %ge3A_275 = arith.cmpi sge, %sub3A_272, %ge3A_274 : vector<16xi32>
      %lt3A_276 = arith.constant 5120 : i32
      %lt3A_277 = vector.broadcast %lt3A_276 : i32 to vector<16xi32>
      %lt3A_278 = arith.cmpi slt, %sub3A_272, %lt3A_277 : vector<16xi32>
      %and3A_279 = arith.andi %ge3A_275, %lt3A_278 : vector<16xi1>
      %jit3A_280 = arith.constant 5120 : i32
      %broadcast_in_dim3A_281 = vector.broadcast %jit3A_280 : i32 to vector<16xi32>
      %select_n3A_282 = arith.select %and3A_279, %sub3A_272, %broadcast_in_dim3A_281 : vector<16xi1>, vector<16xi32>
      %swap3A_283 = arith.constant 5 : i32
      %swap3A_284 = arith.index_cast %swap3A_283 : i32 to index
      %swap3A_285 = arith.constant 0 : index
      %swap3A_286 = tpu.vector_load %arg11[%swap3A_284, %swap3A_285] {strides = array<i32>} : memref<8x16xi32, #tpu.memory_space<vmem>>, vector<1x16xi32>,
      %swap3A_287 = vector.shape_cast %swap3A_286 : vector<1x16xi32> to vector<16xi32>
      %swap3A_288 = vector.shape_cast %select_n3A_282 : vector<16xi32> to vector<1x16xi32>
      tpu.vector_store %arg11[%swap3A_284, %swap3A_285], %swap3A_288 {strides = array<i32>} : memref<8x16xi32, #tpu.memory_space<vmem>>, vector<1x16xi32>,
      %get3A_289 = arith.index_cast %mul3A_93 : i32 to index
      %get3A_290 = arith.constant 96 : index
      %get3A_291 = tpu.vector_load %arg8[%get3A_289, %get3A_290] {strides = array<i32>} : memref<160x128xi32, #tpu.memory_space<vmem>>, vector<1x16xi32>,
      %get3A_292 = vector.shape_cast %get3A_291 : vector<1x16xi32> to vector<16xi32>
      %sub3A_293 = vector.broadcast %mul3A_0 : i32 to vector<16xi32>
      %sub3A_294 = arith.subi %get3A_292, %sub3A_293 : vector<16xi32>
      %ge3A_295 = arith.constant 0 : i32
      %ge3A_296 = vector.broadcast %ge3A_295 : i32 to vector<16xi32>
      %ge3A_297 = arith.cmpi sge, %sub3A_294, %ge3A_296 : vector<16xi32>
      %lt3A_298 = arith.constant 5120 : i32
      %lt3A_299 = vector.broadcast %lt3A_298 : i32 to vector<16xi32>
      %lt3A_300 = arith.cmpi slt, %sub3A_294, %lt3A_299 : vector<16xi32>
      %and3A_301 = arith.andi %ge3A_297, %lt3A_300 : vector<16xi1>
      %jit3A_302 = arith.constant 5120 : i32
      %broadcast_in_dim3A_303 = vector.broadcast %jit3A_302 : i32 to vector<16xi32>
      %select_n3A_304 = arith.select %and3A_301, %sub3A_294, %broadcast_in_dim3A_303 : vector<16xi1>, vector<16xi32>
      %swap3A_305 = arith.constant 6 : i32
      %swap3A_306 = arith.index_cast %swap3A_305 : i32 to index
      %swap3A_307 = arith.constant 0 : index
      %swap3A_308 = tpu.vector_load %arg11[%swap3A_306, %swap3A_307] {strides = array<i32>} : memref<8x16xi32, #tpu.memory_space<vmem>>, vector<1x16xi32>,
      %swap3A_309 = vector.shape_cast %swap3A_308 : vector<1x16xi32> to vector<16xi32>
      %swap3A_310 = vector.shape_cast %select_n3A_304 : vector<16xi32> to vector<1x16xi32>
      tpu.vector_store %arg11[%swap3A_306, %swap3A_307], %swap3A_310 {strides = array<i32>} : memref<8x16xi32, #tpu.memory_space<vmem>>, vector<1x16xi32>,
      %get3A_311 = arith.index_cast %mul3A_93 : i32 to index
      %get3A_312 = arith.constant 112 : index
      %get3A_313 = tpu.vector_load %arg8[%get3A_311, %get3A_312] {strides = array<i32>} : memref<160x128xi32, #tpu.memory_space<vmem>>, vector<1x16xi32>,
      %get3A_314 = vector.shape_cast %get3A_313 : vector<1x16xi32> to vector<16xi32>
      %sub3A_315 = vector.broadcast %mul3A_0 : i32 to vector<16xi32>
      %sub3A_316 = arith.subi %get3A_314, %sub3A_315 : vector<16xi32>
      %ge3A_317 = arith.constant 0 : i32
      %ge3A_318 = vector.broadcast %ge3A_317 : i32 to vector<16xi32>
      %ge3A_319 = arith.cmpi sge, %sub3A_316, %ge3A_318 : vector<16xi32>
      %lt3A_320 = arith.constant 5120 : i32
      %lt3A_321 = vector.broadcast %lt3A_320 : i32 to vector<16xi32>
      %lt3A_322 = arith.cmpi slt, %sub3A_316, %lt3A_321 : vector<16xi32>
      %and3A_323 = arith.andi %ge3A_319, %lt3A_322 : vector<16xi1>
      %jit3A_324 = arith.constant 5120 : i32
      %broadcast_in_dim3A_325 = vector.broadcast %jit3A_324 : i32 to vector<16xi32>
      %select_n3A_326 = arith.select %and3A_323, %sub3A_316, %broadcast_in_dim3A_325 : vector<16xi1>, vector<16xi32>
      %swap3A_327 = arith.constant 7 : i32
      %swap3A_328 = arith.index_cast %swap3A_327 : i32 to index
      %swap3A_329 = arith.constant 0 : index
      %swap3A_330 = tpu.vector_load %arg11[%swap3A_328, %swap3A_329] {strides = array<i32>} : memref<8x16xi32, #tpu.memory_space<vmem>>, vector<1x16xi32>,
      %swap3A_331 = vector.shape_cast %swap3A_330 : vector<1x16xi32> to vector<16xi32>
      %swap3A_332 = vector.shape_cast %select_n3A_326 : vector<16xi32> to vector<1x16xi32>
      tpu.vector_store %arg11[%swap3A_328, %swap3A_329], %swap3A_332 {strides = array<i32>} : memref<8x16xi32, #tpu.memory_space<vmem>>, vector<1x16xi32>,
      %dma_start3A_333 = arith.constant 0 : i32
      %dma_start3A_334 = arith.constant 0 : i32
      %dma_start3A_335 = arith.constant 0 : i32
      %dma_start3A_336 = tpu.memref_slice %arg12[%dma_start3A_334, %dma_start3A_335] : memref<128x128xf32, #tpu.memory_space<vmem>> -> memref<16x128xf32, #tpu.memory_space<vmem>>
      %dma_start3A_337 = arith.constant 0 : i32
      %dma_start3A_338 = tpu.memref_slice %arg11[%dma_start3A_333, %dma_start3A_337] : memref<8x16xi32, #tpu.memory_space<vmem>> -> memref<1x16xi32, #tpu.memory_space<vmem>>
      %dma_start3A_339 = tpu.memref_squeeze %dma_start3A_338 : memref<1x16xi32, #tpu.memory_space<vmem>> -> memref<16xi32, #tpu.memory_space<vmem>>
      %dma_start3A_340 = arith.constant 0 : i32
      %dma_start3A_341 = arith.constant 0 : i32
      %dma_start3A_342 = tpu.memref_slice %arg14[%dma_start3A_340, %dma_start3A_341] : memref<5248x128xf32, #tpu.memory_space<vmem_shared>> -> memref<5248x128xf32, #tpu.memory_space<vmem_shared>>
      tpu.enqueue_indirect_dma source(%dma_start3A_336 : memref<16x128xf32, #tpu.memory_space<vmem>>) target(%dma_start3A_342 : memref<5248x128xf32, #tpu.memory_space<vmem_shared>>) offsets(%dma_start3A_339 : memref<16xi32, #tpu.memory_space<vmem>>) semaphore(%arg16 : memref<!tpu.dma_semaphore, #tpu.memory_space<semaphore_mem>>) {add = true}
      %dma_start3A_343 = arith.constant 1 : i32
      %dma_start3A_344 = arith.constant 16 : i32
      %dma_start3A_345 = arith.constant 0 : i32
      %dma_start3A_346 = tpu.memref_slice %arg12[%dma_start3A_344, %dma_start3A_345] : memref<128x128xf32, #tpu.memory_space<vmem>> -> memref<16x128xf32, #tpu.memory_space<vmem>>
      %dma_start3A_347 = arith.constant 0 : i32
      %dma_start3A_348 = tpu.memref_slice %arg11[%dma_start3A_343, %dma_start3A_347] : memref<8x16xi32, #tpu.memory_space<vmem>> -> memref<1x16xi32, #tpu.memory_space<vmem>>
      %dma_start3A_349 = tpu.memref_squeeze %dma_start3A_348 : memref<1x16xi32, #tpu.memory_space<vmem>> -> memref<16xi32, #tpu.memory_space<vmem>>
      %dma_start3A_350 = arith.constant 0 : i32
      %dma_start3A_351 = arith.constant 0 : i32
      %dma_start3A_352 = tpu.memref_slice %arg14[%dma_start3A_350, %dma_start3A_351] : memref<5248x128xf32, #tpu.memory_space<vmem_shared>> -> memref<5248x128xf32, #tpu.memory_space<vmem_shared>>
      tpu.enqueue_indirect_dma source(%dma_start3A_346 : memref<16x128xf32, #tpu.memory_space<vmem>>) target(%dma_start3A_352 : memref<5248x128xf32, #tpu.memory_space<vmem_shared>>) offsets(%dma_start3A_349 : memref<16xi32, #tpu.memory_space<vmem>>) semaphore(%arg16 : memref<!tpu.dma_semaphore, #tpu.memory_space<semaphore_mem>>) {add = true}
      %dma_start3A_353 = arith.constant 2 : i32
      %dma_start3A_354 = arith.constant 32 : i32
      %dma_start3A_355 = arith.constant 0 : i32
      %dma_start3A_356 = tpu.memref_slice %arg12[%dma_start3A_354, %dma_start3A_355] : memref<128x128xf32, #tpu.memory_space<vmem>> -> memref<16x128xf32, #tpu.memory_space<vmem>>
      %dma_start3A_357 = arith.constant 0 : i32
      %dma_start3A_358 = tpu.memref_slice %arg11[%dma_start3A_353, %dma_start3A_357] : memref<8x16xi32, #tpu.memory_space<vmem>> -> memref<1x16xi32, #tpu.memory_space<vmem>>
      %dma_start3A_359 = tpu.memref_squeeze %dma_start3A_358 : memref<1x16xi32, #tpu.memory_space<vmem>> -> memref<16xi32, #tpu.memory_space<vmem>>
      %dma_start3A_360 = arith.constant 0 : i32
      %dma_start3A_361 = arith.constant 0 : i32
      %dma_start3A_362 = tpu.memref_slice %arg14[%dma_start3A_360, %dma_start3A_361] : memref<5248x128xf32, #tpu.memory_space<vmem_shared>> -> memref<5248x128xf32, #tpu.memory_space<vmem_shared>>
      tpu.enqueue_indirect_dma source(%dma_start3A_356 : memref<16x128xf32, #tpu.memory_space<vmem>>) target(%dma_start3A_362 : memref<5248x128xf32, #tpu.memory_space<vmem_shared>>) offsets(%dma_start3A_359 : memref<16xi32, #tpu.memory_space<vmem>>) semaphore(%arg16 : memref<!tpu.dma_semaphore, #tpu.memory_space<semaphore_mem>>) {add = true}
      %dma_start3A_363 = arith.constant 3 : i32
      %dma_start3A_364 = arith.constant 48 : i32
      %dma_start3A_365 = arith.constant 0 : i32
      %dma_start3A_366 = tpu.memref_slice %arg12[%dma_start3A_364, %dma_start3A_365] : memref<128x128xf32, #tpu.memory_space<vmem>> -> memref<16x128xf32, #tpu.memory_space<vmem>>
      %dma_start3A_367 = arith.constant 0 : i32
      %dma_start3A_368 = tpu.memref_slice %arg11[%dma_start3A_363, %dma_start3A_367] : memref<8x16xi32, #tpu.memory_space<vmem>> -> memref<1x16xi32, #tpu.memory_space<vmem>>
      %dma_start3A_369 = tpu.memref_squeeze %dma_start3A_368 : memref<1x16xi32, #tpu.memory_space<vmem>> -> memref<16xi32, #tpu.memory_space<vmem>>
      %dma_start3A_370 = arith.constant 0 : i32
      %dma_start3A_371 = arith.constant 0 : i32
      %dma_start3A_372 = tpu.memref_slice %arg14[%dma_start3A_370, %dma_start3A_371] : memref<5248x128xf32, #tpu.memory_space<vmem_shared>> -> memref<5248x128xf32, #tpu.memory_space<vmem_shared>>
      tpu.enqueue_indirect_dma source(%dma_start3A_366 : memref<16x128xf32, #tpu.memory_space<vmem>>) target(%dma_start3A_372 : memref<5248x128xf32, #tpu.memory_space<vmem_shared>>) offsets(%dma_start3A_369 : memref<16xi32, #tpu.memory_space<vmem>>) semaphore(%arg16 : memref<!tpu.dma_semaphore, #tpu.memory_space<semaphore_mem>>) {add = true}
      %dma_start3A_373 = arith.constant 4 : i32
      %dma_start3A_374 = arith.constant 64 : i32
      %dma_start3A_375 = arith.constant 0 : i32
      %dma_start3A_376 = tpu.memref_slice %arg12[%dma_start3A_374, %dma_start3A_375] : memref<128x128xf32, #tpu.memory_space<vmem>> -> memref<16x128xf32, #tpu.memory_space<vmem>>
      %dma_start3A_377 = arith.constant 0 : i32
      %dma_start3A_378 = tpu.memref_slice %arg11[%dma_start3A_373, %dma_start3A_377] : memref<8x16xi32, #tpu.memory_space<vmem>> -> memref<1x16xi32, #tpu.memory_space<vmem>>
      %dma_start3A_379 = tpu.memref_squeeze %dma_start3A_378 : memref<1x16xi32, #tpu.memory_space<vmem>> -> memref<16xi32, #tpu.memory_space<vmem>>
      %dma_start3A_380 = arith.constant 0 : i32
      %dma_start3A_381 = arith.constant 0 : i32
      %dma_start3A_382 = tpu.memref_slice %arg14[%dma_start3A_380, %dma_start3A_381] : memref<5248x128xf32, #tpu.memory_space<vmem_shared>> -> memref<5248x128xf32, #tpu.memory_space<vmem_shared>>
      tpu.enqueue_indirect_dma source(%dma_start3A_376 : memref<16x128xf32, #tpu.memory_space<vmem>>) target(%dma_start3A_382 : memref<5248x128xf32, #tpu.memory_space<vmem_shared>>) offsets(%dma_start3A_379 : memref<16xi32, #tpu.memory_space<vmem>>) semaphore(%arg16 : memref<!tpu.dma_semaphore, #tpu.memory_space<semaphore_mem>>) {add = true}
      %dma_start3A_383 = arith.constant 5 : i32
      %dma_start3A_384 = arith.constant 80 : i32
      %dma_start3A_385 = arith.constant 0 : i32
      %dma_start3A_386 = tpu.memref_slice %arg12[%dma_start3A_384, %dma_start3A_385] : memref<128x128xf32, #tpu.memory_space<vmem>> -> memref<16x128xf32, #tpu.memory_space<vmem>>
      %dma_start3A_387 = arith.constant 0 : i32
      %dma_start3A_388 = tpu.memref_slice %arg11[%dma_start3A_383, %dma_start3A_387] : memref<8x16xi32, #tpu.memory_space<vmem>> -> memref<1x16xi32, #tpu.memory_space<vmem>>
      %dma_start3A_389 = tpu.memref_squeeze %dma_start3A_388 : memref<1x16xi32, #tpu.memory_space<vmem>> -> memref<16xi32, #tpu.memory_space<vmem>>
      %dma_start3A_390 = arith.constant 0 : i32
      %dma_start3A_391 = arith.constant 0 : i32
      %dma_start3A_392 = tpu.memref_slice %arg14[%dma_start3A_390, %dma_start3A_391] : memref<5248x128xf32, #tpu.memory_space<vmem_shared>> -> memref<5248x128xf32, #tpu.memory_space<vmem_shared>>
      tpu.enqueue_indirect_dma source(%dma_start3A_386 : memref<16x128xf32, #tpu.memory_space<vmem>>) target(%dma_start3A_392 : memref<5248x128xf32, #tpu.memory_space<vmem_shared>>) offsets(%dma_start3A_389 : memref<16xi32, #tpu.memory_space<vmem>>) semaphore(%arg16 : memref<!tpu.dma_semaphore, #tpu.memory_space<semaphore_mem>>) {add = true}
      %dma_start3A_393 = arith.constant 6 : i32
      %dma_start3A_394 = arith.constant 96 : i32
      %dma_start3A_395 = arith.constant 0 : i32
      %dma_start3A_396 = tpu.memref_slice %arg12[%dma_start3A_394, %dma_start3A_395] : memref<128x128xf32, #tpu.memory_space<vmem>> -> memref<16x128xf32, #tpu.memory_space<vmem>>
      %dma_start3A_397 = arith.constant 0 : i32
      %dma_start3A_398 = tpu.memref_slice %arg11[%dma_start3A_393, %dma_start3A_397] : memref<8x16xi32, #tpu.memory_space<vmem>> -> memref<1x16xi32, #tpu.memory_space<vmem>>
      %dma_start3A_399 = tpu.memref_squeeze %dma_start3A_398 : memref<1x16xi32, #tpu.memory_space<vmem>> -> memref<16xi32, #tpu.memory_space<vmem>>
      %dma_start3A_400 = arith.constant 0 : i32
      %dma_start3A_401 = arith.constant 0 : i32
      %dma_start3A_402 = tpu.memref_slice %arg14[%dma_start3A_400, %dma_start3A_401] : memref<5248x128xf32, #tpu.memory_space<vmem_shared>> -> memref<5248x128xf32, #tpu.memory_space<vmem_shared>>
      tpu.enqueue_indirect_dma source(%dma_start3A_396 : memref<16x128xf32, #tpu.memory_space<vmem>>) target(%dma_start3A_402 : memref<5248x128xf32, #tpu.memory_space<vmem_shared>>) offsets(%dma_start3A_399 : memref<16xi32, #tpu.memory_space<vmem>>) semaphore(%arg16 : memref<!tpu.dma_semaphore, #tpu.memory_space<semaphore_mem>>) {add = true}
      %dma_start3A_403 = arith.constant 7 : i32
      %dma_start3A_404 = arith.constant 112 : i32
      %dma_start3A_405 = arith.constant 0 : i32
      %dma_start3A_406 = tpu.memref_slice %arg12[%dma_start3A_404, %dma_start3A_405] : memref<128x128xf32, #tpu.memory_space<vmem>> -> memref<16x128xf32, #tpu.memory_space<vmem>>
      %dma_start3A_407 = arith.constant 0 : i32
      %dma_start3A_408 = tpu.memref_slice %arg11[%dma_start3A_403, %dma_start3A_407] : memref<8x16xi32, #tpu.memory_space<vmem>> -> memref<1x16xi32, #tpu.memory_space<vmem>>
      %dma_start3A_409 = tpu.memref_squeeze %dma_start3A_408 : memref<1x16xi32, #tpu.memory_space<vmem>> -> memref<16xi32, #tpu.memory_space<vmem>>
      %dma_start3A_410 = arith.constant 0 : i32
      %dma_start3A_411 = arith.constant 0 : i32
      %dma_start3A_412 = tpu.memref_slice %arg14[%dma_start3A_410, %dma_start3A_411] : memref<5248x128xf32, #tpu.memory_space<vmem_shared>> -> memref<5248x128xf32, #tpu.memory_space<vmem_shared>>
      tpu.enqueue_indirect_dma source(%dma_start3A_406 : memref<16x128xf32, #tpu.memory_space<vmem>>) target(%dma_start3A_412 : memref<5248x128xf32, #tpu.memory_space<vmem_shared>>) offsets(%dma_start3A_409 : memref<16xi32, #tpu.memory_space<vmem>>) semaphore(%arg16 : memref<!tpu.dma_semaphore, #tpu.memory_space<semaphore_mem>>) {add = true}
      %dma_wait3A_413 = arith.constant 0 : i32
      %dma_wait3A_414 = arith.constant 0 : i32
      %dma_wait3A_415 = arith.constant 0 : i32
      %dma_wait3A_416 = tpu.memref_slice %arg12[%dma_wait3A_414, %dma_wait3A_415] : memref<128x128xf32, #tpu.memory_space<vmem>> -> memref<16x128xf32, #tpu.memory_space<vmem>>
      %dma_wait3A_417 = arith.constant 0 : i32
      %dma_wait3A_418 = tpu.memref_slice %arg11[%dma_wait3A_413, %dma_wait3A_417] : memref<8x16xi32, #tpu.memory_space<vmem>> -> memref<1x16xi32, #tpu.memory_space<vmem>>
      %dma_wait3A_419 = tpu.memref_squeeze %dma_wait3A_418 : memref<1x16xi32, #tpu.memory_space<vmem>> -> memref<16xi32, #tpu.memory_space<vmem>>
      %dma_wait3A_420 = arith.constant 0 : i32
      %dma_wait3A_421 = arith.constant 0 : i32
      %dma_wait3A_422 = tpu.memref_slice %arg14[%dma_wait3A_420, %dma_wait3A_421] : memref<5248x128xf32, #tpu.memory_space<vmem_shared>> -> memref<5248x128xf32, #tpu.memory_space<vmem_shared>>
      tpu.wait_indirect_dma semaphore(%arg16 : memref<!tpu.dma_semaphore, #tpu.memory_space<semaphore_mem>>) src(%dma_wait3A_416 : memref<16x128xf32, #tpu.memory_space<vmem>>) dst(%dma_wait3A_422 : memref<5248x128xf32, #tpu.memory_space<vmem_shared>>)
      %dma_wait3A_423 = arith.constant 1 : i32
      %dma_wait3A_424 = arith.constant 16 : i32
      %dma_wait3A_425 = arith.constant 0 : i32
      %dma_wait3A_426 = tpu.memref_slice %arg12[%dma_wait3A_424, %dma_wait3A_425] : memref<128x128xf32, #tpu.memory_space<vmem>> -> memref<16x128xf32, #tpu.memory_space<vmem>>
      %dma_wait3A_427 = arith.constant 0 : i32
      %dma_wait3A_428 = tpu.memref_slice %arg11[%dma_wait3A_423, %dma_wait3A_427] : memref<8x16xi32, #tpu.memory_space<vmem>> -> memref<1x16xi32, #tpu.memory_space<vmem>>
      %dma_wait3A_429 = tpu.memref_squeeze %dma_wait3A_428 : memref<1x16xi32, #tpu.memory_space<vmem>> -> memref<16xi32, #tpu.memory_space<vmem>>
      %dma_wait3A_430 = arith.constant 0 : i32
      %dma_wait3A_431 = arith.constant 0 : i32
      %dma_wait3A_432 = tpu.memref_slice %arg14[%dma_wait3A_430, %dma_wait3A_431] : memref<5248x128xf32, #tpu.memory_space<vmem_shared>> -> memref<5248x128xf32, #tpu.memory_space<vmem_shared>>
      tpu.wait_indirect_dma semaphore(%arg16 : memref<!tpu.dma_semaphore, #tpu.memory_space<semaphore_mem>>) src(%dma_wait3A_426 : memref<16x128xf32, #tpu.memory_space<vmem>>) dst(%dma_wait3A_432 : memref<5248x128xf32, #tpu.memory_space<vmem_shared>>)
      %dma_wait3A_433 = arith.constant 2 : i32
      %dma_wait3A_434 = arith.constant 32 : i32
      %dma_wait3A_435 = arith.constant 0 : i32
      %dma_wait3A_436 = tpu.memref_slice %arg12[%dma_wait3A_434, %dma_wait3A_435] : memref<128x128xf32, #tpu.memory_space<vmem>> -> memref<16x128xf32, #tpu.memory_space<vmem>>
      %dma_wait3A_437 = arith.constant 0 : i32
      %dma_wait3A_438 = tpu.memref_slice %arg11[%dma_wait3A_433, %dma_wait3A_437] : memref<8x16xi32, #tpu.memory_space<vmem>> -> memref<1x16xi32, #tpu.memory_space<vmem>>
      %dma_wait3A_439 = tpu.memref_squeeze %dma_wait3A_438 : memref<1x16xi32, #tpu.memory_space<vmem>> -> memref<16xi32, #tpu.memory_space<vmem>>
      %dma_wait3A_440 = arith.constant 0 : i32
      %dma_wait3A_441 = arith.constant 0 : i32
      %dma_wait3A_442 = tpu.memref_slice %arg14[%dma_wait3A_440, %dma_wait3A_441] : memref<5248x128xf32, #tpu.memory_space<vmem_shared>> -> memref<5248x128xf32, #tpu.memory_space<vmem_shared>>
      tpu.wait_indirect_dma semaphore(%arg16 : memref<!tpu.dma_semaphore, #tpu.memory_space<semaphore_mem>>) src(%dma_wait3A_436 : memref<16x128xf32, #tpu.memory_space<vmem>>) dst(%dma_wait3A_442 : memref<5248x128xf32, #tpu.memory_space<vmem_shared>>)
      %dma_wait3A_443 = arith.constant 3 : i32
      %dma_wait3A_444 = arith.constant 48 : i32
      %dma_wait3A_445 = arith.constant 0 : i32
      %dma_wait3A_446 = tpu.memref_slice %arg12[%dma_wait3A_444, %dma_wait3A_445] : memref<128x128xf32, #tpu.memory_space<vmem>> -> memref<16x128xf32, #tpu.memory_space<vmem>>
      %dma_wait3A_447 = arith.constant 0 : i32
      %dma_wait3A_448 = tpu.memref_slice %arg11[%dma_wait3A_443, %dma_wait3A_447] : memref<8x16xi32, #tpu.memory_space<vmem>> -> memref<1x16xi32, #tpu.memory_space<vmem>>
      %dma_wait3A_449 = tpu.memref_squeeze %dma_wait3A_448 : memref<1x16xi32, #tpu.memory_space<vmem>> -> memref<16xi32, #tpu.memory_space<vmem>>
      %dma_wait3A_450 = arith.constant 0 : i32
      %dma_wait3A_451 = arith.constant 0 : i32
      %dma_wait3A_452 = tpu.memref_slice %arg14[%dma_wait3A_450, %dma_wait3A_451] : memref<5248x128xf32, #tpu.memory_space<vmem_shared>> -> memref<5248x128xf32, #tpu.memory_space<vmem_shared>>
      tpu.wait_indirect_dma semaphore(%arg16 : memref<!tpu.dma_semaphore, #tpu.memory_space<semaphore_mem>>) src(%dma_wait3A_446 : memref<16x128xf32, #tpu.memory_space<vmem>>) dst(%dma_wait3A_452 : memref<5248x128xf32, #tpu.memory_space<vmem_shared>>)
      %dma_wait3A_453 = arith.constant 4 : i32
      %dma_wait3A_454 = arith.constant 64 : i32
      %dma_wait3A_455 = arith.constant 0 : i32
      %dma_wait3A_456 = tpu.memref_slice %arg12[%dma_wait3A_454, %dma_wait3A_455] : memref<128x128xf32, #tpu.memory_space<vmem>> -> memref<16x128xf32, #tpu.memory_space<vmem>>
      %dma_wait3A_457 = arith.constant 0 : i32
      %dma_wait3A_458 = tpu.memref_slice %arg11[%dma_wait3A_453, %dma_wait3A_457] : memref<8x16xi32, #tpu.memory_space<vmem>> -> memref<1x16xi32, #tpu.memory_space<vmem>>
      %dma_wait3A_459 = tpu.memref_squeeze %dma_wait3A_458 : memref<1x16xi32, #tpu.memory_space<vmem>> -> memref<16xi32, #tpu.memory_space<vmem>>
      %dma_wait3A_460 = arith.constant 0 : i32
      %dma_wait3A_461 = arith.constant 0 : i32
      %dma_wait3A_462 = tpu.memref_slice %arg14[%dma_wait3A_460, %dma_wait3A_461] : memref<5248x128xf32, #tpu.memory_space<vmem_shared>> -> memref<5248x128xf32, #tpu.memory_space<vmem_shared>>
      tpu.wait_indirect_dma semaphore(%arg16 : memref<!tpu.dma_semaphore, #tpu.memory_space<semaphore_mem>>) src(%dma_wait3A_456 : memref<16x128xf32, #tpu.memory_space<vmem>>) dst(%dma_wait3A_462 : memref<5248x128xf32, #tpu.memory_space<vmem_shared>>)
      %dma_wait3A_463 = arith.constant 5 : i32
      %dma_wait3A_464 = arith.constant 80 : i32
      %dma_wait3A_465 = arith.constant 0 : i32
      %dma_wait3A_466 = tpu.memref_slice %arg12[%dma_wait3A_464, %dma_wait3A_465] : memref<128x128xf32, #tpu.memory_space<vmem>> -> memref<16x128xf32, #tpu.memory_space<vmem>>
      %dma_wait3A_467 = arith.constant 0 : i32
      %dma_wait3A_468 = tpu.memref_slice %arg11[%dma_wait3A_463, %dma_wait3A_467] : memref<8x16xi32, #tpu.memory_space<vmem>> -> memref<1x16xi32, #tpu.memory_space<vmem>>
      %dma_wait3A_469 = tpu.memref_squeeze %dma_wait3A_468 : memref<1x16xi32, #tpu.memory_space<vmem>> -> memref<16xi32, #tpu.memory_space<vmem>>
      %dma_wait3A_470 = arith.constant 0 : i32
      %dma_wait3A_471 = arith.constant 0 : i32
      %dma_wait3A_472 = tpu.memref_slice %arg14[%dma_wait3A_470, %dma_wait3A_471] : memref<5248x128xf32, #tpu.memory_space<vmem_shared>> -> memref<5248x128xf32, #tpu.memory_space<vmem_shared>>
      tpu.wait_indirect_dma semaphore(%arg16 : memref<!tpu.dma_semaphore, #tpu.memory_space<semaphore_mem>>) src(%dma_wait3A_466 : memref<16x128xf32, #tpu.memory_space<vmem>>) dst(%dma_wait3A_472 : memref<5248x128xf32, #tpu.memory_space<vmem_shared>>)
      %dma_wait3A_473 = arith.constant 6 : i32
      %dma_wait3A_474 = arith.constant 96 : i32
      %dma_wait3A_475 = arith.constant 0 : i32
      %dma_wait3A_476 = tpu.memref_slice %arg12[%dma_wait3A_474, %dma_wait3A_475] : memref<128x128xf32, #tpu.memory_space<vmem>> -> memref<16x128xf32, #tpu.memory_space<vmem>>
      %dma_wait3A_477 = arith.constant 0 : i32
      %dma_wait3A_478 = tpu.memref_slice %arg11[%dma_wait3A_473, %dma_wait3A_477] : memref<8x16xi32, #tpu.memory_space<vmem>> -> memref<1x16xi32, #tpu.memory_space<vmem>>
      %dma_wait3A_479 = tpu.memref_squeeze %dma_wait3A_478 : memref<1x16xi32, #tpu.memory_space<vmem>> -> memref<16xi32, #tpu.memory_space<vmem>>
      %dma_wait3A_480 = arith.constant 0 : i32
      %dma_wait3A_481 = arith.constant 0 : i32
      %dma_wait3A_482 = tpu.memref_slice %arg14[%dma_wait3A_480, %dma_wait3A_481] : memref<5248x128xf32, #tpu.memory_space<vmem_shared>> -> memref<5248x128xf32, #tpu.memory_space<vmem_shared>>
      tpu.wait_indirect_dma semaphore(%arg16 : memref<!tpu.dma_semaphore, #tpu.memory_space<semaphore_mem>>) src(%dma_wait3A_476 : memref<16x128xf32, #tpu.memory_space<vmem>>) dst(%dma_wait3A_482 : memref<5248x128xf32, #tpu.memory_space<vmem_shared>>)
      %dma_wait3A_483 = arith.constant 7 : i32
      %dma_wait3A_484 = arith.constant 112 : i32
      %dma_wait3A_485 = arith.constant 0 : i32
      %dma_wait3A_486 = tpu.memref_slice %arg12[%dma_wait3A_484, %dma_wait3A_485] : memref<128x128xf32, #tpu.memory_space<vmem>> -> memref<16x128xf32, #tpu.memory_space<vmem>>
      %dma_wait3A_487 = arith.constant 0 : i32
      %dma_wait3A_488 = tpu.memref_slice %arg11[%dma_wait3A_483, %dma_wait3A_487] : memref<8x16xi32, #tpu.memory_space<vmem>> -> memref<1x16xi32, #tpu.memory_space<vmem>>
      %dma_wait3A_489 = tpu.memref_squeeze %dma_wait3A_488 : memref<1x16xi32, #tpu.memory_space<vmem>> -> memref<16xi32, #tpu.memory_space<vmem>>
      %dma_wait3A_490 = arith.constant 0 : i32
      %dma_wait3A_491 = arith.constant 0 : i32
      %dma_wait3A_492 = tpu.memref_slice %arg14[%dma_wait3A_490, %dma_wait3A_491] : memref<5248x128xf32, #tpu.memory_space<vmem_shared>> -> memref<5248x128xf32, #tpu.memory_space<vmem_shared>>
      tpu.wait_indirect_dma semaphore(%arg16 : memref<!tpu.dma_semaphore, #tpu.memory_space<semaphore_mem>>) src(%dma_wait3A_486 : memref<16x128xf32, #tpu.memory_space<vmem>>) dst(%dma_wait3A_492 : memref<5248x128xf32, #tpu.memory_space<vmem_shared>>)
      %dma_wait3A_493 = arith.constant 0 : i32
      %dma_wait3A_494 = arith.constant 0 : i32
      %dma_wait3A_495 = tpu.memref_slice %arg2[%dma_wait3A_493, %dma_wait3A_494] : memref<10240x128xf32, #tpu.memory_space<hbm>> -> memref<10240x128xf32, #tpu.memory_space<hbm>>
      tpu.wait_indirect_dma semaphore(%arg15 : memref<!tpu.dma_semaphore, #tpu.memory_space<semaphore_mem>>) src(%dma_wait3A_495 : memref<10240x128xf32, #tpu.memory_space<hbm>>) dst(%arg13 : memref<128x128xf32, #tpu.memory_space<vmem>>)
      %add3A_496 = arith.constant 1 : i32
      %add3A_497 = arith.addi %scan3A_91, %add3A_496 : i32
      %lt3A_498 = arith.constant 80 : i32
      %lt3A_499 = arith.cmpi slt, %add3A_497, %lt3A_498 : i32
      %convert_element_type3A = arith.extui %lt3A_499 : i1 to i32
      %cond3A = arith.constant 0 : i32
      %cond3A_500 = arith.cmpi ne, %convert_element_type3A, %cond3A : i32
      scf.if %cond3A_500 {
        %add3A_839 = arith.constant 2 : i32
        %add3A_840 = arith.addi %mul3A_93, %add3A_839 : i32
        %get3A_841 = arith.index_cast %add3A_840 : i32 to index
        %get3A_842 = arith.constant 0 : index
        %get3A_843 = tpu.vector_load %arg7[%get3A_841, %get3A_842] {strides = array<i32>} : memref<160x128xi32, #tpu.memory_space<vmem>>, vector<1x16xi32>,
        %get3A_844 = vector.shape_cast %get3A_843 : vector<1x16xi32> to vector<16xi32>
        %swap3A_845 = arith.constant 0 : index
        %swap3A_846 = tpu.vector_load %arg9[%swap3A_845] {strides = array<i32>} : memref<128xi32, #tpu.memory_space<vmem>>, vector<16xi32>,
        %swap3A_847 = vector.shape_cast %swap3A_846 : vector<16xi32> to vector<16xi32>
        %swap3A_848 = vector.shape_cast %get3A_844 : vector<16xi32> to vector<16xi32>
        tpu.vector_store %arg9[%swap3A_845], %swap3A_848 {strides = array<i32>} : memref<128xi32, #tpu.memory_space<vmem>>, vector<16xi32>,
        %get3A_849 = arith.index_cast %add3A_840 : i32 to index
        %get3A_850 = arith.constant 16 : index
        %get3A_851 = tpu.vector_load %arg7[%get3A_849, %get3A_850] {strides = array<i32>} : memref<160x128xi32, #tpu.memory_space<vmem>>, vector<1x16xi32>,
        %get3A_852 = vector.shape_cast %get3A_851 : vector<1x16xi32> to vector<16xi32>
        %swap3A_853 = arith.constant 16 : index
        %swap3A_854 = tpu.vector_load %arg9[%swap3A_853] {strides = array<i32>} : memref<128xi32, #tpu.memory_space<vmem>>, vector<16xi32>,
        %swap3A_855 = vector.shape_cast %swap3A_854 : vector<16xi32> to vector<16xi32>
        %swap3A_856 = vector.shape_cast %get3A_852 : vector<16xi32> to vector<16xi32>
        tpu.vector_store %arg9[%swap3A_853], %swap3A_856 {strides = array<i32>} : memref<128xi32, #tpu.memory_space<vmem>>, vector<16xi32>,
        %get3A_857 = arith.index_cast %add3A_840 : i32 to index
        %get3A_858 = arith.constant 32 : index
        %get3A_859 = tpu.vector_load %arg7[%get3A_857, %get3A_858] {strides = array<i32>} : memref<160x128xi32, #tpu.memory_space<vmem>>, vector<1x16xi32>,
        %get3A_860 = vector.shape_cast %get3A_859 : vector<1x16xi32> to vector<16xi32>
        %swap3A_861 = arith.constant 32 : index
        %swap3A_862 = tpu.vector_load %arg9[%swap3A_861] {strides = array<i32>} : memref<128xi32, #tpu.memory_space<vmem>>, vector<16xi32>,
        %swap3A_863 = vector.shape_cast %swap3A_862 : vector<16xi32> to vector<16xi32>
        %swap3A_864 = vector.shape_cast %get3A_860 : vector<16xi32> to vector<16xi32>
        tpu.vector_store %arg9[%swap3A_861], %swap3A_864 {strides = array<i32>} : memref<128xi32, #tpu.memory_space<vmem>>, vector<16xi32>,
        %get3A_865 = arith.index_cast %add3A_840 : i32 to index
        %get3A_866 = arith.constant 48 : index
        %get3A_867 = tpu.vector_load %arg7[%get3A_865, %get3A_866] {strides = array<i32>} : memref<160x128xi32, #tpu.memory_space<vmem>>, vector<1x16xi32>,
        %get3A_868 = vector.shape_cast %get3A_867 : vector<1x16xi32> to vector<16xi32>
        %swap3A_869 = arith.constant 48 : index
        %swap3A_870 = tpu.vector_load %arg9[%swap3A_869] {strides = array<i32>} : memref<128xi32, #tpu.memory_space<vmem>>, vector<16xi32>,
        %swap3A_871 = vector.shape_cast %swap3A_870 : vector<16xi32> to vector<16xi32>
        %swap3A_872 = vector.shape_cast %get3A_868 : vector<16xi32> to vector<16xi32>
        tpu.vector_store %arg9[%swap3A_869], %swap3A_872 {strides = array<i32>} : memref<128xi32, #tpu.memory_space<vmem>>, vector<16xi32>,
        %get3A_873 = arith.index_cast %add3A_840 : i32 to index
        %get3A_874 = arith.constant 64 : index
        %get3A_875 = tpu.vector_load %arg7[%get3A_873, %get3A_874] {strides = array<i32>} : memref<160x128xi32, #tpu.memory_space<vmem>>, vector<1x16xi32>,
        %get3A_876 = vector.shape_cast %get3A_875 : vector<1x16xi32> to vector<16xi32>
        %swap3A_877 = arith.constant 64 : index
        %swap3A_878 = tpu.vector_load %arg9[%swap3A_877] {strides = array<i32>} : memref<128xi32, #tpu.memory_space<vmem>>, vector<16xi32>,
        %swap3A_879 = vector.shape_cast %swap3A_878 : vector<16xi32> to vector<16xi32>
        %swap3A_880 = vector.shape_cast %get3A_876 : vector<16xi32> to vector<16xi32>
        tpu.vector_store %arg9[%swap3A_877], %swap3A_880 {strides = array<i32>} : memref<128xi32, #tpu.memory_space<vmem>>, vector<16xi32>,
        %get3A_881 = arith.index_cast %add3A_840 : i32 to index
        %get3A_882 = arith.constant 80 : index
        %get3A_883 = tpu.vector_load %arg7[%get3A_881, %get3A_882] {strides = array<i32>} : memref<160x128xi32, #tpu.memory_space<vmem>>, vector<1x16xi32>,
        %get3A_884 = vector.shape_cast %get3A_883 : vector<1x16xi32> to vector<16xi32>
        %swap3A_885 = arith.constant 80 : index
        %swap3A_886 = tpu.vector_load %arg9[%swap3A_885] {strides = array<i32>} : memref<128xi32, #tpu.memory_space<vmem>>, vector<16xi32>,
        %swap3A_887 = vector.shape_cast %swap3A_886 : vector<16xi32> to vector<16xi32>
        %swap3A_888 = vector.shape_cast %get3A_884 : vector<16xi32> to vector<16xi32>
        tpu.vector_store %arg9[%swap3A_885], %swap3A_888 {strides = array<i32>} : memref<128xi32, #tpu.memory_space<vmem>>, vector<16xi32>,
        %get3A_889 = arith.index_cast %add3A_840 : i32 to index
        %get3A_890 = arith.constant 96 : index
        %get3A_891 = tpu.vector_load %arg7[%get3A_889, %get3A_890] {strides = array<i32>} : memref<160x128xi32, #tpu.memory_space<vmem>>, vector<1x16xi32>,
        %get3A_892 = vector.shape_cast %get3A_891 : vector<1x16xi32> to vector<16xi32>
        %swap3A_893 = arith.constant 96 : index
        %swap3A_894 = tpu.vector_load %arg9[%swap3A_893] {strides = array<i32>} : memref<128xi32, #tpu.memory_space<vmem>>, vector<16xi32>,
        %swap3A_895 = vector.shape_cast %swap3A_894 : vector<16xi32> to vector<16xi32>
        %swap3A_896 = vector.shape_cast %get3A_892 : vector<16xi32> to vector<16xi32>
        tpu.vector_store %arg9[%swap3A_893], %swap3A_896 {strides = array<i32>} : memref<128xi32, #tpu.memory_space<vmem>>, vector<16xi32>,
        %get3A_897 = arith.index_cast %add3A_840 : i32 to index
        %get3A_898 = arith.constant 112 : index
        %get3A_899 = tpu.vector_load %arg7[%get3A_897, %get3A_898] {strides = array<i32>} : memref<160x128xi32, #tpu.memory_space<vmem>>, vector<1x16xi32>,
        %get3A_900 = vector.shape_cast %get3A_899 : vector<1x16xi32> to vector<16xi32>
        %swap3A_901 = arith.constant 112 : index
        %swap3A_902 = tpu.vector_load %arg9[%swap3A_901] {strides = array<i32>} : memref<128xi32, #tpu.memory_space<vmem>>, vector<16xi32>,
        %swap3A_903 = vector.shape_cast %swap3A_902 : vector<16xi32> to vector<16xi32>
        %swap3A_904 = vector.shape_cast %get3A_900 : vector<16xi32> to vector<16xi32>
        tpu.vector_store %arg9[%swap3A_901], %swap3A_904 {strides = array<i32>} : memref<128xi32, #tpu.memory_space<vmem>>, vector<16xi32>,
        %dma_start3A_905 = arith.constant 0 : i32
        %dma_start3A_906 = arith.constant 0 : i32
        %dma_start3A_907 = tpu.memref_slice %arg2[%dma_start3A_905, %dma_start3A_906] : memref<10240x128xf32, #tpu.memory_space<hbm>> -> memref<10240x128xf32, #tpu.memory_space<hbm>>
        tpu.enqueue_indirect_dma source(%dma_start3A_907 : memref<10240x128xf32, #tpu.memory_space<hbm>>) target(%arg12 : memref<128x128xf32, #tpu.memory_space<vmem>>) offsets(%arg9 : memref<128xi32, #tpu.memory_space<vmem>>) semaphore(%arg15 : memref<!tpu.dma_semaphore, #tpu.memory_space<semaphore_mem>>)
      } else {
      }
      %add3A_501 = arith.constant 1 : i32
      %add3A_502 = arith.addi %mul3A_93, %add3A_501 : i32
      %get3A_503 = arith.index_cast %add3A_502 : i32 to index
      %get3A_504 = arith.constant 0 : index
      %get3A_505 = tpu.vector_load %arg8[%get3A_503, %get3A_504] {strides = array<i32>} : memref<160x128xi32, #tpu.memory_space<vmem>>, vector<1x16xi32>,
      %get3A_506 = vector.shape_cast %get3A_505 : vector<1x16xi32> to vector<16xi32>
      %sub3A_507 = vector.broadcast %mul3A_0 : i32 to vector<16xi32>
      %sub3A_508 = arith.subi %get3A_506, %sub3A_507 : vector<16xi32>
      %ge3A_509 = arith.constant 0 : i32
      %ge3A_510 = vector.broadcast %ge3A_509 : i32 to vector<16xi32>
      %ge3A_511 = arith.cmpi sge, %sub3A_508, %ge3A_510 : vector<16xi32>
      %lt3A_512 = arith.constant 5120 : i32
      %lt3A_513 = vector.broadcast %lt3A_512 : i32 to vector<16xi32>
      %lt3A_514 = arith.cmpi slt, %sub3A_508, %lt3A_513 : vector<16xi32>
      %and3A_515 = arith.andi %ge3A_511, %lt3A_514 : vector<16xi1>
      %jit3A_516 = arith.constant 5120 : i32
      %broadcast_in_dim3A_517 = vector.broadcast %jit3A_516 : i32 to vector<16xi32>
      %select_n3A_518 = arith.select %and3A_515, %sub3A_508, %broadcast_in_dim3A_517 : vector<16xi1>, vector<16xi32>
      %swap3A_519 = arith.constant 0 : i32
      %swap3A_520 = arith.index_cast %swap3A_519 : i32 to index
      %swap3A_521 = arith.constant 0 : index
      %swap3A_522 = tpu.vector_load %arg11[%swap3A_520, %swap3A_521] {strides = array<i32>} : memref<8x16xi32, #tpu.memory_space<vmem>>, vector<1x16xi32>,
      %swap3A_523 = vector.shape_cast %swap3A_522 : vector<1x16xi32> to vector<16xi32>
      %swap3A_524 = vector.shape_cast %select_n3A_518 : vector<16xi32> to vector<1x16xi32>
      tpu.vector_store %arg11[%swap3A_520, %swap3A_521], %swap3A_524 {strides = array<i32>} : memref<8x16xi32, #tpu.memory_space<vmem>>, vector<1x16xi32>,
      %get3A_525 = arith.index_cast %add3A_502 : i32 to index
      %get3A_526 = arith.constant 16 : index
      %get3A_527 = tpu.vector_load %arg8[%get3A_525, %get3A_526] {strides = array<i32>} : memref<160x128xi32, #tpu.memory_space<vmem>>, vector<1x16xi32>,
      %get3A_528 = vector.shape_cast %get3A_527 : vector<1x16xi32> to vector<16xi32>
      %sub3A_529 = vector.broadcast %mul3A_0 : i32 to vector<16xi32>
      %sub3A_530 = arith.subi %get3A_528, %sub3A_529 : vector<16xi32>
      %ge3A_531 = arith.constant 0 : i32
      %ge3A_532 = vector.broadcast %ge3A_531 : i32 to vector<16xi32>
      %ge3A_533 = arith.cmpi sge, %sub3A_530, %ge3A_532 : vector<16xi32>
      %lt3A_534 = arith.constant 5120 : i32
      %lt3A_535 = vector.broadcast %lt3A_534 : i32 to vector<16xi32>
      %lt3A_536 = arith.cmpi slt, %sub3A_530, %lt3A_535 : vector<16xi32>
      %and3A_537 = arith.andi %ge3A_533, %lt3A_536 : vector<16xi1>
      %jit3A_538 = arith.constant 5120 : i32
      %broadcast_in_dim3A_539 = vector.broadcast %jit3A_538 : i32 to vector<16xi32>
      %select_n3A_540 = arith.select %and3A_537, %sub3A_530, %broadcast_in_dim3A_539 : vector<16xi1>, vector<16xi32>
      %swap3A_541 = arith.constant 1 : i32
      %swap3A_542 = arith.index_cast %swap3A_541 : i32 to index
      %swap3A_543 = arith.constant 0 : index
      %swap3A_544 = tpu.vector_load %arg11[%swap3A_542, %swap3A_543] {strides = array<i32>} : memref<8x16xi32, #tpu.memory_space<vmem>>, vector<1x16xi32>,
      %swap3A_545 = vector.shape_cast %swap3A_544 : vector<1x16xi32> to vector<16xi32>
      %swap3A_546 = vector.shape_cast %select_n3A_540 : vector<16xi32> to vector<1x16xi32>
      tpu.vector_store %arg11[%swap3A_542, %swap3A_543], %swap3A_546 {strides = array<i32>} : memref<8x16xi32, #tpu.memory_space<vmem>>, vector<1x16xi32>,
      %get3A_547 = arith.index_cast %add3A_502 : i32 to index
      %get3A_548 = arith.constant 32 : index
      %get3A_549 = tpu.vector_load %arg8[%get3A_547, %get3A_548] {strides = array<i32>} : memref<160x128xi32, #tpu.memory_space<vmem>>, vector<1x16xi32>,
      %get3A_550 = vector.shape_cast %get3A_549 : vector<1x16xi32> to vector<16xi32>
      %sub3A_551 = vector.broadcast %mul3A_0 : i32 to vector<16xi32>
      %sub3A_552 = arith.subi %get3A_550, %sub3A_551 : vector<16xi32>
      %ge3A_553 = arith.constant 0 : i32
      %ge3A_554 = vector.broadcast %ge3A_553 : i32 to vector<16xi32>
      %ge3A_555 = arith.cmpi sge, %sub3A_552, %ge3A_554 : vector<16xi32>
      %lt3A_556 = arith.constant 5120 : i32
      %lt3A_557 = vector.broadcast %lt3A_556 : i32 to vector<16xi32>
      %lt3A_558 = arith.cmpi slt, %sub3A_552, %lt3A_557 : vector<16xi32>
      %and3A_559 = arith.andi %ge3A_555, %lt3A_558 : vector<16xi1>
      %jit3A_560 = arith.constant 5120 : i32
      %broadcast_in_dim3A_561 = vector.broadcast %jit3A_560 : i32 to vector<16xi32>
      %select_n3A_562 = arith.select %and3A_559, %sub3A_552, %broadcast_in_dim3A_561 : vector<16xi1>, vector<16xi32>
      %swap3A_563 = arith.constant 2 : i32
      %swap3A_564 = arith.index_cast %swap3A_563 : i32 to index
      %swap3A_565 = arith.constant 0 : index
      %swap3A_566 = tpu.vector_load %arg11[%swap3A_564, %swap3A_565] {strides = array<i32>} : memref<8x16xi32, #tpu.memory_space<vmem>>, vector<1x16xi32>,
      %swap3A_567 = vector.shape_cast %swap3A_566 : vector<1x16xi32> to vector<16xi32>
      %swap3A_568 = vector.shape_cast %select_n3A_562 : vector<16xi32> to vector<1x16xi32>
      tpu.vector_store %arg11[%swap3A_564, %swap3A_565], %swap3A_568 {strides = array<i32>} : memref<8x16xi32, #tpu.memory_space<vmem>>, vector<1x16xi32>,
      %get3A_569 = arith.index_cast %add3A_502 : i32 to index
      %get3A_570 = arith.constant 48 : index
      %get3A_571 = tpu.vector_load %arg8[%get3A_569, %get3A_570] {strides = array<i32>} : memref<160x128xi32, #tpu.memory_space<vmem>>, vector<1x16xi32>,
      %get3A_572 = vector.shape_cast %get3A_571 : vector<1x16xi32> to vector<16xi32>
      %sub3A_573 = vector.broadcast %mul3A_0 : i32 to vector<16xi32>
      %sub3A_574 = arith.subi %get3A_572, %sub3A_573 : vector<16xi32>
      %ge3A_575 = arith.constant 0 : i32
      %ge3A_576 = vector.broadcast %ge3A_575 : i32 to vector<16xi32>
      %ge3A_577 = arith.cmpi sge, %sub3A_574, %ge3A_576 : vector<16xi32>
      %lt3A_578 = arith.constant 5120 : i32
      %lt3A_579 = vector.broadcast %lt3A_578 : i32 to vector<16xi32>
      %lt3A_580 = arith.cmpi slt, %sub3A_574, %lt3A_579 : vector<16xi32>
      %and3A_581 = arith.andi %ge3A_577, %lt3A_580 : vector<16xi1>
      %jit3A_582 = arith.constant 5120 : i32
      %broadcast_in_dim3A_583 = vector.broadcast %jit3A_582 : i32 to vector<16xi32>
      %select_n3A_584 = arith.select %and3A_581, %sub3A_574, %broadcast_in_dim3A_583 : vector<16xi1>, vector<16xi32>
      %swap3A_585 = arith.constant 3 : i32
      %swap3A_586 = arith.index_cast %swap3A_585 : i32 to index
      %swap3A_587 = arith.constant 0 : index
      %swap3A_588 = tpu.vector_load %arg11[%swap3A_586, %swap3A_587] {strides = array<i32>} : memref<8x16xi32, #tpu.memory_space<vmem>>, vector<1x16xi32>,
      %swap3A_589 = vector.shape_cast %swap3A_588 : vector<1x16xi32> to vector<16xi32>
      %swap3A_590 = vector.shape_cast %select_n3A_584 : vector<16xi32> to vector<1x16xi32>
      tpu.vector_store %arg11[%swap3A_586, %swap3A_587], %swap3A_590 {strides = array<i32>} : memref<8x16xi32, #tpu.memory_space<vmem>>, vector<1x16xi32>,
      %get3A_591 = arith.index_cast %add3A_502 : i32 to index
      %get3A_592 = arith.constant 64 : index
      %get3A_593 = tpu.vector_load %arg8[%get3A_591, %get3A_592] {strides = array<i32>} : memref<160x128xi32, #tpu.memory_space<vmem>>, vector<1x16xi32>,
      %get3A_594 = vector.shape_cast %get3A_593 : vector<1x16xi32> to vector<16xi32>
      %sub3A_595 = vector.broadcast %mul3A_0 : i32 to vector<16xi32>
      %sub3A_596 = arith.subi %get3A_594, %sub3A_595 : vector<16xi32>
      %ge3A_597 = arith.constant 0 : i32
      %ge3A_598 = vector.broadcast %ge3A_597 : i32 to vector<16xi32>
      %ge3A_599 = arith.cmpi sge, %sub3A_596, %ge3A_598 : vector<16xi32>
      %lt3A_600 = arith.constant 5120 : i32
      %lt3A_601 = vector.broadcast %lt3A_600 : i32 to vector<16xi32>
      %lt3A_602 = arith.cmpi slt, %sub3A_596, %lt3A_601 : vector<16xi32>
      %and3A_603 = arith.andi %ge3A_599, %lt3A_602 : vector<16xi1>
      %jit3A_604 = arith.constant 5120 : i32
      %broadcast_in_dim3A_605 = vector.broadcast %jit3A_604 : i32 to vector<16xi32>
      %select_n3A_606 = arith.select %and3A_603, %sub3A_596, %broadcast_in_dim3A_605 : vector<16xi1>, vector<16xi32>
      %swap3A_607 = arith.constant 4 : i32
      %swap3A_608 = arith.index_cast %swap3A_607 : i32 to index
      %swap3A_609 = arith.constant 0 : index
      %swap3A_610 = tpu.vector_load %arg11[%swap3A_608, %swap3A_609] {strides = array<i32>} : memref<8x16xi32, #tpu.memory_space<vmem>>, vector<1x16xi32>,
      %swap3A_611 = vector.shape_cast %swap3A_610 : vector<1x16xi32> to vector<16xi32>
      %swap3A_612 = vector.shape_cast %select_n3A_606 : vector<16xi32> to vector<1x16xi32>
      tpu.vector_store %arg11[%swap3A_608, %swap3A_609], %swap3A_612 {strides = array<i32>} : memref<8x16xi32, #tpu.memory_space<vmem>>, vector<1x16xi32>,
      %get3A_613 = arith.index_cast %add3A_502 : i32 to index
      %get3A_614 = arith.constant 80 : index
      %get3A_615 = tpu.vector_load %arg8[%get3A_613, %get3A_614] {strides = array<i32>} : memref<160x128xi32, #tpu.memory_space<vmem>>, vector<1x16xi32>,
      %get3A_616 = vector.shape_cast %get3A_615 : vector<1x16xi32> to vector<16xi32>
      %sub3A_617 = vector.broadcast %mul3A_0 : i32 to vector<16xi32>
      %sub3A_618 = arith.subi %get3A_616, %sub3A_617 : vector<16xi32>
      %ge3A_619 = arith.constant 0 : i32
      %ge3A_620 = vector.broadcast %ge3A_619 : i32 to vector<16xi32>
      %ge3A_621 = arith.cmpi sge, %sub3A_618, %ge3A_620 : vector<16xi32>
      %lt3A_622 = arith.constant 5120 : i32
      %lt3A_623 = vector.broadcast %lt3A_622 : i32 to vector<16xi32>
      %lt3A_624 = arith.cmpi slt, %sub3A_618, %lt3A_623 : vector<16xi32>
      %and3A_625 = arith.andi %ge3A_621, %lt3A_624 : vector<16xi1>
      %jit3A_626 = arith.constant 5120 : i32
      %broadcast_in_dim3A_627 = vector.broadcast %jit3A_626 : i32 to vector<16xi32>
      %select_n3A_628 = arith.select %and3A_625, %sub3A_618, %broadcast_in_dim3A_627 : vector<16xi1>, vector<16xi32>
      %swap3A_629 = arith.constant 5 : i32
      %swap3A_630 = arith.index_cast %swap3A_629 : i32 to index
      %swap3A_631 = arith.constant 0 : index
      %swap3A_632 = tpu.vector_load %arg11[%swap3A_630, %swap3A_631] {strides = array<i32>} : memref<8x16xi32, #tpu.memory_space<vmem>>, vector<1x16xi32>,
      %swap3A_633 = vector.shape_cast %swap3A_632 : vector<1x16xi32> to vector<16xi32>
      %swap3A_634 = vector.shape_cast %select_n3A_628 : vector<16xi32> to vector<1x16xi32>
      tpu.vector_store %arg11[%swap3A_630, %swap3A_631], %swap3A_634 {strides = array<i32>} : memref<8x16xi32, #tpu.memory_space<vmem>>, vector<1x16xi32>,
      %get3A_635 = arith.index_cast %add3A_502 : i32 to index
      %get3A_636 = arith.constant 96 : index
      %get3A_637 = tpu.vector_load %arg8[%get3A_635, %get3A_636] {strides = array<i32>} : memref<160x128xi32, #tpu.memory_space<vmem>>, vector<1x16xi32>,
      %get3A_638 = vector.shape_cast %get3A_637 : vector<1x16xi32> to vector<16xi32>
      %sub3A_639 = vector.broadcast %mul3A_0 : i32 to vector<16xi32>
      %sub3A_640 = arith.subi %get3A_638, %sub3A_639 : vector<16xi32>
      %ge3A_641 = arith.constant 0 : i32
      %ge3A_642 = vector.broadcast %ge3A_641 : i32 to vector<16xi32>
      %ge3A_643 = arith.cmpi sge, %sub3A_640, %ge3A_642 : vector<16xi32>
      %lt3A_644 = arith.constant 5120 : i32
      %lt3A_645 = vector.broadcast %lt3A_644 : i32 to vector<16xi32>
      %lt3A_646 = arith.cmpi slt, %sub3A_640, %lt3A_645 : vector<16xi32>
      %and3A_647 = arith.andi %ge3A_643, %lt3A_646 : vector<16xi1>
      %jit3A_648 = arith.constant 5120 : i32
      %broadcast_in_dim3A_649 = vector.broadcast %jit3A_648 : i32 to vector<16xi32>
      %select_n3A_650 = arith.select %and3A_647, %sub3A_640, %broadcast_in_dim3A_649 : vector<16xi1>, vector<16xi32>
      %swap3A_651 = arith.constant 6 : i32
      %swap3A_652 = arith.index_cast %swap3A_651 : i32 to index
      %swap3A_653 = arith.constant 0 : index
      %swap3A_654 = tpu.vector_load %arg11[%swap3A_652, %swap3A_653] {strides = array<i32>} : memref<8x16xi32, #tpu.memory_space<vmem>>, vector<1x16xi32>,
      %swap3A_655 = vector.shape_cast %swap3A_654 : vector<1x16xi32> to vector<16xi32>
      %swap3A_656 = vector.shape_cast %select_n3A_650 : vector<16xi32> to vector<1x16xi32>
      tpu.vector_store %arg11[%swap3A_652, %swap3A_653], %swap3A_656 {strides = array<i32>} : memref<8x16xi32, #tpu.memory_space<vmem>>, vector<1x16xi32>,
      %get3A_657 = arith.index_cast %add3A_502 : i32 to index
      %get3A_658 = arith.constant 112 : index
      %get3A_659 = tpu.vector_load %arg8[%get3A_657, %get3A_658] {strides = array<i32>} : memref<160x128xi32, #tpu.memory_space<vmem>>, vector<1x16xi32>,
      %get3A_660 = vector.shape_cast %get3A_659 : vector<1x16xi32> to vector<16xi32>
      %sub3A_661 = vector.broadcast %mul3A_0 : i32 to vector<16xi32>
      %sub3A_662 = arith.subi %get3A_660, %sub3A_661 : vector<16xi32>
      %ge3A_663 = arith.constant 0 : i32
      %ge3A_664 = vector.broadcast %ge3A_663 : i32 to vector<16xi32>
      %ge3A_665 = arith.cmpi sge, %sub3A_662, %ge3A_664 : vector<16xi32>
      %lt3A_666 = arith.constant 5120 : i32
      %lt3A_667 = vector.broadcast %lt3A_666 : i32 to vector<16xi32>
      %lt3A_668 = arith.cmpi slt, %sub3A_662, %lt3A_667 : vector<16xi32>
      %and3A_669 = arith.andi %ge3A_665, %lt3A_668 : vector<16xi1>
      %jit3A_670 = arith.constant 5120 : i32
      %broadcast_in_dim3A_671 = vector.broadcast %jit3A_670 : i32 to vector<16xi32>
      %select_n3A_672 = arith.select %and3A_669, %sub3A_662, %broadcast_in_dim3A_671 : vector<16xi1>, vector<16xi32>
      %swap3A_673 = arith.constant 7 : i32
      %swap3A_674 = arith.index_cast %swap3A_673 : i32 to index
      %swap3A_675 = arith.constant 0 : index
      %swap3A_676 = tpu.vector_load %arg11[%swap3A_674, %swap3A_675] {strides = array<i32>} : memref<8x16xi32, #tpu.memory_space<vmem>>, vector<1x16xi32>,
      %swap3A_677 = vector.shape_cast %swap3A_676 : vector<1x16xi32> to vector<16xi32>
      %swap3A_678 = vector.shape_cast %select_n3A_672 : vector<16xi32> to vector<1x16xi32>
      tpu.vector_store %arg11[%swap3A_674, %swap3A_675], %swap3A_678 {strides = array<i32>} : memref<8x16xi32, #tpu.memory_space<vmem>>, vector<1x16xi32>,
      %dma_start3A_679 = arith.constant 0 : i32
      %dma_start3A_680 = arith.constant 0 : i32
      %dma_start3A_681 = arith.constant 0 : i32
      %dma_start3A_682 = tpu.memref_slice %arg13[%dma_start3A_680, %dma_start3A_681] : memref<128x128xf32, #tpu.memory_space<vmem>> -> memref<16x128xf32, #tpu.memory_space<vmem>>
      %dma_start3A_683 = arith.constant 0 : i32
      %dma_start3A_684 = tpu.memref_slice %arg11[%dma_start3A_679, %dma_start3A_683] : memref<8x16xi32, #tpu.memory_space<vmem>> -> memref<1x16xi32, #tpu.memory_space<vmem>>
      %dma_start3A_685 = tpu.memref_squeeze %dma_start3A_684 : memref<1x16xi32, #tpu.memory_space<vmem>> -> memref<16xi32, #tpu.memory_space<vmem>>
      %dma_start3A_686 = arith.constant 0 : i32
      %dma_start3A_687 = arith.constant 0 : i32
      %dma_start3A_688 = tpu.memref_slice %arg14[%dma_start3A_686, %dma_start3A_687] : memref<5248x128xf32, #tpu.memory_space<vmem_shared>> -> memref<5248x128xf32, #tpu.memory_space<vmem_shared>>
      tpu.enqueue_indirect_dma source(%dma_start3A_682 : memref<16x128xf32, #tpu.memory_space<vmem>>) target(%dma_start3A_688 : memref<5248x128xf32, #tpu.memory_space<vmem_shared>>) offsets(%dma_start3A_685 : memref<16xi32, #tpu.memory_space<vmem>>) semaphore(%arg16 : memref<!tpu.dma_semaphore, #tpu.memory_space<semaphore_mem>>) {add = true}
      %dma_start3A_689 = arith.constant 1 : i32
      %dma_start3A_690 = arith.constant 16 : i32
      %dma_start3A_691 = arith.constant 0 : i32
      %dma_start3A_692 = tpu.memref_slice %arg13[%dma_start3A_690, %dma_start3A_691] : memref<128x128xf32, #tpu.memory_space<vmem>> -> memref<16x128xf32, #tpu.memory_space<vmem>>
      %dma_start3A_693 = arith.constant 0 : i32
      %dma_start3A_694 = tpu.memref_slice %arg11[%dma_start3A_689, %dma_start3A_693] : memref<8x16xi32, #tpu.memory_space<vmem>> -> memref<1x16xi32, #tpu.memory_space<vmem>>
      %dma_start3A_695 = tpu.memref_squeeze %dma_start3A_694 : memref<1x16xi32, #tpu.memory_space<vmem>> -> memref<16xi32, #tpu.memory_space<vmem>>
      %dma_start3A_696 = arith.constant 0 : i32
      %dma_start3A_697 = arith.constant 0 : i32
      %dma_start3A_698 = tpu.memref_slice %arg14[%dma_start3A_696, %dma_start3A_697] : memref<5248x128xf32, #tpu.memory_space<vmem_shared>> -> memref<5248x128xf32, #tpu.memory_space<vmem_shared>>
      tpu.enqueue_indirect_dma source(%dma_start3A_692 : memref<16x128xf32, #tpu.memory_space<vmem>>) target(%dma_start3A_698 : memref<5248x128xf32, #tpu.memory_space<vmem_shared>>) offsets(%dma_start3A_695 : memref<16xi32, #tpu.memory_space<vmem>>) semaphore(%arg16 : memref<!tpu.dma_semaphore, #tpu.memory_space<semaphore_mem>>) {add = true}
      %dma_start3A_699 = arith.constant 2 : i32
      %dma_start3A_700 = arith.constant 32 : i32
      %dma_start3A_701 = arith.constant 0 : i32
      %dma_start3A_702 = tpu.memref_slice %arg13[%dma_start3A_700, %dma_start3A_701] : memref<128x128xf32, #tpu.memory_space<vmem>> -> memref<16x128xf32, #tpu.memory_space<vmem>>
      %dma_start3A_703 = arith.constant 0 : i32
      %dma_start3A_704 = tpu.memref_slice %arg11[%dma_start3A_699, %dma_start3A_703] : memref<8x16xi32, #tpu.memory_space<vmem>> -> memref<1x16xi32, #tpu.memory_space<vmem>>
      %dma_start3A_705 = tpu.memref_squeeze %dma_start3A_704 : memref<1x16xi32, #tpu.memory_space<vmem>> -> memref<16xi32, #tpu.memory_space<vmem>>
      %dma_start3A_706 = arith.constant 0 : i32
      %dma_start3A_707 = arith.constant 0 : i32
      %dma_start3A_708 = tpu.memref_slice %arg14[%dma_start3A_706, %dma_start3A_707] : memref<5248x128xf32, #tpu.memory_space<vmem_shared>> -> memref<5248x128xf32, #tpu.memory_space<vmem_shared>>
      tpu.enqueue_indirect_dma source(%dma_start3A_702 : memref<16x128xf32, #tpu.memory_space<vmem>>) target(%dma_start3A_708 : memref<5248x128xf32, #tpu.memory_space<vmem_shared>>) offsets(%dma_start3A_705 : memref<16xi32, #tpu.memory_space<vmem>>) semaphore(%arg16 : memref<!tpu.dma_semaphore, #tpu.memory_space<semaphore_mem>>) {add = true}
      %dma_start3A_709 = arith.constant 3 : i32
      %dma_start3A_710 = arith.constant 48 : i32
      %dma_start3A_711 = arith.constant 0 : i32
      %dma_start3A_712 = tpu.memref_slice %arg13[%dma_start3A_710, %dma_start3A_711] : memref<128x128xf32, #tpu.memory_space<vmem>> -> memref<16x128xf32, #tpu.memory_space<vmem>>
      %dma_start3A_713 = arith.constant 0 : i32
      %dma_start3A_714 = tpu.memref_slice %arg11[%dma_start3A_709, %dma_start3A_713] : memref<8x16xi32, #tpu.memory_space<vmem>> -> memref<1x16xi32, #tpu.memory_space<vmem>>
      %dma_start3A_715 = tpu.memref_squeeze %dma_start3A_714 : memref<1x16xi32, #tpu.memory_space<vmem>> -> memref<16xi32, #tpu.memory_space<vmem>>
      %dma_start3A_716 = arith.constant 0 : i32
      %dma_start3A_717 = arith.constant 0 : i32
      %dma_start3A_718 = tpu.memref_slice %arg14[%dma_start3A_716, %dma_start3A_717] : memref<5248x128xf32, #tpu.memory_space<vmem_shared>> -> memref<5248x128xf32, #tpu.memory_space<vmem_shared>>
      tpu.enqueue_indirect_dma source(%dma_start3A_712 : memref<16x128xf32, #tpu.memory_space<vmem>>) target(%dma_start3A_718 : memref<5248x128xf32, #tpu.memory_space<vmem_shared>>) offsets(%dma_start3A_715 : memref<16xi32, #tpu.memory_space<vmem>>) semaphore(%arg16 : memref<!tpu.dma_semaphore, #tpu.memory_space<semaphore_mem>>) {add = true}
      %dma_start3A_719 = arith.constant 4 : i32
      %dma_start3A_720 = arith.constant 64 : i32
      %dma_start3A_721 = arith.constant 0 : i32
      %dma_start3A_722 = tpu.memref_slice %arg13[%dma_start3A_720, %dma_start3A_721] : memref<128x128xf32, #tpu.memory_space<vmem>> -> memref<16x128xf32, #tpu.memory_space<vmem>>
      %dma_start3A_723 = arith.constant 0 : i32
      %dma_start3A_724 = tpu.memref_slice %arg11[%dma_start3A_719, %dma_start3A_723] : memref<8x16xi32, #tpu.memory_space<vmem>> -> memref<1x16xi32, #tpu.memory_space<vmem>>
      %dma_start3A_725 = tpu.memref_squeeze %dma_start3A_724 : memref<1x16xi32, #tpu.memory_space<vmem>> -> memref<16xi32, #tpu.memory_space<vmem>>
      %dma_start3A_726 = arith.constant 0 : i32
      %dma_start3A_727 = arith.constant 0 : i32
      %dma_start3A_728 = tpu.memref_slice %arg14[%dma_start3A_726, %dma_start3A_727] : memref<5248x128xf32, #tpu.memory_space<vmem_shared>> -> memref<5248x128xf32, #tpu.memory_space<vmem_shared>>
      tpu.enqueue_indirect_dma source(%dma_start3A_722 : memref<16x128xf32, #tpu.memory_space<vmem>>) target(%dma_start3A_728 : memref<5248x128xf32, #tpu.memory_space<vmem_shared>>) offsets(%dma_start3A_725 : memref<16xi32, #tpu.memory_space<vmem>>) semaphore(%arg16 : memref<!tpu.dma_semaphore, #tpu.memory_space<semaphore_mem>>) {add = true}
      %dma_start3A_729 = arith.constant 5 : i32
      %dma_start3A_730 = arith.constant 80 : i32
      %dma_start3A_731 = arith.constant 0 : i32
      %dma_start3A_732 = tpu.memref_slice %arg13[%dma_start3A_730, %dma_start3A_731] : memref<128x128xf32, #tpu.memory_space<vmem>> -> memref<16x128xf32, #tpu.memory_space<vmem>>
      %dma_start3A_733 = arith.constant 0 : i32
      %dma_start3A_734 = tpu.memref_slice %arg11[%dma_start3A_729, %dma_start3A_733] : memref<8x16xi32, #tpu.memory_space<vmem>> -> memref<1x16xi32, #tpu.memory_space<vmem>>
      %dma_start3A_735 = tpu.memref_squeeze %dma_start3A_734 : memref<1x16xi32, #tpu.memory_space<vmem>> -> memref<16xi32, #tpu.memory_space<vmem>>
      %dma_start3A_736 = arith.constant 0 : i32
      %dma_start3A_737 = arith.constant 0 : i32
      %dma_start3A_738 = tpu.memref_slice %arg14[%dma_start3A_736, %dma_start3A_737] : memref<5248x128xf32, #tpu.memory_space<vmem_shared>> -> memref<5248x128xf32, #tpu.memory_space<vmem_shared>>
      tpu.enqueue_indirect_dma source(%dma_start3A_732 : memref<16x128xf32, #tpu.memory_space<vmem>>) target(%dma_start3A_738 : memref<5248x128xf32, #tpu.memory_space<vmem_shared>>) offsets(%dma_start3A_735 : memref<16xi32, #tpu.memory_space<vmem>>) semaphore(%arg16 : memref<!tpu.dma_semaphore, #tpu.memory_space<semaphore_mem>>) {add = true}
      %dma_start3A_739 = arith.constant 6 : i32
      %dma_start3A_740 = arith.constant 96 : i32
      %dma_start3A_741 = arith.constant 0 : i32
      %dma_start3A_742 = tpu.memref_slice %arg13[%dma_start3A_740, %dma_start3A_741] : memref<128x128xf32, #tpu.memory_space<vmem>> -> memref<16x128xf32, #tpu.memory_space<vmem>>
      %dma_start3A_743 = arith.constant 0 : i32
      %dma_start3A_744 = tpu.memref_slice %arg11[%dma_start3A_739, %dma_start3A_743] : memref<8x16xi32, #tpu.memory_space<vmem>> -> memref<1x16xi32, #tpu.memory_space<vmem>>
      %dma_start3A_745 = tpu.memref_squeeze %dma_start3A_744 : memref<1x16xi32, #tpu.memory_space<vmem>> -> memref<16xi32, #tpu.memory_space<vmem>>
      %dma_start3A_746 = arith.constant 0 : i32
      %dma_start3A_747 = arith.constant 0 : i32
      %dma_start3A_748 = tpu.memref_slice %arg14[%dma_start3A_746, %dma_start3A_747] : memref<5248x128xf32, #tpu.memory_space<vmem_shared>> -> memref<5248x128xf32, #tpu.memory_space<vmem_shared>>
      tpu.enqueue_indirect_dma source(%dma_start3A_742 : memref<16x128xf32, #tpu.memory_space<vmem>>) target(%dma_start3A_748 : memref<5248x128xf32, #tpu.memory_space<vmem_shared>>) offsets(%dma_start3A_745 : memref<16xi32, #tpu.memory_space<vmem>>) semaphore(%arg16 : memref<!tpu.dma_semaphore, #tpu.memory_space<semaphore_mem>>) {add = true}
      %dma_start3A_749 = arith.constant 7 : i32
      %dma_start3A_750 = arith.constant 112 : i32
      %dma_start3A_751 = arith.constant 0 : i32
      %dma_start3A_752 = tpu.memref_slice %arg13[%dma_start3A_750, %dma_start3A_751] : memref<128x128xf32, #tpu.memory_space<vmem>> -> memref<16x128xf32, #tpu.memory_space<vmem>>
      %dma_start3A_753 = arith.constant 0 : i32
      %dma_start3A_754 = tpu.memref_slice %arg11[%dma_start3A_749, %dma_start3A_753] : memref<8x16xi32, #tpu.memory_space<vmem>> -> memref<1x16xi32, #tpu.memory_space<vmem>>
      %dma_start3A_755 = tpu.memref_squeeze %dma_start3A_754 : memref<1x16xi32, #tpu.memory_space<vmem>> -> memref<16xi32, #tpu.memory_space<vmem>>
      %dma_start3A_756 = arith.constant 0 : i32
      %dma_start3A_757 = arith.constant 0 : i32
      %dma_start3A_758 = tpu.memref_slice %arg14[%dma_start3A_756, %dma_start3A_757] : memref<5248x128xf32, #tpu.memory_space<vmem_shared>> -> memref<5248x128xf32, #tpu.memory_space<vmem_shared>>
      tpu.enqueue_indirect_dma source(%dma_start3A_752 : memref<16x128xf32, #tpu.memory_space<vmem>>) target(%dma_start3A_758 : memref<5248x128xf32, #tpu.memory_space<vmem_shared>>) offsets(%dma_start3A_755 : memref<16xi32, #tpu.memory_space<vmem>>) semaphore(%arg16 : memref<!tpu.dma_semaphore, #tpu.memory_space<semaphore_mem>>) {add = true}
      %dma_wait3A_759 = arith.constant 0 : i32
      %dma_wait3A_760 = arith.constant 0 : i32
      %dma_wait3A_761 = arith.constant 0 : i32
      %dma_wait3A_762 = tpu.memref_slice %arg13[%dma_wait3A_760, %dma_wait3A_761] : memref<128x128xf32, #tpu.memory_space<vmem>> -> memref<16x128xf32, #tpu.memory_space<vmem>>
      %dma_wait3A_763 = arith.constant 0 : i32
      %dma_wait3A_764 = tpu.memref_slice %arg11[%dma_wait3A_759, %dma_wait3A_763] : memref<8x16xi32, #tpu.memory_space<vmem>> -> memref<1x16xi32, #tpu.memory_space<vmem>>
      %dma_wait3A_765 = tpu.memref_squeeze %dma_wait3A_764 : memref<1x16xi32, #tpu.memory_space<vmem>> -> memref<16xi32, #tpu.memory_space<vmem>>
      %dma_wait3A_766 = arith.constant 0 : i32
      %dma_wait3A_767 = arith.constant 0 : i32
      %dma_wait3A_768 = tpu.memref_slice %arg14[%dma_wait3A_766, %dma_wait3A_767] : memref<5248x128xf32, #tpu.memory_space<vmem_shared>> -> memref<5248x128xf32, #tpu.memory_space<vmem_shared>>
      tpu.wait_indirect_dma semaphore(%arg16 : memref<!tpu.dma_semaphore, #tpu.memory_space<semaphore_mem>>) src(%dma_wait3A_762 : memref<16x128xf32, #tpu.memory_space<vmem>>) dst(%dma_wait3A_768 : memref<5248x128xf32, #tpu.memory_space<vmem_shared>>)
      %dma_wait3A_769 = arith.constant 1 : i32
      %dma_wait3A_770 = arith.constant 16 : i32
      %dma_wait3A_771 = arith.constant 0 : i32
      %dma_wait3A_772 = tpu.memref_slice %arg13[%dma_wait3A_770, %dma_wait3A_771] : memref<128x128xf32, #tpu.memory_space<vmem>> -> memref<16x128xf32, #tpu.memory_space<vmem>>
      %dma_wait3A_773 = arith.constant 0 : i32
      %dma_wait3A_774 = tpu.memref_slice %arg11[%dma_wait3A_769, %dma_wait3A_773] : memref<8x16xi32, #tpu.memory_space<vmem>> -> memref<1x16xi32, #tpu.memory_space<vmem>>
      %dma_wait3A_775 = tpu.memref_squeeze %dma_wait3A_774 : memref<1x16xi32, #tpu.memory_space<vmem>> -> memref<16xi32, #tpu.memory_space<vmem>>
      %dma_wait3A_776 = arith.constant 0 : i32
      %dma_wait3A_777 = arith.constant 0 : i32
      %dma_wait3A_778 = tpu.memref_slice %arg14[%dma_wait3A_776, %dma_wait3A_777] : memref<5248x128xf32, #tpu.memory_space<vmem_shared>> -> memref<5248x128xf32, #tpu.memory_space<vmem_shared>>
      tpu.wait_indirect_dma semaphore(%arg16 : memref<!tpu.dma_semaphore, #tpu.memory_space<semaphore_mem>>) src(%dma_wait3A_772 : memref<16x128xf32, #tpu.memory_space<vmem>>) dst(%dma_wait3A_778 : memref<5248x128xf32, #tpu.memory_space<vmem_shared>>)
      %dma_wait3A_779 = arith.constant 2 : i32
      %dma_wait3A_780 = arith.constant 32 : i32
      %dma_wait3A_781 = arith.constant 0 : i32
      %dma_wait3A_782 = tpu.memref_slice %arg13[%dma_wait3A_780, %dma_wait3A_781] : memref<128x128xf32, #tpu.memory_space<vmem>> -> memref<16x128xf32, #tpu.memory_space<vmem>>
      %dma_wait3A_783 = arith.constant 0 : i32
      %dma_wait3A_784 = tpu.memref_slice %arg11[%dma_wait3A_779, %dma_wait3A_783] : memref<8x16xi32, #tpu.memory_space<vmem>> -> memref<1x16xi32, #tpu.memory_space<vmem>>
      %dma_wait3A_785 = tpu.memref_squeeze %dma_wait3A_784 : memref<1x16xi32, #tpu.memory_space<vmem>> -> memref<16xi32, #tpu.memory_space<vmem>>
      %dma_wait3A_786 = arith.constant 0 : i32
      %dma_wait3A_787 = arith.constant 0 : i32
      %dma_wait3A_788 = tpu.memref_slice %arg14[%dma_wait3A_786, %dma_wait3A_787] : memref<5248x128xf32, #tpu.memory_space<vmem_shared>> -> memref<5248x128xf32, #tpu.memory_space<vmem_shared>>
      tpu.wait_indirect_dma semaphore(%arg16 : memref<!tpu.dma_semaphore, #tpu.memory_space<semaphore_mem>>) src(%dma_wait3A_782 : memref<16x128xf32, #tpu.memory_space<vmem>>) dst(%dma_wait3A_788 : memref<5248x128xf32, #tpu.memory_space<vmem_shared>>)
      %dma_wait3A_789 = arith.constant 3 : i32
      %dma_wait3A_790 = arith.constant 48 : i32
      %dma_wait3A_791 = arith.constant 0 : i32
      %dma_wait3A_792 = tpu.memref_slice %arg13[%dma_wait3A_790, %dma_wait3A_791] : memref<128x128xf32, #tpu.memory_space<vmem>> -> memref<16x128xf32, #tpu.memory_space<vmem>>
      %dma_wait3A_793 = arith.constant 0 : i32
      %dma_wait3A_794 = tpu.memref_slice %arg11[%dma_wait3A_789, %dma_wait3A_793] : memref<8x16xi32, #tpu.memory_space<vmem>> -> memref<1x16xi32, #tpu.memory_space<vmem>>
      %dma_wait3A_795 = tpu.memref_squeeze %dma_wait3A_794 : memref<1x16xi32, #tpu.memory_space<vmem>> -> memref<16xi32, #tpu.memory_space<vmem>>
      %dma_wait3A_796 = arith.constant 0 : i32
      %dma_wait3A_797 = arith.constant 0 : i32
      %dma_wait3A_798 = tpu.memref_slice %arg14[%dma_wait3A_796, %dma_wait3A_797] : memref<5248x128xf32, #tpu.memory_space<vmem_shared>> -> memref<5248x128xf32, #tpu.memory_space<vmem_shared>>
      tpu.wait_indirect_dma semaphore(%arg16 : memref<!tpu.dma_semaphore, #tpu.memory_space<semaphore_mem>>) src(%dma_wait3A_792 : memref<16x128xf32, #tpu.memory_space<vmem>>) dst(%dma_wait3A_798 : memref<5248x128xf32, #tpu.memory_space<vmem_shared>>)
      %dma_wait3A_799 = arith.constant 4 : i32
      %dma_wait3A_800 = arith.constant 64 : i32
      %dma_wait3A_801 = arith.constant 0 : i32
      %dma_wait3A_802 = tpu.memref_slice %arg13[%dma_wait3A_800, %dma_wait3A_801] : memref<128x128xf32, #tpu.memory_space<vmem>> -> memref<16x128xf32, #tpu.memory_space<vmem>>
      %dma_wait3A_803 = arith.constant 0 : i32
      %dma_wait3A_804 = tpu.memref_slice %arg11[%dma_wait3A_799, %dma_wait3A_803] : memref<8x16xi32, #tpu.memory_space<vmem>> -> memref<1x16xi32, #tpu.memory_space<vmem>>
      %dma_wait3A_805 = tpu.memref_squeeze %dma_wait3A_804 : memref<1x16xi32, #tpu.memory_space<vmem>> -> memref<16xi32, #tpu.memory_space<vmem>>
      %dma_wait3A_806 = arith.constant 0 : i32
      %dma_wait3A_807 = arith.constant 0 : i32
      %dma_wait3A_808 = tpu.memref_slice %arg14[%dma_wait3A_806, %dma_wait3A_807] : memref<5248x128xf32, #tpu.memory_space<vmem_shared>> -> memref<5248x128xf32, #tpu.memory_space<vmem_shared>>
      tpu.wait_indirect_dma semaphore(%arg16 : memref<!tpu.dma_semaphore, #tpu.memory_space<semaphore_mem>>) src(%dma_wait3A_802 : memref<16x128xf32, #tpu.memory_space<vmem>>) dst(%dma_wait3A_808 : memref<5248x128xf32, #tpu.memory_space<vmem_shared>>)
      %dma_wait3A_809 = arith.constant 5 : i32
      %dma_wait3A_810 = arith.constant 80 : i32
      %dma_wait3A_811 = arith.constant 0 : i32
      %dma_wait3A_812 = tpu.memref_slice %arg13[%dma_wait3A_810, %dma_wait3A_811] : memref<128x128xf32, #tpu.memory_space<vmem>> -> memref<16x128xf32, #tpu.memory_space<vmem>>
      %dma_wait3A_813 = arith.constant 0 : i32
      %dma_wait3A_814 = tpu.memref_slice %arg11[%dma_wait3A_809, %dma_wait3A_813] : memref<8x16xi32, #tpu.memory_space<vmem>> -> memref<1x16xi32, #tpu.memory_space<vmem>>
      %dma_wait3A_815 = tpu.memref_squeeze %dma_wait3A_814 : memref<1x16xi32, #tpu.memory_space<vmem>> -> memref<16xi32, #tpu.memory_space<vmem>>
      %dma_wait3A_816 = arith.constant 0 : i32
      %dma_wait3A_817 = arith.constant 0 : i32
      %dma_wait3A_818 = tpu.memref_slice %arg14[%dma_wait3A_816, %dma_wait3A_817] : memref<5248x128xf32, #tpu.memory_space<vmem_shared>> -> memref<5248x128xf32, #tpu.memory_space<vmem_shared>>
      tpu.wait_indirect_dma semaphore(%arg16 : memref<!tpu.dma_semaphore, #tpu.memory_space<semaphore_mem>>) src(%dma_wait3A_812 : memref<16x128xf32, #tpu.memory_space<vmem>>) dst(%dma_wait3A_818 : memref<5248x128xf32, #tpu.memory_space<vmem_shared>>)
      %dma_wait3A_819 = arith.constant 6 : i32
      %dma_wait3A_820 = arith.constant 96 : i32
      %dma_wait3A_821 = arith.constant 0 : i32
      %dma_wait3A_822 = tpu.memref_slice %arg13[%dma_wait3A_820, %dma_wait3A_821] : memref<128x128xf32, #tpu.memory_space<vmem>> -> memref<16x128xf32, #tpu.memory_space<vmem>>
      %dma_wait3A_823 = arith.constant 0 : i32
      %dma_wait3A_824 = tpu.memref_slice %arg11[%dma_wait3A_819, %dma_wait3A_823] : memref<8x16xi32, #tpu.memory_space<vmem>> -> memref<1x16xi32, #tpu.memory_space<vmem>>
      %dma_wait3A_825 = tpu.memref_squeeze %dma_wait3A_824 : memref<1x16xi32, #tpu.memory_space<vmem>> -> memref<16xi32, #tpu.memory_space<vmem>>
      %dma_wait3A_826 = arith.constant 0 : i32
      %dma_wait3A_827 = arith.constant 0 : i32
      %dma_wait3A_828 = tpu.memref_slice %arg14[%dma_wait3A_826, %dma_wait3A_827] : memref<5248x128xf32, #tpu.memory_space<vmem_shared>> -> memref<5248x128xf32, #tpu.memory_space<vmem_shared>>
      tpu.wait_indirect_dma semaphore(%arg16 : memref<!tpu.dma_semaphore, #tpu.memory_space<semaphore_mem>>) src(%dma_wait3A_822 : memref<16x128xf32, #tpu.memory_space<vmem>>) dst(%dma_wait3A_828 : memref<5248x128xf32, #tpu.memory_space<vmem_shared>>)
      %dma_wait3A_829 = arith.constant 7 : i32
      %dma_wait3A_830 = arith.constant 112 : i32
      %dma_wait3A_831 = arith.constant 0 : i32
      %dma_wait3A_832 = tpu.memref_slice %arg13[%dma_wait3A_830, %dma_wait3A_831] : memref<128x128xf32, #tpu.memory_space<vmem>> -> memref<16x128xf32, #tpu.memory_space<vmem>>
      %dma_wait3A_833 = arith.constant 0 : i32
      %dma_wait3A_834 = tpu.memref_slice %arg11[%dma_wait3A_829, %dma_wait3A_833] : memref<8x16xi32, #tpu.memory_space<vmem>> -> memref<1x16xi32, #tpu.memory_space<vmem>>
      %dma_wait3A_835 = tpu.memref_squeeze %dma_wait3A_834 : memref<1x16xi32, #tpu.memory_space<vmem>> -> memref<16xi32, #tpu.memory_space<vmem>>
      %dma_wait3A_836 = arith.constant 0 : i32
      %dma_wait3A_837 = arith.constant 0 : i32
      %dma_wait3A_838 = tpu.memref_slice %arg14[%dma_wait3A_836, %dma_wait3A_837] : memref<5248x128xf32, #tpu.memory_space<vmem_shared>> -> memref<5248x128xf32, #tpu.memory_space<vmem_shared>>
      tpu.wait_indirect_dma semaphore(%arg16 : memref<!tpu.dma_semaphore, #tpu.memory_space<semaphore_mem>>) src(%dma_wait3A_832 : memref<16x128xf32, #tpu.memory_space<vmem>>) dst(%dma_wait3A_838 : memref<5248x128xf32, #tpu.memory_space<vmem_shared>>)
    }
    %scan3A_85 = arith.constant 80 : i32
    %barrier3A_86 = arith.constant 0 : index
    tpu.barrier barrier_id(%barrier3A_86)
    %mul3A_87 = arith.constant 328 : i32
    %mul3A_88 = arith.muli %arg1, %mul3A_87 : i32
    %mul3A_89 = arith.constant 328 : i32
    %mul3A_90 = arith.muli %arg1, %mul3A_89 : i32
    "tpu.region"() ({
      %run_scoped3A = tpu.sem_alloc : memref<!tpu.dma_semaphore, #tpu.memory_space<semaphore_mem>>
      %dma_start3A_91 = arith.constant 0 : i32
      %dma_start3A_92 = tpu.memref_slice %arg6[%arg0, %mul3A_90, %dma_start3A_91] : memref<2x5248x128xf32, #tpu.memory_space<hbm>> -> memref<1x328x128xf32, #tpu.memory_space<hbm>>
      %dma_start3A_93 = tpu.memref_squeeze %dma_start3A_92 : memref<1x328x128xf32, #tpu.memory_space<hbm>> -> memref<328x128xf32, #tpu.memory_space<hbm>>
      %dma_start3A_94 = arith.constant 0 : i32
      %dma_start3A_95 = tpu.memref_slice %arg14[%mul3A_88, %dma_start3A_94] : memref<5248x128xf32, #tpu.memory_space<vmem_shared>> -> memref<328x128xf32, #tpu.memory_space<vmem_shared>>
      tpu.enqueue_dma source(%dma_start3A_95 : memref<328x128xf32, #tpu.memory_space<vmem_shared>>) target(%dma_start3A_93 : memref<328x128xf32, #tpu.memory_space<hbm>>) target_semaphore(%run_scoped3A : memref<!tpu.dma_semaphore, #tpu.memory_space<semaphore_mem>>)
      %dma_wait3A = arith.constant 0 : i32
      %dma_wait3A_96 = tpu.memref_slice %arg6[%arg0, %mul3A_90, %dma_wait3A] : memref<2x5248x128xf32, #tpu.memory_space<hbm>> -> memref<1x328x128xf32, #tpu.memory_space<hbm>>
      %dma_wait3A_97 = tpu.memref_squeeze %dma_wait3A_96 : memref<1x328x128xf32, #tpu.memory_space<hbm>> -> memref<328x128xf32, #tpu.memory_space<hbm>>
      %dma_wait3A_98 = arith.constant 0 : i32
      %dma_wait3A_99 = tpu.memref_slice %arg14[%mul3A_88, %dma_wait3A_98] : memref<5248x128xf32, #tpu.memory_space<vmem_shared>> -> memref<328x128xf32, #tpu.memory_space<vmem_shared>>
      tpu.wait_dma2 semaphore(%run_scoped3A : memref<!tpu.dma_semaphore, #tpu.memory_space<semaphore_mem>>) src(%dma_wait3A_99 : memref<328x128xf32, #tpu.memory_space<vmem_shared>>) dst(%dma_wait3A_97 : memref<328x128xf32, #tpu.memory_space<hbm>>)
      tpu.yield
    }) : () -> ()
    return
  }
}

module attributes {stable_mosaic.version = 14 : i64} {
  func.func @_first_body(%arg0: i32, %arg1: memref<1280x128xf32, #tpu.memory_space<vmem>>, %arg2: memref<128x64xf32, #tpu.memory_space<vmem>>, %arg3: memref<1280x128xf32, #tpu.memory_space<vmem>>, %arg4: memref<1280x128xf32, #tpu.memory_space<vmem>>, %arg5: memref<1280x16xf32, #tpu.memory_space<vmem>>) attributes {dimension_semantics = [#tpu.dimension_semantics<arbitrary>], iteration_bounds = array<i64: 8>, scalar_prefetch = 0 : i64, scratch_operands = 0 : i64, tpu.core_type = #tpu.core_type<tc>, window_params = [{transform_indices = @transform_0, window_bounds = array<i64: 1280, 128>}, {pipeline_mode = #tpu.pipeline_mode<synchronous>, transform_indices = @transform_1, window_bounds = array<i64: 128, 64>}, {transform_indices = @transform_2, window_bounds = array<i64: 1280, 128>}, {transform_indices = @transform_3, window_bounds = array<i64: 1280, 128>}, {transform_indices = @transform_4, window_bounds = array<i64: 1280, 16>}]} {
    %get3A = arith.constant 0 : index
    %get3A_0 = arith.constant 0 : index
    %get3A_1 = vector.load %arg1[%get3A, %get3A_0] : memref<1280x128xf32, #tpu.memory_space<vmem>>, vector<1280x128xf32>
    %get3A_2 = arith.constant 0 : index
    %get3A_3 = arith.constant 0 : index
    %get3A_4 = vector.load %arg2[%get3A_2, %get3A_3] : memref<128x64xf32, #tpu.memory_space<vmem>>, vector<128x64xf32>
    %dot_general3A = arith.constant dense<0.000000e+00> : vector<1280x64xf32>
    %dot_general3A_5 = tpu.matmul %get3A_1, %get3A_4, %dot_general3A {dimension_numbers = #tpu.dot_dimension_numbers<[1], [0], [0], [1], [0, 0, 1, 1], [], []>, transpose_lhs_hint = false} : vector<1280x128xf32>, vector<128x64xf32>, vector<1280x64xf32> -> vector<1280x64xf32>
    %get3A_6 = arith.constant 0 : index
    %get3A_7 = arith.constant 0 : index
    %get3A_8 = vector.load %arg3[%get3A_6, %get3A_7] : memref<1280x128xf32, #tpu.memory_space<vmem>>, vector<1280x1xf32>
    %add3A = arith.constant 1.000000e+00 : f32
    %add3A_9 = vector.broadcast %add3A : f32 to vector<1280x1xf32>
    %add3A_10 = arith.addf %add3A_9, %get3A_8 : vector<1280x1xf32>
    %rsqrt3A = math.rsqrt %add3A_10 : vector<1280x1xf32>
    %mul3A = vector.broadcast %rsqrt3A : vector<1280x1xf32> to vector<1280x64xf32>
    %mul3A_11 = arith.mulf %mul3A, %dot_general3A_5 : vector<1280x64xf32>
    %broadcast_in_dim3A = arith.constant 0.000000e+00 : f32
    %broadcast_in_dim3A_12 = vector.broadcast %broadcast_in_dim3A : f32 to vector<1280x64xf32>
    %concatenate3A = tpu.concatenate %mul3A_11, %broadcast_in_dim3A_12 in 1 : vector<1280x64xf32>, vector<1280x64xf32> -> vector<1280x128xf32>
    %swap3A = arith.constant 0 : index
    %swap3A_13 = arith.constant 0 : index
    %swap3A_14 = vector.load %arg4[%swap3A, %swap3A_13] : memref<1280x128xf32, #tpu.memory_space<vmem>>, vector<1280x128xf32>
    tpu.vector_store %arg4[%swap3A, %swap3A_13], %concatenate3A {strides = array<i32>} : memref<1280x128xf32, #tpu.memory_space<vmem>>, vector<1280x128xf32>,
    %broadcast_in_dim3A_15 = vector.shape_cast %rsqrt3A : vector<1280x1xf32> to vector<1280x1xf32>
    %broadcast_in_dim3A_16 = vector.broadcast %broadcast_in_dim3A_15 : vector<1280x1xf32> to vector<1280x16xf32>
    %swap3A_17 = arith.constant 0 : index
    %swap3A_18 = arith.constant 0 : index
    %swap3A_19 = vector.load %arg5[%swap3A_17, %swap3A_18] : memref<1280x16xf32, #tpu.memory_space<vmem>>, vector<1280x16xf32>
    tpu.vector_store %arg5[%swap3A_17, %swap3A_18], %broadcast_in_dim3A_16 {strides = array<i32>} : memref<1280x16xf32, #tpu.memory_space<vmem>>, vector<1280x16xf32>,
    return
  }
  func.func @transform_0(%arg0: i32) -> (i32, i32) {
    %c0_i32 = arith.constant 0 : i32
    %c0_i32_0 = arith.constant 0 : i32
    return %arg0, %c0_i32 : i32, i32
  }
  func.func @transform_1(%arg0: i32) -> (i32, i32) {
    %c0_i32 = arith.constant 0 : i32
    %c0_i32_0 = arith.constant 0 : i32
    %c0_i32_1 = arith.constant 0 : i32
    return %c0_i32, %c0_i32_0 : i32, i32
  }
  func.func @transform_2(%arg0: i32) -> (i32, i32) {
    %c0_i32 = arith.constant 0 : i32
    %c0_i32_0 = arith.constant 0 : i32
    return %arg0, %c0_i32 : i32, i32
  }
  func.func @transform_3(%arg0: i32) -> (i32, i32) {
    %c0_i32 = arith.constant 0 : i32
    %c0_i32_0 = arith.constant 0 : i32
    return %arg0, %c0_i32 : i32, i32
  }
  func.func @transform_4(%arg0: i32) -> (i32, i32) {
    %c0_i32 = arith.constant 0 : i32
    %c0_i32_0 = arith.constant 0 : i32
    return %arg0, %c0_i32 : i32, i32
  }
}

module attributes {stable_mosaic.version = 14 : i64} {
  func.func @_mid_body(%arg0: i32, %arg1: memref<1280x128xf32, #tpu.memory_space<vmem>>, %arg2: memref<1280x128xf32, #tpu.memory_space<vmem>>, %arg3: memref<1280x16xf32, #tpu.memory_space<vmem>>, %arg4: memref<1x64xf32, #tpu.memory_space<vmem>>, %arg5: memref<64x64xf32, #tpu.memory_space<vmem>>, %arg6: memref<1280x128xf32, #tpu.memory_space<vmem>>) attributes {dimension_semantics = [#tpu.dimension_semantics<arbitrary>], iteration_bounds = array<i64: 8>, scalar_prefetch = 0 : i64, scratch_operands = 0 : i64, tpu.core_type = #tpu.core_type<tc>, window_params = [{transform_indices = @transform_0, window_bounds = array<i64: 1280, 128>}, {transform_indices = @transform_1, window_bounds = array<i64: 1280, 128>}, {transform_indices = @transform_2, window_bounds = array<i64: 1280, 16>}, {pipeline_mode = #tpu.pipeline_mode<synchronous>, transform_indices = @transform_3, window_bounds = array<i64: 1, 64>}, {pipeline_mode = #tpu.pipeline_mode<synchronous>, transform_indices = @transform_4, window_bounds = array<i64: 64, 64>}, {transform_indices = @transform_5, window_bounds = array<i64: 1280, 128>}]} {
    %get3A = arith.constant 0 : index
    %get3A_0 = arith.constant 0 : index
    %get3A_1 = vector.load %arg3[%get3A, %get3A_0] : memref<1280x16xf32, #tpu.memory_space<vmem>>, vector<1280x1xf32>
    %get3A_2 = arith.constant 0 : index
    %get3A_3 = arith.constant 0 : index
    %get3A_4 = vector.load %arg1[%get3A_2, %get3A_3] : memref<1280x128xf32, #tpu.memory_space<vmem>>, vector<1280x64xf32>
    %get3A_5 = arith.constant 0 : index
    %get3A_6 = arith.constant 0 : index
    %get3A_7 = vector.load %arg2[%get3A_5, %get3A_6] : memref<1280x128xf32, #tpu.memory_space<vmem>>, vector<1280x64xf32>
    %add3A = arith.addf %get3A_4, %get3A_7 : vector<1280x64xf32>
    %mul3A = vector.broadcast %get3A_1 : vector<1280x1xf32> to vector<1280x64xf32>
    %mul3A_8 = arith.mulf %mul3A, %add3A : vector<1280x64xf32>
    %get3A_9 = arith.constant 0 : index
    %get3A_10 = arith.constant 0 : index
    %get3A_11 = vector.load %arg4[%get3A_9, %get3A_10] : memref<1x64xf32, #tpu.memory_space<vmem>>, vector<1x64xf32>
    %add3A_12 = vector.broadcast %get3A_11 : vector<1x64xf32> to vector<1280x64xf32>
    %add3A_13 = arith.addf %mul3A_8, %add3A_12 : vector<1280x64xf32>
    %max3A = arith.constant 0.000000e+00 : f32
    %max3A_14 = vector.broadcast %max3A : f32 to vector<1280x64xf32>
    %max3A_15 = arith.maximumf %add3A_13, %max3A_14 : vector<1280x64xf32>
    %get3A_16 = arith.constant 0 : index
    %get3A_17 = arith.constant 0 : index
    %get3A_18 = vector.load %arg5[%get3A_16, %get3A_17] : memref<64x64xf32, #tpu.memory_space<vmem>>, vector<64x64xf32>
    %dot_general3A = arith.constant dense<0.000000e+00> : vector<1280x64xf32>
    %dot_general3A_19 = tpu.matmul %max3A_15, %get3A_18, %dot_general3A {dimension_numbers = #tpu.dot_dimension_numbers<[1], [0], [0], [1], [0, 0, 1, 1], [], []>, transpose_lhs_hint = false} : vector<1280x64xf32>, vector<64x64xf32>, vector<1280x64xf32> -> vector<1280x64xf32>
    %mul3A_20 = vector.broadcast %get3A_1 : vector<1280x1xf32> to vector<1280x64xf32>
    %mul3A_21 = arith.mulf %mul3A_20, %dot_general3A_19 : vector<1280x64xf32>
    %broadcast_in_dim3A = arith.constant 0.000000e+00 : f32
    %broadcast_in_dim3A_22 = vector.broadcast %broadcast_in_dim3A : f32 to vector<1280x64xf32>
    %concatenate3A = tpu.concatenate %mul3A_21, %broadcast_in_dim3A_22 in 1 : vector<1280x64xf32>, vector<1280x64xf32> -> vector<1280x128xf32>
    %swap3A = arith.constant 0 : index
    %swap3A_23 = arith.constant 0 : index
    %swap3A_24 = vector.load %arg6[%swap3A, %swap3A_23] : memref<1280x128xf32, #tpu.memory_space<vmem>>, vector<1280x128xf32>
    tpu.vector_store %arg6[%swap3A, %swap3A_23], %concatenate3A {strides = array<i32>} : memref<1280x128xf32, #tpu.memory_space<vmem>>, vector<1280x128xf32>,
    return
  }
  func.func @transform_0(%arg0: i32) -> (i32, i32) {
    %c0_i32 = arith.constant 0 : i32
    %c0_i32_0 = arith.constant 0 : i32
    return %arg0, %c0_i32 : i32, i32
  }
  func.func @transform_1(%arg0: i32) -> (i32, i32) {
    %c0_i32 = arith.constant 0 : i32
    %c0_i32_0 = arith.constant 0 : i32
    return %arg0, %c0_i32 : i32, i32
  }
  func.func @transform_2(%arg0: i32) -> (i32, i32) {
    %c0_i32 = arith.constant 0 : i32
    %c0_i32_0 = arith.constant 0 : i32
    return %arg0, %c0_i32 : i32, i32
  }
  func.func @transform_3(%arg0: i32) -> (i32, i32) {
    %c0_i32 = arith.constant 0 : i32
    %c0_i32_0 = arith.constant 0 : i32
    %c0_i32_1 = arith.constant 0 : i32
    return %c0_i32, %c0_i32_0 : i32, i32
  }
  func.func @transform_4(%arg0: i32) -> (i32, i32) {
    %c0_i32 = arith.constant 0 : i32
    %c0_i32_0 = arith.constant 0 : i32
    %c0_i32_1 = arith.constant 0 : i32
    return %c0_i32, %c0_i32_0 : i32, i32
  }
  func.func @transform_5(%arg0: i32) -> (i32, i32) {
    %c0_i32 = arith.constant 0 : i32
    %c0_i32_0 = arith.constant 0 : i32
    return %arg0, %c0_i32 : i32, i32
  }
}

module attributes {stable_mosaic.version = 14 : i64} {
  func.func @_pool_body(%arg0: i32, %arg1: memref<1280x128xf32, #tpu.memory_space<vmem>>, %arg2: memref<1280x128xf32, #tpu.memory_space<vmem>>, %arg3: memref<1280x16xf32, #tpu.memory_space<vmem>>, %arg4: memref<1x64xf32, #tpu.memory_space<vmem>>, %arg5: memref<1280x1xi32, #tpu.memory_space<vmem>>, %arg6: memref<64x2xf32, #tpu.memory_space<vmem>>, %arg7: memref<1x2xf32, #tpu.memory_space<vmem>>, %arg8: memref<64x2xf32, #tpu.memory_space<vmem>>, %arg9: memref<64x64xf32, #tpu.memory_space<vmem>>, %arg10: memref<64x1xf32, #tpu.memory_space<vmem>>) attributes {dimension_semantics = [#tpu.dimension_semantics<arbitrary>], iteration_bounds = array<i64: 8>, scalar_prefetch = 0 : i64, scratch_operands = 2 : i64, tpu.core_type = #tpu.core_type<tc>, window_params = [{transform_indices = @transform_0, window_bounds = array<i64: 1280, 128>}, {transform_indices = @transform_1, window_bounds = array<i64: 1280, 128>}, {transform_indices = @transform_2, window_bounds = array<i64: 1280, 16>}, {pipeline_mode = #tpu.pipeline_mode<synchronous>, transform_indices = @transform_3, window_bounds = array<i64: 1, 64>}, {transform_indices = @transform_4, window_bounds = array<i64: 1280, 1>}, {pipeline_mode = #tpu.pipeline_mode<synchronous>, transform_indices = @transform_5, window_bounds = array<i64: 64, 2>}, {pipeline_mode = #tpu.pipeline_mode<synchronous>, transform_indices = @transform_6, window_bounds = array<i64: 1, 2>}, {pipeline_mode = #tpu.pipeline_mode<synchronous>, transform_indices = @transform_7, window_bounds = array<i64: 64, 2>}]} {
    %eq3A = arith.constant 0 : i32
    %eq3A_0 = arith.cmpi eq, %arg0, %eq3A : i32
    %convert_element_type3A = arith.extui %eq3A_0 : i1 to i32
    %cond3A = arith.constant 0 : i32
    %cond3A_1 = arith.cmpi ne, %convert_element_type3A, %cond3A : i32
    scf.if %cond3A_1 {
      %broadcast_in_dim3A_48 = arith.constant 0.000000e+00 : f32
      %broadcast_in_dim3A_49 = vector.broadcast %broadcast_in_dim3A_48 : f32 to vector<64x64xf32>
      %swap3A_50 = arith.constant 0 : index
      %swap3A_51 = arith.constant 0 : index
      %swap3A_52 = vector.load %arg9[%swap3A_50, %swap3A_51] : memref<64x64xf32, #tpu.memory_space<vmem>>, vector<64x64xf32>
      tpu.vector_store %arg9[%swap3A_50, %swap3A_51], %broadcast_in_dim3A_49 {strides = array<i32>} : memref<64x64xf32, #tpu.memory_space<vmem>>, vector<64x64xf32>,
      %broadcast_in_dim3A_53 = arith.constant 0.000000e+00 : f32
      %broadcast_in_dim3A_54 = vector.broadcast %broadcast_in_dim3A_53 : f32 to vector<64x1xf32>
      %swap3A_55 = arith.constant 0 : index
      %swap3A_56 = arith.constant 0 : index
      %swap3A_57 = vector.load %arg10[%swap3A_55, %swap3A_56] : memref<64x1xf32, #tpu.memory_space<vmem>>, vector<64x1xf32>
      tpu.vector_store %arg10[%swap3A_55, %swap3A_56], %broadcast_in_dim3A_54 {strides = array<i32>} : memref<64x1xf32, #tpu.memory_space<vmem>>, vector<64x1xf32>,
    } else {
    }
    %get3A = arith.constant 0 : index
    %get3A_2 = arith.constant 0 : index
    %get3A_3 = vector.load %arg3[%get3A, %get3A_2] : memref<1280x16xf32, #tpu.memory_space<vmem>>, vector<1280x1xf32>
    %get3A_4 = arith.constant 0 : index
    %get3A_5 = arith.constant 0 : index
    %get3A_6 = vector.load %arg1[%get3A_4, %get3A_5] : memref<1280x128xf32, #tpu.memory_space<vmem>>, vector<1280x64xf32>
    %get3A_7 = arith.constant 0 : index
    %get3A_8 = arith.constant 0 : index
    %get3A_9 = vector.load %arg2[%get3A_7, %get3A_8] : memref<1280x128xf32, #tpu.memory_space<vmem>>, vector<1280x64xf32>
    %add3A = arith.addf %get3A_6, %get3A_9 : vector<1280x64xf32>
    %mul3A = vector.broadcast %get3A_3 : vector<1280x1xf32> to vector<1280x64xf32>
    %mul3A_10 = arith.mulf %mul3A, %add3A : vector<1280x64xf32>
    %get3A_11 = arith.constant 0 : index
    %get3A_12 = arith.constant 0 : index
    %get3A_13 = vector.load %arg4[%get3A_11, %get3A_12] : memref<1x64xf32, #tpu.memory_space<vmem>>, vector<1x64xf32>
    %add3A_14 = vector.broadcast %get3A_13 : vector<1x64xf32> to vector<1280x64xf32>
    %add3A_15 = arith.addf %mul3A_10, %add3A_14 : vector<1280x64xf32>
    %max3A = arith.constant 0.000000e+00 : f32
    %max3A_16 = vector.broadcast %max3A : f32 to vector<1280x64xf32>
    %max3A_17 = arith.maximumf %add3A_15, %max3A_16 : vector<1280x64xf32>
    %iota3A = tpu.iota {dimensions = array<i32: 1>} : vector<1x64xi32>
    %get3A_18 = arith.constant 0 : index
    %get3A_19 = arith.constant 0 : index
    %get3A_20 = vector.load %arg5[%get3A_18, %get3A_19] : memref<1280x1xi32, #tpu.memory_space<vmem>>, vector<1280x1xi32>
    %eq3A_21 = vector.broadcast %get3A_20 : vector<1280x1xi32> to vector<1280x64xi32>
    %eq3A_22 = vector.broadcast %iota3A : vector<1x64xi32> to vector<1280x64xi32>
    %eq3A_23 = arith.cmpi eq, %eq3A_21, %eq3A_22 : vector<1280x64xi32>
    %convert_element_type3A_24 = arith.extui %eq3A_23 : vector<1280x64xi1> to vector<1280x64xi32>
    %convert_element_type3A_25 = arith.sitofp %convert_element_type3A_24 : vector<1280x64xi32> to vector<1280x64xf32>
    %get3A_26 = arith.constant 0 : index
    %get3A_27 = arith.constant 0 : index
    %get3A_28 = vector.load %arg9[%get3A_26, %get3A_27] : memref<64x64xf32, #tpu.memory_space<vmem>>, vector<64x64xf32>
    %dot_general3A = arith.constant dense<0.000000e+00> : vector<64x64xf32>
    %dot_general3A_29 = tpu.matmul %convert_element_type3A_25, %max3A_17, %dot_general3A {dimension_numbers = #tpu.dot_dimension_numbers<[0], [0], [1], [1], [0, 1, 1, 1], [], []>, transpose_lhs_hint = false} : vector<1280x64xf32>, vector<1280x64xf32>, vector<64x64xf32> -> vector<64x64xf32>
    %add3A_30 = arith.addf %get3A_28, %dot_general3A_29 : vector<64x64xf32>
    %swap3A = arith.constant 0 : index
    %swap3A_31 = arith.constant 0 : index
    %swap3A_32 = vector.load %arg9[%swap3A, %swap3A_31] : memref<64x64xf32, #tpu.memory_space<vmem>>, vector<64x64xf32>
    tpu.vector_store %arg9[%swap3A, %swap3A_31], %add3A_30 {strides = array<i32>} : memref<64x64xf32, #tpu.memory_space<vmem>>, vector<64x64xf32>,
    %get3A_33 = arith.constant 0 : index
    %get3A_34 = arith.constant 0 : index
    %get3A_35 = vector.load %arg10[%get3A_33, %get3A_34] : memref<64x1xf32, #tpu.memory_space<vmem>>, vector<64x1xf32>
    %broadcast_in_dim3A = arith.constant 1.000000e+00 : f32
    %broadcast_in_dim3A_36 = vector.broadcast %broadcast_in_dim3A : f32 to vector<1280x1xf32>
    %dot_general3A_37 = arith.constant dense<0.000000e+00> : vector<64x1xf32>
    %dot_general3A_38 = tpu.matmul %convert_element_type3A_25, %broadcast_in_dim3A_36, %dot_general3A_37 {dimension_numbers = #tpu.dot_dimension_numbers<[0], [0], [1], [1], [0, 1, 1, 1], [], []>, transpose_lhs_hint = false} : vector<1280x64xf32>, vector<1280x1xf32>, vector<64x1xf32> -> vector<64x1xf32>
    %add3A_39 = arith.addf %get3A_35, %dot_general3A_38 : vector<64x1xf32>
    %swap3A_40 = arith.constant 0 : index
    %swap3A_41 = arith.constant 0 : index
    %swap3A_42 = vector.load %arg10[%swap3A_40, %swap3A_41] : memref<64x1xf32, #tpu.memory_space<vmem>>, vector<64x1xf32>
    tpu.vector_store %arg10[%swap3A_40, %swap3A_41], %add3A_39 {strides = array<i32>} : memref<64x1xf32, #tpu.memory_space<vmem>>, vector<64x1xf32>,
    %eq3A_43 = arith.constant 7 : i32
    %eq3A_44 = arith.cmpi eq, %arg0, %eq3A_43 : i32
    %convert_element_type3A_45 = arith.extui %eq3A_44 : i1 to i32
    %cond3A_46 = arith.constant 0 : i32
    %cond3A_47 = arith.cmpi ne, %convert_element_type3A_45, %cond3A_46 : i32
    scf.if %cond3A_47 {
      %get3A_48 = arith.constant 0 : index
      %get3A_49 = arith.constant 0 : index
      %get3A_50 = vector.load %arg9[%get3A_48, %get3A_49] : memref<64x64xf32, #tpu.memory_space<vmem>>, vector<64x64xf32>
      %get3A_51 = arith.constant 0 : index
      %get3A_52 = arith.constant 0 : index
      %get3A_53 = vector.load %arg10[%get3A_51, %get3A_52] : memref<64x1xf32, #tpu.memory_space<vmem>>, vector<64x1xf32>
      %max3A_54 = arith.constant 1.000000e+00 : f32
      %max3A_55 = vector.broadcast %max3A_54 : f32 to vector<64x1xf32>
      %max3A_56 = arith.maximumf %get3A_53, %max3A_55 : vector<64x1xf32>
      %div3A = vector.broadcast %max3A_56 : vector<64x1xf32> to vector<64x64xf32>
      %div3A_57 = arith.divf %get3A_50, %div3A : vector<64x64xf32>
      %get3A_58 = arith.constant 0 : index
      %get3A_59 = arith.constant 0 : index
      %get3A_60 = vector.load %arg6[%get3A_58, %get3A_59] : memref<64x2xf32, #tpu.memory_space<vmem>>, vector<64x2xf32>
      %dot_general3A_61 = arith.constant dense<0.000000e+00> : vector<64x2xf32>
      %dot_general3A_62 = tpu.matmul %div3A_57, %get3A_60, %dot_general3A_61 {dimension_numbers = #tpu.dot_dimension_numbers<[1], [0], [0], [1], [0, 0, 1, 1], [], []>, transpose_lhs_hint = false} : vector<64x64xf32>, vector<64x2xf32>, vector<64x2xf32> -> vector<64x2xf32>
      %get3A_63 = arith.constant 0 : index
      %get3A_64 = arith.constant 0 : index
      %get3A_65 = vector.load %arg7[%get3A_63, %get3A_64] : memref<1x2xf32, #tpu.memory_space<vmem>>, vector<1x2xf32>
      %add3A_66 = vector.broadcast %get3A_65 : vector<1x2xf32> to vector<64x2xf32>
      %add3A_67 = arith.addf %dot_general3A_62, %add3A_66 : vector<64x2xf32>
      %swap3A_68 = arith.constant 0 : index
      %swap3A_69 = arith.constant 0 : index
      %swap3A_70 = vector.load %arg8[%swap3A_68, %swap3A_69] : memref<64x2xf32, #tpu.memory_space<vmem>>, vector<64x2xf32>
      tpu.vector_store %arg8[%swap3A_68, %swap3A_69], %add3A_67 {strides = array<i32>} : memref<64x2xf32, #tpu.memory_space<vmem>>, vector<64x2xf32>,
    } else {
    }
    return
  }
  func.func @transform_0(%arg0: i32) -> (i32, i32) {
    %c0_i32 = arith.constant 0 : i32
    %c0_i32_0 = arith.constant 0 : i32
    return %arg0, %c0_i32 : i32, i32
  }
  func.func @transform_1(%arg0: i32) -> (i32, i32) {
    %c0_i32 = arith.constant 0 : i32
    %c0_i32_0 = arith.constant 0 : i32
    return %arg0, %c0_i32 : i32, i32
  }
  func.func @transform_2(%arg0: i32) -> (i32, i32) {
    %c0_i32 = arith.constant 0 : i32
    %c0_i32_0 = arith.constant 0 : i32
    return %arg0, %c0_i32 : i32, i32
  }
  func.func @transform_3(%arg0: i32) -> (i32, i32) {
    %c0_i32 = arith.constant 0 : i32
    %c0_i32_0 = arith.constant 0 : i32
    %c0_i32_1 = arith.constant 0 : i32
    return %c0_i32, %c0_i32_0 : i32, i32
  }
  func.func @transform_4(%arg0: i32) -> (i32, i32) {
    %c0_i32 = arith.constant 0 : i32
    %c0_i32_0 = arith.constant 0 : i32
    return %arg0, %c0_i32 : i32, i32
  }
  func.func @transform_5(%arg0: i32) -> (i32, i32) {
    %c0_i32 = arith.constant 0 : i32
    %c0_i32_0 = arith.constant 0 : i32
    %c0_i32_1 = arith.constant 0 : i32
    return %c0_i32, %c0_i32_0 : i32, i32
  }
  func.func @transform_6(%arg0: i32) -> (i32, i32) {
    %c0_i32 = arith.constant 0 : i32
    %c0_i32_0 = arith.constant 0 : i32
    %c0_i32_1 = arith.constant 0 : i32
    return %c0_i32, %c0_i32_0 : i32, i32
  }
  func.func @transform_7(%arg0: i32) -> (i32, i32) {
    %c0_i32 = arith.constant 0 : i32
    %c0_i32_0 = arith.constant 0 : i32
    %c0_i32_1 = arith.constant 0 : i32
    return %c0_i32, %c0_i32_0 : i32, i32
  }
}

</mosaic_0001>

<sc_bundles>
// kernel: kernel.11.cloned.1.call-start
scs
__scs_entry_jumppad:
0x0: {  	(pc) =	sbr.rel $0x88, $3  }
0x1: {  	(tag) =	ssettag $0x0;
	lr =	simm.s32 $0x1  }
0x2: {  	[smem:$0x3F98] =	sst lr;
	_ =	strace $0xD0000000  }
0x3: {  	_ = 	snop  }
0x4: {  	_ = 	snop  }
0x5: {  	_ = 	snop  }
0x6: {  	_ = 	snop  }
0x7: {  	_ = 	snop  }
__scs_overlays_trampoline_lowered:
0x8: {  	[smem:$0x3FA7] =	sst s0  }
0x9: {  	[smem:$0x3FA8] =	sst s1  }
0xa: {  	[smem:$0x3FA9] =	sst s2  }
0xb: {  	[smem:$0x3FAA] =	sst s3  }
0xc: {  	[smem:$0x3FAB] =	sst s4  }
0xd: {  	[smem:$0x3FAC] =	sst s5  }
0xe: {  	[smem:$0x3FAD] =	sst s6  }
0xf: {  	[smem:$0x3FAE] =	sst s7  }
0x10: {  	[smem:$0x3FAF] =	sst s8  }
0x11: {  	[smem:$0x3FB0] =	sst s9;
	s0 =	simm.s32 @!p0 $0x0  }
0x12: {  	s1 =	sld [smem:$0x3F96];
	s0 =	simm.s32 @p0 $0x1  }
0x13: {  	[smem:$0x3FB1] =	sst s0;
	s0 =	simm.s32 @!p1 $0x0  }
0x14: {  	s2 =	sld [smem:$0x3F95];
	s0 =	simm.s32 @p1 $0x1  }
0x15: {  	[smem:$0x3FB2] =	sst s0;
	s0 =	simm.s32 @!p2 $0x0  }
0x16: {  	s3 =	sld [smem:$0x3FDB];
	s0 =	simm.s32 @p2 $0x1  }
0x17: {  	s4 =	simm.s32 $0x1BF5;
	[smem:$0x3FB4] =	sst s0  }
0x18: {  	s0 =	sld [smem:$0x3F97];
	_ =	swait.ge [sflag:s4], $0x0  }
0x19: {  	s7 =	sld [smem:$0x3F98]  }
0x1a: {  	s8 =	sadd.s32 $0xFFFFE003, lr  }
0x1b: {  	s9 =	sadd.s32 $0xFFFFFEF7, lr;
	s5 =	simm.s32 $0xFFFFFFFF;
	p2 =	slt.u32 s8, $0xFFFFF086  }
0x1c: {  	p1 =	slt.u32 s9, $0xF7A;
	s5 =	simm.s32 @!p2 $0x0  }
0x1d: {  	s5 =	simm.s32 @p1 $0x1;
	p0 =	seq.s32 s7, s2  }
0x1e: {  	s7 =	smul.u32 @!p0 $0xF7A, s2;
	p2 =	seq.s32 @!p0 s5, $0x0  }
0x1f: {  	s9 =	smul.u32 $0xF7A, s1;
	s8 =	simm.s32 @!p0 $0x1BF5;
	p2 =	por !p2, p0  }
0x20: {  	[sflag:s8] =	ssyncset.s32 @!p0 $0xFFFFF086;
	s6 =	sadd.s32 @!p0 s3, s7;
	s7 =	simm.s32 @!p0 $0x108  }
0x21: {  	s3 =	sadd.s32 s3, s9;
	s6 =	sadd.s32 @!p0 $0x88, s6;
	s7 =	simm.s32 @p2 $0x1082  }
0x22: {  	[simem:s7], [sflag:s8] =	dma.local @!p0 [hbm:s6], $0xF7A  }
0x23: {  	s9 =	sor.u32 $0xD0000000, s2;
	s6 =	simm.s32 $0x108;
	_ =	swait.ge @!p0 [sflag:s8], $0x0  }
0x24: {  	s3 =	sadd.s32 $0x88, s3;
	s6 =	simm.s32 @!p1 $0x1082;
	[sflag:s4] =	ssyncset.s32 $0xFFFFF086  }
0x25: {  	[simem:s6], [sflag:s4] =	dma.local [hbm:s3], $0xF7A  }
0x26: {  	[smem:$0x3F98] =	sst s1;
	(tag) =	ssettag s2;
	_ =	strace s9  }
0x27: {  	s1 =	sld [smem:$0x3FA8]  }
0x28: {  	s2 =	sld [smem:$0x3FA9]  }
0x29: {  	s4 =	sld [smem:$0x3FAB]  }
0x2a: {  	p0 =	seq.s32 s5, $0x0;
	s5 =	sld [smem:$0x3FAC]  }
0x2b: {  	s6 =	sld [smem:$0x3FAD]  }
0x2c: {  	s7 =	sld [smem:$0x3FAE]  }
0x2d: {  	s3 =	simm.s32 $0x108;
	s8 =	sld [smem:$0x3FAF]  }
0x2e: {  	s3 =	simm.s32 @!p0 $0x1082;
	s9 =	sld [smem:$0x3FB0]  }
0x2f: {  	lr =	sadd.s32 s0, s3;
	s0 =	sld [smem:$0x3FA7]  }
0x30: {  	s3 =	sld [smem:$0x3FAA]  }
0x31: {  	[smem:$0x3FB3] =	sst s10  }
0x32: {  	s10 =	sld [smem:$0x3FB1];
	_ =	sdelay $0x3  }
0x33: {  	p0 =	seq.s32 s10, $0x1;
	s10 =	sld [smem:$0x3FB3];
	_ =	sdelay $0x3  }
0x34: {  	[smem:$0x3FB3] =	sst s10  }
0x35: {  	s10 =	sld [smem:$0x3FB2];
	_ =	sdelay $0x3  }
0x36: {  	p1 =	seq.s32 s10, $0x1;
	s10 =	sld [smem:$0x3FB3];
	_ =	sdelay $0x3  }
0x37: {  	[smem:$0x3FB3] =	sst s10  }
0x38: {  	s10 =	sld [smem:$0x3FB4]  }
0x39: {  	_ = 	snop;
	(pc) =	sbr.ind lr, $3  }
0x3a: {  	_ = 	snop  }
0x3b: {  	_ = 	snop  }
0x3c: {  	p2 =	seq.s32 s10, $0x1;
	s10 =	sld [smem:$0x3FB3]  }
0x3d: {  	_ =	shalt  }
0x3e: {  	_ =	shalt  }
0x3f: {  	_ =	shalt  }
0x40: {  	_ =	shalt  }
0x41: {  	_ =	shalt  }
0x42: {  	_ =	shalt  }
0x43: {  	_ =	shalt  }
0x44: {  	_ =	shalt  }
0x45: {  	_ =	shalt  }
0x46: {  	_ =	shalt  }
0x47: {  	_ =	shalt  }
0x48: {  	_ =	shalt  }
0x49: {  	_ =	shalt  }
0x4a: {  	_ =	shalt  }
0x4b: {  	_ =	shalt  }
0x4c: {  	_ =	shalt  }
0x4d: {  	_ =	shalt  }
0x4e: {  	_ =	shalt  }
0x4f: {  	_ =	shalt  }
0x50: {  	_ =	shalt  }
0x51: {  	_ =	shalt  }
0x52: {  	_ =	shalt  }
0x53: {  	_ =	shalt  }
0x54: {  	_ =	shalt  }
0x55: {  	_ =	shalt  }
0x56: {  	_ =	shalt  }
0x57: {  	_ =	shalt  }
0x58: {  	_ =	shalt  }
0x59: {  	_ =	shalt  }
0x5a: {  	_ =	shalt  }
0x5b: {  	_ =	shalt  }
0x5c: {  	_ =	shalt  }
0x5d: {  	_ =	shalt  }
0x5e: {  	_ =	shalt  }
0x5f: {  	_ =	shalt  }
0x60: {  	_ =	shalt  }
0x61: {  	_ =	shalt  }
0x62: {  	_ =	shalt  }
0x63: {  	_ =	shalt  }
0x64: {  	_ =	shalt  }
0x65: {  	_ =	shalt  }
0x66: {  	_ =	shalt  }
0x67: {  	_ =	shalt  }
0x68: {  	_ =	shalt  }
0x69: {  	_ =	shalt  }
0x6a: {  	_ =	shalt  }
0x6b: {  	_ =	shalt  }
0x6c: {  	_ =	shalt  }
0x6d: {  	_ =	shalt  }
0x6e: {  	_ =	shalt  }
0x6f: {  	_ =	shalt  }
0x70: {  	_ =	shalt  }
0x71: {  	_ =	shalt  }
0x72: {  	_ =	shalt  }
0x73: {  	_ =	shalt  }
0x74: {  	_ =	shalt  }
0x75: {  	_ =	shalt  }
0x76: {  	_ =	shalt  }
0x77: {  	_ =	shalt  }
0x78: {  	_ =	shalt  }
0x79: {  	_ =	shalt  }
0x7a: {  	_ =	shalt  }
0x7b: {  	_ =	shalt  }
0x7c: {  	_ =	shalt  }
0x7d: {  	_ =	shalt  }
0x7e: {  	_ =	shalt  }
0x7f: {  	_ =	shalt  }
0x80: {  	_ =	shalt  }
0x81: {  	_ =	shalt  }
0x82: {  	_ =	shalt  }
0x83: {  	_ =	shalt  }
0x84: {  	_ =	shalt  }
0x85: {  	_ =	shalt  }
0x86: {  	_ =	shalt  }
0x87: {  	_ =	shalt  }
.Lfunc_end0:
.L_simem_size_0:
called_computation.1_lowered:
.L_overlay_start_0:
0x88: {  	s2 =	sld [smem:$0x3FD9]  }
0x89: {  	s3 =	sld [smem:$0x3FFE];
	_ =	sdelay $0x1  }
0x8a: {  	s1 =	srdreg.scid  }
0x8b: {  	s0 =	sand.u32 $0x1, s1  }
0x8c: {  	s16 =	sshll.u32 s0, $0xA;
	s2 =	sadd.s32 s3, s2  }
0x8d: {  	s2 =	sadd.s32 s2, s16  }
0x8e: {  	[smem:$0x3FBF] =	sst s2  }
0x8f: {  	_ = 	snop  }
0x90: {  	(tm) =	ssettm $0x1  }
0x91: {  	s17 =	sld [smem:$0x3FFB];
	_ =	sdelay $0x3  }
0x92: {  	_ =	strace s17  }
0x93: {  	s2 =	sld [smem:$0x3FFC];
	_ =	sdelay $0x3  }
0x94: {  	_ =	strace s2  }
0x95: {  	s2 =	sld [smem:$0x3FFD];
	_ =	sdelay $0x3  }
0x96: {  	_ =	strace s2  }
0x97: {  	_ =	strace $0x8FFFFFFF  }
0x98: {  	s18 =	sld [smem:$0x3FDB];
	_ =	sdelay $0x1  }
0x99: {  	s19 =	simm.s32 $_scs_section_size  }
0x9a: {  	s4 =	simm.s32 $_size__tile_overlayer_lowered;
	s5 =	simm.s32 $_tile_overlayer_lowered  }
0x9b: {  	s22 =	simm.s32 $0x1BFF;
	s21 =	sshll.u32 s5, $0x1;
	s2 =	sadd.s32 s19, s18  }
0x9c: {  	s6 =	simm.s32 $0x0;
	s20 =	sshll.u32 s4, $0x1;
	s4 =	sadd.s32 s21, s2  }
0x9d: {  	[timem:s6], [sflag:s22] =	dma.local [hbm:s4], s20  }
0x9e: {  	_ =	swait.ge [sflag:s22], s20  }
0x9f: {  	s3 =	ssub.s32 $0x0, s20;
	[sflag:s22] =	ssyncset.done $0x0  }
0xa0: {  	[sflag:s22] =	ssyncadd.s32 s3;
	_ =	sdelay $0x1  }
0xa1: {  	s23 =	simm.s32 $0x1B8B  }
0xa2: {  	_ =	swait.ge [sflag:s23], $0x1  }
0xa3: {  	[sflag:s23] =	ssyncset.done $0x0  }
0xa4: {  	s25 =	simm.s32 $0x1B8E;
	s24 =	sld [smem:$0x3FFE];
	[sflag:s23] =	ssyncadd.s32 $0xFFFFFFFF  }
0xa5: {  	s26 =	simm.s32 $execute0_lowered;
	[smem:$0x3FD2] =	sst s25  }
0xa6: {  	s4 =	sshll.u32 s26, $0x1;
	_ =	strace $0x80000049;
	[dreg:$0x1] =	wrdreg $0xFFFFFFFF  }
0xa7: {  	s28 =	simm.s32 $_size_execute0_lowered;
	s2 =	sadd.s32 s2, s4;
	[dreg:$0x0] =	wrdreg $0x0  }
0xa8: {  	s4 =	sshll.u32 s28, $0x1;
	[dreg:$0x2] =	wrdreg s2  }
0xa9: {  	[dreg:$0x3] =	wrdreg s4  }
0xaa: {  	[dreg:$0x4] =	wrdreg $0xC0  }
0xab: {  	_ =	task [dreg:s6], $0x5FFFF  }
0xac: {  	[dreg:$0x1] =	wrdreg $0xFFFFFFFF  }
0xad: {  	[dreg:$0x0] =	wrdreg $0x60  }
0xae: {  	[dreg:$0x2] =	wrdreg s24  }
0xaf: {  	[dreg:$0x3] =	wrdreg $0x125000  }
0xb0: {  	[dreg:$0x4] =	wrdreg $0x9  }
0xb1: {  	_ =	task.clear_ibuf [dreg:s6], $0x5FFFF;
	_ =	strace $0x90000049  }
0xb2: {  	s29 =	simm.s32 $0x9;
	_ =	strace $0x8000004B  }
0xb3: {  	_ =	swait.ge [sflag:s29], $0x1  }
0xb4: {  	[sflag:s29] =	ssyncadd.s32 $0xFFFFFFFF  }
0xb5: {  	_ =	strace $0x9000004B  }
0xb6: {  	_ =	sfence  }
0xb7: {  	s30 =	sld [smem:$0x0];
	_ =	sdelay $0x2  }
0xb8: {  	s31 =	sshll.u32 s1, $0xD;
	s1 =	sshrl.u32 s1, $0x2  }
0xb9: {  	s3 =	sand.u32 $0x4000, s31;
	s1 =	sadd.s32 s1, s30  }
0xba: {  	s0 =	sor.u32 s3, s0;
	s1 =	sshll.u32 s1, $0x11  }
0xbb: {  	s0 =	sor.u32 s1, s0  }
0xbc: {  	s0 =	sadd.s32 $0x8F2B, s0  }
0xbd: {  	[sflag:s0] =	ssyncadd.remote.s32 $0x1  }
0xbe: {  	_ =	sfence.sel $0xFFFF  }
0xbf: {  	[dreg:$0x0] =	wrdreg $0xFFFFFFFF;
	(pc) =	sbr.abs _section_cstart, $3  }
0xc0: {  	[dreg:$0x1] =	wrdreg $0xFFFFFFFF  }
0xc1: {  	_ =	task.clear_ibuf [dreg:s6], $0x2FFFF;
	_ =	strace $0x9FFFFFFF  }
0xc2: {  	(tm) =	ssettm $0x7FFFFFFF  }
0xc3: {  	_ =	shalt  }
tec
execute0_lowered:
.L_overlay_start_1:
0x0: {  	(tag) =	ssettag $0x1  }
0x1: {  	s0 =	rddreg [dreg:$0x0]  }
0x2: {  	s2 =	rddreg [dreg:$0x1]  }
0x3: {  	s9 =	stileid.u32;
	s3 =	srdreg.scid;
	s4 =	simm.s32 $0x0  }
0x4: {  	s14 =	simm.s32 $0x80;
	s16 =	simm.s32 $0xA500;
	s21 =	simm.s32 $0xA080  }
0x5: {  	s22 =	simm.s32 $0xAD00;
	s23 =	simm.s32 $0xB500;
	s24 =	simm.s32 $0xBD00  }
0x6: {  	s25 =	simm.s32 $0xC500;
	s26 =	simm.s32 $0xCD00;
	s28 =	simm.s32 $0xD500  }
0x7: {  	s29 =	simm.s32 $0xA480;
	s30 =	simm.s32 $0xDD00;
	s31 =	simm.s32 $0x2  }
0x8: {  	s13 =	simm.s32 $0xFD00;
	s15 =	simm.s32 $0x10500;
	s1 =	smul.u32 $0xA00, s9  }
0x9: {  	s5 =	smul.u32 $0xA400, s9;
	s3 =	sand.u32 $0x1, s3;
	[smem:$0x7FF] =	sst s4  }
0xa: {  	s4 =	sadd.s32 $0x2C000, s0;
	_ =	strace $0x8000004A;
	[dreg:$0x3] =	wrdreg s21  }
0xb: {  	s8 =	smul.u32 $0x29000, s9;
	s18 =	sshll.u32 s9, $0x6;
	[dreg:$0x4] =	wrdreg s22  }
0xc: {  	s6 =	smul.u32 $0xA4000, s3;
	s10 =	ssub.s32 $0x2, s3;
	[dreg:$0x5] =	wrdreg s23  }
0xd: {  	s12 =	smul.u32 $0x1400, s3;
	s9 =	sor.u32 $0x1C03, s18;
	[dreg:$0x6] =	wrdreg s24  }
0xe: {  	s18 =	simm.s32 $0xE500;
	s21 =	simm.s32 $0xA180;
	[dreg:$0x7] =	wrdreg s25  }
0xf: {  	s22 =	simm.s32 $0xA200;
	s23 =	simm.s32 $0xA280;
	[dreg:$0x8] =	wrdreg s26  }
0x10: {  	s24 =	simm.s32 $0xA300;
	s25 =	simm.s32 $0xA380;
	s26 =	simm.s32 $0xA400  }
0x11: {  	s1 =	sadd.s32 s1, s0;
	s7 =	sshrl.u32 s5, $0x3;
	s11 =	sshrl.u32 s10, $0x1  }
0x12: {  	s17 =	sshrl.u32 s8, $0x2;
	s8 =	simm.s32 $0x0;
	[dreg:$0xa] =	wrdreg s9  }
0x13: {  	s5 =	sadd.s32 s5, s6;
	s7 =	sadd.s32 s7, s0;
	s3 =	sadd.s32 s17, s2  }
0x14: {  	s19 =	sadd.s32 $0x3800, s1;
	s1 =	sadd.s32 $0xD800, s1;
	s17 =	simm.s32 $0x1  }
0x15: {  	s5 =	sshrl.u32 s5, $0x3;
	s7 =	sadd.s32 $0x17800, s7;
	[dreg:$0xb] =	wrdreg s19  }
0x16: {  	[dreg:$0xc] =	wrdreg s1;
	s19 =	simm.s32 $0x10;
	s1 =	simm.s32 $0xF500  }
0x17: {  	s0 =	sadd.s32 s5, s0;
	s5 =	ssub.s32 s10, s11;
	[dreg:$0x9] =	wrdreg s7  }
0x18: {  	s10 =	sshrl.u32 s3, $0x3;
	s11 =	simm.s32 $0x3;
	s3 =	simm.s32 $0x10D00  }
0x19: {  	s7 =	simm.s32 $0x11D00;
	s0 =	sadd.s32 $0x54000, s0;
	[dreg:$0xf] =	wrdreg s10  }
0x1a: {  	s20 =	smax.u32 s5, $0x1;
	s5 =	simm.s32 $0x11500;
	[dreg:$0xd] =	wrdreg s0  }
0x1b: {  	v0 =	vmov s12;
	[dreg:$0xe] =	wrdreg s20;
	s20 =	simm.s32 $0xA100;
	s0 =	simm.s32 $0xED00  }
.LBB2_1:
0x1c: {  	s6 =	rddreg [dreg:$0x9]  }
0x1d: {  	[spmem:s10], [sflag:s9] =	dma.local [hbm:s6], $0x1480  }
0x1e: {  	_ =	swait.ge [sflag:s11], $0x1480  }
0x1f: {  	[sflag:s11] =	ssyncset.done $0x0  }
0x20: {  	s6 =	simm.s32 $0x0;
	s12 =	rddreg [dreg:$0xb];
	[sflag:s11] =	ssyncadd.s32 $0xFFFFEB80  }
0x21: {  	[tilespmem:s6], [sflag:$0x3] =	stream.linear.gather [hbm4b:s12+s6], $0x5000, $0x38;
	[tilespmem:$0x1C900] =	vst v63  }
0x22: {  	_ =	swait.ge [sflag:s11], $0x5000  }
0x23: {  	[sflag:s11] =	ssyncset.done $0x0  }
0x24: {  	s12 =	simm.s32 $0x5000;
	s10 =	rddreg [dreg:$0xc];
	[sflag:s11] =	ssyncadd.s32 $0xFFFFB000  }
0x25: {  	[tilespmem:s12], [sflag:$0x3] =	stream.linear.gather [hbm4b:s10+s6], $0x5000, $0x38;
	[tilespmem:$0x1C900] =	vst v63  }
0x26: {  	_ =	swait.ge [sflag:s11], $0x5000  }
0x27: {  	[sflag:s11] =	ssyncset.done $0x0  }
0x28: {  	[sflag:s11] =	ssyncadd.s32 $0xFFFFB000  }
0x29: {  	[bflag:$0x0] =	sbarrier.arrive $0xFFFF  }
0x2a: {  	v1 =	vld [tilespmem:$0x0]  }
0x2b: {  	v2 =	vld [tilespmem:$0x10]  }
0x2c: {  	v3 =	vld [tilespmem:$0x20]  }
0x2d: {  	v4 =	vld [tilespmem:$0x30]  }
0x2e: {  	v5 =	vld [tilespmem:$0x40]  }
0x2f: {  	[tilespmem:$0xA000] =	vst v1;
	v1 =	vld [tilespmem:$0x50]  }
0x30: {  	[tilespmem:$0xA010] =	vst v2;
	v2 =	vld [tilespmem:$0x60]  }
0x31: {  	[tilespmem:$0xA020] =	vst v3;
	v3 =	vld [tilespmem:$0x70]  }
0x32: {  	[tilespmem:$0xA030] =	vst v4  }
0x33: {  	[tilespmem:$0xA040] =	vst v5  }
0x34: {  	[tilespmem:$0xA050] =	vst v1  }
0x35: {  	[tilespmem:$0xA060] =	vst v2  }
0x36: {  	s11 =	simm.s32 $0xA000;
	[tilespmem:$0xA070] =	vst v3  }
0x37: {  	[tilespmem:s16], [sflag:$0x1] =	stream.indirect.gather [hbm4b:s4+s14], $0x80, s11, s14, $0xb8;
	[tilespmem:$0x1C900] =	vst v63  }
0x38: {  	_ =	swait.ge [sflag:s17], $0x4000  }
0x39: {  	[sflag:s17] =	ssyncset.done $0x0  }
0x3a: {  	s6 =	simm.s32 $0x0;
	[sflag:s17] =	ssyncadd.s32 $0xFFFFC000  }
0x3b: {  	v1 =	vld [tilespmem:s6+$0x80];
	_ =	sdelay $0x4  }
0x3c: {  	[tilespmem:$0xA080] =	vst v1  }
0x3d: {  	v1 =	vld [tilespmem:s6+$0x90];
	_ =	sdelay $0x4  }
0x3e: {  	[tilespmem:$0xA090] =	vst v1  }
0x3f: {  	v1 =	vld [tilespmem:s6+$0xA0];
	_ =	sdelay $0x4  }
0x40: {  	[tilespmem:$0xA0A0] =	vst v1  }
0x41: {  	v1 =	vld [tilespmem:s6+$0xB0];
	_ =	sdelay $0x4  }
0x42: {  	[tilespmem:$0xA0B0] =	vst v1  }
0x43: {  	v1 =	vld [tilespmem:s6+$0xC0];
	_ =	sdelay $0x4  }
0x44: {  	[tilespmem:$0xA0C0] =	vst v1  }
0x45: {  	v1 =	vld [tilespmem:s6+$0xD0];
	_ =	sdelay $0x4  }
0x46: {  	[tilespmem:$0xA0D0] =	vst v1  }
0x47: {  	v1 =	vld [tilespmem:s6+$0xE0];
	_ =	sdelay $0x4  }
0x48: {  	[tilespmem:$0xA0E0] =	vst v1  }
0x49: {  	v1 =	vld [tilespmem:s6+$0xF0];
	_ =	sdelay $0x4  }
0x4a: {  	s12 =	rddreg [dreg:$0x3];
	[tilespmem:$0xA0F0] =	vst v1  }
0x4b: {  	[tilespmem:s18], [sflag:$0x1] =	stream.indirect.gather [hbm4b:s4+s14], $0x80, s12, s14, $0xb8;
	[tilespmem:$0x1C900] =	vst v63  }
0x4c: {  	v1 =	vld [tilespmem:s6+$0x5000];
	_ =	sdelay $0x4  }
0x4d: {  	v1 =	vsub.s32 v1, v0  }
0x4e: {  	v1 =	vmin.u32 v1, $0x1400  }
0x4f: {  	[tilespmem:$0xA100] =	vst v1  }
0x50: {  	v1 =	vld [tilespmem:s6+$0x5010];
	_ =	sdelay $0x4  }
0x51: {  	v1 =	vsub.s32 v1, v0  }
0x52: {  	v1 =	vmin.u32 v1, $0x1400  }
0x53: {  	[tilespmem:$0xA180] =	vst v1  }
0x54: {  	v1 =	vld [tilespmem:s6+$0x5020];
	_ =	sdelay $0x4  }
0x55: {  	v1 =	vsub.s32 v1, v0  }
0x56: {  	v1 =	vmin.u32 v1, $0x1400  }
0x57: {  	[tilespmem:$0xA200] =	vst v1  }
0x58: {  	v1 =	vld [tilespmem:s6+$0x5030];
	_ =	sdelay $0x4  }
0x59: {  	v1 =	vsub.s32 v1, v0  }
0x5a: {  	v1 =	vmin.u32 v1, $0x1400  }
0x5b: {  	[tilespmem:$0xA280] =	vst v1  }
0x5c: {  	v1 =	vld [tilespmem:s6+$0x5040];
	_ =	sdelay $0x4  }
0x5d: {  	v1 =	vsub.s32 v1, v0  }
0x5e: {  	v1 =	vmin.u32 v1, $0x1400  }
0x5f: {  	[tilespmem:$0xA300] =	vst v1  }
0x60: {  	v1 =	vld [tilespmem:s6+$0x5050];
	_ =	sdelay $0x4  }
0x61: {  	v1 =	vsub.s32 v1, v0  }
0x62: {  	v1 =	vmin.u32 v1, $0x1400  }
0x63: {  	[tilespmem:$0xA380] =	vst v1  }
0x64: {  	v1 =	vld [tilespmem:s6+$0x5060];
	_ =	sdelay $0x4  }
0x65: {  	v1 =	vsub.s32 v1, v0  }
0x66: {  	v1 =	vmin.u32 v1, $0x1400  }
0x67: {  	[tilespmem:$0xA400] =	vst v1  }
0x68: {  	v1 =	vld [tilespmem:s6+$0x5070];
	_ =	sdelay $0x4  }
0x69: {  	v1 =	vsub.s32 v1, v0  }
0x6a: {  	v1 =	vmin.u32 v1, $0x1400  }
0x6b: {  	[tilespmem:$0xA480] =	vst v1  }
0x6c: {  	[spmem:s2] =	stream.indirect.scatter.add.f32 [tilespmem:s16], [sflag:$0x2], $0x80, s20, s19, $0xb8;
	[tilespmem:$0x1C900] =	vst v63  }
0x6d: {  	s10 =	rddreg [dreg:$0x4]  }
0x6e: {  	[spmem:s2] =	stream.indirect.scatter.add.f32 [tilespmem:s10], [sflag:$0x2], $0x80, s21, s19, $0xb8;
	[tilespmem:$0x1C900] =	vst v63  }
0x6f: {  	s11 =	rddreg [dreg:$0x5]  }
0x70: {  	[spmem:s2] =	stream.indirect.scatter.add.f32 [tilespmem:s11], [sflag:$0x2], $0x80, s22, s19, $0xb8;
	[tilespmem:$0x1C900] =	vst v63  }
0x71: {  	s12 =	rddreg [dreg:$0x6]  }
0x72: {  	[spmem:s2] =	stream.indirect.scatter.add.f32 [tilespmem:s12], [sflag:$0x2], $0x80, s23, s19, $0xb8;
	[tilespmem:$0x1C900] =	vst v63  }
0x73: {  	s11 =	rddreg [dreg:$0x7]  }
0x74: {  	[spmem:s2] =	stream.indirect.scatter.add.f32 [tilespmem:s11], [sflag:$0x2], $0x80, s24, s19, $0xb8;
	[tilespmem:$0x1C900] =	vst v63  }
0x75: {  	s12 =	rddreg [dreg:$0x8]  }
0x76: {  	[spmem:s2] =	stream.indirect.scatter.add.f32 [tilespmem:s12], [sflag:$0x2], $0x80, s25, s19, $0xb8;
	[tilespmem:$0x1C900] =	vst v63  }
0x77: {  	_ = 	snop  }
0x78: {  	[spmem:s2] =	stream.indirect.scatter.add.f32 [tilespmem:s28], [sflag:$0x2], $0x80, s26, s19, $0xb8;
	[tilespmem:$0x1C900] =	vst v63  }
0x79: {  	_ = 	snop  }
0x7a: {  	[spmem:s2] =	stream.indirect.scatter.add.f32 [tilespmem:s30], [sflag:$0x2], $0x80, s29, s19, $0xb8;
	[tilespmem:$0x1C900] =	vst v63  }
0x7b: {  	_ =	swait.ge [sflag:s31], $0x800  }
0x7c: {  	[sflag:s31] =	ssyncset.done $0x0  }
0x7d: {  	[sflag:s31] =	ssyncadd.s32 $0xFFFFF800  }
0x7e: {  	_ =	swait.ge [sflag:s31], $0x800  }
0x7f: {  	[sflag:s31] =	ssyncset.done $0x0  }
0x80: {  	[sflag:s31] =	ssyncadd.s32 $0xFFFFF800  }
0x81: {  	_ =	swait.ge [sflag:s31], $0x800  }
0x82: {  	[sflag:s31] =	ssyncset.done $0x0  }
0x83: {  	[sflag:s31] =	ssyncadd.s32 $0xFFFFF800  }
0x84: {  	_ =	swait.ge [sflag:s31], $0x800  }
0x85: {  	[sflag:s31] =	ssyncset.done $0x0  }
0x86: {  	[sflag:s31] =	ssyncadd.s32 $0xFFFFF800  }
0x87: {  	_ =	swait.ge [sflag:s31], $0x800  }
0x88: {  	[sflag:s31] =	ssyncset.done $0x0  }
0x89: {  	[sflag:s31] =	ssyncadd.s32 $0xFFFFF800  }
0x8a: {  	_ =	swait.ge [sflag:s31], $0x800  }
0x8b: {  	[sflag:s31] =	ssyncset.done $0x0  }
0x8c: {  	[sflag:s31] =	ssyncadd.s32 $0xFFFFF800  }
0x8d: {  	_ =	swait.ge [sflag:s31], $0x800  }
0x8e: {  	[sflag:s31] =	ssyncset.done $0x0  }
0x8f: {  	[sflag:s31] =	ssyncadd.s32 $0xFFFFF800  }
0x90: {  	_ =	swait.ge [sflag:s31], $0x800  }
0x91: {  	[sflag:s31] =	ssyncset.done $0x0  }
0x92: {  	[sflag:s31] =	ssyncadd.s32 $0xFFFFF800  }
0x93: {  	_ =	swait.ge [sflag:s17], $0x4000  }
0x94: {  	p0 =	por $0x0, $0x0;
	[sflag:s17] =	ssyncset.done $0x0  }
0x95: {  	s9 =	simm.s32 @!p0 $0x0;
	[sflag:s17] =	ssyncadd.s32 $0xFFFFC000  }
0x96: {  	v1 =	vld @!p0 [tilespmem:s9+$0x100];
	_ =	sdelay $0x4  }
0x97: {  	[tilespmem:$0xA000] =	vst @!p0 v1  }
0x98: {  	v1 =	vld @!p0 [tilespmem:s9+$0x110];
	_ =	sdelay $0x4  }
0x99: {  	[tilespmem:$0xA010] =	vst @!p0 v1  }
0x9a: {  	v1 =	vld @!p0 [tilespmem:s9+$0x120];
	_ =	sdelay $0x4  }
0x9b: {  	[tilespmem:$0xA020] =	vst @!p0 v1  }
0x9c: {  	v1 =	vld @!p0 [tilespmem:s9+$0x130];
	_ =	sdelay $0x4  }
0x9d: {  	[tilespmem:$0xA030] =	vst @!p0 v1  }
0x9e: {  	v1 =	vld @!p0 [tilespmem:s9+$0x140];
	_ =	sdelay $0x4  }
0x9f: {  	[tilespmem:$0xA040] =	vst @!p0 v1  }
0xa0: {  	v1 =	vld @!p0 [tilespmem:s9+$0x150];
	_ =	sdelay $0x4  }
0xa1: {  	[tilespmem:$0xA050] =	vst @!p0 v1  }
0xa2: {  	v1 =	vld @!p0 [tilespmem:s9+$0x160];
	_ =	sdelay $0x4  }
0xa3: {  	[tilespmem:$0xA060] =	vst @!p0 v1  }
0xa4: {  	v1 =	vld @!p0 [tilespmem:s9+$0x170];
	_ =	sdelay $0x4  }
0xa5: {  	s10 =	simm.s32 @!p0 $0xA000;
	s11 =	simm.s32 @!p0 $0xA500;
	s9 =	simm.s32 @!p0 $0x80;
	[tilespmem:$0xA070] =	vst @!p0 v1  }
0xa6: {  	[tilespmem:s11], [sflag:$0x1] =	stream.indirect.gather @!p0 [hbm4b:s4+s9], $0x80, s10, s9, $0xb8;
	[tilespmem:$0x1C900] =	vst v63  }
0xa7: {  	v1 =	vld [tilespmem:s6+$0x5080];
	_ =	sdelay $0x4  }
0xa8: {  	v1 =	vsub.s32 v1, v0  }
0xa9: {  	v1 =	vmin.u32 v1, $0x1400  }
0xaa: {  	[tilespmem:$0xA100] =	vst v1  }
0xab: {  	v1 =	vld [tilespmem:s6+$0x5090];
	_ =	sdelay $0x4  }
0xac: {  	v1 =	vsub.s32 v1, v0  }
0xad: {  	v1 =	vmin.u32 v1, $0x1400  }
0xae: {  	[tilespmem:$0xA180] =	vst v1  }
0xaf: {  	v1 =	vld [tilespmem:s6+$0x50A0];
	_ =	sdelay $0x4  }
0xb0: {  	v1 =	vsub.s32 v1, v0  }
0xb1: {  	v1 =	vmin.u32 v1, $0x1400  }
0xb2: {  	[tilespmem:$0xA200] =	vst v1  }
0xb3: {  	v1 =	vld [tilespmem:s6+$0x50B0];
	_ =	sdelay $0x4  }
0xb4: {  	v1 =	vsub.s32 v1, v0  }
0xb5: {  	v1 =	vmin.u32 v1, $0x1400  }
0xb6: {  	[tilespmem:$0xA280] =	vst v1  }
0xb7: {  	v1 =	vld [tilespmem:s6+$0x50C0];
	_ =	sdelay $0x4  }
0xb8: {  	v1 =	vsub.s32 v1, v0  }
0xb9: {  	v1 =	vmin.u32 v1, $0x1400  }
0xba: {  	[tilespmem:$0xA300] =	vst v1  }
0xbb: {  	v1 =	vld [tilespmem:s6+$0x50D0];
	_ =	sdelay $0x4  }
0xbc: {  	v1 =	vsub.s32 v1, v0  }
0xbd: {  	v1 =	vmin.u32 v1, $0x1400  }
0xbe: {  	[tilespmem:$0xA380] =	vst v1  }
0xbf: {  	v1 =	vld [tilespmem:s6+$0x50E0];
	_ =	sdelay $0x4  }
0xc0: {  	v1 =	vsub.s32 v1, v0  }
0xc1: {  	v1 =	vmin.u32 v1, $0x1400  }
0xc2: {  	[tilespmem:$0xA400] =	vst v1  }
0xc3: {  	v1 =	vld [tilespmem:s6+$0x50F0];
	_ =	sdelay $0x4  }
0xc4: {  	v1 =	vsub.s32 v1, v0  }
0xc5: {  	v1 =	vmin.u32 v1, $0x1400  }
0xc6: {  	[tilespmem:$0xA480] =	vst v1  }
0xc7: {  	[spmem:s2] =	stream.indirect.scatter.add.f32 [tilespmem:s18], [sflag:$0x2], $0x80, s20, s19, $0xb8;
	[tilespmem:$0x1C900] =	vst v63  }
0xc8: {  	_ = 	snop  }
0xc9: {  	[spmem:s2] =	stream.indirect.scatter.add.f32 [tilespmem:s0], [sflag:$0x2], $0x80, s21, s19, $0xb8;
	[tilespmem:$0x1C900] =	vst v63  }
0xca: {  	_ = 	snop  }
0xcb: {  	[spmem:s2] =	stream.indirect.scatter.add.f32 [tilespmem:s1], [sflag:$0x2], $0x80, s22, s19, $0xb8;
	[tilespmem:$0x1C900] =	vst v63  }
0xcc: {  	_ = 	snop  }
0xcd: {  	[spmem:s2] =	stream.indirect.scatter.add.f32 [tilespmem:s13], [sflag:$0x2], $0x80, s23, s19, $0xb8;
	[tilespmem:$0x1C900] =	vst v63  }
0xce: {  	_ = 	snop  }
0xcf: {  	[spmem:s2] =	stream.indirect.scatter.add.f32 [tilespmem:s15], [sflag:$0x2], $0x80, s24, s19, $0xb8;
	[tilespmem:$0x1C900] =	vst v63  }
0xd0: {  	_ = 	snop  }
0xd1: {  	[spmem:s2] =	stream.indirect.scatter.add.f32 [tilespmem:s3], [sflag:$0x2], $0x80, s25, s19, $0xb8;
	[tilespmem:$0x1C900] =	vst v63  }
0xd2: {  	_ = 	snop  }
0xd3: {  	[spmem:s2] =	stream.indirect.scatter.add.f32 [tilespmem:s5], [sflag:$0x2], $0x80, s26, s19, $0xb8;
	[tilespmem:$0x1C900] =	vst v63  }
0xd4: {  	_ = 	snop  }
0xd5: {  	[spmem:s2] =	stream.indirect.scatter.add.f32 [tilespmem:s7], [sflag:$0x2], $0x80, s29, s19, $0xb8;
	[tilespmem:$0x1C900] =	vst v63  }
0xd6: {  	_ =	swait.ge [sflag:s31], $0x800  }
0xd7: {  	[sflag:s31] =	ssyncset.done $0x0  }
0xd8: {  	[sflag:s31] =	ssyncadd.s32 $0xFFFFF800  }
0xd9: {  	_ =	swait.ge [sflag:s31], $0x800  }
0xda: {  	[sflag:s31] =	ssyncset.done $0x0  }
0xdb: {  	[sflag:s31] =	ssyncadd.s32 $0xFFFFF800  }
0xdc: {  	_ =	swait.ge [sflag:s31], $0x800  }
0xdd: {  	[sflag:s31] =	ssyncset.done $0x0  }
0xde: {  	[sflag:s31] =	ssyncadd.s32 $0xFFFFF800  }
0xdf: {  	_ =	swait.ge [sflag:s31], $0x800  }
0xe0: {  	[sflag:s31] =	ssyncset.done $0x0  }
0xe1: {  	[sflag:s31] =	ssyncadd.s32 $0xFFFFF800  }
0xe2: {  	_ =	swait.ge [sflag:s31], $0x800  }
0xe3: {  	[sflag:s31] =	ssyncset.done $0x0  }
0xe4: {  	[sflag:s31] =	ssyncadd.s32 $0xFFFFF800  }
0xe5: {  	_ =	swait.ge [sflag:s31], $0x800  }
0xe6: {  	[sflag:s31] =	ssyncset.done $0x0  }
0xe7: {  	[sflag:s31] =	ssyncadd.s32 $0xFFFFF800  }
0xe8: {  	_ =	swait.ge [sflag:s31], $0x800  }
0xe9: {  	[sflag:s31] =	ssyncset.done $0x0  }
0xea: {  	[sflag:s31] =	ssyncadd.s32 $0xFFFFF800  }
0xeb: {  	_ =	swait.ge [sflag:s31], $0x800  }
0xec: {  	s9 =	simm.s32 $0x400;
	[sflag:s31] =	ssyncset.done $0x0  }
.LBB2_2:
0xed: {  	[sflag:s31] =	ssyncadd.s32 $0xFFFFF800  }
0xee: {  	_ =	swait.ge [sflag:s17], $0x4000  }
0xef: {  	s6 =	smov.u32 s9;
	[sflag:s17] =	ssyncset.done $0x0  }
0xf0: {  	s10 =	sshra.s32 s6, $0x2;
	[sflag:s17] =	ssyncadd.s32 $0xFFFFC000  }
0xf1: {  	v1 =	vld [tilespmem:s10+$0x80];
	_ =	sdelay $0x4  }
0xf2: {  	[tilespmem:$0xA080] =	vst v1  }
0xf3: {  	v1 =	vld [tilespmem:s10+$0x90];
	_ =	sdelay $0x4  }
0xf4: {  	[tilespmem:$0xA090] =	vst v1  }
0xf5: {  	v1 =	vld [tilespmem:s10+$0xA0];
	_ =	sdelay $0x4  }
0xf6: {  	[tilespmem:$0xA0A0] =	vst v1  }
0xf7: {  	v1 =	vld [tilespmem:s10+$0xB0];
	_ =	sdelay $0x4  }
0xf8: {  	[tilespmem:$0xA0B0] =	vst v1  }
0xf9: {  	v1 =	vld [tilespmem:s10+$0xC0];
	_ =	sdelay $0x4  }
0xfa: {  	[tilespmem:$0xA0C0] =	vst v1  }
0xfb: {  	v1 =	vld [tilespmem:s10+$0xD0];
	_ =	sdelay $0x4  }
0xfc: {  	[tilespmem:$0xA0D0] =	vst v1  }
0xfd: {  	v1 =	vld [tilespmem:s10+$0xE0];
	_ =	sdelay $0x4  }
0xfe: {  	[tilespmem:$0xA0E0] =	vst v1  }
0xff: {  	v1 =	vld [tilespmem:s10+$0xF0];
	_ =	sdelay $0x4  }
0x100: {  	s11 =	rddreg [dreg:$0x3];
	[tilespmem:$0xA0F0] =	vst v1  }
0x101: {  	[tilespmem:s18], [sflag:$0x1] =	stream.indirect.gather [hbm4b:s4+s14], $0x80, s11, s14, $0xb8;
	[tilespmem:$0x1C900] =	vst v63  }
0x102: {  	v1 =	vld [tilespmem:s10+$0x5000];
	_ =	sdelay $0x4  }
0x103: {  	v1 =	vsub.s32 v1, v0  }
0x104: {  	v1 =	vmin.u32 v1, $0x1400  }
0x105: {  	[tilespmem:$0xA100] =	vst v1  }
0x106: {  	v1 =	vld [tilespmem:s10+$0x5010];
	_ =	sdelay $0x4  }
0x107: {  	v1 =	vsub.s32 v1, v0  }
0x108: {  	v1 =	vmin.u32 v1, $0x1400  }
0x109: {  	[tilespmem:$0xA180] =	vst v1  }
0x10a: {  	v1 =	vld [tilespmem:s10+$0x5020];
	_ =	sdelay $0x4  }
0x10b: {  	v1 =	vsub.s32 v1, v0  }
0x10c: {  	v1 =	vmin.u32 v1, $0x1400  }
0x10d: {  	[tilespmem:$0xA200] =	vst v1  }
0x10e: {  	v1 =	vld [tilespmem:s10+$0x5030];
	_ =	sdelay $0x4  }
0x10f: {  	v1 =	vsub.s32 v1, v0  }
0x110: {  	v1 =	vmin.u32 v1, $0x1400  }
0x111: {  	[tilespmem:$0xA280] =	vst v1  }
0x112: {  	v1 =	vld [tilespmem:s10+$0x5040];
	_ =	sdelay $0x4  }
0x113: {  	v1 =	vsub.s32 v1, v0  }
0x114: {  	v1 =	vmin.u32 v1, $0x1400  }
0x115: {  	[tilespmem:$0xA300] =	vst v1  }
0x116: {  	v1 =	vld [tilespmem:s10+$0x5050];
	_ =	sdelay $0x4  }
0x117: {  	v1 =	vsub.s32 v1, v0  }
0x118: {  	v1 =	vmin.u32 v1, $0x1400  }
0x119: {  	[tilespmem:$0xA380] =	vst v1  }
0x11a: {  	v1 =	vld [tilespmem:s10+$0x5060];
	_ =	sdelay $0x4  }
0x11b: {  	v1 =	vsub.s32 v1, v0  }
0x11c: {  	v1 =	vmin.u32 v1, $0x1400  }
0x11d: {  	[tilespmem:$0xA400] =	vst v1  }
0x11e: {  	v1 =	vld [tilespmem:s10+$0x5070];
	_ =	sdelay $0x4  }
0x11f: {  	v1 =	vsub.s32 v1, v0  }
0x120: {  	v1 =	vmin.u32 v1, $0x1400  }
0x121: {  	[tilespmem:$0xA480] =	vst v1  }
0x122: {  	[spmem:s2] =	stream.indirect.scatter.add.f32 [tilespmem:s16], [sflag:$0x2], $0x80, s20, s19, $0xb8;
	[tilespmem:$0x1C900] =	vst v63  }
0x123: {  	s11 =	rddreg [dreg:$0x4]  }
0x124: {  	[spmem:s2] =	stream.indirect.scatter.add.f32 [tilespmem:s11], [sflag:$0x2], $0x80, s21, s19, $0xb8;
	[tilespmem:$0x1C900] =	vst v63  }
0x125: {  	s12 =	rddreg [dreg:$0x5]  }
0x126: {  	[spmem:s2] =	stream.indirect.scatter.add.f32 [tilespmem:s12], [sflag:$0x2], $0x80, s22, s19, $0xb8;
	[tilespmem:$0x1C900] =	vst v63  }
0x127: {  	s11 =	rddreg [dreg:$0x6]  }
0x128: {  	[spmem:s2] =	stream.indirect.scatter.add.f32 [tilespmem:s11], [sflag:$0x2], $0x80, s23, s19, $0xb8;
	[tilespmem:$0x1C900] =	vst v63  }
0x129: {  	s12 =	rddreg [dreg:$0x7]  }
0x12a: {  	[spmem:s2] =	stream.indirect.scatter.add.f32 [tilespmem:s12], [sflag:$0x2], $0x80, s24, s19, $0xb8;
	[tilespmem:$0x1C900] =	vst v63  }
0x12b: {  	s11 =	rddreg [dreg:$0x8]  }
0x12c: {  	[spmem:s2] =	stream.indirect.scatter.add.f32 [tilespmem:s11], [sflag:$0x2], $0x80, s25, s19, $0xb8;
	[tilespmem:$0x1C900] =	vst v63  }
0x12d: {  	_ = 	snop  }
0x12e: {  	[spmem:s2] =	stream.indirect.scatter.add.f32 [tilespmem:s28], [sflag:$0x2], $0x80, s26, s19, $0xb8;
	[tilespmem:$0x1C900] =	vst v63  }
0x12f: {  	_ = 	snop  }
0x130: {  	[spmem:s2] =	stream.indirect.scatter.add.f32 [tilespmem:s30], [sflag:$0x2], $0x80, s29, s19, $0xb8;
	[tilespmem:$0x1C900] =	vst v63  }
0x131: {  	_ =	swait.ge [sflag:s31], $0x800  }
0x132: {  	[sflag:s31] =	ssyncset.done $0x0  }
0x133: {  	[sflag:s31] =	ssyncadd.s32 $0xFFFFF800  }
0x134: {  	_ =	swait.ge [sflag:s31], $0x800  }
0x135: {  	[sflag:s31] =	ssyncset.done $0x0  }
0x136: {  	[sflag:s31] =	ssyncadd.s32 $0xFFFFF800  }
0x137: {  	_ =	swait.ge [sflag:s31], $0x800  }
0x138: {  	[sflag:s31] =	ssyncset.done $0x0  }
0x139: {  	[sflag:s31] =	ssyncadd.s32 $0xFFFFF800  }
0x13a: {  	_ =	swait.ge [sflag:s31], $0x800  }
0x13b: {  	[sflag:s31] =	ssyncset.done $0x0  }
0x13c: {  	[sflag:s31] =	ssyncadd.s32 $0xFFFFF800  }
0x13d: {  	_ =	swait.ge [sflag:s31], $0x800  }
0x13e: {  	[sflag:s31] =	ssyncset.done $0x0  }
0x13f: {  	[sflag:s31] =	ssyncadd.s32 $0xFFFFF800  }
0x140: {  	_ =	swait.ge [sflag:s31], $0x800  }
0x141: {  	[sflag:s31] =	ssyncset.done $0x0  }
0x142: {  	[sflag:s31] =	ssyncadd.s32 $0xFFFFF800  }
0x143: {  	_ =	swait.ge [sflag:s31], $0x800  }
0x144: {  	[sflag:s31] =	ssyncset.done $0x0  }
0x145: {  	[sflag:s31] =	ssyncadd.s32 $0xFFFFF800  }
0x146: {  	_ =	swait.ge [sflag:s31], $0x800  }
0x147: {  	[sflag:s31] =	ssyncset.done $0x0  }
0x148: {  	[sflag:s31] =	ssyncadd.s32 $0xFFFFF800  }
0x149: {  	_ =	swait.ge [sflag:s17], $0x4000  }
0x14a: {  	p1 =	seq.s32 s6, $0x13C00;
	[sflag:s17] =	ssyncset.done $0x0  }
0x14b: {  	s6 =	sshra.s32 @!p1 s6, $0x2;
	[sflag:s17] =	ssyncadd.s32 $0xFFFFC000  }
0x14c: {  	v1 =	vld @!p1 [tilespmem:s6+$0x100];
	_ =	sdelay $0x4  }
0x14d: {  	[tilespmem:$0xA000] =	vst @!p1 v1  }
0x14e: {  	v1 =	vld @!p1 [tilespmem:s6+$0x110];
	_ =	sdelay $0x4  }
0x14f: {  	[tilespmem:$0xA010] =	vst @!p1 v1  }
0x150: {  	v1 =	vld @!p1 [tilespmem:s6+$0x120];
	_ =	sdelay $0x4  }
0x151: {  	[tilespmem:$0xA020] =	vst @!p1 v1  }
0x152: {  	v1 =	vld @!p1 [tilespmem:s6+$0x130];
	_ =	sdelay $0x4  }
0x153: {  	[tilespmem:$0xA030] =	vst @!p1 v1  }
0x154: {  	v1 =	vld @!p1 [tilespmem:s6+$0x140];
	_ =	sdelay $0x4  }
0x155: {  	[tilespmem:$0xA040] =	vst @!p1 v1  }
0x156: {  	v1 =	vld @!p1 [tilespmem:s6+$0x150];
	_ =	sdelay $0x4  }
0x157: {  	[tilespmem:$0xA050] =	vst @!p1 v1  }
0x158: {  	v1 =	vld @!p1 [tilespmem:s6+$0x160];
	_ =	sdelay $0x4  }
0x159: {  	[tilespmem:$0xA060] =	vst @!p1 v1  }
0x15a: {  	v1 =	vld @!p1 [tilespmem:s6+$0x170];
	_ =	sdelay $0x4  }
0x15b: {  	s12 =	simm.s32 @!p1 $0xA500;
	s11 =	simm.s32 @!p1 $0xA000;
	s6 =	simm.s32 @!p1 $0x80;
	[tilespmem:$0xA070] =	vst @!p1 v1  }
0x15c: {  	[tilespmem:s12], [sflag:$0x1] =	stream.indirect.gather @!p1 [hbm4b:s4+s6], $0x80, s11, s6, $0xb8;
	[tilespmem:$0x1C900] =	vst v63  }
0x15d: {  	v1 =	vld [tilespmem:s10+$0x5080];
	_ =	sdelay $0x4  }
0x15e: {  	v1 =	vsub.s32 v1, v0  }
0x15f: {  	v1 =	vmin.u32 v1, $0x1400  }
0x160: {  	[tilespmem:$0xA100] =	vst v1  }
0x161: {  	v1 =	vld [tilespmem:s10+$0x5090];
	_ =	sdelay $0x4  }
0x162: {  	v1 =	vsub.s32 v1, v0  }
0x163: {  	v1 =	vmin.u32 v1, $0x1400  }
0x164: {  	[tilespmem:$0xA180] =	vst v1  }
0x165: {  	v1 =	vld [tilespmem:s10+$0x50A0];
	_ =	sdelay $0x4  }
0x166: {  	v1 =	vsub.s32 v1, v0  }
0x167: {  	v1 =	vmin.u32 v1, $0x1400  }
0x168: {  	[tilespmem:$0xA200] =	vst v1  }
0x169: {  	v1 =	vld [tilespmem:s10+$0x50B0];
	_ =	sdelay $0x4  }
0x16a: {  	v1 =	vsub.s32 v1, v0  }
0x16b: {  	v1 =	vmin.u32 v1, $0x1400  }
0x16c: {  	[tilespmem:$0xA280] =	vst v1  }
0x16d: {  	v1 =	vld [tilespmem:s10+$0x50C0];
	_ =	sdelay $0x4  }
0x16e: {  	v1 =	vsub.s32 v1, v0  }
0x16f: {  	v1 =	vmin.u32 v1, $0x1400  }
0x170: {  	[tilespmem:$0xA300] =	vst v1  }
0x171: {  	v1 =	vld [tilespmem:s10+$0x50D0];
	_ =	sdelay $0x4  }
0x172: {  	v1 =	vsub.s32 v1, v0  }
0x173: {  	v1 =	vmin.u32 v1, $0x1400  }
0x174: {  	[tilespmem:$0xA380] =	vst v1  }
0x175: {  	v1 =	vld [tilespmem:s10+$0x50E0];
	_ =	sdelay $0x4  }
0x176: {  	v1 =	vsub.s32 v1, v0  }
0x177: {  	v1 =	vmin.u32 v1, $0x1400  }
0x178: {  	[tilespmem:$0xA400] =	vst v1  }
0x179: {  	v1 =	vld [tilespmem:s10+$0x50F0];
	_ =	sdelay $0x4  }
0x17a: {  	v1 =	vsub.s32 v1, v0  }
0x17b: {  	v1 =	vmin.u32 v1, $0x1400  }
0x17c: {  	[tilespmem:$0xA480] =	vst v1  }
0x17d: {  	[spmem:s2] =	stream.indirect.scatter.add.f32 [tilespmem:s18], [sflag:$0x2], $0x80, s20, s19, $0xb8;
	[tilespmem:$0x1C900] =	vst v63  }
0x17e: {  	_ = 	snop  }
0x17f: {  	[spmem:s2] =	stream.indirect.scatter.add.f32 [tilespmem:s0], [sflag:$0x2], $0x80, s21, s19, $0xb8;
	[tilespmem:$0x1C900] =	vst v63  }
0x180: {  	_ = 	snop  }
0x181: {  	[spmem:s2] =	stream.indirect.scatter.add.f32 [tilespmem:s1], [sflag:$0x2], $0x80, s22, s19, $0xb8;
	[tilespmem:$0x1C900] =	vst v63  }
0x182: {  	_ = 	snop  }
0x183: {  	[spmem:s2] =	stream.indirect.scatter.add.f32 [tilespmem:s13], [sflag:$0x2], $0x80, s23, s19, $0xb8;
	[tilespmem:$0x1C900] =	vst v63  }
0x184: {  	_ = 	snop  }
0x185: {  	[spmem:s2] =	stream.indirect.scatter.add.f32 [tilespmem:s15], [sflag:$0x2], $0x80, s24, s19, $0xb8;
	[tilespmem:$0x1C900] =	vst v63  }
0x186: {  	_ = 	snop  }
0x187: {  	[spmem:s2] =	stream.indirect.scatter.add.f32 [tilespmem:s3], [sflag:$0x2], $0x80, s25, s19, $0xb8;
	[tilespmem:$0x1C900] =	vst v63  }
0x188: {  	_ = 	snop  }
0x189: {  	[spmem:s2] =	stream.indirect.scatter.add.f32 [tilespmem:s5], [sflag:$0x2], $0x80, s26, s19, $0xb8;
	[tilespmem:$0x1C900] =	vst v63  }
0x18a: {  	_ = 	snop  }
0x18b: {  	[spmem:s2] =	stream.indirect.scatter.add.f32 [tilespmem:s7], [sflag:$0x2], $0x80, s29, s19, $0xb8;
	[tilespmem:$0x1C900] =	vst v63  }
0x18c: {  	_ =	swait.ge [sflag:s31], $0x800  }
0x18d: {  	[sflag:s31] =	ssyncset.done $0x0  }
0x18e: {  	[sflag:s31] =	ssyncadd.s32 $0xFFFFF800  }
0x18f: {  	_ =	swait.ge [sflag:s31], $0x800  }
0x190: {  	[sflag:s31] =	ssyncset.done $0x0  }
0x191: {  	[sflag:s31] =	ssyncadd.s32 $0xFFFFF800  }
0x192: {  	_ =	swait.ge [sflag:s31], $0x800  }
0x193: {  	[sflag:s31] =	ssyncset.done $0x0  }
0x194: {  	[sflag:s31] =	ssyncadd.s32 $0xFFFFF800  }
0x195: {  	_ =	swait.ge [sflag:s31], $0x800  }
0x196: {  	[sflag:s31] =	ssyncset.done $0x0  }
0x197: {  	[sflag:s31] =	ssyncadd.s32 $0xFFFFF800  }
0x198: {  	_ =	swait.ge [sflag:s31], $0x800  }
0x199: {  	[sflag:s31] =	ssyncset.done $0x0  }
0x19a: {  	[sflag:s31] =	ssyncadd.s32 $0xFFFFF800  }
0x19b: {  	_ =	swait.ge [sflag:s31], $0x800  }
0x19c: {  	s9 =	sadd.s32 $0x400, s9;
	[sflag:s31] =	ssyncset.done $0x0  }
0x19d: {  	p0 =	sne.s32 s9, $0x14000;
	[sflag:s31] =	ssyncadd.s32 $0xFFFFF800  }
.Ltmp0:
0x19e: {  	_ =	swait.ge [sflag:s31], $0x800;
	(pc) =	sbr.rel @p0 .LBB2_2-.Ltmp0, $4  }
0x19f: {  	[sflag:s31] =	ssyncset.done $0x0  }
0x1a0: {  	[sflag:s31] =	ssyncadd.s32 $0xFFFFF800  }
0x1a1: {  	_ =	swait.ge [sflag:s31], $0x800  }
0x1a2: {  	[sflag:s31] =	ssyncset.done $0x0  }
0x1a3: {  	[sflag:s31] =	ssyncadd.s32 $0xFFFFF800  }
0x1a4: {  	[bflag:$0x0] =	sbarrier.arrive $0xFFFF  }
0x1a5: {  	s9 =	rddreg [dreg:$0xa]  }
0x1a6: {  	s6 =	rddreg [dreg:$0xd]  }
0x1a7: {  	s11 =	simm.s32 $0x3;
	s10 =	rddreg [dreg:$0xf]  }
0x1a8: {  	[hbm:s6], [sflag:s9] =	dma.local [spmem:s10], $0x1480  }
0x1a9: {  	_ =	swait.ge [sflag:s11], $0x1480  }
0x1aa: {  	s8 =	sadd.s32 $0x1, s8;
	s12 =	rddreg [dreg:$0xe]  }
0x1ab: {  	p0 =	sne.s32 s8, s12  }
.Ltmp1:
0x1ac: {  	_ = 	snop;
	(pc) =	sbr.rel @p0 .LBB2_1-.Ltmp1, $3  }
0x1ad: {  	_ =	sdelay $0x1  }
0x1ae: {  	[sflag:s11] =	ssyncset.done $0x0  }
0x1af: {  	[sflag:s11] =	ssyncadd.s32 $0xFFFFEB80  }
0x1b0: {  	_ =	sfence.sel $0x180000  }
0x1b1: {  	[bflag:$0x0] =	sbarrier.arrive $0xFFFF  }
0x1b2: {  	_ =	strace $0x9000004A  }
0x1b3: {  	s0 =	stileid.u32;
	[bflag:$0x2] =	sbarrier.arrive $0xFFFF  }
0x1b4: {  	p0 =	sne.s32 s0, $0x0;
	s0 =	rddreg [dreg:$0x2]  }
0x1b5: {  	s0 =	sadd.s32 @!p0 $0x100000, s0  }
0x1b6: {  	[sflag:s0] =	ssyncadd.tile.s32 @!p0 $0x1;
	_ =	shalt  }
.Lfunc_end2:
_tile_overlayer_lowered:
.L_overlay_start_2:
0x1b7: {  	(tag) =	ssettag $0x2  }
0x1b8: {  	s0 =	rddreg [dreg:$0x0];
	s2 =	stileid.u32  }
0x1b9: {  	s1 =	rddreg [dreg:$0x1];
	p0 =	sne.s32 s2, $0x0  }
0x1ba: {  	s3 =	rddreg [dreg:$0x2];
	[bflag:$0x3] =	sbarrier.arrive $0xFFFF;
	s2 =	simm.s32 @!p0 $0x1C03  }
0x1bb: {  	[timem:s3], [sflag:s2] =	dma.local @!p0 [hbm:s0], s1  }
0x1bc: {  	s0 =	simm.s32 @!p0 $0x3  }
0x1bd: {  	_ =	swait.ge @!p0 [sflag:s0], s1  }
0x1be: {  	s1 =	ssub.s32 @!p0 $0x0, s1;
	[sflag:s0] =	ssyncset.done @!p0 $0x0  }
0x1bf: {  	[sflag:s0] =	ssyncadd.s32 @!p0 s1  }
0x1c0: {  	[bflag:$0x3] =	sbarrier.arrive $0xFFFF  }
0x1c1: {  	_ =	shalt  }

// kernel: kernel.14.cloned.1.call-start
scs
__scs_entry_jumppad:
0x0: {  	(pc) =	sbr.rel $0x88, $3  }
0x1: {  	(tag) =	ssettag $0x0;
	lr =	simm.s32 $0x1  }
0x2: {  	[smem:$0x3F98] =	sst lr;
	_ =	strace $0xD0000000  }
0x3: {  	_ = 	snop  }
0x4: {  	_ = 	snop  }
0x5: {  	_ = 	snop  }
0x6: {  	_ = 	snop  }
0x7: {  	_ = 	snop  }
__scs_overlays_trampoline_lowered:
0x8: {  	[smem:$0x3FA7] =	sst s0  }
0x9: {  	[smem:$0x3FA8] =	sst s1  }
0xa: {  	[smem:$0x3FA9] =	sst s2  }
0xb: {  	[smem:$0x3FAA] =	sst s3  }
0xc: {  	[smem:$0x3FAB] =	sst s4  }
0xd: {  	[smem:$0x3FAC] =	sst s5  }
0xe: {  	[smem:$0x3FAD] =	sst s6  }
0xf: {  	[smem:$0x3FAE] =	sst s7  }
0x10: {  	[smem:$0x3FAF] =	sst s8  }
0x11: {  	[smem:$0x3FB0] =	sst s9;
	s0 =	simm.s32 @!p0 $0x0  }
0x12: {  	s1 =	sld [smem:$0x3F96];
	s0 =	simm.s32 @p0 $0x1  }
0x13: {  	[smem:$0x3FB1] =	sst s0;
	s0 =	simm.s32 @!p1 $0x0  }
0x14: {  	s2 =	sld [smem:$0x3F95];
	s0 =	simm.s32 @p1 $0x1  }
0x15: {  	[smem:$0x3FB2] =	sst s0;
	s0 =	simm.s32 @!p2 $0x0  }
0x16: {  	s3 =	sld [smem:$0x3FDB];
	s0 =	simm.s32 @p2 $0x1  }
0x17: {  	s4 =	simm.s32 $0x1BF5;
	[smem:$0x3FB4] =	sst s0  }
0x18: {  	s0 =	sld [smem:$0x3F97];
	_ =	swait.ge [sflag:s4], $0x0  }
0x19: {  	s7 =	sld [smem:$0x3F98]  }
0x1a: {  	s8 =	sadd.s32 $0xFFFFE003, lr  }
0x1b: {  	s9 =	sadd.s32 $0xFFFFFEF7, lr;
	s5 =	simm.s32 $0xFFFFFFFF;
	p2 =	slt.u32 s8, $0xFFFFF086  }
0x1c: {  	p1 =	slt.u32 s9, $0xF7A;
	s5 =	simm.s32 @!p2 $0x0  }
0x1d: {  	s5 =	simm.s32 @p1 $0x1;
	p0 =	seq.s32 s7, s2  }
0x1e: {  	s7 =	smul.u32 @!p0 $0xF7A, s2;
	p2 =	seq.s32 @!p0 s5, $0x0  }
0x1f: {  	s9 =	smul.u32 $0xF7A, s1;
	s8 =	simm.s32 @!p0 $0x1BF5;
	p2 =	por !p2, p0  }
0x20: {  	[sflag:s8] =	ssyncset.s32 @!p0 $0xFFFFF086;
	s6 =	sadd.s32 @!p0 s3, s7;
	s7 =	simm.s32 @!p0 $0x108  }
0x21: {  	s3 =	sadd.s32 s3, s9;
	s6 =	sadd.s32 @!p0 $0x88, s6;
	s7 =	simm.s32 @p2 $0x1082  }
0x22: {  	[simem:s7], [sflag:s8] =	dma.local @!p0 [hbm:s6], $0xF7A  }
0x23: {  	s9 =	sor.u32 $0xD0000000, s2;
	s6 =	simm.s32 $0x108;
	_ =	swait.ge @!p0 [sflag:s8], $0x0  }
0x24: {  	s3 =	sadd.s32 $0x88, s3;
	s6 =	simm.s32 @!p1 $0x1082;
	[sflag:s4] =	ssyncset.s32 $0xFFFFF086  }
0x25: {  	[simem:s6], [sflag:s4] =	dma.local [hbm:s3], $0xF7A  }
0x26: {  	[smem:$0x3F98] =	sst s1;
	(tag) =	ssettag s2;
	_ =	strace s9  }
0x27: {  	s1 =	sld [smem:$0x3FA8]  }
0x28: {  	s2 =	sld [smem:$0x3FA9]  }
0x29: {  	s4 =	sld [smem:$0x3FAB]  }
0x2a: {  	p0 =	seq.s32 s5, $0x0;
	s5 =	sld [smem:$0x3FAC]  }
0x2b: {  	s6 =	sld [smem:$0x3FAD]  }
0x2c: {  	s7 =	sld [smem:$0x3FAE]  }
0x2d: {  	s3 =	simm.s32 $0x108;
	s8 =	sld [smem:$0x3FAF]  }
0x2e: {  	s3 =	simm.s32 @!p0 $0x1082;
	s9 =	sld [smem:$0x3FB0]  }
0x2f: {  	lr =	sadd.s32 s0, s3;
	s0 =	sld [smem:$0x3FA7]  }
0x30: {  	s3 =	sld [smem:$0x3FAA]  }
0x31: {  	[smem:$0x3FB3] =	sst s10  }
0x32: {  	s10 =	sld [smem:$0x3FB1];
	_ =	sdelay $0x3  }
0x33: {  	p0 =	seq.s32 s10, $0x1;
	s10 =	sld [smem:$0x3FB3];
	_ =	sdelay $0x3  }
0x34: {  	[smem:$0x3FB3] =	sst s10  }
0x35: {  	s10 =	sld [smem:$0x3FB2];
	_ =	sdelay $0x3  }
0x36: {  	p1 =	seq.s32 s10, $0x1;
	s10 =	sld [smem:$0x3FB3];
	_ =	sdelay $0x3  }
0x37: {  	[smem:$0x3FB3] =	sst s10  }
0x38: {  	s10 =	sld [smem:$0x3FB4]  }
0x39: {  	_ = 	snop;
	(pc) =	sbr.ind lr, $3  }
0x3a: {  	_ = 	snop  }
0x3b: {  	_ = 	snop  }
0x3c: {  	p2 =	seq.s32 s10, $0x1;
	s10 =	sld [smem:$0x3FB3]  }
0x3d: {  	_ =	shalt  }
0x3e: {  	_ =	shalt  }
0x3f: {  	_ =	shalt  }
0x40: {  	_ =	shalt  }
0x41: {  	_ =	shalt  }
0x42: {  	_ =	shalt  }
0x43: {  	_ =	shalt  }
0x44: {  	_ =	shalt  }
0x45: {  	_ =	shalt  }
0x46: {  	_ =	shalt  }
0x47: {  	_ =	shalt  }
0x48: {  	_ =	shalt  }
0x49: {  	_ =	shalt  }
0x4a: {  	_ =	shalt  }
0x4b: {  	_ =	shalt  }
0x4c: {  	_ =	shalt  }
0x4d: {  	_ =	shalt  }
0x4e: {  	_ =	shalt  }
0x4f: {  	_ =	shalt  }
0x50: {  	_ =	shalt  }
0x51: {  	_ =	shalt  }
0x52: {  	_ =	shalt  }
0x53: {  	_ =	shalt  }
0x54: {  	_ =	shalt  }
0x55: {  	_ =	shalt  }
0x56: {  	_ =	shalt  }
0x57: {  	_ =	shalt  }
0x58: {  	_ =	shalt  }
0x59: {  	_ =	shalt  }
0x5a: {  	_ =	shalt  }
0x5b: {  	_ =	shalt  }
0x5c: {  	_ =	shalt  }
0x5d: {  	_ =	shalt  }
0x5e: {  	_ =	shalt  }
0x5f: {  	_ =	shalt  }
0x60: {  	_ =	shalt  }
0x61: {  	_ =	shalt  }
0x62: {  	_ =	shalt  }
0x63: {  	_ =	shalt  }
0x64: {  	_ =	shalt  }
0x65: {  	_ =	shalt  }
0x66: {  	_ =	shalt  }
0x67: {  	_ =	shalt  }
0x68: {  	_ =	shalt  }
0x69: {  	_ =	shalt  }
0x6a: {  	_ =	shalt  }
0x6b: {  	_ =	shalt  }
0x6c: {  	_ =	shalt  }
0x6d: {  	_ =	shalt  }
0x6e: {  	_ =	shalt  }
0x6f: {  	_ =	shalt  }
0x70: {  	_ =	shalt  }
0x71: {  	_ =	shalt  }
0x72: {  	_ =	shalt  }
0x73: {  	_ =	shalt  }
0x74: {  	_ =	shalt  }
0x75: {  	_ =	shalt  }
0x76: {  	_ =	shalt  }
0x77: {  	_ =	shalt  }
0x78: {  	_ =	shalt  }
0x79: {  	_ =	shalt  }
0x7a: {  	_ =	shalt  }
0x7b: {  	_ =	shalt  }
0x7c: {  	_ =	shalt  }
0x7d: {  	_ =	shalt  }
0x7e: {  	_ =	shalt  }
0x7f: {  	_ =	shalt  }
0x80: {  	_ =	shalt  }
0x81: {  	_ =	shalt  }
0x82: {  	_ =	shalt  }
0x83: {  	_ =	shalt  }
0x84: {  	_ =	shalt  }
0x85: {  	_ =	shalt  }
0x86: {  	_ =	shalt  }
0x87: {  	_ =	shalt  }
.Lfunc_end0:
.L_simem_size_0:
called_computation.2_lowered:
.L_overlay_start_0:
0x88: {  	s2 =	sld [smem:$0x3FD9]  }
0x89: {  	s3 =	sld [smem:$0x3FFE];
	_ =	sdelay $0x1  }
0x8a: {  	s1 =	srdreg.scid  }
0x8b: {  	s0 =	sand.u32 $0x1, s1  }
0x8c: {  	s16 =	sshll.u32 s0, $0xA;
	s2 =	sadd.s32 s3, s2  }
0x8d: {  	s2 =	sadd.s32 s2, s16  }
0x8e: {  	[smem:$0x3FBF] =	sst s2  }
0x8f: {  	_ = 	snop  }
0x90: {  	(tm) =	ssettm $0x1  }
0x91: {  	s17 =	sld [smem:$0x3FFB];
	_ =	sdelay $0x3  }
0x92: {  	_ =	strace s17  }
0x93: {  	s2 =	sld [smem:$0x3FFC];
	_ =	sdelay $0x3  }
0x94: {  	_ =	strace s2  }
0x95: {  	s2 =	sld [smem:$0x3FFD];
	_ =	sdelay $0x3  }
0x96: {  	_ =	strace s2  }
0x97: {  	_ =	strace $0x8FFFFFFF  }
0x98: {  	s18 =	sld [smem:$0x3FDB];
	_ =	sdelay $0x1  }
0x99: {  	s19 =	simm.s32 $_scs_section_size  }
0x9a: {  	s4 =	simm.s32 $_size__tile_overlayer_lowered;
	s5 =	simm.s32 $_tile_overlayer_lowered  }
0x9b: {  	s22 =	simm.s32 $0x1BFF;
	s21 =	sshll.u32 s5, $0x1;
	s2 =	sadd.s32 s19, s18  }
0x9c: {  	s6 =	simm.s32 $0x0;
	s20 =	sshll.u32 s4, $0x1;
	s4 =	sadd.s32 s21, s2  }
0x9d: {  	[timem:s6], [sflag:s22] =	dma.local [hbm:s4], s20  }
0x9e: {  	_ =	swait.ge [sflag:s22], s20  }
0x9f: {  	s3 =	ssub.s32 $0x0, s20;
	[sflag:s22] =	ssyncset.done $0x0  }
0xa0: {  	[sflag:s22] =	ssyncadd.s32 s3;
	_ =	sdelay $0x1  }
0xa1: {  	s23 =	simm.s32 $0x1B8B  }
0xa2: {  	_ =	swait.ge [sflag:s23], $0x1  }
0xa3: {  	[sflag:s23] =	ssyncset.done $0x0  }
0xa4: {  	s25 =	simm.s32 $0x1B8E;
	s24 =	sld [smem:$0x3FFE];
	[sflag:s23] =	ssyncadd.s32 $0xFFFFFFFF  }
0xa5: {  	s26 =	simm.s32 $execute0_lowered;
	[smem:$0x3FD2] =	sst s25  }
0xa6: {  	s4 =	sshll.u32 s26, $0x1;
	_ =	strace $0x8000004C;
	[dreg:$0x1] =	wrdreg $0xFFFFFFFF  }
0xa7: {  	s28 =	simm.s32 $_size_execute0_lowered;
	s2 =	sadd.s32 s2, s4;
	[dreg:$0x0] =	wrdreg $0x0  }
0xa8: {  	s4 =	sshll.u32 s28, $0x1;
	[dreg:$0x2] =	wrdreg s2  }
0xa9: {  	[dreg:$0x3] =	wrdreg s4  }
0xaa: {  	[dreg:$0x4] =	wrdreg $0xC0  }
0xab: {  	_ =	task [dreg:s6], $0x5FFFF  }
0xac: {  	[dreg:$0x1] =	wrdreg $0xFFFFFFFF  }
0xad: {  	[dreg:$0x0] =	wrdreg $0x60  }
0xae: {  	[dreg:$0x2] =	wrdreg s24  }
0xaf: {  	[dreg:$0x3] =	wrdreg $0x125000  }
0xb0: {  	[dreg:$0x4] =	wrdreg $0x9  }
0xb1: {  	_ =	task.clear_ibuf [dreg:s6], $0x5FFFF;
	_ =	strace $0x9000004C  }
0xb2: {  	s29 =	simm.s32 $0x9;
	_ =	strace $0x8000004E  }
0xb3: {  	_ =	swait.ge [sflag:s29], $0x1  }
0xb4: {  	[sflag:s29] =	ssyncadd.s32 $0xFFFFFFFF  }
0xb5: {  	_ =	strace $0x9000004E  }
0xb6: {  	_ =	sfence  }
0xb7: {  	s30 =	sld [smem:$0x0];
	_ =	sdelay $0x2  }
0xb8: {  	s31 =	sshll.u32 s1, $0xD;
	s1 =	sshrl.u32 s1, $0x2  }
0xb9: {  	s3 =	sand.u32 $0x4000, s31;
	s1 =	sadd.s32 s1, s30  }
0xba: {  	s0 =	sor.u32 s3, s0;
	s1 =	sshll.u32 s1, $0x11  }
0xbb: {  	s0 =	sor.u32 s1, s0  }
0xbc: {  	s0 =	sadd.s32 $0x8F2B, s0  }
0xbd: {  	[sflag:s0] =	ssyncadd.remote.s32 $0x1  }
0xbe: {  	_ =	sfence.sel $0xFFFF  }
0xbf: {  	[dreg:$0x0] =	wrdreg $0xFFFFFFFF;
	(pc) =	sbr.abs _section_cstart, $3  }
0xc0: {  	[dreg:$0x1] =	wrdreg $0xFFFFFFFF  }
0xc1: {  	_ =	task.clear_ibuf [dreg:s6], $0x2FFFF;
	_ =	strace $0x9FFFFFFF  }
0xc2: {  	(tm) =	ssettm $0x7FFFFFFF  }
0xc3: {  	_ =	shalt  }
tec
execute0_lowered:
.L_overlay_start_1:
0x0: {  	(tag) =	ssettag $0x1  }
0x1: {  	s0 =	rddreg [dreg:$0x0]  }
0x2: {  	s2 =	rddreg [dreg:$0x1]  }
0x3: {  	s9 =	stileid.u32;
	s3 =	srdreg.scid;
	s4 =	simm.s32 $0x0  }
0x4: {  	s14 =	simm.s32 $0x80;
	s16 =	simm.s32 $0xA500;
	s21 =	simm.s32 $0xA080  }
0x5: {  	s22 =	simm.s32 $0xAD00;
	s23 =	simm.s32 $0xB500;
	s24 =	simm.s32 $0xBD00  }
0x6: {  	s25 =	simm.s32 $0xC500;
	s26 =	simm.s32 $0xCD00;
	s28 =	simm.s32 $0xD500  }
0x7: {  	s29 =	simm.s32 $0xA480;
	s30 =	simm.s32 $0xDD00;
	s31 =	simm.s32 $0x2  }
0x8: {  	s13 =	simm.s32 $0xFD00;
	s15 =	simm.s32 $0x10500;
	s1 =	smul.u32 $0xA00, s9  }
0x9: {  	s5 =	smul.u32 $0xA400, s9;
	s3 =	sand.u32 $0x1, s3;
	[smem:$0x7FF] =	sst s4  }
0xa: {  	s4 =	sadd.s32 $0x2C000, s0;
	_ =	strace $0x8000004D;
	[dreg:$0x3] =	wrdreg s21  }
0xb: {  	s8 =	smul.u32 $0x29000, s9;
	s18 =	sshll.u32 s9, $0x6;
	[dreg:$0x4] =	wrdreg s22  }
0xc: {  	s6 =	smul.u32 $0xA4000, s3;
	s10 =	ssub.s32 $0x2, s3;
	[dreg:$0x5] =	wrdreg s23  }
0xd: {  	s12 =	smul.u32 $0x1400, s3;
	s9 =	sor.u32 $0x1C03, s18;
	[dreg:$0x6] =	wrdreg s24  }
0xe: {  	s18 =	simm.s32 $0xE500;
	s21 =	simm.s32 $0xA180;
	[dreg:$0x7] =	wrdreg s25  }
0xf: {  	s22 =	simm.s32 $0xA200;
	s23 =	simm.s32 $0xA280;
	[dreg:$0x8] =	wrdreg s26  }
0x10: {  	s24 =	simm.s32 $0xA300;
	s25 =	simm.s32 $0xA380;
	s26 =	simm.s32 $0xA400  }
0x11: {  	s1 =	sadd.s32 s1, s0;
	s7 =	sshrl.u32 s5, $0x3;
	s11 =	sshrl.u32 s10, $0x1  }
0x12: {  	s17 =	sshrl.u32 s8, $0x2;
	s8 =	simm.s32 $0x0;
	[dreg:$0xa] =	wrdreg s9  }
0x13: {  	s5 =	sadd.s32 s5, s6;
	s7 =	sadd.s32 s7, s0;
	s3 =	sadd.s32 s17, s2  }
0x14: {  	s19 =	sadd.s32 $0x3800, s1;
	s1 =	sadd.s32 $0xD800, s1;
	s17 =	simm.s32 $0x1  }
0x15: {  	s5 =	sshrl.u32 s5, $0x3;
	s7 =	sadd.s32 $0x17800, s7;
	[dreg:$0xb] =	wrdreg s19  }
0x16: {  	[dreg:$0xc] =	wrdreg s1;
	s19 =	simm.s32 $0x10;
	s1 =	simm.s32 $0xF500  }
0x17: {  	s0 =	sadd.s32 s5, s0;
	s5 =	ssub.s32 s10, s11;
	[dreg:$0x9] =	wrdreg s7  }
0x18: {  	s10 =	sshrl.u32 s3, $0x3;
	s11 =	simm.s32 $0x3;
	s3 =	simm.s32 $0x10D00  }
0x19: {  	s7 =	simm.s32 $0x11D00;
	s0 =	sadd.s32 $0x54000, s0;
	[dreg:$0xf] =	wrdreg s10  }
0x1a: {  	s20 =	smax.u32 s5, $0x1;
	s5 =	simm.s32 $0x11500;
	[dreg:$0xd] =	wrdreg s0  }
0x1b: {  	v0 =	vmov s12;
	[dreg:$0xe] =	wrdreg s20;
	s20 =	simm.s32 $0xA100;
	s0 =	simm.s32 $0xED00  }
.LBB2_1:
0x1c: {  	s6 =	rddreg [dreg:$0x9]  }
0x1d: {  	[spmem:s10], [sflag:s9] =	dma.local [hbm:s6], $0x1480  }
0x1e: {  	_ =	swait.ge [sflag:s11], $0x1480  }
0x1f: {  	[sflag:s11] =	ssyncset.done $0x0  }
0x20: {  	s6 =	simm.s32 $0x0;
	s12 =	rddreg [dreg:$0xb];
	[sflag:s11] =	ssyncadd.s32 $0xFFFFEB80  }
0x21: {  	[tilespmem:s6], [sflag:$0x3] =	stream.linear.gather [hbm4b:s12+s6], $0x5000, $0x38;
	[tilespmem:$0x1C900] =	vst v63  }
0x22: {  	_ =	swait.ge [sflag:s11], $0x5000  }
0x23: {  	[sflag:s11] =	ssyncset.done $0x0  }
0x24: {  	s12 =	simm.s32 $0x5000;
	s10 =	rddreg [dreg:$0xc];
	[sflag:s11] =	ssyncadd.s32 $0xFFFFB000  }
0x25: {  	[tilespmem:s12], [sflag:$0x3] =	stream.linear.gather [hbm4b:s10+s6], $0x5000, $0x38;
	[tilespmem:$0x1C900] =	vst v63  }
0x26: {  	_ =	swait.ge [sflag:s11], $0x5000  }
0x27: {  	[sflag:s11] =	ssyncset.done $0x0  }
0x28: {  	[sflag:s11] =	ssyncadd.s32 $0xFFFFB000  }
0x29: {  	[bflag:$0x0] =	sbarrier.arrive $0xFFFF  }
0x2a: {  	v1 =	vld [tilespmem:$0x0]  }
0x2b: {  	v2 =	vld [tilespmem:$0x10]  }
0x2c: {  	v3 =	vld [tilespmem:$0x20]  }
0x2d: {  	v4 =	vld [tilespmem:$0x30]  }
0x2e: {  	v5 =	vld [tilespmem:$0x40]  }
0x2f: {  	[tilespmem:$0xA000] =	vst v1;
	v1 =	vld [tilespmem:$0x50]  }
0x30: {  	[tilespmem:$0xA010] =	vst v2;
	v2 =	vld [tilespmem:$0x60]  }
0x31: {  	[tilespmem:$0xA020] =	vst v3;
	v3 =	vld [tilespmem:$0x70]  }
0x32: {  	[tilespmem:$0xA030] =	vst v4  }
0x33: {  	[tilespmem:$0xA040] =	vst v5  }
0x34: {  	[tilespmem:$0xA050] =	vst v1  }
0x35: {  	[tilespmem:$0xA060] =	vst v2  }
0x36: {  	s11 =	simm.s32 $0xA000;
	[tilespmem:$0xA070] =	vst v3  }
0x37: {  	[tilespmem:s16], [sflag:$0x1] =	stream.indirect.gather [hbm4b:s4+s14], $0x80, s11, s14, $0xb8;
	[tilespmem:$0x1C900] =	vst v63  }
0x38: {  	_ =	swait.ge [sflag:s17], $0x4000  }
0x39: {  	[sflag:s17] =	ssyncset.done $0x0  }
0x3a: {  	s6 =	simm.s32 $0x0;
	[sflag:s17] =	ssyncadd.s32 $0xFFFFC000  }
0x3b: {  	v1 =	vld [tilespmem:s6+$0x80];
	_ =	sdelay $0x4  }
0x3c: {  	[tilespmem:$0xA080] =	vst v1  }
0x3d: {  	v1 =	vld [tilespmem:s6+$0x90];
	_ =	sdelay $0x4  }
0x3e: {  	[tilespmem:$0xA090] =	vst v1  }
0x3f: {  	v1 =	vld [tilespmem:s6+$0xA0];
	_ =	sdelay $0x4  }
0x40: {  	[tilespmem:$0xA0A0] =	vst v1  }
0x41: {  	v1 =	vld [tilespmem:s6+$0xB0];
	_ =	sdelay $0x4  }
0x42: {  	[tilespmem:$0xA0B0] =	vst v1  }
0x43: {  	v1 =	vld [tilespmem:s6+$0xC0];
	_ =	sdelay $0x4  }
0x44: {  	[tilespmem:$0xA0C0] =	vst v1  }
0x45: {  	v1 =	vld [tilespmem:s6+$0xD0];
	_ =	sdelay $0x4  }
0x46: {  	[tilespmem:$0xA0D0] =	vst v1  }
0x47: {  	v1 =	vld [tilespmem:s6+$0xE0];
	_ =	sdelay $0x4  }
0x48: {  	[tilespmem:$0xA0E0] =	vst v1  }
0x49: {  	v1 =	vld [tilespmem:s6+$0xF0];
	_ =	sdelay $0x4  }
0x4a: {  	s12 =	rddreg [dreg:$0x3];
	[tilespmem:$0xA0F0] =	vst v1  }
0x4b: {  	[tilespmem:s18], [sflag:$0x1] =	stream.indirect.gather [hbm4b:s4+s14], $0x80, s12, s14, $0xb8;
	[tilespmem:$0x1C900] =	vst v63  }
0x4c: {  	v1 =	vld [tilespmem:s6+$0x5000];
	_ =	sdelay $0x4  }
0x4d: {  	v1 =	vsub.s32 v1, v0  }
0x4e: {  	v1 =	vmin.u32 v1, $0x1400  }
0x4f: {  	[tilespmem:$0xA100] =	vst v1  }
0x50: {  	v1 =	vld [tilespmem:s6+$0x5010];
	_ =	sdelay $0x4  }
0x51: {  	v1 =	vsub.s32 v1, v0  }
0x52: {  	v1 =	vmin.u32 v1, $0x1400  }
0x53: {  	[tilespmem:$0xA180] =	vst v1  }
0x54: {  	v1 =	vld [tilespmem:s6+$0x5020];
	_ =	sdelay $0x4  }
0x55: {  	v1 =	vsub.s32 v1, v0  }
0x56: {  	v1 =	vmin.u32 v1, $0x1400  }
0x57: {  	[tilespmem:$0xA200] =	vst v1  }
0x58: {  	v1 =	vld [tilespmem:s6+$0x5030];
	_ =	sdelay $0x4  }
0x59: {  	v1 =	vsub.s32 v1, v0  }
0x5a: {  	v1 =	vmin.u32 v1, $0x1400  }
0x5b: {  	[tilespmem:$0xA280] =	vst v1  }
0x5c: {  	v1 =	vld [tilespmem:s6+$0x5040];
	_ =	sdelay $0x4  }
0x5d: {  	v1 =	vsub.s32 v1, v0  }
0x5e: {  	v1 =	vmin.u32 v1, $0x1400  }
0x5f: {  	[tilespmem:$0xA300] =	vst v1  }
0x60: {  	v1 =	vld [tilespmem:s6+$0x5050];
	_ =	sdelay $0x4  }
0x61: {  	v1 =	vsub.s32 v1, v0  }
0x62: {  	v1 =	vmin.u32 v1, $0x1400  }
0x63: {  	[tilespmem:$0xA380] =	vst v1  }
0x64: {  	v1 =	vld [tilespmem:s6+$0x5060];
	_ =	sdelay $0x4  }
0x65: {  	v1 =	vsub.s32 v1, v0  }
0x66: {  	v1 =	vmin.u32 v1, $0x1400  }
0x67: {  	[tilespmem:$0xA400] =	vst v1  }
0x68: {  	v1 =	vld [tilespmem:s6+$0x5070];
	_ =	sdelay $0x4  }
0x69: {  	v1 =	vsub.s32 v1, v0  }
0x6a: {  	v1 =	vmin.u32 v1, $0x1400  }
0x6b: {  	[tilespmem:$0xA480] =	vst v1  }
0x6c: {  	[spmem:s2] =	stream.indirect.scatter.add.f32 [tilespmem:s16], [sflag:$0x2], $0x80, s20, s19, $0xb8;
	[tilespmem:$0x1C900] =	vst v63  }
0x6d: {  	s10 =	rddreg [dreg:$0x4]  }
0x6e: {  	[spmem:s2] =	stream.indirect.scatter.add.f32 [tilespmem:s10], [sflag:$0x2], $0x80, s21, s19, $0xb8;
	[tilespmem:$0x1C900] =	vst v63  }
0x6f: {  	s11 =	rddreg [dreg:$0x5]  }
0x70: {  	[spmem:s2] =	stream.indirect.scatter.add.f32 [tilespmem:s11], [sflag:$0x2], $0x80, s22, s19, $0xb8;
	[tilespmem:$0x1C900] =	vst v63  }
0x71: {  	s12 =	rddreg [dreg:$0x6]  }
0x72: {  	[spmem:s2] =	stream.indirect.scatter.add.f32 [tilespmem:s12], [sflag:$0x2], $0x80, s23, s19, $0xb8;
	[tilespmem:$0x1C900] =	vst v63  }
0x73: {  	s11 =	rddreg [dreg:$0x7]  }
0x74: {  	[spmem:s2] =	stream.indirect.scatter.add.f32 [tilespmem:s11], [sflag:$0x2], $0x80, s24, s19, $0xb8;
	[tilespmem:$0x1C900] =	vst v63  }
0x75: {  	s12 =	rddreg [dreg:$0x8]  }
0x76: {  	[spmem:s2] =	stream.indirect.scatter.add.f32 [tilespmem:s12], [sflag:$0x2], $0x80, s25, s19, $0xb8;
	[tilespmem:$0x1C900] =	vst v63  }
0x77: {  	_ = 	snop  }
0x78: {  	[spmem:s2] =	stream.indirect.scatter.add.f32 [tilespmem:s28], [sflag:$0x2], $0x80, s26, s19, $0xb8;
	[tilespmem:$0x1C900] =	vst v63  }
0x79: {  	_ = 	snop  }
0x7a: {  	[spmem:s2] =	stream.indirect.scatter.add.f32 [tilespmem:s30], [sflag:$0x2], $0x80, s29, s19, $0xb8;
	[tilespmem:$0x1C900] =	vst v63  }
0x7b: {  	_ =	swait.ge [sflag:s31], $0x800  }
0x7c: {  	[sflag:s31] =	ssyncset.done $0x0  }
0x7d: {  	[sflag:s31] =	ssyncadd.s32 $0xFFFFF800  }
0x7e: {  	_ =	swait.ge [sflag:s31], $0x800  }
0x7f: {  	[sflag:s31] =	ssyncset.done $0x0  }
0x80: {  	[sflag:s31] =	ssyncadd.s32 $0xFFFFF800  }
0x81: {  	_ =	swait.ge [sflag:s31], $0x800  }
0x82: {  	[sflag:s31] =	ssyncset.done $0x0  }
0x83: {  	[sflag:s31] =	ssyncadd.s32 $0xFFFFF800  }
0x84: {  	_ =	swait.ge [sflag:s31], $0x800  }
0x85: {  	[sflag:s31] =	ssyncset.done $0x0  }
0x86: {  	[sflag:s31] =	ssyncadd.s32 $0xFFFFF800  }
0x87: {  	_ =	swait.ge [sflag:s31], $0x800  }
0x88: {  	[sflag:s31] =	ssyncset.done $0x0  }
0x89: {  	[sflag:s31] =	ssyncadd.s32 $0xFFFFF800  }
0x8a: {  	_ =	swait.ge [sflag:s31], $0x800  }
0x8b: {  	[sflag:s31] =	ssyncset.done $0x0  }
0x8c: {  	[sflag:s31] =	ssyncadd.s32 $0xFFFFF800  }
0x8d: {  	_ =	swait.ge [sflag:s31], $0x800  }
0x8e: {  	[sflag:s31] =	ssyncset.done $0x0  }
0x8f: {  	[sflag:s31] =	ssyncadd.s32 $0xFFFFF800  }
0x90: {  	_ =	swait.ge [sflag:s31], $0x800  }
0x91: {  	[sflag:s31] =	ssyncset.done $0x0  }
0x92: {  	[sflag:s31] =	ssyncadd.s32 $0xFFFFF800  }
0x93: {  	_ =	swait.ge [sflag:s17], $0x4000  }
0x94: {  	p0 =	por $0x0, $0x0;
	[sflag:s17] =	ssyncset.done $0x0  }
0x95: {  	s9 =	simm.s32 @!p0 $0x0;
	[sflag:s17] =	ssyncadd.s32 $0xFFFFC000  }
0x96: {  	v1 =	vld @!p0 [tilespmem:s9+$0x100];
	_ =	sdelay $0x4  }
0x97: {  	[tilespmem:$0xA000] =	vst @!p0 v1  }
0x98: {  	v1 =	vld @!p0 [tilespmem:s9+$0x110];
	_ =	sdelay $0x4  }
0x99: {  	[tilespmem:$0xA010] =	vst @!p0 v1  }
0x9a: {  	v1 =	vld @!p0 [tilespmem:s9+$0x120];
	_ =	sdelay $0x4  }
0x9b: {  	[tilespmem:$0xA020] =	vst @!p0 v1  }
0x9c: {  	v1 =	vld @!p0 [tilespmem:s9+$0x130];
	_ =	sdelay $0x4  }
0x9d: {  	[tilespmem:$0xA030] =	vst @!p0 v1  }
0x9e: {  	v1 =	vld @!p0 [tilespmem:s9+$0x140];
	_ =	sdelay $0x4  }
0x9f: {  	[tilespmem:$0xA040] =	vst @!p0 v1  }
0xa0: {  	v1 =	vld @!p0 [tilespmem:s9+$0x150];
	_ =	sdelay $0x4  }
0xa1: {  	[tilespmem:$0xA050] =	vst @!p0 v1  }
0xa2: {  	v1 =	vld @!p0 [tilespmem:s9+$0x160];
	_ =	sdelay $0x4  }
0xa3: {  	[tilespmem:$0xA060] =	vst @!p0 v1  }
0xa4: {  	v1 =	vld @!p0 [tilespmem:s9+$0x170];
	_ =	sdelay $0x4  }
0xa5: {  	s10 =	simm.s32 @!p0 $0xA000;
	s11 =	simm.s32 @!p0 $0xA500;
	s9 =	simm.s32 @!p0 $0x80;
	[tilespmem:$0xA070] =	vst @!p0 v1  }
0xa6: {  	[tilespmem:s11], [sflag:$0x1] =	stream.indirect.gather @!p0 [hbm4b:s4+s9], $0x80, s10, s9, $0xb8;
	[tilespmem:$0x1C900] =	vst v63  }
0xa7: {  	v1 =	vld [tilespmem:s6+$0x5080];
	_ =	sdelay $0x4  }
0xa8: {  	v1 =	vsub.s32 v1, v0  }
0xa9: {  	v1 =	vmin.u32 v1, $0x1400  }
0xaa: {  	[tilespmem:$0xA100] =	vst v1  }
0xab: {  	v1 =	vld [tilespmem:s6+$0x5090];
	_ =	sdelay $0x4  }
0xac: {  	v1 =	vsub.s32 v1, v0  }
0xad: {  	v1 =	vmin.u32 v1, $0x1400  }
0xae: {  	[tilespmem:$0xA180] =	vst v1  }
0xaf: {  	v1 =	vld [tilespmem:s6+$0x50A0];
	_ =	sdelay $0x4  }
0xb0: {  	v1 =	vsub.s32 v1, v0  }
0xb1: {  	v1 =	vmin.u32 v1, $0x1400  }
0xb2: {  	[tilespmem:$0xA200] =	vst v1  }
0xb3: {  	v1 =	vld [tilespmem:s6+$0x50B0];
	_ =	sdelay $0x4  }
0xb4: {  	v1 =	vsub.s32 v1, v0  }
0xb5: {  	v1 =	vmin.u32 v1, $0x1400  }
0xb6: {  	[tilespmem:$0xA280] =	vst v1  }
0xb7: {  	v1 =	vld [tilespmem:s6+$0x50C0];
	_ =	sdelay $0x4  }
0xb8: {  	v1 =	vsub.s32 v1, v0  }
0xb9: {  	v1 =	vmin.u32 v1, $0x1400  }
0xba: {  	[tilespmem:$0xA300] =	vst v1  }
0xbb: {  	v1 =	vld [tilespmem:s6+$0x50D0];
	_ =	sdelay $0x4  }
0xbc: {  	v1 =	vsub.s32 v1, v0  }
0xbd: {  	v1 =	vmin.u32 v1, $0x1400  }
0xbe: {  	[tilespmem:$0xA380] =	vst v1  }
0xbf: {  	v1 =	vld [tilespmem:s6+$0x50E0];
	_ =	sdelay $0x4  }
0xc0: {  	v1 =	vsub.s32 v1, v0  }
0xc1: {  	v1 =	vmin.u32 v1, $0x1400  }
0xc2: {  	[tilespmem:$0xA400] =	vst v1  }
0xc3: {  	v1 =	vld [tilespmem:s6+$0x50F0];
	_ =	sdelay $0x4  }
0xc4: {  	v1 =	vsub.s32 v1, v0  }
0xc5: {  	v1 =	vmin.u32 v1, $0x1400  }
0xc6: {  	[tilespmem:$0xA480] =	vst v1  }
0xc7: {  	[spmem:s2] =	stream.indirect.scatter.add.f32 [tilespmem:s18], [sflag:$0x2], $0x80, s20, s19, $0xb8;
	[tilespmem:$0x1C900] =	vst v63  }
0xc8: {  	_ = 	snop  }
0xc9: {  	[spmem:s2] =	stream.indirect.scatter.add.f32 [tilespmem:s0], [sflag:$0x2], $0x80, s21, s19, $0xb8;
	[tilespmem:$0x1C900] =	vst v63  }
0xca: {  	_ = 	snop  }
0xcb: {  	[spmem:s2] =	stream.indirect.scatter.add.f32 [tilespmem:s1], [sflag:$0x2], $0x80, s22, s19, $0xb8;
	[tilespmem:$0x1C900] =	vst v63  }
0xcc: {  	_ = 	snop  }
0xcd: {  	[spmem:s2] =	stream.indirect.scatter.add.f32 [tilespmem:s13], [sflag:$0x2], $0x80, s23, s19, $0xb8;
	[tilespmem:$0x1C900] =	vst v63  }
0xce: {  	_ = 	snop  }
0xcf: {  	[spmem:s2] =	stream.indirect.scatter.add.f32 [tilespmem:s15], [sflag:$0x2], $0x80, s24, s19, $0xb8;
	[tilespmem:$0x1C900] =	vst v63  }
0xd0: {  	_ = 	snop  }
0xd1: {  	[spmem:s2] =	stream.indirect.scatter.add.f32 [tilespmem:s3], [sflag:$0x2], $0x80, s25, s19, $0xb8;
	[tilespmem:$0x1C900] =	vst v63  }
0xd2: {  	_ = 	snop  }
0xd3: {  	[spmem:s2] =	stream.indirect.scatter.add.f32 [tilespmem:s5], [sflag:$0x2], $0x80, s26, s19, $0xb8;
	[tilespmem:$0x1C900] =	vst v63  }
0xd4: {  	_ = 	snop  }
0xd5: {  	[spmem:s2] =	stream.indirect.scatter.add.f32 [tilespmem:s7], [sflag:$0x2], $0x80, s29, s19, $0xb8;
	[tilespmem:$0x1C900] =	vst v63  }
0xd6: {  	_ =	swait.ge [sflag:s31], $0x800  }
0xd7: {  	[sflag:s31] =	ssyncset.done $0x0  }
0xd8: {  	[sflag:s31] =	ssyncadd.s32 $0xFFFFF800  }
0xd9: {  	_ =	swait.ge [sflag:s31], $0x800  }
0xda: {  	[sflag:s31] =	ssyncset.done $0x0  }
0xdb: {  	[sflag:s31] =	ssyncadd.s32 $0xFFFFF800  }
0xdc: {  	_ =	swait.ge [sflag:s31], $0x800  }
0xdd: {  	[sflag:s31] =	ssyncset.done $0x0  }
0xde: {  	[sflag:s31] =	ssyncadd.s32 $0xFFFFF800  }
0xdf: {  	_ =	swait.ge [sflag:s31], $0x800  }
0xe0: {  	[sflag:s31] =	ssyncset.done $0x0  }
0xe1: {  	[sflag:s31] =	ssyncadd.s32 $0xFFFFF800  }
0xe2: {  	_ =	swait.ge [sflag:s31], $0x800  }
0xe3: {  	[sflag:s31] =	ssyncset.done $0x0  }
0xe4: {  	[sflag:s31] =	ssyncadd.s32 $0xFFFFF800  }
0xe5: {  	_ =	swait.ge [sflag:s31], $0x800  }
0xe6: {  	[sflag:s31] =	ssyncset.done $0x0  }
0xe7: {  	[sflag:s31] =	ssyncadd.s32 $0xFFFFF800  }
0xe8: {  	_ =	swait.ge [sflag:s31], $0x800  }
0xe9: {  	[sflag:s31] =	ssyncset.done $0x0  }
0xea: {  	[sflag:s31] =	ssyncadd.s32 $0xFFFFF800  }
0xeb: {  	_ =	swait.ge [sflag:s31], $0x800  }
0xec: {  	s9 =	simm.s32 $0x400;
	[sflag:s31] =	ssyncset.done $0x0  }
.LBB2_2:
0xed: {  	[sflag:s31] =	ssyncadd.s32 $0xFFFFF800  }
0xee: {  	_ =	swait.ge [sflag:s17], $0x4000  }
0xef: {  	s6 =	smov.u32 s9;
	[sflag:s17] =	ssyncset.done $0x0  }
0xf0: {  	s10 =	sshra.s32 s6, $0x2;
	[sflag:s17] =	ssyncadd.s32 $0xFFFFC000  }
0xf1: {  	v1 =	vld [tilespmem:s10+$0x80];
	_ =	sdelay $0x4  }
0xf2: {  	[tilespmem:$0xA080] =	vst v1  }
0xf3: {  	v1 =	vld [tilespmem:s10+$0x90];
	_ =	sdelay $0x4  }
0xf4: {  	[tilespmem:$0xA090] =	vst v1  }
0xf5: {  	v1 =	vld [tilespmem:s10+$0xA0];
	_ =	sdelay $0x4  }
0xf6: {  	[tilespmem:$0xA0A0] =	vst v1  }
0xf7: {  	v1 =	vld [tilespmem:s10+$0xB0];
	_ =	sdelay $0x4  }
0xf8: {  	[tilespmem:$0xA0B0] =	vst v1  }
0xf9: {  	v1 =	vld [tilespmem:s10+$0xC0];
	_ =	sdelay $0x4  }
0xfa: {  	[tilespmem:$0xA0C0] =	vst v1  }
0xfb: {  	v1 =	vld [tilespmem:s10+$0xD0];
	_ =	sdelay $0x4  }
0xfc: {  	[tilespmem:$0xA0D0] =	vst v1  }
0xfd: {  	v1 =	vld [tilespmem:s10+$0xE0];
	_ =	sdelay $0x4  }
0xfe: {  	[tilespmem:$0xA0E0] =	vst v1  }
0xff: {  	v1 =	vld [tilespmem:s10+$0xF0];
	_ =	sdelay $0x4  }
0x100: {  	s11 =	rddreg [dreg:$0x3];
	[tilespmem:$0xA0F0] =	vst v1  }
0x101: {  	[tilespmem:s18], [sflag:$0x1] =	stream.indirect.gather [hbm4b:s4+s14], $0x80, s11, s14, $0xb8;
	[tilespmem:$0x1C900] =	vst v63  }
0x102: {  	v1 =	vld [tilespmem:s10+$0x5000];
	_ =	sdelay $0x4  }
0x103: {  	v1 =	vsub.s32 v1, v0  }
0x104: {  	v1 =	vmin.u32 v1, $0x1400  }
0x105: {  	[tilespmem:$0xA100] =	vst v1  }
0x106: {  	v1 =	vld [tilespmem:s10+$0x5010];
	_ =	sdelay $0x4  }
0x107: {  	v1 =	vsub.s32 v1, v0  }
0x108: {  	v1 =	vmin.u32 v1, $0x1400  }
0x109: {  	[tilespmem:$0xA180] =	vst v1  }
0x10a: {  	v1 =	vld [tilespmem:s10+$0x5020];
	_ =	sdelay $0x4  }
0x10b: {  	v1 =	vsub.s32 v1, v0  }
0x10c: {  	v1 =	vmin.u32 v1, $0x1400  }
0x10d: {  	[tilespmem:$0xA200] =	vst v1  }
0x10e: {  	v1 =	vld [tilespmem:s10+$0x5030];
	_ =	sdelay $0x4  }
0x10f: {  	v1 =	vsub.s32 v1, v0  }
0x110: {  	v1 =	vmin.u32 v1, $0x1400  }
0x111: {  	[tilespmem:$0xA280] =	vst v1  }
0x112: {  	v1 =	vld [tilespmem:s10+$0x5040];
	_ =	sdelay $0x4  }
0x113: {  	v1 =	vsub.s32 v1, v0  }
0x114: {  	v1 =	vmin.u32 v1, $0x1400  }
0x115: {  	[tilespmem:$0xA300] =	vst v1  }
0x116: {  	v1 =	vld [tilespmem:s10+$0x5050];
	_ =	sdelay $0x4  }
0x117: {  	v1 =	vsub.s32 v1, v0  }
0x118: {  	v1 =	vmin.u32 v1, $0x1400  }
0x119: {  	[tilespmem:$0xA380] =	vst v1  }
0x11a: {  	v1 =	vld [tilespmem:s10+$0x5060];
	_ =	sdelay $0x4  }
0x11b: {  	v1 =	vsub.s32 v1, v0  }
0x11c: {  	v1 =	vmin.u32 v1, $0x1400  }
0x11d: {  	[tilespmem:$0xA400] =	vst v1  }
0x11e: {  	v1 =	vld [tilespmem:s10+$0x5070];
	_ =	sdelay $0x4  }
0x11f: {  	v1 =	vsub.s32 v1, v0  }
0x120: {  	v1 =	vmin.u32 v1, $0x1400  }
0x121: {  	[tilespmem:$0xA480] =	vst v1  }
0x122: {  	[spmem:s2] =	stream.indirect.scatter.add.f32 [tilespmem:s16], [sflag:$0x2], $0x80, s20, s19, $0xb8;
	[tilespmem:$0x1C900] =	vst v63  }
0x123: {  	s11 =	rddreg [dreg:$0x4]  }
0x124: {  	[spmem:s2] =	stream.indirect.scatter.add.f32 [tilespmem:s11], [sflag:$0x2], $0x80, s21, s19, $0xb8;
	[tilespmem:$0x1C900] =	vst v63  }
0x125: {  	s12 =	rddreg [dreg:$0x5]  }
0x126: {  	[spmem:s2] =	stream.indirect.scatter.add.f32 [tilespmem:s12], [sflag:$0x2], $0x80, s22, s19, $0xb8;
	[tilespmem:$0x1C900] =	vst v63  }
0x127: {  	s11 =	rddreg [dreg:$0x6]  }
0x128: {  	[spmem:s2] =	stream.indirect.scatter.add.f32 [tilespmem:s11], [sflag:$0x2], $0x80, s23, s19, $0xb8;
	[tilespmem:$0x1C900] =	vst v63  }
0x129: {  	s12 =	rddreg [dreg:$0x7]  }
0x12a: {  	[spmem:s2] =	stream.indirect.scatter.add.f32 [tilespmem:s12], [sflag:$0x2], $0x80, s24, s19, $0xb8;
	[tilespmem:$0x1C900] =	vst v63  }
0x12b: {  	s11 =	rddreg [dreg:$0x8]  }
0x12c: {  	[spmem:s2] =	stream.indirect.scatter.add.f32 [tilespmem:s11], [sflag:$0x2], $0x80, s25, s19, $0xb8;
	[tilespmem:$0x1C900] =	vst v63  }
0x12d: {  	_ = 	snop  }
0x12e: {  	[spmem:s2] =	stream.indirect.scatter.add.f32 [tilespmem:s28], [sflag:$0x2], $0x80, s26, s19, $0xb8;
	[tilespmem:$0x1C900] =	vst v63  }
0x12f: {  	_ = 	snop  }
0x130: {  	[spmem:s2] =	stream.indirect.scatter.add.f32 [tilespmem:s30], [sflag:$0x2], $0x80, s29, s19, $0xb8;
	[tilespmem:$0x1C900] =	vst v63  }
0x131: {  	_ =	swait.ge [sflag:s31], $0x800  }
0x132: {  	[sflag:s31] =	ssyncset.done $0x0  }
0x133: {  	[sflag:s31] =	ssyncadd.s32 $0xFFFFF800  }
0x134: {  	_ =	swait.ge [sflag:s31], $0x800  }
0x135: {  	[sflag:s31] =	ssyncset.done $0x0  }
0x136: {  	[sflag:s31] =	ssyncadd.s32 $0xFFFFF800  }
0x137: {  	_ =	swait.ge [sflag:s31], $0x800  }
0x138: {  	[sflag:s31] =	ssyncset.done $0x0  }
0x139: {  	[sflag:s31] =	ssyncadd.s32 $0xFFFFF800  }
0x13a: {  	_ =	swait.ge [sflag:s31], $0x800  }
0x13b: {  	[sflag:s31] =	ssyncset.done $0x0  }
0x13c: {  	[sflag:s31] =	ssyncadd.s32 $0xFFFFF800  }
0x13d: {  	_ =	swait.ge [sflag:s31], $0x800  }
0x13e: {  	[sflag:s31] =	ssyncset.done $0x0  }
0x13f: {  	[sflag:s31] =	ssyncadd.s32 $0xFFFFF800  }
0x140: {  	_ =	swait.ge [sflag:s31], $0x800  }
0x141: {  	[sflag:s31] =	ssyncset.done $0x0  }
0x142: {  	[sflag:s31] =	ssyncadd.s32 $0xFFFFF800  }
0x143: {  	_ =	swait.ge [sflag:s31], $0x800  }
0x144: {  	[sflag:s31] =	ssyncset.done $0x0  }
0x145: {  	[sflag:s31] =	ssyncadd.s32 $0xFFFFF800  }
0x146: {  	_ =	swait.ge [sflag:s31], $0x800  }
0x147: {  	[sflag:s31] =	ssyncset.done $0x0  }
0x148: {  	[sflag:s31] =	ssyncadd.s32 $0xFFFFF800  }
0x149: {  	_ =	swait.ge [sflag:s17], $0x4000  }
0x14a: {  	p1 =	seq.s32 s6, $0x13C00;
	[sflag:s17] =	ssyncset.done $0x0  }
0x14b: {  	s6 =	sshra.s32 @!p1 s6, $0x2;
	[sflag:s17] =	ssyncadd.s32 $0xFFFFC000  }
0x14c: {  	v1 =	vld @!p1 [tilespmem:s6+$0x100];
	_ =	sdelay $0x4  }
0x14d: {  	[tilespmem:$0xA000] =	vst @!p1 v1  }
0x14e: {  	v1 =	vld @!p1 [tilespmem:s6+$0x110];
	_ =	sdelay $0x4  }
0x14f: {  	[tilespmem:$0xA010] =	vst @!p1 v1  }
0x150: {  	v1 =	vld @!p1 [tilespmem:s6+$0x120];
	_ =	sdelay $0x4  }
0x151: {  	[tilespmem:$0xA020] =	vst @!p1 v1  }
0x152: {  	v1 =	vld @!p1 [tilespmem:s6+$0x130];
	_ =	sdelay $0x4  }
0x153: {  	[tilespmem:$0xA030] =	vst @!p1 v1  }
0x154: {  	v1 =	vld @!p1 [tilespmem:s6+$0x140];
	_ =	sdelay $0x4  }
0x155: {  	[tilespmem:$0xA040] =	vst @!p1 v1  }
0x156: {  	v1 =	vld @!p1 [tilespmem:s6+$0x150];
	_ =	sdelay $0x4  }
0x157: {  	[tilespmem:$0xA050] =	vst @!p1 v1  }
0x158: {  	v1 =	vld @!p1 [tilespmem:s6+$0x160];
	_ =	sdelay $0x4  }
0x159: {  	[tilespmem:$0xA060] =	vst @!p1 v1  }
0x15a: {  	v1 =	vld @!p1 [tilespmem:s6+$0x170];
	_ =	sdelay $0x4  }
0x15b: {  	s12 =	simm.s32 @!p1 $0xA500;
	s11 =	simm.s32 @!p1 $0xA000;
	s6 =	simm.s32 @!p1 $0x80;
	[tilespmem:$0xA070] =	vst @!p1 v1  }
0x15c: {  	[tilespmem:s12], [sflag:$0x1] =	stream.indirect.gather @!p1 [hbm4b:s4+s6], $0x80, s11, s6, $0xb8;
	[tilespmem:$0x1C900] =	vst v63  }
0x15d: {  	v1 =	vld [tilespmem:s10+$0x5080];
	_ =	sdelay $0x4  }
0x15e: {  	v1 =	vsub.s32 v1, v0  }
0x15f: {  	v1 =	vmin.u32 v1, $0x1400  }
0x160: {  	[tilespmem:$0xA100] =	vst v1  }
0x161: {  	v1 =	vld [tilespmem:s10+$0x5090];
	_ =	sdelay $0x4  }
0x162: {  	v1 =	vsub.s32 v1, v0  }
0x163: {  	v1 =	vmin.u32 v1, $0x1400  }
0x164: {  	[tilespmem:$0xA180] =	vst v1  }
0x165: {  	v1 =	vld [tilespmem:s10+$0x50A0];
	_ =	sdelay $0x4  }
0x166: {  	v1 =	vsub.s32 v1, v0  }
0x167: {  	v1 =	vmin.u32 v1, $0x1400  }
0x168: {  	[tilespmem:$0xA200] =	vst v1  }
0x169: {  	v1 =	vld [tilespmem:s10+$0x50B0];
	_ =	sdelay $0x4  }
0x16a: {  	v1 =	vsub.s32 v1, v0  }
0x16b: {  	v1 =	vmin.u32 v1, $0x1400  }
0x16c: {  	[tilespmem:$0xA280] =	vst v1  }
0x16d: {  	v1 =	vld [tilespmem:s10+$0x50C0];
	_ =	sdelay $0x4  }
0x16e: {  	v1 =	vsub.s32 v1, v0  }
0x16f: {  	v1 =	vmin.u32 v1, $0x1400  }
0x170: {  	[tilespmem:$0xA300] =	vst v1  }
0x171: {  	v1 =	vld [tilespmem:s10+$0x50D0];
	_ =	sdelay $0x4  }
0x172: {  	v1 =	vsub.s32 v1, v0  }
0x173: {  	v1 =	vmin.u32 v1, $0x1400  }
0x174: {  	[tilespmem:$0xA380] =	vst v1  }
0x175: {  	v1 =	vld [tilespmem:s10+$0x50E0];
	_ =	sdelay $0x4  }
0x176: {  	v1 =	vsub.s32 v1, v0  }
0x177: {  	v1 =	vmin.u32 v1, $0x1400  }
0x178: {  	[tilespmem:$0xA400] =	vst v1  }
0x179: {  	v1 =	vld [tilespmem:s10+$0x50F0];
	_ =	sdelay $0x4  }
0x17a: {  	v1 =	vsub.s32 v1, v0  }
0x17b: {  	v1 =	vmin.u32 v1, $0x1400  }
0x17c: {  	[tilespmem:$0xA480] =	vst v1  }
0x17d: {  	[spmem:s2] =	stream.indirect.scatter.add.f32 [tilespmem:s18], [sflag:$0x2], $0x80, s20, s19, $0xb8;
	[tilespmem:$0x1C900] =	vst v63  }
0x17e: {  	_ = 	snop  }
0x17f: {  	[spmem:s2] =	stream.indirect.scatter.add.f32 [tilespmem:s0], [sflag:$0x2], $0x80, s21, s19, $0xb8;
	[tilespmem:$0x1C900] =	vst v63  }
0x180: {  	_ = 	snop  }
0x181: {  	[spmem:s2] =	stream.indirect.scatter.add.f32 [tilespmem:s1], [sflag:$0x2], $0x80, s22, s19, $0xb8;
	[tilespmem:$0x1C900] =	vst v63  }
0x182: {  	_ = 	snop  }
0x183: {  	[spmem:s2] =	stream.indirect.scatter.add.f32 [tilespmem:s13], [sflag:$0x2], $0x80, s23, s19, $0xb8;
	[tilespmem:$0x1C900] =	vst v63  }
0x184: {  	_ = 	snop  }
0x185: {  	[spmem:s2] =	stream.indirect.scatter.add.f32 [tilespmem:s15], [sflag:$0x2], $0x80, s24, s19, $0xb8;
	[tilespmem:$0x1C900] =	vst v63  }
0x186: {  	_ = 	snop  }
0x187: {  	[spmem:s2] =	stream.indirect.scatter.add.f32 [tilespmem:s3], [sflag:$0x2], $0x80, s25, s19, $0xb8;
	[tilespmem:$0x1C900] =	vst v63  }
0x188: {  	_ = 	snop  }
0x189: {  	[spmem:s2] =	stream.indirect.scatter.add.f32 [tilespmem:s5], [sflag:$0x2], $0x80, s26, s19, $0xb8;
	[tilespmem:$0x1C900] =	vst v63  }
0x18a: {  	_ = 	snop  }
0x18b: {  	[spmem:s2] =	stream.indirect.scatter.add.f32 [tilespmem:s7], [sflag:$0x2], $0x80, s29, s19, $0xb8;
	[tilespmem:$0x1C900] =	vst v63  }
0x18c: {  	_ =	swait.ge [sflag:s31], $0x800  }
0x18d: {  	[sflag:s31] =	ssyncset.done $0x0  }
0x18e: {  	[sflag:s31] =	ssyncadd.s32 $0xFFFFF800  }
0x18f: {  	_ =	swait.ge [sflag:s31], $0x800  }
0x190: {  	[sflag:s31] =	ssyncset.done $0x0  }
0x191: {  	[sflag:s31] =	ssyncadd.s32 $0xFFFFF800  }
0x192: {  	_ =	swait.ge [sflag:s31], $0x800  }
0x193: {  	[sflag:s31] =	ssyncset.done $0x0  }
0x194: {  	[sflag:s31] =	ssyncadd.s32 $0xFFFFF800  }
0x195: {  	_ =	swait.ge [sflag:s31], $0x800  }
0x196: {  	[sflag:s31] =	ssyncset.done $0x0  }
0x197: {  	[sflag:s31] =	ssyncadd.s32 $0xFFFFF800  }
0x198: {  	_ =	swait.ge [sflag:s31], $0x800  }
0x199: {  	[sflag:s31] =	ssyncset.done $0x0  }
0x19a: {  	[sflag:s31] =	ssyncadd.s32 $0xFFFFF800  }
0x19b: {  	_ =	swait.ge [sflag:s31], $0x800  }
0x19c: {  	s9 =	sadd.s32 $0x400, s9;
	[sflag:s31] =	ssyncset.done $0x0  }
0x19d: {  	p0 =	sne.s32 s9, $0x14000;
	[sflag:s31] =	ssyncadd.s32 $0xFFFFF800  }
.Ltmp0:
0x19e: {  	_ =	swait.ge [sflag:s31], $0x800;
	(pc) =	sbr.rel @p0 .LBB2_2-.Ltmp0, $4  }
0x19f: {  	[sflag:s31] =	ssyncset.done $0x0  }
0x1a0: {  	[sflag:s31] =	ssyncadd.s32 $0xFFFFF800  }
0x1a1: {  	_ =	swait.ge [sflag:s31], $0x800  }
0x1a2: {  	[sflag:s31] =	ssyncset.done $0x0  }
0x1a3: {  	[sflag:s31] =	ssyncadd.s32 $0xFFFFF800  }
0x1a4: {  	[bflag:$0x0] =	sbarrier.arrive $0xFFFF  }
0x1a5: {  	s9 =	rddreg [dreg:$0xa]  }
0x1a6: {  	s6 =	rddreg [dreg:$0xd]  }
0x1a7: {  	s11 =	simm.s32 $0x3;
	s10 =	rddreg [dreg:$0xf]  }
0x1a8: {  	[hbm:s6], [sflag:s9] =	dma.local [spmem:s10], $0x1480  }
0x1a9: {  	_ =	swait.ge [sflag:s11], $0x1480  }
0x1aa: {  	s8 =	sadd.s32 $0x1, s8;
	s12 =	rddreg [dreg:$0xe]  }
0x1ab: {  	p0 =	sne.s32 s8, s12  }
.Ltmp1:
0x1ac: {  	_ = 	snop;
	(pc) =	sbr.rel @p0 .LBB2_1-.Ltmp1, $3  }
0x1ad: {  	_ =	sdelay $0x1  }
0x1ae: {  	[sflag:s11] =	ssyncset.done $0x0  }
0x1af: {  	[sflag:s11] =	ssyncadd.s32 $0xFFFFEB80  }
0x1b0: {  	_ =	sfence.sel $0x180000  }
0x1b1: {  	[bflag:$0x0] =	sbarrier.arrive $0xFFFF  }
0x1b2: {  	_ =	strace $0x9000004D  }
0x1b3: {  	s0 =	stileid.u32;
	[bflag:$0x2] =	sbarrier.arrive $0xFFFF  }
0x1b4: {  	p0 =	sne.s32 s0, $0x0;
	s0 =	rddreg [dreg:$0x2]  }
0x1b5: {  	s0 =	sadd.s32 @!p0 $0x100000, s0  }
0x1b6: {  	[sflag:s0] =	ssyncadd.tile.s32 @!p0 $0x1;
	_ =	shalt  }
.Lfunc_end2:
_tile_overlayer_lowered:
.L_overlay_start_2:
0x1b7: {  	(tag) =	ssettag $0x2  }
0x1b8: {  	s0 =	rddreg [dreg:$0x0];
	s2 =	stileid.u32  }
0x1b9: {  	s1 =	rddreg [dreg:$0x1];
	p0 =	sne.s32 s2, $0x0  }
0x1ba: {  	s3 =	rddreg [dreg:$0x2];
	[bflag:$0x3] =	sbarrier.arrive $0xFFFF;
	s2 =	simm.s32 @!p0 $0x1C03  }
0x1bb: {  	[timem:s3], [sflag:s2] =	dma.local @!p0 [hbm:s0], s1  }
0x1bc: {  	s0 =	simm.s32 @!p0 $0x3  }
0x1bd: {  	_ =	swait.ge @!p0 [sflag:s0], s1  }
0x1be: {  	s1 =	ssub.s32 @!p0 $0x0, s1;
	[sflag:s0] =	ssyncset.done @!p0 $0x0  }
0x1bf: {  	[sflag:s0] =	ssyncadd.s32 @!p0 s1  }
0x1c0: {  	[bflag:$0x3] =	sbarrier.arrive $0xFFFF  }
0x1c1: {  	_ =	shalt  }

// kernel: kernel.8.cloned.1.call-start
scs
__scs_entry_jumppad:
0x0: {  	(pc) =	sbr.rel $0x88, $3  }
0x1: {  	(tag) =	ssettag $0x0;
	lr =	simm.s32 $0x1  }
0x2: {  	[smem:$0x3F98] =	sst lr;
	_ =	strace $0xD0000000  }
0x3: {  	_ = 	snop  }
0x4: {  	_ = 	snop  }
0x5: {  	_ = 	snop  }
0x6: {  	_ = 	snop  }
0x7: {  	_ = 	snop  }
__scs_overlays_trampoline_lowered:
0x8: {  	[smem:$0x3FA7] =	sst s0  }
0x9: {  	[smem:$0x3FA8] =	sst s1  }
0xa: {  	[smem:$0x3FA9] =	sst s2  }
0xb: {  	[smem:$0x3FAA] =	sst s3  }
0xc: {  	[smem:$0x3FAB] =	sst s4  }
0xd: {  	[smem:$0x3FAC] =	sst s5  }
0xe: {  	[smem:$0x3FAD] =	sst s6  }
0xf: {  	[smem:$0x3FAE] =	sst s7  }
0x10: {  	[smem:$0x3FAF] =	sst s8  }
0x11: {  	[smem:$0x3FB0] =	sst s9;
	s0 =	simm.s32 @!p0 $0x0  }
0x12: {  	s1 =	sld [smem:$0x3F96];
	s0 =	simm.s32 @p0 $0x1  }
0x13: {  	[smem:$0x3FB1] =	sst s0;
	s0 =	simm.s32 @!p1 $0x0  }
0x14: {  	s2 =	sld [smem:$0x3F95];
	s0 =	simm.s32 @p1 $0x1  }
0x15: {  	[smem:$0x3FB2] =	sst s0;
	s0 =	simm.s32 @!p2 $0x0  }
0x16: {  	s3 =	sld [smem:$0x3FDB];
	s0 =	simm.s32 @p2 $0x1  }
0x17: {  	s4 =	simm.s32 $0x1BF5;
	[smem:$0x3FB4] =	sst s0  }
0x18: {  	s0 =	sld [smem:$0x3F97];
	_ =	swait.ge [sflag:s4], $0x0  }
0x19: {  	s7 =	sld [smem:$0x3F98]  }
0x1a: {  	s8 =	sadd.s32 $0xFFFFE003, lr  }
0x1b: {  	s9 =	sadd.s32 $0xFFFFFEF7, lr;
	s5 =	simm.s32 $0xFFFFFFFF;
	p2 =	slt.u32 s8, $0xFFFFF086  }
0x1c: {  	p1 =	slt.u32 s9, $0xF7A;
	s5 =	simm.s32 @!p2 $0x0  }
0x1d: {  	s5 =	simm.s32 @p1 $0x1;
	p0 =	seq.s32 s7, s2  }
0x1e: {  	s7 =	smul.u32 @!p0 $0xF7A, s2;
	p2 =	seq.s32 @!p0 s5, $0x0  }
0x1f: {  	s9 =	smul.u32 $0xF7A, s1;
	s8 =	simm.s32 @!p0 $0x1BF5;
	p2 =	por !p2, p0  }
0x20: {  	[sflag:s8] =	ssyncset.s32 @!p0 $0xFFFFF086;
	s6 =	sadd.s32 @!p0 s3, s7;
	s7 =	simm.s32 @!p0 $0x108  }
0x21: {  	s3 =	sadd.s32 s3, s9;
	s6 =	sadd.s32 @!p0 $0x88, s6;
	s7 =	simm.s32 @p2 $0x1082  }
0x22: {  	[simem:s7], [sflag:s8] =	dma.local @!p0 [hbm:s6], $0xF7A  }
0x23: {  	s9 =	sor.u32 $0xD0000000, s2;
	s6 =	simm.s32 $0x108;
	_ =	swait.ge @!p0 [sflag:s8], $0x0  }
0x24: {  	s3 =	sadd.s32 $0x88, s3;
	s6 =	simm.s32 @!p1 $0x1082;
	[sflag:s4] =	ssyncset.s32 $0xFFFFF086  }
0x25: {  	[simem:s6], [sflag:s4] =	dma.local [hbm:s3], $0xF7A  }
0x26: {  	[smem:$0x3F98] =	sst s1;
	(tag) =	ssettag s2;
	_ =	strace s9  }
0x27: {  	s1 =	sld [smem:$0x3FA8]  }
0x28: {  	s2 =	sld [smem:$0x3FA9]  }
0x29: {  	s4 =	sld [smem:$0x3FAB]  }
0x2a: {  	p0 =	seq.s32 s5, $0x0;
	s5 =	sld [smem:$0x3FAC]  }
0x2b: {  	s6 =	sld [smem:$0x3FAD]  }
0x2c: {  	s7 =	sld [smem:$0x3FAE]  }
0x2d: {  	s3 =	simm.s32 $0x108;
	s8 =	sld [smem:$0x3FAF]  }
0x2e: {  	s3 =	simm.s32 @!p0 $0x1082;
	s9 =	sld [smem:$0x3FB0]  }
0x2f: {  	lr =	sadd.s32 s0, s3;
	s0 =	sld [smem:$0x3FA7]  }
0x30: {  	s3 =	sld [smem:$0x3FAA]  }
0x31: {  	[smem:$0x3FB3] =	sst s10  }
0x32: {  	s10 =	sld [smem:$0x3FB1];
	_ =	sdelay $0x3  }
0x33: {  	p0 =	seq.s32 s10, $0x1;
	s10 =	sld [smem:$0x3FB3];
	_ =	sdelay $0x3  }
0x34: {  	[smem:$0x3FB3] =	sst s10  }
0x35: {  	s10 =	sld [smem:$0x3FB2];
	_ =	sdelay $0x3  }
0x36: {  	p1 =	seq.s32 s10, $0x1;
	s10 =	sld [smem:$0x3FB3];
	_ =	sdelay $0x3  }
0x37: {  	[smem:$0x3FB3] =	sst s10  }
0x38: {  	s10 =	sld [smem:$0x3FB4]  }
0x39: {  	_ = 	snop;
	(pc) =	sbr.ind lr, $3  }
0x3a: {  	_ = 	snop  }
0x3b: {  	_ = 	snop  }
0x3c: {  	p2 =	seq.s32 s10, $0x1;
	s10 =	sld [smem:$0x3FB3]  }
0x3d: {  	_ =	shalt  }
0x3e: {  	_ =	shalt  }
0x3f: {  	_ =	shalt  }
0x40: {  	_ =	shalt  }
0x41: {  	_ =	shalt  }
0x42: {  	_ =	shalt  }
0x43: {  	_ =	shalt  }
0x44: {  	_ =	shalt  }
0x45: {  	_ =	shalt  }
0x46: {  	_ =	shalt  }
0x47: {  	_ =	shalt  }
0x48: {  	_ =	shalt  }
0x49: {  	_ =	shalt  }
0x4a: {  	_ =	shalt  }
0x4b: {  	_ =	shalt  }
0x4c: {  	_ =	shalt  }
0x4d: {  	_ =	shalt  }
0x4e: {  	_ =	shalt  }
0x4f: {  	_ =	shalt  }
0x50: {  	_ =	shalt  }
0x51: {  	_ =	shalt  }
0x52: {  	_ =	shalt  }
0x53: {  	_ =	shalt  }
0x54: {  	_ =	shalt  }
0x55: {  	_ =	shalt  }
0x56: {  	_ =	shalt  }
0x57: {  	_ =	shalt  }
0x58: {  	_ =	shalt  }
0x59: {  	_ =	shalt  }
0x5a: {  	_ =	shalt  }
0x5b: {  	_ =	shalt  }
0x5c: {  	_ =	shalt  }
0x5d: {  	_ =	shalt  }
0x5e: {  	_ =	shalt  }
0x5f: {  	_ =	shalt  }
0x60: {  	_ =	shalt  }
0x61: {  	_ =	shalt  }
0x62: {  	_ =	shalt  }
0x63: {  	_ =	shalt  }
0x64: {  	_ =	shalt  }
0x65: {  	_ =	shalt  }
0x66: {  	_ =	shalt  }
0x67: {  	_ =	shalt  }
0x68: {  	_ =	shalt  }
0x69: {  	_ =	shalt  }
0x6a: {  	_ =	shalt  }
0x6b: {  	_ =	shalt  }
0x6c: {  	_ =	shalt  }
0x6d: {  	_ =	shalt  }
0x6e: {  	_ =	shalt  }
0x6f: {  	_ =	shalt  }
0x70: {  	_ =	shalt  }
0x71: {  	_ =	shalt  }
0x72: {  	_ =	shalt  }
0x73: {  	_ =	shalt  }
0x74: {  	_ =	shalt  }
0x75: {  	_ =	shalt  }
0x76: {  	_ =	shalt  }
0x77: {  	_ =	shalt  }
0x78: {  	_ =	shalt  }
0x79: {  	_ =	shalt  }
0x7a: {  	_ =	shalt  }
0x7b: {  	_ =	shalt  }
0x7c: {  	_ =	shalt  }
0x7d: {  	_ =	shalt  }
0x7e: {  	_ =	shalt  }
0x7f: {  	_ =	shalt  }
0x80: {  	_ =	shalt  }
0x81: {  	_ =	shalt  }
0x82: {  	_ =	shalt  }
0x83: {  	_ =	shalt  }
0x84: {  	_ =	shalt  }
0x85: {  	_ =	shalt  }
0x86: {  	_ =	shalt  }
0x87: {  	_ =	shalt  }
.Lfunc_end0:
.L_simem_size_0:
called_computation_lowered:
.L_overlay_start_0:
0x88: {  	s2 =	sld [smem:$0x3FD9]  }
0x89: {  	s3 =	sld [smem:$0x3FFE];
	_ =	sdelay $0x1  }
0x8a: {  	s1 =	srdreg.scid  }
0x8b: {  	s0 =	sand.u32 $0x1, s1  }
0x8c: {  	s16 =	sshll.u32 s0, $0xA;
	s2 =	sadd.s32 s3, s2  }
0x8d: {  	s2 =	sadd.s32 s2, s16  }
0x8e: {  	[smem:$0x3FBF] =	sst s2  }
0x8f: {  	_ = 	snop  }
0x90: {  	(tm) =	ssettm $0x1  }
0x91: {  	s17 =	sld [smem:$0x3FFB];
	_ =	sdelay $0x3  }
0x92: {  	_ =	strace s17  }
0x93: {  	s2 =	sld [smem:$0x3FFC];
	_ =	sdelay $0x3  }
0x94: {  	_ =	strace s2  }
0x95: {  	s2 =	sld [smem:$0x3FFD];
	_ =	sdelay $0x3  }
0x96: {  	_ =	strace s2  }
0x97: {  	_ =	strace $0x8FFFFFFF  }
0x98: {  	s18 =	sld [smem:$0x3FDB];
	_ =	sdelay $0x1  }
0x99: {  	s19 =	simm.s32 $_scs_section_size  }
0x9a: {  	s4 =	simm.s32 $_size__tile_overlayer_lowered;
	s5 =	simm.s32 $_tile_overlayer_lowered  }
0x9b: {  	s22 =	simm.s32 $0x1BFF;
	s21 =	sshll.u32 s5, $0x1;
	s2 =	sadd.s32 s19, s18  }
0x9c: {  	s6 =	simm.s32 $0x0;
	s20 =	sshll.u32 s4, $0x1;
	s4 =	sadd.s32 s21, s2  }
0x9d: {  	[timem:s6], [sflag:s22] =	dma.local [hbm:s4], s20  }
0x9e: {  	_ =	swait.ge [sflag:s22], s20  }
0x9f: {  	s3 =	ssub.s32 $0x0, s20;
	[sflag:s22] =	ssyncset.done $0x0  }
0xa0: {  	[sflag:s22] =	ssyncadd.s32 s3;
	_ =	sdelay $0x1  }
0xa1: {  	s23 =	simm.s32 $0x1B8B  }
0xa2: {  	_ =	swait.ge [sflag:s23], $0x1  }
0xa3: {  	[sflag:s23] =	ssyncset.done $0x0  }
0xa4: {  	s25 =	simm.s32 $0x1B8E;
	s24 =	sld [smem:$0x3FFE];
	[sflag:s23] =	ssyncadd.s32 $0xFFFFFFFF  }
0xa5: {  	s26 =	simm.s32 $execute0_lowered;
	[smem:$0x3FD2] =	sst s25  }
0xa6: {  	s4 =	sshll.u32 s26, $0x1;
	_ =	strace $0x80000046;
	[dreg:$0x1] =	wrdreg $0xFFFFFFFF  }
0xa7: {  	s28 =	simm.s32 $_size_execute0_lowered;
	s2 =	sadd.s32 s2, s4;
	[dreg:$0x0] =	wrdreg $0x0  }
0xa8: {  	s4 =	sshll.u32 s28, $0x1;
	[dreg:$0x2] =	wrdreg s2  }
0xa9: {  	[dreg:$0x3] =	wrdreg s4  }
0xaa: {  	[dreg:$0x4] =	wrdreg $0xC0  }
0xab: {  	_ =	task [dreg:s6], $0x5FFFF  }
0xac: {  	[dreg:$0x1] =	wrdreg $0xFFFFFFFF  }
0xad: {  	[dreg:$0x0] =	wrdreg $0x60  }
0xae: {  	[dreg:$0x2] =	wrdreg s24  }
0xaf: {  	[dreg:$0x3] =	wrdreg $0x94000  }
0xb0: {  	[dreg:$0x4] =	wrdreg $0x9  }
0xb1: {  	_ =	task.clear_ibuf [dreg:s6], $0x5FFFF;
	_ =	strace $0x90000046  }
0xb2: {  	s29 =	simm.s32 $0x9;
	_ =	strace $0x80000048  }
0xb3: {  	_ =	swait.ge [sflag:s29], $0x1  }
0xb4: {  	[sflag:s29] =	ssyncadd.s32 $0xFFFFFFFF  }
0xb5: {  	_ =	strace $0x90000048  }
0xb6: {  	_ =	sfence  }
0xb7: {  	s30 =	sld [smem:$0x0];
	_ =	sdelay $0x2  }
0xb8: {  	s31 =	sshll.u32 s1, $0xD;
	s1 =	sshrl.u32 s1, $0x2  }
0xb9: {  	s3 =	sand.u32 $0x4000, s31;
	s1 =	sadd.s32 s1, s30  }
0xba: {  	s0 =	sor.u32 s3, s0;
	s1 =	sshll.u32 s1, $0x11  }
0xbb: {  	s0 =	sor.u32 s1, s0  }
0xbc: {  	s0 =	sadd.s32 $0x8F2B, s0  }
0xbd: {  	[sflag:s0] =	ssyncadd.remote.s32 $0x1  }
0xbe: {  	_ =	sfence.sel $0xFFFF  }
0xbf: {  	[dreg:$0x0] =	wrdreg $0xFFFFFFFF;
	(pc) =	sbr.abs _section_cstart, $3  }
0xc0: {  	[dreg:$0x1] =	wrdreg $0xFFFFFFFF  }
0xc1: {  	_ =	task.clear_ibuf [dreg:s6], $0x2FFFF;
	_ =	strace $0x9FFFFFFF  }
0xc2: {  	(tm) =	ssettm $0x7FFFFFFF  }
0xc3: {  	_ =	shalt  }
tec
execute0_lowered:
.L_overlay_start_1:
0x0: {  	(tag) =	ssettag $0x1  }
0x1: {  	s0 =	rddreg [dreg:$0x0]  }
0x2: {  	s2 =	rddreg [dreg:$0x1]  }
0x3: {  	s9 =	stileid.u32;
	s3 =	srdreg.scid;
	s5 =	simm.s32 $0x0  }
0x4: {  	s11 =	simm.s32 $0x2;
	s12 =	simm.s32 $0x5400;
	s13 =	simm.s32 $0x10  }
0x5: {  	s14 =	simm.s32 $0x5000;
	s15 =	simm.s32 $0x5080;
	s16 =	simm.s32 $0x5C00  }
0x6: {  	s17 =	simm.s32 $0x5100;
	s18 =	simm.s32 $0x6400;
	s19 =	simm.s32 $0x5180  }
0x7: {  	s20 =	simm.s32 $0x6C00;
	s28 =	simm.s32 $0x5380;
	s29 =	simm.s32 $0x8C00  }
0x8: {  	s30 =	simm.s32 $0x1;
	s31 =	simm.s32 $0x0;
	s1 =	smul.u32 $0xA00, s9  }
0x9: {  	s4 =	smul.u32 $0xA400, s9;
	s3 =	sand.u32 $0x1, s3;
	[smem:$0x7FF] =	sst s5  }
0xa: {  	s6 =	sadd.s32 $0x2C000, s0;
	s8 =	smul.u32 $0x29000, s9;
	s26 =	sshll.u32 s9, $0x6  }
0xb: {  	s21 =	smul.u32 $0xA4000, s3;
	_ =	strace $0x80000047;
	[dreg:$0x3] =	wrdreg s6  }
0xc: {  	s23 =	ssub.s32 $0x2, s3;
	s3 =	smul.u32 $0x1400, s3;
	s1 =	sadd.s32 s1, s0  }
0xd: {  	s22 =	sshrl.u32 s4, $0x3;
	s7 =	sshrl.u32 s23, $0x1;
	s25 =	sshrl.u32 s8, $0x2  }
0xe: {  	s4 =	sadd.s32 s4, s21;
	s6 =	sadd.s32 s22, s0;
	s24 =	ssub.s32 s23, s7  }
0xf: {  	s10 =	sadd.s32 s25, s2;
	s7 =	sadd.s32 $0xD800, s1;
	s21 =	simm.s32 $0x5200  }
0x10: {  	s22 =	simm.s32 $0x7400;
	s23 =	simm.s32 $0x5280;
	s25 =	simm.s32 $0x5300  }
0x11: {  	s4 =	sshrl.u32 s4, $0x3;
	s5 =	sadd.s32 $0x17800, s6;
	s6 =	sor.u32 $0x1C02, s26  }
0x12: {  	s9 =	smax.u32 s24, $0x1;
	s10 =	sshrl.u32 s10, $0x3;
	s0 =	sadd.s32 s4, s0  }
0x13: {  	v0 =	vmov s3;
	s24 =	simm.s32 $0x7C00;
	s26 =	simm.s32 $0x8400;
	s8 =	sadd.s32 $0x2C800, s0  }
.LBB2_1:
0x14: {  	[spmem:s10], [sflag:s6] =	dma.local [hbm:s5], $0x1480  }
0x15: {  	_ =	swait.ge [sflag:s11], $0x1480  }
0x16: {  	[sflag:s11] =	ssyncset.done $0x0  }
0x17: {  	s0 =	simm.s32 $0x0;
	[sflag:s11] =	ssyncadd.s32 $0xFFFFEB80  }
0x18: {  	[tilespmem:s0], [sflag:$0x2] =	stream.linear.gather [hbm4b:s7+s0], $0x5000, $0x38;
	[tilespmem:$0x13800] =	vst v63  }
0x19: {  	_ =	swait.ge [sflag:s11], $0x5000  }
0x1a: {  	[sflag:s11] =	ssyncset.done $0x0  }
0x1b: {  	s1 =	rddreg [dreg:$0x3];
	[sflag:s11] =	ssyncadd.s32 $0xFFFFB000  }
0x1c: {  	[tilespmem:s12], [sflag:$0x2] =	stream.linear.gather [hbm4b:s1+s0], $0x4000, $0x38;
	[tilespmem:$0x13800] =	vst v63  }
0x1d: {  	_ =	swait.ge [sflag:s11], $0x4000  }
0x1e: {  	[sflag:s11] =	ssyncset.done $0x0  }
0x1f: {  	[sflag:s11] =	ssyncadd.s32 $0xFFFFC000  }
0x20: {  	s4 =	simm.s32 $0x0;
	[bflag:$0x0] =	sbarrier.arrive $0xFFFF  }
0x21: {  	v1 =	vld [tilespmem:s4+$0x0];
	_ =	sdelay $0x4  }
0x22: {  	v1 =	vsub.s32 v1, v0  }
0x23: {  	v1 =	vmin.u32 v1, $0x1400  }
0x24: {  	[tilespmem:$0x5000] =	vst v1  }
0x25: {  	v1 =	vld [tilespmem:s4+$0x10];
	_ =	sdelay $0x4  }
0x26: {  	v1 =	vsub.s32 v1, v0  }
0x27: {  	v1 =	vmin.u32 v1, $0x1400  }
0x28: {  	[tilespmem:$0x5080] =	vst v1  }
0x29: {  	v1 =	vld [tilespmem:s4+$0x20];
	_ =	sdelay $0x4  }
0x2a: {  	v1 =	vsub.s32 v1, v0  }
0x2b: {  	v1 =	vmin.u32 v1, $0x1400  }
0x2c: {  	[tilespmem:$0x5100] =	vst v1  }
0x2d: {  	v1 =	vld [tilespmem:s4+$0x30];
	_ =	sdelay $0x4  }
0x2e: {  	v1 =	vsub.s32 v1, v0  }
0x2f: {  	v1 =	vmin.u32 v1, $0x1400  }
0x30: {  	[tilespmem:$0x5180] =	vst v1  }
0x31: {  	v1 =	vld [tilespmem:s4+$0x40];
	_ =	sdelay $0x4  }
0x32: {  	v1 =	vsub.s32 v1, v0  }
0x33: {  	v1 =	vmin.u32 v1, $0x1400  }
0x34: {  	[tilespmem:$0x5200] =	vst v1  }
0x35: {  	v1 =	vld [tilespmem:s4+$0x50];
	_ =	sdelay $0x4  }
0x36: {  	v1 =	vsub.s32 v1, v0  }
0x37: {  	v1 =	vmin.u32 v1, $0x1400  }
0x38: {  	[tilespmem:$0x5280] =	vst v1  }
0x39: {  	v1 =	vld [tilespmem:s4+$0x60];
	_ =	sdelay $0x4  }
0x3a: {  	v1 =	vsub.s32 v1, v0  }
0x3b: {  	v1 =	vmin.u32 v1, $0x1400  }
0x3c: {  	[tilespmem:$0x5300] =	vst v1  }
0x3d: {  	v1 =	vld [tilespmem:s4+$0x70];
	_ =	sdelay $0x4  }
0x3e: {  	v1 =	vsub.s32 v1, v0  }
0x3f: {  	v1 =	vmin.u32 v1, $0x1400  }
0x40: {  	[tilespmem:$0x5380] =	vst v1  }
0x41: {  	[spmem:s2] =	stream.indirect.scatter.add.f32 [tilespmem:s12], [sflag:$0x1], $0x80, s14, s13, $0xb8;
	[tilespmem:$0x13800] =	vst v63  }
0x42: {  	_ = 	snop  }
0x43: {  	[spmem:s2] =	stream.indirect.scatter.add.f32 [tilespmem:s16], [sflag:$0x1], $0x80, s15, s13, $0xb8;
	[tilespmem:$0x13800] =	vst v63  }
0x44: {  	_ = 	snop  }
0x45: {  	[spmem:s2] =	stream.indirect.scatter.add.f32 [tilespmem:s18], [sflag:$0x1], $0x80, s17, s13, $0xb8;
	[tilespmem:$0x13800] =	vst v63  }
0x46: {  	_ = 	snop  }
0x47: {  	[spmem:s2] =	stream.indirect.scatter.add.f32 [tilespmem:s20], [sflag:$0x1], $0x80, s19, s13, $0xb8;
	[tilespmem:$0x13800] =	vst v63  }
0x48: {  	_ = 	snop  }
0x49: {  	[spmem:s2] =	stream.indirect.scatter.add.f32 [tilespmem:s22], [sflag:$0x1], $0x80, s21, s13, $0xb8;
	[tilespmem:$0x13800] =	vst v63  }
0x4a: {  	_ = 	snop  }
0x4b: {  	[spmem:s2] =	stream.indirect.scatter.add.f32 [tilespmem:s24], [sflag:$0x1], $0x80, s23, s13, $0xb8;
	[tilespmem:$0x13800] =	vst v63  }
0x4c: {  	_ = 	snop  }
0x4d: {  	[spmem:s2] =	stream.indirect.scatter.add.f32 [tilespmem:s26], [sflag:$0x1], $0x80, s25, s13, $0xb8;
	[tilespmem:$0x13800] =	vst v63  }
0x4e: {  	_ = 	snop  }
0x4f: {  	[spmem:s2] =	stream.indirect.scatter.add.f32 [tilespmem:s29], [sflag:$0x1], $0x80, s28, s13, $0xb8;
	[tilespmem:$0x13800] =	vst v63  }
0x50: {  	_ =	swait.ge [sflag:s30], $0x800  }
0x51: {  	[sflag:s30] =	ssyncset.done $0x0  }
0x52: {  	[sflag:s30] =	ssyncadd.s32 $0xFFFFF800  }
0x53: {  	_ =	swait.ge [sflag:s30], $0x800  }
0x54: {  	[sflag:s30] =	ssyncset.done $0x0  }
0x55: {  	[sflag:s30] =	ssyncadd.s32 $0xFFFFF800  }
0x56: {  	_ =	swait.ge [sflag:s30], $0x800  }
0x57: {  	[sflag:s30] =	ssyncset.done $0x0  }
0x58: {  	[sflag:s30] =	ssyncadd.s32 $0xFFFFF800  }
0x59: {  	_ =	swait.ge [sflag:s30], $0x800  }
0x5a: {  	[sflag:s30] =	ssyncset.done $0x0  }
0x5b: {  	[sflag:s30] =	ssyncadd.s32 $0xFFFFF800  }
0x5c: {  	_ =	swait.ge [sflag:s30], $0x800  }
0x5d: {  	[sflag:s30] =	ssyncset.done $0x0  }
0x5e: {  	[sflag:s30] =	ssyncadd.s32 $0xFFFFF800  }
0x5f: {  	_ =	swait.ge [sflag:s30], $0x800  }
0x60: {  	[sflag:s30] =	ssyncset.done $0x0  }
0x61: {  	[sflag:s30] =	ssyncadd.s32 $0xFFFFF800  }
0x62: {  	_ =	swait.ge [sflag:s30], $0x800  }
0x63: {  	[sflag:s30] =	ssyncset.done $0x0  }
0x64: {  	[sflag:s30] =	ssyncadd.s32 $0xFFFFF800  }
0x65: {  	_ =	swait.ge [sflag:s30], $0x800  }
0x66: {  	s0 =	simm.s32 $0x200;
	s1 =	simm.s32 $0x400;
	[sflag:s30] =	ssyncset.done $0x0  }
.LBB2_2:
0x67: {  	s3 =	sshra.s32 s0, $0x2  }
0x68: {  	[sflag:s30] =	ssyncadd.s32 $0xFFFFF800;
	s0 =	smov.u32 s1;
	s4 =	sadd.s32 $0x200, s1  }
0x69: {  	p0 =	sne.s32 s1, $0x13E00;
	v1 =	vld [tilespmem:s3+$0x0];
	_ =	sdelay $0x4  }
0x6a: {  	v1 =	vsub.s32 v1, v0  }
0x6b: {  	v1 =	vmin.u32 v1, $0x1400  }
0x6c: {  	[tilespmem:$0x5000] =	vst v1  }
0x6d: {  	v1 =	vld [tilespmem:s3+$0x10];
	_ =	sdelay $0x4  }
0x6e: {  	v1 =	vsub.s32 v1, v0  }
0x6f: {  	v1 =	vmin.u32 v1, $0x1400  }
0x70: {  	[tilespmem:$0x5080] =	vst v1  }
0x71: {  	v1 =	vld [tilespmem:s3+$0x20];
	_ =	sdelay $0x4  }
0x72: {  	v1 =	vsub.s32 v1, v0  }
0x73: {  	v1 =	vmin.u32 v1, $0x1400  }
0x74: {  	[tilespmem:$0x5100] =	vst v1  }
0x75: {  	v1 =	vld [tilespmem:s3+$0x30];
	_ =	sdelay $0x4  }
0x76: {  	v1 =	vsub.s32 v1, v0  }
0x77: {  	v1 =	vmin.u32 v1, $0x1400  }
0x78: {  	[tilespmem:$0x5180] =	vst v1  }
0x79: {  	v1 =	vld [tilespmem:s3+$0x40];
	_ =	sdelay $0x4  }
0x7a: {  	v1 =	vsub.s32 v1, v0  }
0x7b: {  	v1 =	vmin.u32 v1, $0x1400  }
0x7c: {  	[tilespmem:$0x5200] =	vst v1  }
0x7d: {  	v1 =	vld [tilespmem:s3+$0x50];
	_ =	sdelay $0x4  }
0x7e: {  	v1 =	vsub.s32 v1, v0  }
0x7f: {  	v1 =	vmin.u32 v1, $0x1400  }
0x80: {  	[tilespmem:$0x5280] =	vst v1  }
0x81: {  	v1 =	vld [tilespmem:s3+$0x60];
	_ =	sdelay $0x4  }
0x82: {  	v1 =	vsub.s32 v1, v0  }
0x83: {  	v1 =	vmin.u32 v1, $0x1400  }
0x84: {  	[tilespmem:$0x5300] =	vst v1  }
0x85: {  	v1 =	vld [tilespmem:s3+$0x70];
	_ =	sdelay $0x4  }
0x86: {  	v1 =	vsub.s32 v1, v0  }
0x87: {  	v1 =	vmin.u32 v1, $0x1400  }
0x88: {  	[tilespmem:$0x5380] =	vst v1  }
0x89: {  	[spmem:s2] =	stream.indirect.scatter.add.f32 [tilespmem:s12], [sflag:$0x1], $0x80, s14, s13, $0xb8;
	[tilespmem:$0x13800] =	vst v63  }
0x8a: {  	_ = 	snop  }
0x8b: {  	[spmem:s2] =	stream.indirect.scatter.add.f32 [tilespmem:s16], [sflag:$0x1], $0x80, s15, s13, $0xb8;
	[tilespmem:$0x13800] =	vst v63  }
0x8c: {  	_ = 	snop  }
0x8d: {  	[spmem:s2] =	stream.indirect.scatter.add.f32 [tilespmem:s18], [sflag:$0x1], $0x80, s17, s13, $0xb8;
	[tilespmem:$0x13800] =	vst v63  }
0x8e: {  	_ = 	snop  }
0x8f: {  	[spmem:s2] =	stream.indirect.scatter.add.f32 [tilespmem:s20], [sflag:$0x1], $0x80, s19, s13, $0xb8;
	[tilespmem:$0x13800] =	vst v63  }
0x90: {  	_ = 	snop  }
0x91: {  	[spmem:s2] =	stream.indirect.scatter.add.f32 [tilespmem:s22], [sflag:$0x1], $0x80, s21, s13, $0xb8;
	[tilespmem:$0x13800] =	vst v63  }
0x92: {  	_ = 	snop  }
0x93: {  	[spmem:s2] =	stream.indirect.scatter.add.f32 [tilespmem:s24], [sflag:$0x1], $0x80, s23, s13, $0xb8;
	[tilespmem:$0x13800] =	vst v63  }
0x94: {  	_ = 	snop  }
0x95: {  	[spmem:s2] =	stream.indirect.scatter.add.f32 [tilespmem:s26], [sflag:$0x1], $0x80, s25, s13, $0xb8;
	[tilespmem:$0x13800] =	vst v63  }
0x96: {  	_ = 	snop  }
0x97: {  	[spmem:s2] =	stream.indirect.scatter.add.f32 [tilespmem:s29], [sflag:$0x1], $0x80, s28, s13, $0xb8;
	[tilespmem:$0x13800] =	vst v63  }
0x98: {  	_ =	swait.ge [sflag:s30], $0x800  }
0x99: {  	[sflag:s30] =	ssyncset.done $0x0  }
0x9a: {  	[sflag:s30] =	ssyncadd.s32 $0xFFFFF800  }
0x9b: {  	_ =	swait.ge [sflag:s30], $0x800  }
0x9c: {  	[sflag:s30] =	ssyncset.done $0x0  }
0x9d: {  	[sflag:s30] =	ssyncadd.s32 $0xFFFFF800  }
0x9e: {  	_ =	swait.ge [sflag:s30], $0x800  }
0x9f: {  	[sflag:s30] =	ssyncset.done $0x0  }
0xa0: {  	[sflag:s30] =	ssyncadd.s32 $0xFFFFF800  }
0xa1: {  	_ =	swait.ge [sflag:s30], $0x800  }
0xa2: {  	[sflag:s30] =	ssyncset.done $0x0  }
0xa3: {  	[sflag:s30] =	ssyncadd.s32 $0xFFFFF800  }
0xa4: {  	_ =	swait.ge [sflag:s30], $0x800  }
0xa5: {  	[sflag:s30] =	ssyncset.done $0x0  }
0xa6: {  	[sflag:s30] =	ssyncadd.s32 $0xFFFFF800  }
0xa7: {  	_ =	swait.ge [sflag:s30], $0x800  }
0xa8: {  	[sflag:s30] =	ssyncset.done $0x0  }
0xa9: {  	[sflag:s30] =	ssyncadd.s32 $0xFFFFF800  }
.Ltmp0:
0xaa: {  	_ =	swait.ge [sflag:s30], $0x800;
	(pc) =	sbr.rel @p0 .LBB2_2-.Ltmp0, $4  }
0xab: {  	[sflag:s30] =	ssyncset.done $0x0  }
0xac: {  	[sflag:s30] =	ssyncadd.s32 $0xFFFFF800  }
0xad: {  	_ =	swait.ge [sflag:s30], $0x800  }
0xae: {  	s1 =	smov.u32 s4;
	[sflag:s30] =	ssyncset.done $0x0  }
0xaf: {  	s0 =	sshra.s32 s0, $0x2;
	[sflag:s30] =	ssyncadd.s32 $0xFFFFF800  }
0xb0: {  	v1 =	vld [tilespmem:s0+$0x0];
	_ =	sdelay $0x4  }
0xb1: {  	v1 =	vsub.s32 v1, v0  }
0xb2: {  	v1 =	vmin.u32 v1, $0x1400  }
0xb3: {  	[tilespmem:$0x5000] =	vst v1  }
0xb4: {  	v1 =	vld [tilespmem:s0+$0x10];
	_ =	sdelay $0x4  }
0xb5: {  	v1 =	vsub.s32 v1, v0  }
0xb6: {  	v1 =	vmin.u32 v1, $0x1400  }
0xb7: {  	[tilespmem:$0x5080] =	vst v1  }
0xb8: {  	v1 =	vld [tilespmem:s0+$0x20];
	_ =	sdelay $0x4  }
0xb9: {  	v1 =	vsub.s32 v1, v0  }
0xba: {  	v1 =	vmin.u32 v1, $0x1400  }
0xbb: {  	[tilespmem:$0x5100] =	vst v1  }
0xbc: {  	v1 =	vld [tilespmem:s0+$0x30];
	_ =	sdelay $0x4  }
0xbd: {  	v1 =	vsub.s32 v1, v0  }
0xbe: {  	v1 =	vmin.u32 v1, $0x1400  }
0xbf: {  	[tilespmem:$0x5180] =	vst v1  }
0xc0: {  	v1 =	vld [tilespmem:s0+$0x40];
	_ =	sdelay $0x4  }
0xc1: {  	v1 =	vsub.s32 v1, v0  }
0xc2: {  	v1 =	vmin.u32 v1, $0x1400  }
0xc3: {  	[tilespmem:$0x5200] =	vst v1  }
0xc4: {  	v1 =	vld [tilespmem:s0+$0x50];
	_ =	sdelay $0x4  }
0xc5: {  	v1 =	vsub.s32 v1, v0  }
0xc6: {  	v1 =	vmin.u32 v1, $0x1400  }
0xc7: {  	[tilespmem:$0x5280] =	vst v1  }
0xc8: {  	v1 =	vld [tilespmem:s0+$0x60];
	_ =	sdelay $0x4  }
0xc9: {  	v1 =	vsub.s32 v1, v0  }
0xca: {  	v1 =	vmin.u32 v1, $0x1400  }
0xcb: {  	[tilespmem:$0x5300] =	vst v1  }
0xcc: {  	v1 =	vld [tilespmem:s0+$0x70];
	_ =	sdelay $0x4  }
0xcd: {  	v1 =	vsub.s32 v1, v0  }
0xce: {  	v1 =	vmin.u32 v1, $0x1400  }
0xcf: {  	[tilespmem:$0x5380] =	vst v1  }
0xd0: {  	[spmem:s2] =	stream.indirect.scatter.add.f32 [tilespmem:s12], [sflag:$0x1], $0x80, s14, s13, $0xb8;
	[tilespmem:$0x13800] =	vst v63  }
0xd1: {  	_ = 	snop  }
0xd2: {  	[spmem:s2] =	stream.indirect.scatter.add.f32 [tilespmem:s16], [sflag:$0x1], $0x80, s15, s13, $0xb8;
	[tilespmem:$0x13800] =	vst v63  }
0xd3: {  	_ = 	snop  }
0xd4: {  	[spmem:s2] =	stream.indirect.scatter.add.f32 [tilespmem:s18], [sflag:$0x1], $0x80, s17, s13, $0xb8;
	[tilespmem:$0x13800] =	vst v63  }
0xd5: {  	_ = 	snop  }
0xd6: {  	[spmem:s2] =	stream.indirect.scatter.add.f32 [tilespmem:s20], [sflag:$0x1], $0x80, s19, s13, $0xb8;
	[tilespmem:$0x13800] =	vst v63  }
0xd7: {  	_ = 	snop  }
0xd8: {  	[spmem:s2] =	stream.indirect.scatter.add.f32 [tilespmem:s22], [sflag:$0x1], $0x80, s21, s13, $0xb8;
	[tilespmem:$0x13800] =	vst v63  }
0xd9: {  	_ = 	snop  }
0xda: {  	[spmem:s2] =	stream.indirect.scatter.add.f32 [tilespmem:s24], [sflag:$0x1], $0x80, s23, s13, $0xb8;
	[tilespmem:$0x13800] =	vst v63  }
0xdb: {  	_ = 	snop  }
0xdc: {  	[spmem:s2] =	stream.indirect.scatter.add.f32 [tilespmem:s26], [sflag:$0x1], $0x80, s25, s13, $0xb8;
	[tilespmem:$0x13800] =	vst v63  }
0xdd: {  	_ = 	snop  }
0xde: {  	[spmem:s2] =	stream.indirect.scatter.add.f32 [tilespmem:s29], [sflag:$0x1], $0x80, s28, s13, $0xb8;
	[tilespmem:$0x13800] =	vst v63  }
0xdf: {  	_ =	swait.ge [sflag:s30], $0x800  }
0xe0: {  	[sflag:s30] =	ssyncset.done $0x0  }
0xe1: {  	[sflag:s30] =	ssyncadd.s32 $0xFFFFF800  }
0xe2: {  	_ =	swait.ge [sflag:s30], $0x800  }
0xe3: {  	[sflag:s30] =	ssyncset.done $0x0  }
0xe4: {  	[sflag:s30] =	ssyncadd.s32 $0xFFFFF800  }
0xe5: {  	_ =	swait.ge [sflag:s30], $0x800  }
0xe6: {  	[sflag:s30] =	ssyncset.done $0x0  }
0xe7: {  	[sflag:s30] =	ssyncadd.s32 $0xFFFFF800  }
0xe8: {  	_ =	swait.ge [sflag:s30], $0x800  }
0xe9: {  	[sflag:s30] =	ssyncset.done $0x0  }
0xea: {  	[sflag:s30] =	ssyncadd.s32 $0xFFFFF800  }
0xeb: {  	_ =	swait.ge [sflag:s30], $0x800  }
0xec: {  	[sflag:s30] =	ssyncset.done $0x0  }
0xed: {  	[sflag:s30] =	ssyncadd.s32 $0xFFFFF800  }
0xee: {  	_ =	swait.ge [sflag:s30], $0x800  }
0xef: {  	[sflag:s30] =	ssyncset.done $0x0  }
0xf0: {  	[sflag:s30] =	ssyncadd.s32 $0xFFFFF800  }
0xf1: {  	_ =	swait.ge [sflag:s30], $0x800  }
0xf2: {  	[sflag:s30] =	ssyncset.done $0x0  }
0xf3: {  	[sflag:s30] =	ssyncadd.s32 $0xFFFFF800  }
0xf4: {  	_ =	swait.ge [sflag:s30], $0x800  }
0xf5: {  	s31 =	sadd.s32 $0x1, s31;
	[sflag:s30] =	ssyncset.done $0x0  }
0xf6: {  	p0 =	sne.s32 s31, s9;
	[sflag:s30] =	ssyncadd.s32 $0xFFFFF800  }
.Ltmp1:
0xf7: {  	[bflag:$0x0] =	sbarrier.arrive $0xFFFF;
	(pc) =	sbr.rel @p0 .LBB2_1-.Ltmp1, $4  }
0xf8: {  	[hbm:s8], [sflag:s6] =	dma.local [spmem:s10], $0x1480  }
0xf9: {  	_ =	swait.ge [sflag:s11], $0x1480  }
0xfa: {  	[sflag:s11] =	ssyncset.done $0x0  }
0xfb: {  	[sflag:s11] =	ssyncadd.s32 $0xFFFFEB80  }
0xfc: {  	_ =	sfence.sel $0x180000  }
0xfd: {  	[bflag:$0x0] =	sbarrier.arrive $0xFFFF  }
0xfe: {  	_ =	strace $0x90000047  }
0xff: {  	s0 =	stileid.u32;
	[bflag:$0x2] =	sbarrier.arrive $0xFFFF  }
0x100: {  	p0 =	sne.s32 s0, $0x0;
	s0 =	rddreg [dreg:$0x2]  }
0x101: {  	s0 =	sadd.s32 @!p0 $0x100000, s0  }
0x102: {  	[sflag:s0] =	ssyncadd.tile.s32 @!p0 $0x1;
	_ =	shalt  }
.Lfunc_end2:
_tile_overlayer_lowered:
.L_overlay_start_2:
0x103: {  	(tag) =	ssettag $0x2  }
0x104: {  	s0 =	rddreg [dreg:$0x0];
	s2 =	stileid.u32  }
0x105: {  	s1 =	rddreg [dreg:$0x1];
	p0 =	sne.s32 s2, $0x0  }
0x106: {  	s3 =	rddreg [dreg:$0x2];
	[bflag:$0x3] =	sbarrier.arrive $0xFFFF;
	s2 =	simm.s32 @!p0 $0x1C02  }
0x107: {  	[timem:s3], [sflag:s2] =	dma.local @!p0 [hbm:s0], s1  }
0x108: {  	s0 =	simm.s32 @!p0 $0x2  }
0x109: {  	_ =	swait.ge @!p0 [sflag:s0], s1  }
0x10a: {  	s1 =	ssub.s32 @!p0 $0x0, s1;
	[sflag:s0] =	ssyncset.done @!p0 $0x0  }
0x10b: {  	[sflag:s0] =	ssyncadd.s32 @!p0 s1  }
0x10c: {  	[bflag:$0x3] =	sbarrier.arrive $0xFFFF  }
0x10d: {  	_ =	shalt  }

</sc_bundles>
